<compile_context>
chip_gen: v7x
topology: tpu7x:2x2x1
jax: 0.10.2.dev20260603
libtpu: 0.0.44.dev20260713+nightly
codegen_flags: <defaults>
</compile_context>

<pallas_src>
import functools

import jax
import jax.numpy as jnp
from jax import lax
from jax.experimental import pallas as pl
from jax.experimental.pallas import tpu as pltpu
from jax.experimental.pallas import tpu_sc as plsc

N = 100000
NUM_GRAPHS = 64
IN_C = 8
HID = 32
HHALF = 16
REP = 128

NPAD = 100352
BN = 2048
NBLK = NPAD // BN
SLICE = NPAD // 16

E = 1600000
RW = 128
R = 12544
EPAD = R * RW
NPADROWS = 352
ROWS_PER_SUB = R // 16
CE = 64
CROWS2 = R * 2
ROWS_PER_SUB2 = CROWS2 // 16
NCHUNK = ROWS_PER_SUB2
ROWS_PER_W = R // 32
DCHUNK = 8
NDCHUNK = ROWS_PER_W // DCHUNK

_mesh = plsc.VectorSubcoreMesh(core_axis_name="c", subcore_axis_name="s")


@functools.partial(
    pl.kernel,
    out_type=jax.ShapeDtypeStruct((2, NPAD), jnp.float32),
    mesh=_mesh,
    scratch_types=[
        pltpu.VMEM((DCHUNK, RW), jnp.int32),
        pltpu.VMEM((RW,), jnp.float32),
        pltpu.VMEM((SLICE,), jnp.float32),
        pltpu.VMEM_SHARED((NPAD,), jnp.float32),
        pltpu.SemaphoreType.DMA,
    ],
)
def _deg_kernel(dst_hbm, out_hbm, didx, ones_v, zbuf, deg_sh, sem):
  c = lax.axis_index("c")
  s = lax.axis_index("s")
  w = s * 2 + c

  def _fill(i, _):
    zbuf[pl.ds(i * 16, 16)] = jnp.zeros((16,), jnp.float32)
    return 0

  lax.fori_loop(0, SLICE // 16, _fill, 0)
  for i in range(RW // 16):
    ones_v[pl.ds(i * 16, 16)] = jnp.ones((16,), jnp.float32)
  pltpu.sync_copy(zbuf, deg_sh.at[pl.ds(s * SLICE, SLICE)])
  plsc.subcore_barrier()

  row0 = w * ROWS_PER_W

  def _dchunk(k, _):
    pltpu.sync_copy(dst_hbm.at[pl.ds(row0 + k * DCHUNK, DCHUNK)], didx)
    descs = []
    for j in range(DCHUNK):
      descs.append(
          pltpu.async_copy(ones_v, deg_sh.at[didx.at[j]], sem, add=True))
    for d in descs:
      d.wait()
    return 0

  lax.fori_loop(0, NDCHUNK, _dchunk, 0)
  plsc.subcore_barrier()
  pltpu.sync_copy(deg_sh.at[pl.ds(s * SLICE, SLICE)],
                  out_hbm.at[c, pl.ds(s * SLICE, SLICE)])


@functools.partial(
    pl.kernel,
    out_type=jax.ShapeDtypeStruct((2 * NPAD * HHALF,), jnp.float32),
    mesh=_mesh,
    scratch_types=[
        pltpu.VMEM((1, CE), jnp.int32),
        pltpu.VMEM((1, CE), jnp.int32),
        pltpu.VMEM((CE, REP), jnp.float32),
        pltpu.VMEM((CE * HHALF,), jnp.float32),
        pltpu.VMEM((CE * HHALF // 128, 128), jnp.int32),
        pltpu.VMEM((CE * HHALF,), jnp.float32),
        pltpu.VMEM_SHARED((NPAD * HHALF,), jnp.float32),
        pltpu.SemaphoreType.DMA,
        pltpu.SemaphoreType.DMA,
    ],
)
def _prop_kernel(src_hbm, exp_hbm, tbl_hbm, out_hbm,
                 sidx, didx, rows, comp1, sxi, zb1, acc1, gsem, ssem):
  c = lax.axis_index("c")
  s = lax.axis_index("s")
  nsl = SLICE * HHALF
  ncp = CE * HHALF
  def _zfill(i, _):
    zb1[pl.ds(i * 16, 16)] = jnp.zeros((16,), jnp.float32)
    return 0

  lax.fori_loop(0, ncp // 16, _zfill, 0)

  def _zero(k, _):
    pltpu.sync_copy(zb1, acc1.at[pl.ds(s * nsl + k * ncp, ncp)])
    return 0

  lax.fori_loop(0, nsl // ncp, _zero, 0)
  plsc.subcore_barrier()

  row0 = s * ROWS_PER_SUB2

  def _chunk(k, _):
    base = row0 + k
    pltpu.sync_copy(src_hbm.at[pl.ds(base, 1)], sidx)
    pltpu.sync_copy(exp_hbm.at[pl.ds(base * 8, 8)], sxi)
    pltpu.async_copy(tbl_hbm.at[sidx.at[0]], rows, gsem).wait()

    @pl.when(c == 0)
    def _():
      for e in range(CE):
        comp1[pl.ds(e * HHALF, HHALF)] = rows[e, pl.ds(0, HHALF)]

    @pl.when(c == 1)
    def _():
      for e in range(CE):
        comp1[pl.ds(e * HHALF, HHALF)] = rows[e, pl.ds(HHALF, HHALF)]

    sds = []
    for j in range(ncp // 128):
      sds.append(
          pltpu.async_copy(comp1.at[pl.ds(j * 128, 128)],
                           acc1.at[sxi.at[j]], ssem, add=True))
    for d in sds:
      d.wait()
    return 0

  lax.fori_loop(0, NCHUNK, _chunk, 0)
  plsc.subcore_barrier()
  pltpu.sync_copy(acc1.at[pl.ds(s * nsl, nsl)],
                  out_hbm.at[pl.ds(c * NPAD * HHALF + s * nsl, nsl)])


def _tc1_body(xref, d0ref, d1ref, wref, oref):
  deg = d0ref[0, 0, :] + d1ref[0, 0, :] + 1.0
  dinv = lax.rsqrt(deg)
  h = jnp.dot(xref[...], wref[...], preferred_element_type=jnp.float32)
  hp = h * dinv[:, None]
  oref[...] = jnp.concatenate([hp, hp, hp, hp], axis=1)


def _tc2_body(aref, href, d0ref, d1ref, wref, bref, oref):
  deg = d0ref[0, 0, :] + d1ref[0, 0, :] + 1.0
  dinv = lax.rsqrt(deg)
  acc = jnp.concatenate([aref[0], aref[1]], axis=1)
  hp = href[:, :HID]
  h1 = jnp.maximum(dinv[:, None] * (acc + hp) + bref[...], 0.0)
  t = jnp.dot(h1, wref[...], preferred_element_type=jnp.float32)
  h2p = t * dinv[:, None]
  oref[...] = jnp.concatenate([h2p, h2p, h2p, h2p], axis=1)


def _tc3_body(aref, href, d0ref, d1ref, bref, segref, wcref, bcref, oref,
              accum):
  i = pl.program_id(0)

  @pl.when(i == 0)
  def _():
    accum[...] = jnp.zeros_like(accum)

  deg = d0ref[0, 0, :] + d1ref[0, 0, :] + 1.0
  dinv = lax.rsqrt(deg)
  acc = jnp.concatenate([aref[0], aref[1]], axis=1)
  hp = href[:, :HID]
  h2 = jnp.maximum(dinv[:, None] * (acc + hp) + bref[...], 0.0)
  hcat = jnp.concatenate([h2, jnp.ones((BN, 1), jnp.float32)], axis=1)
  seg = segref[0, 0, :]
  onehot = (seg[:, None] == lax.broadcasted_iota(jnp.int32, (BN, NUM_GRAPHS),
                                                 1)).astype(jnp.float32)
  accum[...] += lax.dot_general(onehot, hcat, (((0,), (0,)), ((), ())),
                                preferred_element_type=jnp.float32)

  @pl.when(i == NBLK - 1)
  def _():
    sums = accum[:, :HID]
    cnt = jnp.maximum(accum[:, HID:HID + 1], 1.0)
    pooled = sums / cnt
    oref[...] = jnp.dot(pooled, wcref[...],
                        preferred_element_type=jnp.float32) + bcref[...]


def _deg_specs():
  blk = pl.BlockSpec((1, 1, BN), lambda i: (i, 0, 0))
  blk2 = pl.BlockSpec((1, 1, BN), lambda i: (i + NBLK, 0, 0))
  return blk, blk2


def _tc1(x_pad, deg3, w1):
  d0, d1 = _deg_specs()
  return pl.pallas_call(
      _tc1_body,
      grid=(NBLK,),
      in_specs=[
          pl.BlockSpec((BN, IN_C), lambda i: (i, 0)),
          d0, d1,
          pl.BlockSpec((IN_C, HID), lambda i: (0, 0)),
      ],
      out_specs=pl.BlockSpec((BN, REP), lambda i: (i, 0)),
      out_shape=jax.ShapeDtypeStruct((NPAD, REP), jnp.float32),
  )(x_pad, deg3, deg3, w1)


def _tc2(acc, hst, deg3, w2, b1):
  d0, d1 = _deg_specs()
  stk = pl.BlockSpec((2, BN, HHALF), lambda i: (0, i, 0))
  return pl.pallas_call(
      _tc2_body,
      grid=(NBLK,),
      in_specs=[
          stk,
          pl.BlockSpec((BN, REP), lambda i: (i, 0)),
          d0, d1,
          pl.BlockSpec((HID, HID), lambda i: (0, 0)),
          pl.BlockSpec((1, HID), lambda i: (0, 0)),
      ],
      out_specs=pl.BlockSpec((BN, REP), lambda i: (i, 0)),
      out_shape=jax.ShapeDtypeStruct((NPAD, REP), jnp.float32),
  )(acc, hst, deg3, deg3, w2, b1)


def _tc3(acc, hst, deg3, b2, seg3, wc, bc):
  d0, d1 = _deg_specs()
  stk = pl.BlockSpec((2, BN, HHALF), lambda i: (0, i, 0))
  return pl.pallas_call(
      _tc3_body,
      grid=(NBLK,),
      in_specs=[
          stk,
          pl.BlockSpec((BN, REP), lambda i: (i, 0)),
          d0, d1,
          pl.BlockSpec((1, HID), lambda i: (0, 0)),
          pl.BlockSpec((1, 1, BN), lambda i: (i, 0, 0)),
          pl.BlockSpec((HID, 2), lambda i: (0, 0)),
          pl.BlockSpec((1, 2), lambda i: (0, 0)),
      ],
      out_specs=pl.BlockSpec((NUM_GRAPHS, 2), lambda i: (0, 0)),
      out_shape=jax.ShapeDtypeStruct((NUM_GRAPHS, 2), jnp.float32),
      scratch_shapes=[pltpu.VMEM((NUM_GRAPHS, HID + 1), jnp.float32)],
  )(acc, hst, deg3, deg3, b2, seg3, wc, bc)


def kernel(x, edge_index, batch, W1, b1, W2, b2, Wc, bc):
  src = edge_index[0]
  dst = edge_index[1]
  pad_idx = N + (jnp.arange(EPAD - E, dtype=jnp.int32) % NPADROWS)
  srcp = jnp.concatenate([src, pad_idx])
  dstp = jnp.concatenate([dst, pad_idx])
  dst2d = dstp.reshape(R, RW)
  src64 = srcp.reshape(CROWS2, CE)
  exp2d = ((dstp[:, None] * HHALF) + jnp.arange(HHALF, dtype=jnp.int32)
           ).reshape(EPAD * HHALF // 128, 128)

  x_pad = jnp.pad(x, ((0, NPAD - N), (0, 0)))
  seg3 = jnp.pad(batch, (0, NPAD - N),
                 constant_values=NUM_GRAPHS).reshape(NBLK, 1, BN)

  deg2 = _deg_kernel(dst2d)
  deg3 = deg2.reshape(2 * NBLK, 1, BN)
  hst1 = _tc1(x_pad, deg3, W1)
  acc1 = _prop_kernel(src64, exp2d, hst1).reshape(2, NPAD, HHALF)
  hst2 = _tc2(acc1, hst1, deg3, W2, b1.reshape(1, HID))
  acc2 = _prop_kernel(src64, exp2d, hst2).reshape(2, NPAD, HHALF)
  out = _tc3(acc2, hst2, deg3, b2.reshape(1, HID), seg3, Wc,
             bc.reshape(1, 2))
  return out

# --- scband reference (transcript-rebuilt; emitter-appended) ---
"""Pipeline reference for scband-gcnbottleneck-26723286516384 (READ-ONLY COPY).

The authoritative reference and input builder live on the scoring server;
editing this copy changes nothing except your own understanding.
"""

import jax, jax.numpy as jnp
import numpy as np

N = 100000
E = 1600000
NUM_GRAPHS = 64
IN_C = 8
HID = 32


def setup_inputs(seed: int = 0) -> dict:
    key = jax.random.key(seed)
    ks = [jax.random.fold_in(key, i) for i in range(10)]
    x = jax.random.normal(ks[0], (N, IN_C), dtype=jnp.float32)
    edge_index = jax.random.randint(ks[1], (2, E), 0, N, dtype=jnp.int32)
    batch = jnp.sort(jax.random.randint(ks[2], (N,), 0, NUM_GRAPHS, dtype=jnp.int32))
    W1 = jax.random.normal(ks[3], (IN_C, HID), dtype=jnp.float32) * (1.0 / np.sqrt(IN_C))
    b1 = jnp.zeros((HID,), dtype=jnp.float32)
    W2 = jax.random.normal(ks[4], (HID, HID), dtype=jnp.float32) * (1.0 / np.sqrt(HID))
    b2 = jnp.zeros((HID,), dtype=jnp.float32)
    Wc = jax.random.normal(ks[5], (HID, 2), dtype=jnp.float32) * (1.0 / np.sqrt(HID))
    bc = jnp.zeros((2,), dtype=jnp.float32)
    return {"x": x, "edge_index": edge_index, "batch": batch, "W1": W1, "b1": b1, "W2": W2, "b2": b2, "Wc": Wc, "bc": bc}


def _gcn_conv(x, edge_index, W, b):
    n = x.shape[0]
    loop = jnp.arange(n, dtype=edge_index.dtype)
    src = jnp.concatenate([edge_index[0], loop])
    dst = jnp.concatenate([edge_index[1], loop])
    deg = jnp.zeros((n,), dtype=x.dtype).at[dst].add(1.0)
    dinv = jnp.where(deg > 0, jax.lax.rsqrt(deg), 0.0)
    norm = dinv[src] * dinv[dst]
    h = x @ W
    msg = h[src] * norm[:, None]
    out = jnp.zeros((n, W.shape[1]), dtype=x.dtype).at[dst].add(msg)
    return out + b


def _global_mean_pool(h, batch):
    sums = jax.ops.segment_sum(h, batch, num_segments=NUM_GRAPHS)
    cnt = jax.ops.segment_sum(jnp.ones((h.shape[0],), dtype=h.dtype), batch, num_segments=NUM_GRAPHS)
    return sums / jnp.clip(cnt, 1.0)[:, None]


def reference(x, edge_index, batch, W1, b1, W2, b2, Wc, bc):
    h = jax.nn.relu(_gcn_conv(x, edge_index, W1, b1))
    h = jax.nn.relu(_gcn_conv(h, edge_index, W2, b2))
    pooled = _global_mean_pool(h, batch)
    return pooled @ Wc + bc

if __name__ == "__main__":
    import jax
    _d = setup_inputs()
    print(jax.jit(kernel)(*tuple(_d.values())))

</pallas_src>

<mosaic_0001>
#map = affine_map<(d0, d1) -> (0, 0)>
module attributes {stable_mosaic.version = 14 : i64} {
  func.func @_deg_kernel(%arg0: i32, %arg1: i32, %arg2: memref<12544x128xi32, #tpu.memory_space<hbm>>, %arg3: memref<2x100352xf32, #tpu.memory_space<hbm>>, %arg4: memref<8x128xi32, #tpu.memory_space<vmem>>, %arg5: memref<128xf32, #tpu.memory_space<vmem>>, %arg6: memref<6272xf32, #tpu.memory_space<vmem>>, %arg7: memref<100352xf32, #tpu.memory_space<vmem_shared>>, %arg8: memref<!tpu.dma_semaphore, #tpu.memory_space<semaphore_mem>>) attributes {dimension_semantics = [#tpu.dimension_semantics<core_parallel>, #tpu.dimension_semantics<subcore_parallel>], iteration_bounds = array<i64: 2, 16>, scalar_prefetch = 0 : i64, scratch_operands = 5 : i64, tpu.core_type = #tpu.core_type<sc_vector_subcore>, window_params = [{transform_indices = #map}, {transform_indices = #map}]} {
    %mul3A = arith.constant 2 : i32
    %mul3A_0 = arith.muli %arg1, %mul3A : i32
    %add3A = arith.addi %mul3A_0, %arg0 : i32
    %scan3A = arith.constant 0 : i32
    %scan3A_1 = arith.constant 0 : i32
    %scan3A_2 = arith.constant 392 : i32
    %scan3A_3 = arith.addi %scan3A_1, %scan3A_2 : i32
    %scan3A_4 = arith.constant 1 : i32
    %scan3A_5 = scf.for %scan3A_69 = %scan3A_1 to %scan3A_3 step %scan3A_4 iter_args(%scan3A_70 = %scan3A) -> (i32)  : i32 {
      %broadcast_in_dim3A_71 = arith.constant 0.000000e+00 : f32
      %broadcast_in_dim3A_72 = vector.broadcast %broadcast_in_dim3A_71 : f32 to vector<16xf32>
      %mul3A_73 = arith.constant 16 : i32
      %mul3A_74 = arith.muli %scan3A_69, %mul3A_73 : i32
      %swap3A_75 = arith.index_cast %mul3A_74 : i32 to index
      %swap3A_76 = tpu.vector_load %arg6[%swap3A_75] {strides = array<i32>} : memref<6272xf32, #tpu.memory_space<vmem>>, vector<16xf32>,
      %swap3A_77 = vector.shape_cast %swap3A_76 : vector<16xf32> to vector<16xf32>
      %swap3A_78 = vector.shape_cast %broadcast_in_dim3A_72 : vector<16xf32> to vector<16xf32>
      tpu.vector_store %arg6[%swap3A_75], %swap3A_78 {strides = array<i32>} : memref<6272xf32, #tpu.memory_space<vmem>>, vector<16xf32>,
      %scan3A_79 = arith.constant 0 : i32
      scf.yield %scan3A_79 : i32
    }
    %scan3A_6 = arith.constant 392 : i32
    %broadcast_in_dim3A = arith.constant 1.000000e+00 : f32
    %broadcast_in_dim3A_7 = vector.broadcast %broadcast_in_dim3A : f32 to vector<16xf32>
    %swap3A = arith.constant 0 : index
    %swap3A_8 = tpu.vector_load %arg5[%swap3A] {strides = array<i32>} : memref<128xf32, #tpu.memory_space<vmem>>, vector<16xf32>,
    %swap3A_9 = vector.shape_cast %swap3A_8 : vector<16xf32> to vector<16xf32>
    %swap3A_10 = vector.shape_cast %broadcast_in_dim3A_7 : vector<16xf32> to vector<16xf32>
    tpu.vector_store %arg5[%swap3A], %swap3A_10 {strides = array<i32>} : memref<128xf32, #tpu.memory_space<vmem>>, vector<16xf32>,
    %broadcast_in_dim3A_11 = arith.constant 1.000000e+00 : f32
    %broadcast_in_dim3A_12 = vector.broadcast %broadcast_in_dim3A_11 : f32 to vector<16xf32>
    %swap3A_13 = arith.constant 16 : index
    %swap3A_14 = tpu.vector_load %arg5[%swap3A_13] {strides = array<i32>} : memref<128xf32, #tpu.memory_space<vmem>>, vector<16xf32>,
    %swap3A_15 = vector.shape_cast %swap3A_14 : vector<16xf32> to vector<16xf32>
    %swap3A_16 = vector.shape_cast %broadcast_in_dim3A_12 : vector<16xf32> to vector<16xf32>
    tpu.vector_store %arg5[%swap3A_13], %swap3A_16 {strides = array<i32>} : memref<128xf32, #tpu.memory_space<vmem>>, vector<16xf32>,
    %broadcast_in_dim3A_17 = arith.constant 1.000000e+00 : f32
    %broadcast_in_dim3A_18 = vector.broadcast %broadcast_in_dim3A_17 : f32 to vector<16xf32>
    %swap3A_19 = arith.constant 32 : index
    %swap3A_20 = tpu.vector_load %arg5[%swap3A_19] {strides = array<i32>} : memref<128xf32, #tpu.memory_space<vmem>>, vector<16xf32>,
    %swap3A_21 = vector.shape_cast %swap3A_20 : vector<16xf32> to vector<16xf32>
    %swap3A_22 = vector.shape_cast %broadcast_in_dim3A_18 : vector<16xf32> to vector<16xf32>
    tpu.vector_store %arg5[%swap3A_19], %swap3A_22 {strides = array<i32>} : memref<128xf32, #tpu.memory_space<vmem>>, vector<16xf32>,
    %broadcast_in_dim3A_23 = arith.constant 1.000000e+00 : f32
    %broadcast_in_dim3A_24 = vector.broadcast %broadcast_in_dim3A_23 : f32 to vector<16xf32>
    %swap3A_25 = arith.constant 48 : index
    %swap3A_26 = tpu.vector_load %arg5[%swap3A_25] {strides = array<i32>} : memref<128xf32, #tpu.memory_space<vmem>>, vector<16xf32>,
    %swap3A_27 = vector.shape_cast %swap3A_26 : vector<16xf32> to vector<16xf32>
    %swap3A_28 = vector.shape_cast %broadcast_in_dim3A_24 : vector<16xf32> to vector<16xf32>
    tpu.vector_store %arg5[%swap3A_25], %swap3A_28 {strides = array<i32>} : memref<128xf32, #tpu.memory_space<vmem>>, vector<16xf32>,
    %broadcast_in_dim3A_29 = arith.constant 1.000000e+00 : f32
    %broadcast_in_dim3A_30 = vector.broadcast %broadcast_in_dim3A_29 : f32 to vector<16xf32>
    %swap3A_31 = arith.constant 64 : index
    %swap3A_32 = tpu.vector_load %arg5[%swap3A_31] {strides = array<i32>} : memref<128xf32, #tpu.memory_space<vmem>>, vector<16xf32>,
    %swap3A_33 = vector.shape_cast %swap3A_32 : vector<16xf32> to vector<16xf32>
    %swap3A_34 = vector.shape_cast %broadcast_in_dim3A_30 : vector<16xf32> to vector<16xf32>
    tpu.vector_store %arg5[%swap3A_31], %swap3A_34 {strides = array<i32>} : memref<128xf32, #tpu.memory_space<vmem>>, vector<16xf32>,
    %broadcast_in_dim3A_35 = arith.constant 1.000000e+00 : f32
    %broadcast_in_dim3A_36 = vector.broadcast %broadcast_in_dim3A_35 : f32 to vector<16xf32>
    %swap3A_37 = arith.constant 80 : index
    %swap3A_38 = tpu.vector_load %arg5[%swap3A_37] {strides = array<i32>} : memref<128xf32, #tpu.memory_space<vmem>>, vector<16xf32>,
    %swap3A_39 = vector.shape_cast %swap3A_38 : vector<16xf32> to vector<16xf32>
    %swap3A_40 = vector.shape_cast %broadcast_in_dim3A_36 : vector<16xf32> to vector<16xf32>
    tpu.vector_store %arg5[%swap3A_37], %swap3A_40 {strides = array<i32>} : memref<128xf32, #tpu.memory_space<vmem>>, vector<16xf32>,
    %broadcast_in_dim3A_41 = arith.constant 1.000000e+00 : f32
    %broadcast_in_dim3A_42 = vector.broadcast %broadcast_in_dim3A_41 : f32 to vector<16xf32>
    %swap3A_43 = arith.constant 96 : index
    %swap3A_44 = tpu.vector_load %arg5[%swap3A_43] {strides = array<i32>} : memref<128xf32, #tpu.memory_space<vmem>>, vector<16xf32>,
    %swap3A_45 = vector.shape_cast %swap3A_44 : vector<16xf32> to vector<16xf32>
    %swap3A_46 = vector.shape_cast %broadcast_in_dim3A_42 : vector<16xf32> to vector<16xf32>
    tpu.vector_store %arg5[%swap3A_43], %swap3A_46 {strides = array<i32>} : memref<128xf32, #tpu.memory_space<vmem>>, vector<16xf32>,
    %broadcast_in_dim3A_47 = arith.constant 1.000000e+00 : f32
    %broadcast_in_dim3A_48 = vector.broadcast %broadcast_in_dim3A_47 : f32 to vector<16xf32>
    %swap3A_49 = arith.constant 112 : index
    %swap3A_50 = tpu.vector_load %arg5[%swap3A_49] {strides = array<i32>} : memref<128xf32, #tpu.memory_space<vmem>>, vector<16xf32>,
    %swap3A_51 = vector.shape_cast %swap3A_50 : vector<16xf32> to vector<16xf32>
    %swap3A_52 = vector.shape_cast %broadcast_in_dim3A_48 : vector<16xf32> to vector<16xf32>
    tpu.vector_store %arg5[%swap3A_49], %swap3A_52 {strides = array<i32>} : memref<128xf32, #tpu.memory_space<vmem>>, vector<16xf32>,
    %mul3A_53 = arith.constant 6272 : i32
    %mul3A_54 = arith.muli %arg1, %mul3A_53 : i32
    "tpu.region"() ({
      %run_scoped3A = tpu.sem_alloc : memref<!tpu.dma_semaphore, #tpu.memory_space<semaphore_mem>>
      %dma_start3A = tpu.memref_slice %arg7[%mul3A_54] : memref<100352xf32, #tpu.memory_space<vmem_shared>> -> memref<6272xf32, #tpu.memory_space<vmem_shared>>
      %dma_start3A_69 = tpu.memref_slice %arg7[%mul3A_54] : memref<100352xf32, #tpu.memory_space<vmem_shared>> -> memref<6272xf32, #tpu.memory_space<vmem_shared>>
      tpu.enqueue_dma source(%arg6 : memref<6272xf32, #tpu.memory_space<vmem>>) target(%dma_start3A_69 : memref<6272xf32, #tpu.memory_space<vmem_shared>>) target_semaphore(%run_scoped3A : memref<!tpu.dma_semaphore, #tpu.memory_space<semaphore_mem>>)
      %dma_wait3A = tpu.memref_slice %arg7[%mul3A_54] : memref<100352xf32, #tpu.memory_space<vmem_shared>> -> memref<6272xf32, #tpu.memory_space<vmem_shared>>
      %dma_wait3A_70 = tpu.memref_slice %arg7[%mul3A_54] : memref<100352xf32, #tpu.memory_space<vmem_shared>> -> memref<6272xf32, #tpu.memory_space<vmem_shared>>
      tpu.wait_dma2 semaphore(%run_scoped3A : memref<!tpu.dma_semaphore, #tpu.memory_space<semaphore_mem>>) src(%arg6 : memref<6272xf32, #tpu.memory_space<vmem>>) dst(%dma_wait3A_70 : memref<6272xf32, #tpu.memory_space<vmem_shared>>)
      tpu.yield
    }) : () -> ()
    %barrier3A = arith.constant 0 : index
    tpu.barrier barrier_id(%barrier3A)
    %mul3A_55 = arith.constant 392 : i32
    %mul3A_56 = arith.muli %add3A, %mul3A_55 : i32
    %scan3A_57 = arith.constant 0 : i32
    %scan3A_58 = arith.constant 0 : i32
    %scan3A_59 = arith.constant 49 : i32
    %scan3A_60 = arith.addi %scan3A_58, %scan3A_59 : i32
    %scan3A_61 = arith.constant 1 : i32
    %scan3A_62 = scf.for %scan3A_69 = %scan3A_58 to %scan3A_60 step %scan3A_61 iter_args(%scan3A_70 = %scan3A_57) -> (i32)  : i32 {
      %mul3A_71 = arith.constant 8 : i32
      %mul3A_72 = arith.muli %scan3A_69, %mul3A_71 : i32
      %add3A_73 = arith.addi %mul3A_56, %mul3A_72 : i32
      "tpu.region"() ({
        %run_scoped3A = tpu.sem_alloc : memref<!tpu.dma_semaphore, #tpu.memory_space<semaphore_mem>>
        %dma_start3A_169 = arith.constant 0 : i32
        %dma_start3A_170 = tpu.memref_slice %arg2[%add3A_73, %dma_start3A_169] : memref<12544x128xi32, #tpu.memory_space<hbm>> -> memref<8x128xi32, #tpu.memory_space<hbm>>
        %dma_start3A_171 = arith.constant 0 : i32
        %dma_start3A_172 = tpu.memref_slice %arg2[%add3A_73, %dma_start3A_171] : memref<12544x128xi32, #tpu.memory_space<hbm>> -> memref<8x128xi32, #tpu.memory_space<hbm>>
        tpu.enqueue_dma source(%dma_start3A_172 : memref<8x128xi32, #tpu.memory_space<hbm>>) target(%arg4 : memref<8x128xi32, #tpu.memory_space<vmem>>) target_semaphore(%run_scoped3A : memref<!tpu.dma_semaphore, #tpu.memory_space<semaphore_mem>>)
        %dma_wait3A_173 = arith.constant 0 : i32
        %dma_wait3A_174 = tpu.memref_slice %arg2[%add3A_73, %dma_wait3A_173] : memref<12544x128xi32, #tpu.memory_space<hbm>> -> memref<8x128xi32, #tpu.memory_space<hbm>>
        %dma_wait3A_175 = arith.constant 0 : i32
        %dma_wait3A_176 = tpu.memref_slice %arg2[%add3A_73, %dma_wait3A_175] : memref<12544x128xi32, #tpu.memory_space<hbm>> -> memref<8x128xi32, #tpu.memory_space<hbm>>
        tpu.wait_dma2 semaphore(%run_scoped3A : memref<!tpu.dma_semaphore, #tpu.memory_space<semaphore_mem>>) src(%dma_wait3A_176 : memref<8x128xi32, #tpu.memory_space<hbm>>) dst(%arg4 : memref<8x128xi32, #tpu.memory_space<vmem>>)
        tpu.yield
      }) : () -> ()
      %dma_start3A = arith.constant 0 : i32
      %dma_start3A_74 = arith.constant 0 : i32
      %dma_start3A_75 = tpu.memref_slice %arg4[%dma_start3A, %dma_start3A_74] : memref<8x128xi32, #tpu.memory_space<vmem>> -> memref<1x128xi32, #tpu.memory_space<vmem>>
      %dma_start3A_76 = tpu.memref_squeeze %dma_start3A_75 : memref<1x128xi32, #tpu.memory_space<vmem>> -> memref<128xi32, #tpu.memory_space<vmem>>
      %dma_start3A_77 = arith.constant 0 : i32
      %dma_start3A_78 = tpu.memref_slice %arg7[%dma_start3A_77] : memref<100352xf32, #tpu.memory_space<vmem_shared>> -> memref<100352xf32, #tpu.memory_space<vmem_shared>>
      tpu.enqueue_indirect_dma source(%arg5 : memref<128xf32, #tpu.memory_space<vmem>>) target(%dma_start3A_78 : memref<100352xf32, #tpu.memory_space<vmem_shared>>) offsets(%dma_start3A_76 : memref<128xi32, #tpu.memory_space<vmem>>) semaphore(%arg8 : memref<!tpu.dma_semaphore, #tpu.memory_space<semaphore_mem>>) {add = true}
      %dma_start3A_79 = arith.constant 1 : i32
      %dma_start3A_80 = arith.constant 0 : i32
      %dma_start3A_81 = tpu.memref_slice %arg4[%dma_start3A_79, %dma_start3A_80] : memref<8x128xi32, #tpu.memory_space<vmem>> -> memref<1x128xi32, #tpu.memory_space<vmem>>
      %dma_start3A_82 = tpu.memref_squeeze %dma_start3A_81 : memref<1x128xi32, #tpu.memory_space<vmem>> -> memref<128xi32, #tpu.memory_space<vmem>>
      %dma_start3A_83 = arith.constant 0 : i32
      %dma_start3A_84 = tpu.memref_slice %arg7[%dma_start3A_83] : memref<100352xf32, #tpu.memory_space<vmem_shared>> -> memref<100352xf32, #tpu.memory_space<vmem_shared>>
      tpu.enqueue_indirect_dma source(%arg5 : memref<128xf32, #tpu.memory_space<vmem>>) target(%dma_start3A_84 : memref<100352xf32, #tpu.memory_space<vmem_shared>>) offsets(%dma_start3A_82 : memref<128xi32, #tpu.memory_space<vmem>>) semaphore(%arg8 : memref<!tpu.dma_semaphore, #tpu.memory_space<semaphore_mem>>) {add = true}
      %dma_start3A_85 = arith.constant 2 : i32
      %dma_start3A_86 = arith.constant 0 : i32
      %dma_start3A_87 = tpu.memref_slice %arg4[%dma_start3A_85, %dma_start3A_86] : memref<8x128xi32, #tpu.memory_space<vmem>> -> memref<1x128xi32, #tpu.memory_space<vmem>>
      %dma_start3A_88 = tpu.memref_squeeze %dma_start3A_87 : memref<1x128xi32, #tpu.memory_space<vmem>> -> memref<128xi32, #tpu.memory_space<vmem>>
      %dma_start3A_89 = arith.constant 0 : i32
      %dma_start3A_90 = tpu.memref_slice %arg7[%dma_start3A_89] : memref<100352xf32, #tpu.memory_space<vmem_shared>> -> memref<100352xf32, #tpu.memory_space<vmem_shared>>
      tpu.enqueue_indirect_dma source(%arg5 : memref<128xf32, #tpu.memory_space<vmem>>) target(%dma_start3A_90 : memref<100352xf32, #tpu.memory_space<vmem_shared>>) offsets(%dma_start3A_88 : memref<128xi32, #tpu.memory_space<vmem>>) semaphore(%arg8 : memref<!tpu.dma_semaphore, #tpu.memory_space<semaphore_mem>>) {add = true}
      %dma_start3A_91 = arith.constant 3 : i32
      %dma_start3A_92 = arith.constant 0 : i32
      %dma_start3A_93 = tpu.memref_slice %arg4[%dma_start3A_91, %dma_start3A_92] : memref<8x128xi32, #tpu.memory_space<vmem>> -> memref<1x128xi32, #tpu.memory_space<vmem>>
      %dma_start3A_94 = tpu.memref_squeeze %dma_start3A_93 : memref<1x128xi32, #tpu.memory_space<vmem>> -> memref<128xi32, #tpu.memory_space<vmem>>
      %dma_start3A_95 = arith.constant 0 : i32
      %dma_start3A_96 = tpu.memref_slice %arg7[%dma_start3A_95] : memref<100352xf32, #tpu.memory_space<vmem_shared>> -> memref<100352xf32, #tpu.memory_space<vmem_shared>>
      tpu.enqueue_indirect_dma source(%arg5 : memref<128xf32, #tpu.memory_space<vmem>>) target(%dma_start3A_96 : memref<100352xf32, #tpu.memory_space<vmem_shared>>) offsets(%dma_start3A_94 : memref<128xi32, #tpu.memory_space<vmem>>) semaphore(%arg8 : memref<!tpu.dma_semaphore, #tpu.memory_space<semaphore_mem>>) {add = true}
      %dma_start3A_97 = arith.constant 4 : i32
      %dma_start3A_98 = arith.constant 0 : i32
      %dma_start3A_99 = tpu.memref_slice %arg4[%dma_start3A_97, %dma_start3A_98] : memref<8x128xi32, #tpu.memory_space<vmem>> -> memref<1x128xi32, #tpu.memory_space<vmem>>
      %dma_start3A_100 = tpu.memref_squeeze %dma_start3A_99 : memref<1x128xi32, #tpu.memory_space<vmem>> -> memref<128xi32, #tpu.memory_space<vmem>>
      %dma_start3A_101 = arith.constant 0 : i32
      %dma_start3A_102 = tpu.memref_slice %arg7[%dma_start3A_101] : memref<100352xf32, #tpu.memory_space<vmem_shared>> -> memref<100352xf32, #tpu.memory_space<vmem_shared>>
      tpu.enqueue_indirect_dma source(%arg5 : memref<128xf32, #tpu.memory_space<vmem>>) target(%dma_start3A_102 : memref<100352xf32, #tpu.memory_space<vmem_shared>>) offsets(%dma_start3A_100 : memref<128xi32, #tpu.memory_space<vmem>>) semaphore(%arg8 : memref<!tpu.dma_semaphore, #tpu.memory_space<semaphore_mem>>) {add = true}
      %dma_start3A_103 = arith.constant 5 : i32
      %dma_start3A_104 = arith.constant 0 : i32
      %dma_start3A_105 = tpu.memref_slice %arg4[%dma_start3A_103, %dma_start3A_104] : memref<8x128xi32, #tpu.memory_space<vmem>> -> memref<1x128xi32, #tpu.memory_space<vmem>>
      %dma_start3A_106 = tpu.memref_squeeze %dma_start3A_105 : memref<1x128xi32, #tpu.memory_space<vmem>> -> memref<128xi32, #tpu.memory_space<vmem>>
      %dma_start3A_107 = arith.constant 0 : i32
      %dma_start3A_108 = tpu.memref_slice %arg7[%dma_start3A_107] : memref<100352xf32, #tpu.memory_space<vmem_shared>> -> memref<100352xf32, #tpu.memory_space<vmem_shared>>
      tpu.enqueue_indirect_dma source(%arg5 : memref<128xf32, #tpu.memory_space<vmem>>) target(%dma_start3A_108 : memref<100352xf32, #tpu.memory_space<vmem_shared>>) offsets(%dma_start3A_106 : memref<128xi32, #tpu.memory_space<vmem>>) semaphore(%arg8 : memref<!tpu.dma_semaphore, #tpu.memory_space<semaphore_mem>>) {add = true}
      %dma_start3A_109 = arith.constant 6 : i32
      %dma_start3A_110 = arith.constant 0 : i32
      %dma_start3A_111 = tpu.memref_slice %arg4[%dma_start3A_109, %dma_start3A_110] : memref<8x128xi32, #tpu.memory_space<vmem>> -> memref<1x128xi32, #tpu.memory_space<vmem>>
      %dma_start3A_112 = tpu.memref_squeeze %dma_start3A_111 : memref<1x128xi32, #tpu.memory_space<vmem>> -> memref<128xi32, #tpu.memory_space<vmem>>
      %dma_start3A_113 = arith.constant 0 : i32
      %dma_start3A_114 = tpu.memref_slice %arg7[%dma_start3A_113] : memref<100352xf32, #tpu.memory_space<vmem_shared>> -> memref<100352xf32, #tpu.memory_space<vmem_shared>>
      tpu.enqueue_indirect_dma source(%arg5 : memref<128xf32, #tpu.memory_space<vmem>>) target(%dma_start3A_114 : memref<100352xf32, #tpu.memory_space<vmem_shared>>) offsets(%dma_start3A_112 : memref<128xi32, #tpu.memory_space<vmem>>) semaphore(%arg8 : memref<!tpu.dma_semaphore, #tpu.memory_space<semaphore_mem>>) {add = true}
      %dma_start3A_115 = arith.constant 7 : i32
      %dma_start3A_116 = arith.constant 0 : i32
      %dma_start3A_117 = tpu.memref_slice %arg4[%dma_start3A_115, %dma_start3A_116] : memref<8x128xi32, #tpu.memory_space<vmem>> -> memref<1x128xi32, #tpu.memory_space<vmem>>
      %dma_start3A_118 = tpu.memref_squeeze %dma_start3A_117 : memref<1x128xi32, #tpu.memory_space<vmem>> -> memref<128xi32, #tpu.memory_space<vmem>>
      %dma_start3A_119 = arith.constant 0 : i32
      %dma_start3A_120 = tpu.memref_slice %arg7[%dma_start3A_119] : memref<100352xf32, #tpu.memory_space<vmem_shared>> -> memref<100352xf32, #tpu.memory_space<vmem_shared>>
      tpu.enqueue_indirect_dma source(%arg5 : memref<128xf32, #tpu.memory_space<vmem>>) target(%dma_start3A_120 : memref<100352xf32, #tpu.memory_space<vmem_shared>>) offsets(%dma_start3A_118 : memref<128xi32, #tpu.memory_space<vmem>>) semaphore(%arg8 : memref<!tpu.dma_semaphore, #tpu.memory_space<semaphore_mem>>) {add = true}
      %dma_wait3A = arith.constant 0 : i32
      %dma_wait3A_121 = arith.constant 0 : i32
      %dma_wait3A_122 = tpu.memref_slice %arg4[%dma_wait3A, %dma_wait3A_121] : memref<8x128xi32, #tpu.memory_space<vmem>> -> memref<1x128xi32, #tpu.memory_space<vmem>>
      %dma_wait3A_123 = tpu.memref_squeeze %dma_wait3A_122 : memref<1x128xi32, #tpu.memory_space<vmem>> -> memref<128xi32, #tpu.memory_space<vmem>>
      %dma_wait3A_124 = arith.constant 0 : i32
      %dma_wait3A_125 = tpu.memref_slice %arg7[%dma_wait3A_124] : memref<100352xf32, #tpu.memory_space<vmem_shared>> -> memref<100352xf32, #tpu.memory_space<vmem_shared>>
      tpu.wait_indirect_dma semaphore(%arg8 : memref<!tpu.dma_semaphore, #tpu.memory_space<semaphore_mem>>) src(%arg5 : memref<128xf32, #tpu.memory_space<vmem>>) dst(%dma_wait3A_125 : memref<100352xf32, #tpu.memory_space<vmem_shared>>)
      %dma_wait3A_126 = arith.constant 1 : i32
      %dma_wait3A_127 = arith.constant 0 : i32
      %dma_wait3A_128 = tpu.memref_slice %arg4[%dma_wait3A_126, %dma_wait3A_127] : memref<8x128xi32, #tpu.memory_space<vmem>> -> memref<1x128xi32, #tpu.memory_space<vmem>>
      %dma_wait3A_129 = tpu.memref_squeeze %dma_wait3A_128 : memref<1x128xi32, #tpu.memory_space<vmem>> -> memref<128xi32, #tpu.memory_space<vmem>>
      %dma_wait3A_130 = arith.constant 0 : i32
      %dma_wait3A_131 = tpu.memref_slice %arg7[%dma_wait3A_130] : memref<100352xf32, #tpu.memory_space<vmem_shared>> -> memref<100352xf32, #tpu.memory_space<vmem_shared>>
      tpu.wait_indirect_dma semaphore(%arg8 : memref<!tpu.dma_semaphore, #tpu.memory_space<semaphore_mem>>) src(%arg5 : memref<128xf32, #tpu.memory_space<vmem>>) dst(%dma_wait3A_131 : memref<100352xf32, #tpu.memory_space<vmem_shared>>)
      %dma_wait3A_132 = arith.constant 2 : i32
      %dma_wait3A_133 = arith.constant 0 : i32
      %dma_wait3A_134 = tpu.memref_slice %arg4[%dma_wait3A_132, %dma_wait3A_133] : memref<8x128xi32, #tpu.memory_space<vmem>> -> memref<1x128xi32, #tpu.memory_space<vmem>>
      %dma_wait3A_135 = tpu.memref_squeeze %dma_wait3A_134 : memref<1x128xi32, #tpu.memory_space<vmem>> -> memref<128xi32, #tpu.memory_space<vmem>>
      %dma_wait3A_136 = arith.constant 0 : i32
      %dma_wait3A_137 = tpu.memref_slice %arg7[%dma_wait3A_136] : memref<100352xf32, #tpu.memory_space<vmem_shared>> -> memref<100352xf32, #tpu.memory_space<vmem_shared>>
      tpu.wait_indirect_dma semaphore(%arg8 : memref<!tpu.dma_semaphore, #tpu.memory_space<semaphore_mem>>) src(%arg5 : memref<128xf32, #tpu.memory_space<vmem>>) dst(%dma_wait3A_137 : memref<100352xf32, #tpu.memory_space<vmem_shared>>)
      %dma_wait3A_138 = arith.constant 3 : i32
      %dma_wait3A_139 = arith.constant 0 : i32
      %dma_wait3A_140 = tpu.memref_slice %arg4[%dma_wait3A_138, %dma_wait3A_139] : memref<8x128xi32, #tpu.memory_space<vmem>> -> memref<1x128xi32, #tpu.memory_space<vmem>>
      %dma_wait3A_141 = tpu.memref_squeeze %dma_wait3A_140 : memref<1x128xi32, #tpu.memory_space<vmem>> -> memref<128xi32, #tpu.memory_space<vmem>>
      %dma_wait3A_142 = arith.constant 0 : i32
      %dma_wait3A_143 = tpu.memref_slice %arg7[%dma_wait3A_142] : memref<100352xf32, #tpu.memory_space<vmem_shared>> -> memref<100352xf32, #tpu.memory_space<vmem_shared>>
      tpu.wait_indirect_dma semaphore(%arg8 : memref<!tpu.dma_semaphore, #tpu.memory_space<semaphore_mem>>) src(%arg5 : memref<128xf32, #tpu.memory_space<vmem>>) dst(%dma_wait3A_143 : memref<100352xf32, #tpu.memory_space<vmem_shared>>)
      %dma_wait3A_144 = arith.constant 4 : i32
      %dma_wait3A_145 = arith.constant 0 : i32
      %dma_wait3A_146 = tpu.memref_slice %arg4[%dma_wait3A_144, %dma_wait3A_145] : memref<8x128xi32, #tpu.memory_space<vmem>> -> memref<1x128xi32, #tpu.memory_space<vmem>>
      %dma_wait3A_147 = tpu.memref_squeeze %dma_wait3A_146 : memref<1x128xi32, #tpu.memory_space<vmem>> -> memref<128xi32, #tpu.memory_space<vmem>>
      %dma_wait3A_148 = arith.constant 0 : i32
      %dma_wait3A_149 = tpu.memref_slice %arg7[%dma_wait3A_148] : memref<100352xf32, #tpu.memory_space<vmem_shared>> -> memref<100352xf32, #tpu.memory_space<vmem_shared>>
      tpu.wait_indirect_dma semaphore(%arg8 : memref<!tpu.dma_semaphore, #tpu.memory_space<semaphore_mem>>) src(%arg5 : memref<128xf32, #tpu.memory_space<vmem>>) dst(%dma_wait3A_149 : memref<100352xf32, #tpu.memory_space<vmem_shared>>)
      %dma_wait3A_150 = arith.constant 5 : i32
      %dma_wait3A_151 = arith.constant 0 : i32
      %dma_wait3A_152 = tpu.memref_slice %arg4[%dma_wait3A_150, %dma_wait3A_151] : memref<8x128xi32, #tpu.memory_space<vmem>> -> memref<1x128xi32, #tpu.memory_space<vmem>>
      %dma_wait3A_153 = tpu.memref_squeeze %dma_wait3A_152 : memref<1x128xi32, #tpu.memory_space<vmem>> -> memref<128xi32, #tpu.memory_space<vmem>>
      %dma_wait3A_154 = arith.constant 0 : i32
      %dma_wait3A_155 = tpu.memref_slice %arg7[%dma_wait3A_154] : memref<100352xf32, #tpu.memory_space<vmem_shared>> -> memref<100352xf32, #tpu.memory_space<vmem_shared>>
      tpu.wait_indirect_dma semaphore(%arg8 : memref<!tpu.dma_semaphore, #tpu.memory_space<semaphore_mem>>) src(%arg5 : memref<128xf32, #tpu.memory_space<vmem>>) dst(%dma_wait3A_155 : memref<100352xf32, #tpu.memory_space<vmem_shared>>)
      %dma_wait3A_156 = arith.constant 6 : i32
      %dma_wait3A_157 = arith.constant 0 : i32
      %dma_wait3A_158 = tpu.memref_slice %arg4[%dma_wait3A_156, %dma_wait3A_157] : memref<8x128xi32, #tpu.memory_space<vmem>> -> memref<1x128xi32, #tpu.memory_space<vmem>>
      %dma_wait3A_159 = tpu.memref_squeeze %dma_wait3A_158 : memref<1x128xi32, #tpu.memory_space<vmem>> -> memref<128xi32, #tpu.memory_space<vmem>>
      %dma_wait3A_160 = arith.constant 0 : i32
      %dma_wait3A_161 = tpu.memref_slice %arg7[%dma_wait3A_160] : memref<100352xf32, #tpu.memory_space<vmem_shared>> -> memref<100352xf32, #tpu.memory_space<vmem_shared>>
      tpu.wait_indirect_dma semaphore(%arg8 : memref<!tpu.dma_semaphore, #tpu.memory_space<semaphore_mem>>) src(%arg5 : memref<128xf32, #tpu.memory_space<vmem>>) dst(%dma_wait3A_161 : memref<100352xf32, #tpu.memory_space<vmem_shared>>)
      %dma_wait3A_162 = arith.constant 7 : i32
      %dma_wait3A_163 = arith.constant 0 : i32
      %dma_wait3A_164 = tpu.memref_slice %arg4[%dma_wait3A_162, %dma_wait3A_163] : memref<8x128xi32, #tpu.memory_space<vmem>> -> memref<1x128xi32, #tpu.memory_space<vmem>>
      %dma_wait3A_165 = tpu.memref_squeeze %dma_wait3A_164 : memref<1x128xi32, #tpu.memory_space<vmem>> -> memref<128xi32, #tpu.memory_space<vmem>>
      %dma_wait3A_166 = arith.constant 0 : i32
      %dma_wait3A_167 = tpu.memref_slice %arg7[%dma_wait3A_166] : memref<100352xf32, #tpu.memory_space<vmem_shared>> -> memref<100352xf32, #tpu.memory_space<vmem_shared>>
      tpu.wait_indirect_dma semaphore(%arg8 : memref<!tpu.dma_semaphore, #tpu.memory_space<semaphore_mem>>) src(%arg5 : memref<128xf32, #tpu.memory_space<vmem>>) dst(%dma_wait3A_167 : memref<100352xf32, #tpu.memory_space<vmem_shared>>)
      %scan3A_168 = arith.constant 0 : i32
      scf.yield %scan3A_168 : i32
    }
    %scan3A_63 = arith.constant 49 : i32
    %barrier3A_64 = arith.constant 0 : index
    tpu.barrier barrier_id(%barrier3A_64)
    %mul3A_65 = arith.constant 6272 : i32
    %mul3A_66 = arith.muli %arg1, %mul3A_65 : i32
    %mul3A_67 = arith.constant 6272 : i32
    %mul3A_68 = arith.muli %arg1, %mul3A_67 : i32
    "tpu.region"() ({
      %run_scoped3A = tpu.sem_alloc : memref<!tpu.dma_semaphore, #tpu.memory_space<semaphore_mem>>
      %dma_start3A = tpu.memref_slice %arg3[%arg0, %mul3A_68] : memref<2x100352xf32, #tpu.memory_space<hbm>> -> memref<1x6272xf32, #tpu.memory_space<hbm>>
      %dma_start3A_69 = tpu.memref_squeeze %dma_start3A : memref<1x6272xf32, #tpu.memory_space<hbm>> -> memref<6272xf32, #tpu.memory_space<hbm>>
      %dma_start3A_70 = tpu.memref_slice %arg7[%mul3A_66] : memref<100352xf32, #tpu.memory_space<vmem_shared>> -> memref<6272xf32, #tpu.memory_space<vmem_shared>>
      tpu.enqueue_dma source(%dma_start3A_70 : memref<6272xf32, #tpu.memory_space<vmem_shared>>) target(%dma_start3A_69 : memref<6272xf32, #tpu.memory_space<hbm>>) target_semaphore(%run_scoped3A : memref<!tpu.dma_semaphore, #tpu.memory_space<semaphore_mem>>)
      %dma_wait3A = tpu.memref_slice %arg3[%arg0, %mul3A_68] : memref<2x100352xf32, #tpu.memory_space<hbm>> -> memref<1x6272xf32, #tpu.memory_space<hbm>>
      %dma_wait3A_71 = tpu.memref_squeeze %dma_wait3A : memref<1x6272xf32, #tpu.memory_space<hbm>> -> memref<6272xf32, #tpu.memory_space<hbm>>
      %dma_wait3A_72 = tpu.memref_slice %arg7[%mul3A_66] : memref<100352xf32, #tpu.memory_space<vmem_shared>> -> memref<6272xf32, #tpu.memory_space<vmem_shared>>
      tpu.wait_dma2 semaphore(%run_scoped3A : memref<!tpu.dma_semaphore, #tpu.memory_space<semaphore_mem>>) src(%dma_wait3A_72 : memref<6272xf32, #tpu.memory_space<vmem_shared>>) dst(%dma_wait3A_71 : memref<6272xf32, #tpu.memory_space<hbm>>)
      tpu.yield
    }) : () -> ()
    return
  }
}

#map = affine_map<(d0, d1) -> (0, 0)>
#map1 = affine_map<(d0, d1) -> (0)>
module attributes {stable_mosaic.version = 14 : i64} {
  func.func @_prop_kernel(%arg0: i32, %arg1: i32, %arg2: memref<25088x64xi32, #tpu.memory_space<hbm>>, %arg3: memref<200704x128xi32, #tpu.memory_space<hbm>>, %arg4: memref<100352x128xf32, #tpu.memory_space<hbm>>, %arg5: memref<3211264xf32, #tpu.memory_space<hbm>>, %arg6: memref<1x64xi32, #tpu.memory_space<vmem>>, %arg7: memref<1x64xi32, #tpu.memory_space<vmem>>, %arg8: memref<64x128xf32, #tpu.memory_space<vmem>>, %arg9: memref<1024xf32, #tpu.memory_space<vmem>>, %arg10: memref<8x128xi32, #tpu.memory_space<vmem>>, %arg11: memref<1024xf32, #tpu.memory_space<vmem>>, %arg12: memref<1605632xf32, #tpu.memory_space<vmem_shared>>, %arg13: memref<!tpu.dma_semaphore, #tpu.memory_space<semaphore_mem>>, %arg14: memref<!tpu.dma_semaphore, #tpu.memory_space<semaphore_mem>>) attributes {dimension_semantics = [#tpu.dimension_semantics<core_parallel>, #tpu.dimension_semantics<subcore_parallel>], iteration_bounds = array<i64: 2, 16>, scalar_prefetch = 0 : i64, scratch_operands = 9 : i64, tpu.core_type = #tpu.core_type<sc_vector_subcore>, window_params = [{transform_indices = #map}, {transform_indices = #map}, {transform_indices = #map}, {transform_indices = #map1}]} {
    %scan3A = arith.constant 0 : i32
    %scan3A_0 = arith.constant 0 : i32
    %scan3A_1 = arith.constant 64 : i32
    %scan3A_2 = arith.addi %scan3A_0, %scan3A_1 : i32
    %scan3A_3 = arith.constant 1 : i32
    %scan3A_4 = scf.for %scan3A_30 = %scan3A_0 to %scan3A_2 step %scan3A_3 iter_args(%scan3A_31 = %scan3A) -> (i32)  : i32 {
      %broadcast_in_dim3A = arith.constant 0.000000e+00 : f32
      %broadcast_in_dim3A_32 = vector.broadcast %broadcast_in_dim3A : f32 to vector<16xf32>
      %mul3A_33 = arith.constant 16 : i32
      %mul3A_34 = arith.muli %scan3A_30, %mul3A_33 : i32
      %swap3A = arith.index_cast %mul3A_34 : i32 to index
      %swap3A_35 = tpu.vector_load %arg11[%swap3A] {strides = array<i32>} : memref<1024xf32, #tpu.memory_space<vmem>>, vector<16xf32>,
      %swap3A_36 = vector.shape_cast %swap3A_35 : vector<16xf32> to vector<16xf32>
      %swap3A_37 = vector.shape_cast %broadcast_in_dim3A_32 : vector<16xf32> to vector<16xf32>
      tpu.vector_store %arg11[%swap3A], %swap3A_37 {strides = array<i32>} : memref<1024xf32, #tpu.memory_space<vmem>>, vector<16xf32>,
      %scan3A_38 = arith.constant 0 : i32
      scf.yield %scan3A_38 : i32
    }
    %scan3A_5 = arith.constant 64 : i32
    %scan3A_6 = arith.constant 0 : i32
    %scan3A_7 = arith.constant 0 : i32
    %scan3A_8 = arith.constant 98 : i32
    %scan3A_9 = arith.addi %scan3A_7, %scan3A_8 : i32
    %scan3A_10 = arith.constant 1 : i32
    %scan3A_11 = scf.for %scan3A_30 = %scan3A_7 to %scan3A_9 step %scan3A_10 iter_args(%scan3A_31 = %scan3A_6) -> (i32)  : i32 {
      %mul3A_32 = arith.constant 100352 : i32
      %mul3A_33 = arith.muli %arg1, %mul3A_32 : i32
      %mul3A_34 = arith.constant 1024 : i32
      %mul3A_35 = arith.muli %scan3A_30, %mul3A_34 : i32
      %add3A_36 = arith.addi %mul3A_33, %mul3A_35 : i32
      "tpu.region"() ({
        %run_scoped3A = tpu.sem_alloc : memref<!tpu.dma_semaphore, #tpu.memory_space<semaphore_mem>>
        %dma_start3A = tpu.memref_slice %arg12[%add3A_36] : memref<1605632xf32, #tpu.memory_space<vmem_shared>> -> memref<1024xf32, #tpu.memory_space<vmem_shared>>
        %dma_start3A_38 = tpu.memref_slice %arg12[%add3A_36] : memref<1605632xf32, #tpu.memory_space<vmem_shared>> -> memref<1024xf32, #tpu.memory_space<vmem_shared>>
        tpu.enqueue_dma source(%arg11 : memref<1024xf32, #tpu.memory_space<vmem>>) target(%dma_start3A_38 : memref<1024xf32, #tpu.memory_space<vmem_shared>>) target_semaphore(%run_scoped3A : memref<!tpu.dma_semaphore, #tpu.memory_space<semaphore_mem>>)
        %dma_wait3A = tpu.memref_slice %arg12[%add3A_36] : memref<1605632xf32, #tpu.memory_space<vmem_shared>> -> memref<1024xf32, #tpu.memory_space<vmem_shared>>
        %dma_wait3A_39 = tpu.memref_slice %arg12[%add3A_36] : memref<1605632xf32, #tpu.memory_space<vmem_shared>> -> memref<1024xf32, #tpu.memory_space<vmem_shared>>
        tpu.wait_dma2 semaphore(%run_scoped3A : memref<!tpu.dma_semaphore, #tpu.memory_space<semaphore_mem>>) src(%arg11 : memref<1024xf32, #tpu.memory_space<vmem>>) dst(%dma_wait3A_39 : memref<1024xf32, #tpu.memory_space<vmem_shared>>)
        tpu.yield
      }) : () -> ()
      %scan3A_37 = arith.constant 0 : i32
      scf.yield %scan3A_37 : i32
    }
    %scan3A_12 = arith.constant 98 : i32
    %barrier3A = arith.constant 0 : index
    tpu.barrier barrier_id(%barrier3A)
    %mul3A = arith.constant 1568 : i32
    %mul3A_13 = arith.muli %arg1, %mul3A : i32
    %scan3A_14 = arith.constant 0 : i32
    %scan3A_15 = arith.constant 0 : i32
    %scan3A_16 = arith.constant 1568 : i32
    %scan3A_17 = arith.addi %scan3A_15, %scan3A_16 : i32
    %scan3A_18 = arith.constant 1 : i32
    %scan3A_19 = scf.for %scan3A_30 = %scan3A_15 to %scan3A_17 step %scan3A_18 iter_args(%scan3A_31 = %scan3A_14) -> (i32)  : i32 {
      %add3A_32 = arith.addi %mul3A_13, %scan3A_30 : i32
      "tpu.region"() ({
        %run_scoped3A = tpu.sem_alloc : memref<!tpu.dma_semaphore, #tpu.memory_space<semaphore_mem>>
        %dma_start3A_183 = arith.constant 0 : i32
        %dma_start3A_184 = tpu.memref_slice %arg2[%add3A_32, %dma_start3A_183] : memref<25088x64xi32, #tpu.memory_space<hbm>> -> memref<1x64xi32, #tpu.memory_space<hbm>>
        %dma_start3A_185 = arith.constant 0 : i32
        %dma_start3A_186 = tpu.memref_slice %arg2[%add3A_32, %dma_start3A_185] : memref<25088x64xi32, #tpu.memory_space<hbm>> -> memref<1x64xi32, #tpu.memory_space<hbm>>
        tpu.enqueue_dma source(%dma_start3A_186 : memref<1x64xi32, #tpu.memory_space<hbm>>) target(%arg6 : memref<1x64xi32, #tpu.memory_space<vmem>>) target_semaphore(%run_scoped3A : memref<!tpu.dma_semaphore, #tpu.memory_space<semaphore_mem>>)
        %dma_wait3A_187 = arith.constant 0 : i32
        %dma_wait3A_188 = tpu.memref_slice %arg2[%add3A_32, %dma_wait3A_187] : memref<25088x64xi32, #tpu.memory_space<hbm>> -> memref<1x64xi32, #tpu.memory_space<hbm>>
        %dma_wait3A_189 = arith.constant 0 : i32
        %dma_wait3A_190 = tpu.memref_slice %arg2[%add3A_32, %dma_wait3A_189] : memref<25088x64xi32, #tpu.memory_space<hbm>> -> memref<1x64xi32, #tpu.memory_space<hbm>>
        tpu.wait_dma2 semaphore(%run_scoped3A : memref<!tpu.dma_semaphore, #tpu.memory_space<semaphore_mem>>) src(%dma_wait3A_190 : memref<1x64xi32, #tpu.memory_space<hbm>>) dst(%arg6 : memref<1x64xi32, #tpu.memory_space<vmem>>)
        tpu.yield
      }) : () -> ()
      %mul3A_33 = arith.constant 8 : i32
      %mul3A_34 = arith.muli %add3A_32, %mul3A_33 : i32
      "tpu.region"() ({
        %run_scoped3A = tpu.sem_alloc : memref<!tpu.dma_semaphore, #tpu.memory_space<semaphore_mem>>
        %dma_start3A_183 = arith.constant 0 : i32
        %dma_start3A_184 = tpu.memref_slice %arg3[%mul3A_34, %dma_start3A_183] : memref<200704x128xi32, #tpu.memory_space<hbm>> -> memref<8x128xi32, #tpu.memory_space<hbm>>
        %dma_start3A_185 = arith.constant 0 : i32
        %dma_start3A_186 = tpu.memref_slice %arg3[%mul3A_34, %dma_start3A_185] : memref<200704x128xi32, #tpu.memory_space<hbm>> -> memref<8x128xi32, #tpu.memory_space<hbm>>
        tpu.enqueue_dma source(%dma_start3A_186 : memref<8x128xi32, #tpu.memory_space<hbm>>) target(%arg10 : memref<8x128xi32, #tpu.memory_space<vmem>>) target_semaphore(%run_scoped3A : memref<!tpu.dma_semaphore, #tpu.memory_space<semaphore_mem>>)
        %dma_wait3A_187 = arith.constant 0 : i32
        %dma_wait3A_188 = tpu.memref_slice %arg3[%mul3A_34, %dma_wait3A_187] : memref<200704x128xi32, #tpu.memory_space<hbm>> -> memref<8x128xi32, #tpu.memory_space<hbm>>
        %dma_wait3A_189 = arith.constant 0 : i32
        %dma_wait3A_190 = tpu.memref_slice %arg3[%mul3A_34, %dma_wait3A_189] : memref<200704x128xi32, #tpu.memory_space<hbm>> -> memref<8x128xi32, #tpu.memory_space<hbm>>
        tpu.wait_dma2 semaphore(%run_scoped3A : memref<!tpu.dma_semaphore, #tpu.memory_space<semaphore_mem>>) src(%dma_wait3A_190 : memref<8x128xi32, #tpu.memory_space<hbm>>) dst(%arg10 : memref<8x128xi32, #tpu.memory_space<vmem>>)
        tpu.yield
      }) : () -> ()
      %dma_start3A = arith.constant 0 : i32
      %dma_start3A_35 = arith.constant 0 : i32
      %dma_start3A_36 = tpu.memref_slice %arg6[%dma_start3A, %dma_start3A_35] : memref<1x64xi32, #tpu.memory_space<vmem>> -> memref<1x64xi32, #tpu.memory_space<vmem>>
      %dma_start3A_37 = tpu.memref_squeeze %dma_start3A_36 : memref<1x64xi32, #tpu.memory_space<vmem>> -> memref<64xi32, #tpu.memory_space<vmem>>
      %dma_start3A_38 = arith.constant 0 : i32
      %dma_start3A_39 = arith.constant 0 : i32
      %dma_start3A_40 = tpu.memref_slice %arg4[%dma_start3A_38, %dma_start3A_39] : memref<100352x128xf32, #tpu.memory_space<hbm>> -> memref<100352x128xf32, #tpu.memory_space<hbm>>
      tpu.enqueue_indirect_dma source(%dma_start3A_40 : memref<100352x128xf32, #tpu.memory_space<hbm>>) target(%arg8 : memref<64x128xf32, #tpu.memory_space<vmem>>) offsets(%dma_start3A_37 : memref<64xi32, #tpu.memory_space<vmem>>) semaphore(%arg13 : memref<!tpu.dma_semaphore, #tpu.memory_space<semaphore_mem>>)
      %dma_wait3A = arith.constant 0 : i32
      %dma_wait3A_41 = arith.constant 0 : i32
      %dma_wait3A_42 = tpu.memref_slice %arg6[%dma_wait3A, %dma_wait3A_41] : memref<1x64xi32, #tpu.memory_space<vmem>> -> memref<1x64xi32, #tpu.memory_space<vmem>>
      %dma_wait3A_43 = tpu.memref_squeeze %dma_wait3A_42 : memref<1x64xi32, #tpu.memory_space<vmem>> -> memref<64xi32, #tpu.memory_space<vmem>>
      %dma_wait3A_44 = arith.constant 0 : i32
      %dma_wait3A_45 = arith.constant 0 : i32
      %dma_wait3A_46 = tpu.memref_slice %arg4[%dma_wait3A_44, %dma_wait3A_45] : memref<100352x128xf32, #tpu.memory_space<hbm>> -> memref<100352x128xf32, #tpu.memory_space<hbm>>
      tpu.wait_indirect_dma semaphore(%arg13 : memref<!tpu.dma_semaphore, #tpu.memory_space<semaphore_mem>>) src(%dma_wait3A_46 : memref<100352x128xf32, #tpu.memory_space<hbm>>) dst(%arg8 : memref<64x128xf32, #tpu.memory_space<vmem>>)
      %eq3A = arith.constant 0 : i32
      %eq3A_47 = arith.cmpi eq, %arg0, %eq3A : i32
      %convert_element_type3A = arith.extui %eq3A_47 : i1 to i32
      %cond3A = arith.constant 0 : i32
      %cond3A_48 = arith.cmpi ne, %convert_element_type3A, %cond3A : i32
      scf.if %cond3A_48 {
        %get3A = arith.constant 0 : i32
        %get3A_183 = arith.index_cast %get3A : i32 to index
        %get3A_184 = arith.constant 0 : index
        %get3A_185 = tpu.vector_load %arg8[%get3A_183, %get3A_184] {strides = array<i32>} : memref<64x128xf32, #tpu.memory_space<vmem>>, vector<1x16xf32>,
        %get3A_186 = vector.shape_cast %get3A_185 : vector<1x16xf32> to vector<16xf32>
        %swap3A = arith.constant 0 : index
        %swap3A_187 = tpu.vector_load %arg9[%swap3A] {strides = array<i32>} : memref<1024xf32, #tpu.memory_space<vmem>>, vector<16xf32>,
        %swap3A_188 = vector.shape_cast %swap3A_187 : vector<16xf32> to vector<16xf32>
        %swap3A_189 = vector.shape_cast %get3A_186 : vector<16xf32> to vector<16xf32>
        tpu.vector_store %arg9[%swap3A], %swap3A_189 {strides = array<i32>} : memref<1024xf32, #tpu.memory_space<vmem>>, vector<16xf32>,
        %get3A_190 = arith.constant 1 : i32
        %get3A_191 = arith.index_cast %get3A_190 : i32 to index
        %get3A_192 = arith.constant 0 : index
        %get3A_193 = tpu.vector_load %arg8[%get3A_191, %get3A_192] {strides = array<i32>} : memref<64x128xf32, #tpu.memory_space<vmem>>, vector<1x16xf32>,
        %get3A_194 = vector.shape_cast %get3A_193 : vector<1x16xf32> to vector<16xf32>
        %swap3A_195 = arith.constant 16 : index
        %swap3A_196 = tpu.vector_load %arg9[%swap3A_195] {strides = array<i32>} : memref<1024xf32, #tpu.memory_space<vmem>>, vector<16xf32>,
        %swap3A_197 = vector.shape_cast %swap3A_196 : vector<16xf32> to vector<16xf32>
        %swap3A_198 = vector.shape_cast %get3A_194 : vector<16xf32> to vector<16xf32>
        tpu.vector_store %arg9[%swap3A_195], %swap3A_198 {strides = array<i32>} : memref<1024xf32, #tpu.memory_space<vmem>>, vector<16xf32>,
        %get3A_199 = arith.constant 2 : i32
        %get3A_200 = arith.index_cast %get3A_199 : i32 to index
        %get3A_201 = arith.constant 0 : index
        %get3A_202 = tpu.vector_load %arg8[%get3A_200, %get3A_201] {strides = array<i32>} : memref<64x128xf32, #tpu.memory_space<vmem>>, vector<1x16xf32>,
        %get3A_203 = vector.shape_cast %get3A_202 : vector<1x16xf32> to vector<16xf32>
        %swap3A_204 = arith.constant 32 : index
        %swap3A_205 = tpu.vector_load %arg9[%swap3A_204] {strides = array<i32>} : memref<1024xf32, #tpu.memory_space<vmem>>, vector<16xf32>,
        %swap3A_206 = vector.shape_cast %swap3A_205 : vector<16xf32> to vector<16xf32>
        %swap3A_207 = vector.shape_cast %get3A_203 : vector<16xf32> to vector<16xf32>
        tpu.vector_store %arg9[%swap3A_204], %swap3A_207 {strides = array<i32>} : memref<1024xf32, #tpu.memory_space<vmem>>, vector<16xf32>,
        %get3A_208 = arith.constant 3 : i32
        %get3A_209 = arith.index_cast %get3A_208 : i32 to index
        %get3A_210 = arith.constant 0 : index
        %get3A_211 = tpu.vector_load %arg8[%get3A_209, %get3A_210] {strides = array<i32>} : memref<64x128xf32, #tpu.memory_space<vmem>>, vector<1x16xf32>,
        %get3A_212 = vector.shape_cast %get3A_211 : vector<1x16xf32> to vector<16xf32>
        %swap3A_213 = arith.constant 48 : index
        %swap3A_214 = tpu.vector_load %arg9[%swap3A_213] {strides = array<i32>} : memref<1024xf32, #tpu.memory_space<vmem>>, vector<16xf32>,
        %swap3A_215 = vector.shape_cast %swap3A_214 : vector<16xf32> to vector<16xf32>
        %swap3A_216 = vector.shape_cast %get3A_212 : vector<16xf32> to vector<16xf32>
        tpu.vector_store %arg9[%swap3A_213], %swap3A_216 {strides = array<i32>} : memref<1024xf32, #tpu.memory_space<vmem>>, vector<16xf32>,
        %get3A_217 = arith.constant 4 : i32
        %get3A_218 = arith.index_cast %get3A_217 : i32 to index
        %get3A_219 = arith.constant 0 : index
        %get3A_220 = tpu.vector_load %arg8[%get3A_218, %get3A_219] {strides = array<i32>} : memref<64x128xf32, #tpu.memory_space<vmem>>, vector<1x16xf32>,
        %get3A_221 = vector.shape_cast %get3A_220 : vector<1x16xf32> to vector<16xf32>
        %swap3A_222 = arith.constant 64 : index
        %swap3A_223 = tpu.vector_load %arg9[%swap3A_222] {strides = array<i32>} : memref<1024xf32, #tpu.memory_space<vmem>>, vector<16xf32>,
        %swap3A_224 = vector.shape_cast %swap3A_223 : vector<16xf32> to vector<16xf32>
        %swap3A_225 = vector.shape_cast %get3A_221 : vector<16xf32> to vector<16xf32>
        tpu.vector_store %arg9[%swap3A_222], %swap3A_225 {strides = array<i32>} : memref<1024xf32, #tpu.memory_space<vmem>>, vector<16xf32>,
        %get3A_226 = arith.constant 5 : i32
        %get3A_227 = arith.index_cast %get3A_226 : i32 to index
        %get3A_228 = arith.constant 0 : index
        %get3A_229 = tpu.vector_load %arg8[%get3A_227, %get3A_228] {strides = array<i32>} : memref<64x128xf32, #tpu.memory_space<vmem>>, vector<1x16xf32>,
        %get3A_230 = vector.shape_cast %get3A_229 : vector<1x16xf32> to vector<16xf32>
        %swap3A_231 = arith.constant 80 : index
        %swap3A_232 = tpu.vector_load %arg9[%swap3A_231] {strides = array<i32>} : memref<1024xf32, #tpu.memory_space<vmem>>, vector<16xf32>,
        %swap3A_233 = vector.shape_cast %swap3A_232 : vector<16xf32> to vector<16xf32>
        %swap3A_234 = vector.shape_cast %get3A_230 : vector<16xf32> to vector<16xf32>
        tpu.vector_store %arg9[%swap3A_231], %swap3A_234 {strides = array<i32>} : memref<1024xf32, #tpu.memory_space<vmem>>, vector<16xf32>,
        %get3A_235 = arith.constant 6 : i32
        %get3A_236 = arith.index_cast %get3A_235 : i32 to index
        %get3A_237 = arith.constant 0 : index
        %get3A_238 = tpu.vector_load %arg8[%get3A_236, %get3A_237] {strides = array<i32>} : memref<64x128xf32, #tpu.memory_space<vmem>>, vector<1x16xf32>,
        %get3A_239 = vector.shape_cast %get3A_238 : vector<1x16xf32> to vector<16xf32>
        %swap3A_240 = arith.constant 96 : index
        %swap3A_241 = tpu.vector_load %arg9[%swap3A_240] {strides = array<i32>} : memref<1024xf32, #tpu.memory_space<vmem>>, vector<16xf32>,
        %swap3A_242 = vector.shape_cast %swap3A_241 : vector<16xf32> to vector<16xf32>
        %swap3A_243 = vector.shape_cast %get3A_239 : vector<16xf32> to vector<16xf32>
        tpu.vector_store %arg9[%swap3A_240], %swap3A_243 {strides = array<i32>} : memref<1024xf32, #tpu.memory_space<vmem>>, vector<16xf32>,
        %get3A_244 = arith.constant 7 : i32
        %get3A_245 = arith.index_cast %get3A_244 : i32 to index
        %get3A_246 = arith.constant 0 : index
        %get3A_247 = tpu.vector_load %arg8[%get3A_245, %get3A_246] {strides = array<i32>} : memref<64x128xf32, #tpu.memory_space<vmem>>, vector<1x16xf32>,
        %get3A_248 = vector.shape_cast %get3A_247 : vector<1x16xf32> to vector<16xf32>
        %swap3A_249 = arith.constant 112 : index
        %swap3A_250 = tpu.vector_load %arg9[%swap3A_249] {strides = array<i32>} : memref<1024xf32, #tpu.memory_space<vmem>>, vector<16xf32>,
        %swap3A_251 = vector.shape_cast %swap3A_250 : vector<16xf32> to vector<16xf32>
        %swap3A_252 = vector.shape_cast %get3A_248 : vector<16xf32> to vector<16xf32>
        tpu.vector_store %arg9[%swap3A_249], %swap3A_252 {strides = array<i32>} : memref<1024xf32, #tpu.memory_space<vmem>>, vector<16xf32>,
        %get3A_253 = arith.constant 8 : i32
        %get3A_254 = arith.index_cast %get3A_253 : i32 to index
        %get3A_255 = arith.constant 0 : index
        %get3A_256 = tpu.vector_load %arg8[%get3A_254, %get3A_255] {strides = array<i32>} : memref<64x128xf32, #tpu.memory_space<vmem>>, vector<1x16xf32>,
        %get3A_257 = vector.shape_cast %get3A_256 : vector<1x16xf32> to vector<16xf32>
        %swap3A_258 = arith.constant 128 : index
        %swap3A_259 = tpu.vector_load %arg9[%swap3A_258] {strides = array<i32>} : memref<1024xf32, #tpu.memory_space<vmem>>, vector<16xf32>,
        %swap3A_260 = vector.shape_cast %swap3A_259 : vector<16xf32> to vector<16xf32>
        %swap3A_261 = vector.shape_cast %get3A_257 : vector<16xf32> to vector<16xf32>
        tpu.vector_store %arg9[%swap3A_258], %swap3A_261 {strides = array<i32>} : memref<1024xf32, #tpu.memory_space<vmem>>, vector<16xf32>,
        %get3A_262 = arith.constant 9 : i32
        %get3A_263 = arith.index_cast %get3A_262 : i32 to index
        %get3A_264 = arith.constant 0 : index
        %get3A_265 = tpu.vector_load %arg8[%get3A_263, %get3A_264] {strides = array<i32>} : memref<64x128xf32, #tpu.memory_space<vmem>>, vector<1x16xf32>,
        %get3A_266 = vector.shape_cast %get3A_265 : vector<1x16xf32> to vector<16xf32>
        %swap3A_267 = arith.constant 144 : index
        %swap3A_268 = tpu.vector_load %arg9[%swap3A_267] {strides = array<i32>} : memref<1024xf32, #tpu.memory_space<vmem>>, vector<16xf32>,
        %swap3A_269 = vector.shape_cast %swap3A_268 : vector<16xf32> to vector<16xf32>
        %swap3A_270 = vector.shape_cast %get3A_266 : vector<16xf32> to vector<16xf32>
        tpu.vector_store %arg9[%swap3A_267], %swap3A_270 {strides = array<i32>} : memref<1024xf32, #tpu.memory_space<vmem>>, vector<16xf32>,
        %get3A_271 = arith.constant 10 : i32
        %get3A_272 = arith.index_cast %get3A_271 : i32 to index
        %get3A_273 = arith.constant 0 : index
        %get3A_274 = tpu.vector_load %arg8[%get3A_272, %get3A_273] {strides = array<i32>} : memref<64x128xf32, #tpu.memory_space<vmem>>, vector<1x16xf32>,
        %get3A_275 = vector.shape_cast %get3A_274 : vector<1x16xf32> to vector<16xf32>
        %swap3A_276 = arith.constant 160 : index
        %swap3A_277 = tpu.vector_load %arg9[%swap3A_276] {strides = array<i32>} : memref<1024xf32, #tpu.memory_space<vmem>>, vector<16xf32>,
        %swap3A_278 = vector.shape_cast %swap3A_277 : vector<16xf32> to vector<16xf32>
        %swap3A_279 = vector.shape_cast %get3A_275 : vector<16xf32> to vector<16xf32>
        tpu.vector_store %arg9[%swap3A_276], %swap3A_279 {strides = array<i32>} : memref<1024xf32, #tpu.memory_space<vmem>>, vector<16xf32>,
        %get3A_280 = arith.constant 11 : i32
        %get3A_281 = arith.index_cast %get3A_280 : i32 to index
        %get3A_282 = arith.constant 0 : index
        %get3A_283 = tpu.vector_load %arg8[%get3A_281, %get3A_282] {strides = array<i32>} : memref<64x128xf32, #tpu.memory_space<vmem>>, vector<1x16xf32>,
        %get3A_284 = vector.shape_cast %get3A_283 : vector<1x16xf32> to vector<16xf32>
        %swap3A_285 = arith.constant 176 : index
        %swap3A_286 = tpu.vector_load %arg9[%swap3A_285] {strides = array<i32>} : memref<1024xf32, #tpu.memory_space<vmem>>, vector<16xf32>,
        %swap3A_287 = vector.shape_cast %swap3A_286 : vector<16xf32> to vector<16xf32>
        %swap3A_288 = vector.shape_cast %get3A_284 : vector<16xf32> to vector<16xf32>
        tpu.vector_store %arg9[%swap3A_285], %swap3A_288 {strides = array<i32>} : memref<1024xf32, #tpu.memory_space<vmem>>, vector<16xf32>,
        %get3A_289 = arith.constant 12 : i32
        %get3A_290 = arith.index_cast %get3A_289 : i32 to index
        %get3A_291 = arith.constant 0 : index
        %get3A_292 = tpu.vector_load %arg8[%get3A_290, %get3A_291] {strides = array<i32>} : memref<64x128xf32, #tpu.memory_space<vmem>>, vector<1x16xf32>,
        %get3A_293 = vector.shape_cast %get3A_292 : vector<1x16xf32> to vector<16xf32>
        %swap3A_294 = arith.constant 192 : index
        %swap3A_295 = tpu.vector_load %arg9[%swap3A_294] {strides = array<i32>} : memref<1024xf32, #tpu.memory_space<vmem>>, vector<16xf32>,
        %swap3A_296 = vector.shape_cast %swap3A_295 : vector<16xf32> to vector<16xf32>
        %swap3A_297 = vector.shape_cast %get3A_293 : vector<16xf32> to vector<16xf32>
        tpu.vector_store %arg9[%swap3A_294], %swap3A_297 {strides = array<i32>} : memref<1024xf32, #tpu.memory_space<vmem>>, vector<16xf32>,
        %get3A_298 = arith.constant 13 : i32
        %get3A_299 = arith.index_cast %get3A_298 : i32 to index
        %get3A_300 = arith.constant 0 : index
        %get3A_301 = tpu.vector_load %arg8[%get3A_299, %get3A_300] {strides = array<i32>} : memref<64x128xf32, #tpu.memory_space<vmem>>, vector<1x16xf32>,
        %get3A_302 = vector.shape_cast %get3A_301 : vector<1x16xf32> to vector<16xf32>
        %swap3A_303 = arith.constant 208 : index
        %swap3A_304 = tpu.vector_load %arg9[%swap3A_303] {strides = array<i32>} : memref<1024xf32, #tpu.memory_space<vmem>>, vector<16xf32>,
        %swap3A_305 = vector.shape_cast %swap3A_304 : vector<16xf32> to vector<16xf32>
        %swap3A_306 = vector.shape_cast %get3A_302 : vector<16xf32> to vector<16xf32>
        tpu.vector_store %arg9[%swap3A_303], %swap3A_306 {strides = array<i32>} : memref<1024xf32, #tpu.memory_space<vmem>>, vector<16xf32>,
        %get3A_307 = arith.constant 14 : i32
        %get3A_308 = arith.index_cast %get3A_307 : i32 to index
        %get3A_309 = arith.constant 0 : index
        %get3A_310 = tpu.vector_load %arg8[%get3A_308, %get3A_309] {strides = array<i32>} : memref<64x128xf32, #tpu.memory_space<vmem>>, vector<1x16xf32>,
        %get3A_311 = vector.shape_cast %get3A_310 : vector<1x16xf32> to vector<16xf32>
        %swap3A_312 = arith.constant 224 : index
        %swap3A_313 = tpu.vector_load %arg9[%swap3A_312] {strides = array<i32>} : memref<1024xf32, #tpu.memory_space<vmem>>, vector<16xf32>,
        %swap3A_314 = vector.shape_cast %swap3A_313 : vector<16xf32> to vector<16xf32>
        %swap3A_315 = vector.shape_cast %get3A_311 : vector<16xf32> to vector<16xf32>
        tpu.vector_store %arg9[%swap3A_312], %swap3A_315 {strides = array<i32>} : memref<1024xf32, #tpu.memory_space<vmem>>, vector<16xf32>,
        %get3A_316 = arith.constant 15 : i32
        %get3A_317 = arith.index_cast %get3A_316 : i32 to index
        %get3A_318 = arith.constant 0 : index
        %get3A_319 = tpu.vector_load %arg8[%get3A_317, %get3A_318] {strides = array<i32>} : memref<64x128xf32, #tpu.memory_space<vmem>>, vector<1x16xf32>,
        %get3A_320 = vector.shape_cast %get3A_319 : vector<1x16xf32> to vector<16xf32>
        %swap3A_321 = arith.constant 240 : index
        %swap3A_322 = tpu.vector_load %arg9[%swap3A_321] {strides = array<i32>} : memref<1024xf32, #tpu.memory_space<vmem>>, vector<16xf32>,
        %swap3A_323 = vector.shape_cast %swap3A_322 : vector<16xf32> to vector<16xf32>
        %swap3A_324 = vector.shape_cast %get3A_320 : vector<16xf32> to vector<16xf32>
        tpu.vector_store %arg9[%swap3A_321], %swap3A_324 {strides = array<i32>} : memref<1024xf32, #tpu.memory_space<vmem>>, vector<16xf32>,
        %get3A_325 = arith.constant 16 : i32
        %get3A_326 = arith.index_cast %get3A_325 : i32 to index
        %get3A_327 = arith.constant 0 : index
        %get3A_328 = tpu.vector_load %arg8[%get3A_326, %get3A_327] {strides = array<i32>} : memref<64x128xf32, #tpu.memory_space<vmem>>, vector<1x16xf32>,
        %get3A_329 = vector.shape_cast %get3A_328 : vector<1x16xf32> to vector<16xf32>
        %swap3A_330 = arith.constant 256 : index
        %swap3A_331 = tpu.vector_load %arg9[%swap3A_330] {strides = array<i32>} : memref<1024xf32, #tpu.memory_space<vmem>>, vector<16xf32>,
        %swap3A_332 = vector.shape_cast %swap3A_331 : vector<16xf32> to vector<16xf32>
        %swap3A_333 = vector.shape_cast %get3A_329 : vector<16xf32> to vector<16xf32>
        tpu.vector_store %arg9[%swap3A_330], %swap3A_333 {strides = array<i32>} : memref<1024xf32, #tpu.memory_space<vmem>>, vector<16xf32>,
        %get3A_334 = arith.constant 17 : i32
        %get3A_335 = arith.index_cast %get3A_334 : i32 to index
        %get3A_336 = arith.constant 0 : index
        %get3A_337 = tpu.vector_load %arg8[%get3A_335, %get3A_336] {strides = array<i32>} : memref<64x128xf32, #tpu.memory_space<vmem>>, vector<1x16xf32>,
        %get3A_338 = vector.shape_cast %get3A_337 : vector<1x16xf32> to vector<16xf32>
        %swap3A_339 = arith.constant 272 : index
        %swap3A_340 = tpu.vector_load %arg9[%swap3A_339] {strides = array<i32>} : memref<1024xf32, #tpu.memory_space<vmem>>, vector<16xf32>,
        %swap3A_341 = vector.shape_cast %swap3A_340 : vector<16xf32> to vector<16xf32>
        %swap3A_342 = vector.shape_cast %get3A_338 : vector<16xf32> to vector<16xf32>
        tpu.vector_store %arg9[%swap3A_339], %swap3A_342 {strides = array<i32>} : memref<1024xf32, #tpu.memory_space<vmem>>, vector<16xf32>,
        %get3A_343 = arith.constant 18 : i32
        %get3A_344 = arith.index_cast %get3A_343 : i32 to index
        %get3A_345 = arith.constant 0 : index
        %get3A_346 = tpu.vector_load %arg8[%get3A_344, %get3A_345] {strides = array<i32>} : memref<64x128xf32, #tpu.memory_space<vmem>>, vector<1x16xf32>,
        %get3A_347 = vector.shape_cast %get3A_346 : vector<1x16xf32> to vector<16xf32>
        %swap3A_348 = arith.constant 288 : index
        %swap3A_349 = tpu.vector_load %arg9[%swap3A_348] {strides = array<i32>} : memref<1024xf32, #tpu.memory_space<vmem>>, vector<16xf32>,
        %swap3A_350 = vector.shape_cast %swap3A_349 : vector<16xf32> to vector<16xf32>
        %swap3A_351 = vector.shape_cast %get3A_347 : vector<16xf32> to vector<16xf32>
        tpu.vector_store %arg9[%swap3A_348], %swap3A_351 {strides = array<i32>} : memref<1024xf32, #tpu.memory_space<vmem>>, vector<16xf32>,
        %get3A_352 = arith.constant 19 : i32
        %get3A_353 = arith.index_cast %get3A_352 : i32 to index
        %get3A_354 = arith.constant 0 : index
        %get3A_355 = tpu.vector_load %arg8[%get3A_353, %get3A_354] {strides = array<i32>} : memref<64x128xf32, #tpu.memory_space<vmem>>, vector<1x16xf32>,
        %get3A_356 = vector.shape_cast %get3A_355 : vector<1x16xf32> to vector<16xf32>
        %swap3A_357 = arith.constant 304 : index
        %swap3A_358 = tpu.vector_load %arg9[%swap3A_357] {strides = array<i32>} : memref<1024xf32, #tpu.memory_space<vmem>>, vector<16xf32>,
        %swap3A_359 = vector.shape_cast %swap3A_358 : vector<16xf32> to vector<16xf32>
        %swap3A_360 = vector.shape_cast %get3A_356 : vector<16xf32> to vector<16xf32>
        tpu.vector_store %arg9[%swap3A_357], %swap3A_360 {strides = array<i32>} : memref<1024xf32, #tpu.memory_space<vmem>>, vector<16xf32>,
        %get3A_361 = arith.constant 20 : i32
        %get3A_362 = arith.index_cast %get3A_361 : i32 to index
        %get3A_363 = arith.constant 0 : index
        %get3A_364 = tpu.vector_load %arg8[%get3A_362, %get3A_363] {strides = array<i32>} : memref<64x128xf32, #tpu.memory_space<vmem>>, vector<1x16xf32>,
        %get3A_365 = vector.shape_cast %get3A_364 : vector<1x16xf32> to vector<16xf32>
        %swap3A_366 = arith.constant 320 : index
        %swap3A_367 = tpu.vector_load %arg9[%swap3A_366] {strides = array<i32>} : memref<1024xf32, #tpu.memory_space<vmem>>, vector<16xf32>,
        %swap3A_368 = vector.shape_cast %swap3A_367 : vector<16xf32> to vector<16xf32>
        %swap3A_369 = vector.shape_cast %get3A_365 : vector<16xf32> to vector<16xf32>
        tpu.vector_store %arg9[%swap3A_366], %swap3A_369 {strides = array<i32>} : memref<1024xf32, #tpu.memory_space<vmem>>, vector<16xf32>,
        %get3A_370 = arith.constant 21 : i32
        %get3A_371 = arith.index_cast %get3A_370 : i32 to index
        %get3A_372 = arith.constant 0 : index
        %get3A_373 = tpu.vector_load %arg8[%get3A_371, %get3A_372] {strides = array<i32>} : memref<64x128xf32, #tpu.memory_space<vmem>>, vector<1x16xf32>,
        %get3A_374 = vector.shape_cast %get3A_373 : vector<1x16xf32> to vector<16xf32>
        %swap3A_375 = arith.constant 336 : index
        %swap3A_376 = tpu.vector_load %arg9[%swap3A_375] {strides = array<i32>} : memref<1024xf32, #tpu.memory_space<vmem>>, vector<16xf32>,
        %swap3A_377 = vector.shape_cast %swap3A_376 : vector<16xf32> to vector<16xf32>
        %swap3A_378 = vector.shape_cast %get3A_374 : vector<16xf32> to vector<16xf32>
        tpu.vector_store %arg9[%swap3A_375], %swap3A_378 {strides = array<i32>} : memref<1024xf32, #tpu.memory_space<vmem>>, vector<16xf32>,
        %get3A_379 = arith.constant 22 : i32
        %get3A_380 = arith.index_cast %get3A_379 : i32 to index
        %get3A_381 = arith.constant 0 : index
        %get3A_382 = tpu.vector_load %arg8[%get3A_380, %get3A_381] {strides = array<i32>} : memref<64x128xf32, #tpu.memory_space<vmem>>, vector<1x16xf32>,
        %get3A_383 = vector.shape_cast %get3A_382 : vector<1x16xf32> to vector<16xf32>
        %swap3A_384 = arith.constant 352 : index
        %swap3A_385 = tpu.vector_load %arg9[%swap3A_384] {strides = array<i32>} : memref<1024xf32, #tpu.memory_space<vmem>>, vector<16xf32>,
        %swap3A_386 = vector.shape_cast %swap3A_385 : vector<16xf32> to vector<16xf32>
        %swap3A_387 = vector.shape_cast %get3A_383 : vector<16xf32> to vector<16xf32>
        tpu.vector_store %arg9[%swap3A_384], %swap3A_387 {strides = array<i32>} : memref<1024xf32, #tpu.memory_space<vmem>>, vector<16xf32>,
        %get3A_388 = arith.constant 23 : i32
        %get3A_389 = arith.index_cast %get3A_388 : i32 to index
        %get3A_390 = arith.constant 0 : index
        %get3A_391 = tpu.vector_load %arg8[%get3A_389, %get3A_390] {strides = array<i32>} : memref<64x128xf32, #tpu.memory_space<vmem>>, vector<1x16xf32>,
        %get3A_392 = vector.shape_cast %get3A_391 : vector<1x16xf32> to vector<16xf32>
        %swap3A_393 = arith.constant 368 : index
        %swap3A_394 = tpu.vector_load %arg9[%swap3A_393] {strides = array<i32>} : memref<1024xf32, #tpu.memory_space<vmem>>, vector<16xf32>,
        %swap3A_395 = vector.shape_cast %swap3A_394 : vector<16xf32> to vector<16xf32>
        %swap3A_396 = vector.shape_cast %get3A_392 : vector<16xf32> to vector<16xf32>
        tpu.vector_store %arg9[%swap3A_393], %swap3A_396 {strides = array<i32>} : memref<1024xf32, #tpu.memory_space<vmem>>, vector<16xf32>,
        %get3A_397 = arith.constant 24 : i32
        %get3A_398 = arith.index_cast %get3A_397 : i32 to index
        %get3A_399 = arith.constant 0 : index
        %get3A_400 = tpu.vector_load %arg8[%get3A_398, %get3A_399] {strides = array<i32>} : memref<64x128xf32, #tpu.memory_space<vmem>>, vector<1x16xf32>,
        %get3A_401 = vector.shape_cast %get3A_400 : vector<1x16xf32> to vector<16xf32>
        %swap3A_402 = arith.constant 384 : index
        %swap3A_403 = tpu.vector_load %arg9[%swap3A_402] {strides = array<i32>} : memref<1024xf32, #tpu.memory_space<vmem>>, vector<16xf32>,
        %swap3A_404 = vector.shape_cast %swap3A_403 : vector<16xf32> to vector<16xf32>
        %swap3A_405 = vector.shape_cast %get3A_401 : vector<16xf32> to vector<16xf32>
        tpu.vector_store %arg9[%swap3A_402], %swap3A_405 {strides = array<i32>} : memref<1024xf32, #tpu.memory_space<vmem>>, vector<16xf32>,
        %get3A_406 = arith.constant 25 : i32
        %get3A_407 = arith.index_cast %get3A_406 : i32 to index
        %get3A_408 = arith.constant 0 : index
        %get3A_409 = tpu.vector_load %arg8[%get3A_407, %get3A_408] {strides = array<i32>} : memref<64x128xf32, #tpu.memory_space<vmem>>, vector<1x16xf32>,
        %get3A_410 = vector.shape_cast %get3A_409 : vector<1x16xf32> to vector<16xf32>
        %swap3A_411 = arith.constant 400 : index
        %swap3A_412 = tpu.vector_load %arg9[%swap3A_411] {strides = array<i32>} : memref<1024xf32, #tpu.memory_space<vmem>>, vector<16xf32>,
        %swap3A_413 = vector.shape_cast %swap3A_412 : vector<16xf32> to vector<16xf32>
        %swap3A_414 = vector.shape_cast %get3A_410 : vector<16xf32> to vector<16xf32>
        tpu.vector_store %arg9[%swap3A_411], %swap3A_414 {strides = array<i32>} : memref<1024xf32, #tpu.memory_space<vmem>>, vector<16xf32>,
        %get3A_415 = arith.constant 26 : i32
        %get3A_416 = arith.index_cast %get3A_415 : i32 to index
        %get3A_417 = arith.constant 0 : index
        %get3A_418 = tpu.vector_load %arg8[%get3A_416, %get3A_417] {strides = array<i32>} : memref<64x128xf32, #tpu.memory_space<vmem>>, vector<1x16xf32>,
        %get3A_419 = vector.shape_cast %get3A_418 : vector<1x16xf32> to vector<16xf32>
        %swap3A_420 = arith.constant 416 : index
        %swap3A_421 = tpu.vector_load %arg9[%swap3A_420] {strides = array<i32>} : memref<1024xf32, #tpu.memory_space<vmem>>, vector<16xf32>,
        %swap3A_422 = vector.shape_cast %swap3A_421 : vector<16xf32> to vector<16xf32>
        %swap3A_423 = vector.shape_cast %get3A_419 : vector<16xf32> to vector<16xf32>
        tpu.vector_store %arg9[%swap3A_420], %swap3A_423 {strides = array<i32>} : memref<1024xf32, #tpu.memory_space<vmem>>, vector<16xf32>,
        %get3A_424 = arith.constant 27 : i32
        %get3A_425 = arith.index_cast %get3A_424 : i32 to index
        %get3A_426 = arith.constant 0 : index
        %get3A_427 = tpu.vector_load %arg8[%get3A_425, %get3A_426] {strides = array<i32>} : memref<64x128xf32, #tpu.memory_space<vmem>>, vector<1x16xf32>,
        %get3A_428 = vector.shape_cast %get3A_427 : vector<1x16xf32> to vector<16xf32>
        %swap3A_429 = arith.constant 432 : index
        %swap3A_430 = tpu.vector_load %arg9[%swap3A_429] {strides = array<i32>} : memref<1024xf32, #tpu.memory_space<vmem>>, vector<16xf32>,
        %swap3A_431 = vector.shape_cast %swap3A_430 : vector<16xf32> to vector<16xf32>
        %swap3A_432 = vector.shape_cast %get3A_428 : vector<16xf32> to vector<16xf32>
        tpu.vector_store %arg9[%swap3A_429], %swap3A_432 {strides = array<i32>} : memref<1024xf32, #tpu.memory_space<vmem>>, vector<16xf32>,
        %get3A_433 = arith.constant 28 : i32
        %get3A_434 = arith.index_cast %get3A_433 : i32 to index
        %get3A_435 = arith.constant 0 : index
        %get3A_436 = tpu.vector_load %arg8[%get3A_434, %get3A_435] {strides = array<i32>} : memref<64x128xf32, #tpu.memory_space<vmem>>, vector<1x16xf32>,
        %get3A_437 = vector.shape_cast %get3A_436 : vector<1x16xf32> to vector<16xf32>
        %swap3A_438 = arith.constant 448 : index
        %swap3A_439 = tpu.vector_load %arg9[%swap3A_438] {strides = array<i32>} : memref<1024xf32, #tpu.memory_space<vmem>>, vector<16xf32>,
        %swap3A_440 = vector.shape_cast %swap3A_439 : vector<16xf32> to vector<16xf32>
        %swap3A_441 = vector.shape_cast %get3A_437 : vector<16xf32> to vector<16xf32>
        tpu.vector_store %arg9[%swap3A_438], %swap3A_441 {strides = array<i32>} : memref<1024xf32, #tpu.memory_space<vmem>>, vector<16xf32>,
        %get3A_442 = arith.constant 29 : i32
        %get3A_443 = arith.index_cast %get3A_442 : i32 to index
        %get3A_444 = arith.constant 0 : index
        %get3A_445 = tpu.vector_load %arg8[%get3A_443, %get3A_444] {strides = array<i32>} : memref<64x128xf32, #tpu.memory_space<vmem>>, vector<1x16xf32>,
        %get3A_446 = vector.shape_cast %get3A_445 : vector<1x16xf32> to vector<16xf32>
        %swap3A_447 = arith.constant 464 : index
        %swap3A_448 = tpu.vector_load %arg9[%swap3A_447] {strides = array<i32>} : memref<1024xf32, #tpu.memory_space<vmem>>, vector<16xf32>,
        %swap3A_449 = vector.shape_cast %swap3A_448 : vector<16xf32> to vector<16xf32>
        %swap3A_450 = vector.shape_cast %get3A_446 : vector<16xf32> to vector<16xf32>
        tpu.vector_store %arg9[%swap3A_447], %swap3A_450 {strides = array<i32>} : memref<1024xf32, #tpu.memory_space<vmem>>, vector<16xf32>,
        %get3A_451 = arith.constant 30 : i32
        %get3A_452 = arith.index_cast %get3A_451 : i32 to index
        %get3A_453 = arith.constant 0 : index
        %get3A_454 = tpu.vector_load %arg8[%get3A_452, %get3A_453] {strides = array<i32>} : memref<64x128xf32, #tpu.memory_space<vmem>>, vector<1x16xf32>,
        %get3A_455 = vector.shape_cast %get3A_454 : vector<1x16xf32> to vector<16xf32>
        %swap3A_456 = arith.constant 480 : index
        %swap3A_457 = tpu.vector_load %arg9[%swap3A_456] {strides = array<i32>} : memref<1024xf32, #tpu.memory_space<vmem>>, vector<16xf32>,
        %swap3A_458 = vector.shape_cast %swap3A_457 : vector<16xf32> to vector<16xf32>
        %swap3A_459 = vector.shape_cast %get3A_455 : vector<16xf32> to vector<16xf32>
        tpu.vector_store %arg9[%swap3A_456], %swap3A_459 {strides = array<i32>} : memref<1024xf32, #tpu.memory_space<vmem>>, vector<16xf32>,
        %get3A_460 = arith.constant 31 : i32
        %get3A_461 = arith.index_cast %get3A_460 : i32 to index
        %get3A_462 = arith.constant 0 : index
        %get3A_463 = tpu.vector_load %arg8[%get3A_461, %get3A_462] {strides = array<i32>} : memref<64x128xf32, #tpu.memory_space<vmem>>, vector<1x16xf32>,
        %get3A_464 = vector.shape_cast %get3A_463 : vector<1x16xf32> to vector<16xf32>
        %swap3A_465 = arith.constant 496 : index
        %swap3A_466 = tpu.vector_load %arg9[%swap3A_465] {strides = array<i32>} : memref<1024xf32, #tpu.memory_space<vmem>>, vector<16xf32>,
        %swap3A_467 = vector.shape_cast %swap3A_466 : vector<16xf32> to vector<16xf32>
        %swap3A_468 = vector.shape_cast %get3A_464 : vector<16xf32> to vector<16xf32>
        tpu.vector_store %arg9[%swap3A_465], %swap3A_468 {strides = array<i32>} : memref<1024xf32, #tpu.memory_space<vmem>>, vector<16xf32>,
        %get3A_469 = arith.constant 32 : i32
        %get3A_470 = arith.index_cast %get3A_469 : i32 to index
        %get3A_471 = arith.constant 0 : index
        %get3A_472 = tpu.vector_load %arg8[%get3A_470, %get3A_471] {strides = array<i32>} : memref<64x128xf32, #tpu.memory_space<vmem>>, vector<1x16xf32>,
        %get3A_473 = vector.shape_cast %get3A_472 : vector<1x16xf32> to vector<16xf32>
        %swap3A_474 = arith.constant 512 : index
        %swap3A_475 = tpu.vector_load %arg9[%swap3A_474] {strides = array<i32>} : memref<1024xf32, #tpu.memory_space<vmem>>, vector<16xf32>,
        %swap3A_476 = vector.shape_cast %swap3A_475 : vector<16xf32> to vector<16xf32>
        %swap3A_477 = vector.shape_cast %get3A_473 : vector<16xf32> to vector<16xf32>
        tpu.vector_store %arg9[%swap3A_474], %swap3A_477 {strides = array<i32>} : memref<1024xf32, #tpu.memory_space<vmem>>, vector<16xf32>,
        %get3A_478 = arith.constant 33 : i32
        %get3A_479 = arith.index_cast %get3A_478 : i32 to index
        %get3A_480 = arith.constant 0 : index
        %get3A_481 = tpu.vector_load %arg8[%get3A_479, %get3A_480] {strides = array<i32>} : memref<64x128xf32, #tpu.memory_space<vmem>>, vector<1x16xf32>,
        %get3A_482 = vector.shape_cast %get3A_481 : vector<1x16xf32> to vector<16xf32>
        %swap3A_483 = arith.constant 528 : index
        %swap3A_484 = tpu.vector_load %arg9[%swap3A_483] {strides = array<i32>} : memref<1024xf32, #tpu.memory_space<vmem>>, vector<16xf32>,
        %swap3A_485 = vector.shape_cast %swap3A_484 : vector<16xf32> to vector<16xf32>
        %swap3A_486 = vector.shape_cast %get3A_482 : vector<16xf32> to vector<16xf32>
        tpu.vector_store %arg9[%swap3A_483], %swap3A_486 {strides = array<i32>} : memref<1024xf32, #tpu.memory_space<vmem>>, vector<16xf32>,
        %get3A_487 = arith.constant 34 : i32
        %get3A_488 = arith.index_cast %get3A_487 : i32 to index
        %get3A_489 = arith.constant 0 : index
        %get3A_490 = tpu.vector_load %arg8[%get3A_488, %get3A_489] {strides = array<i32>} : memref<64x128xf32, #tpu.memory_space<vmem>>, vector<1x16xf32>,
        %get3A_491 = vector.shape_cast %get3A_490 : vector<1x16xf32> to vector<16xf32>
        %swap3A_492 = arith.constant 544 : index
        %swap3A_493 = tpu.vector_load %arg9[%swap3A_492] {strides = array<i32>} : memref<1024xf32, #tpu.memory_space<vmem>>, vector<16xf32>,
        %swap3A_494 = vector.shape_cast %swap3A_493 : vector<16xf32> to vector<16xf32>
        %swap3A_495 = vector.shape_cast %get3A_491 : vector<16xf32> to vector<16xf32>
        tpu.vector_store %arg9[%swap3A_492], %swap3A_495 {strides = array<i32>} : memref<1024xf32, #tpu.memory_space<vmem>>, vector<16xf32>,
        %get3A_496 = arith.constant 35 : i32
        %get3A_497 = arith.index_cast %get3A_496 : i32 to index
        %get3A_498 = arith.constant 0 : index
        %get3A_499 = tpu.vector_load %arg8[%get3A_497, %get3A_498] {strides = array<i32>} : memref<64x128xf32, #tpu.memory_space<vmem>>, vector<1x16xf32>,
        %get3A_500 = vector.shape_cast %get3A_499 : vector<1x16xf32> to vector<16xf32>
        %swap3A_501 = arith.constant 560 : index
        %swap3A_502 = tpu.vector_load %arg9[%swap3A_501] {strides = array<i32>} : memref<1024xf32, #tpu.memory_space<vmem>>, vector<16xf32>,
        %swap3A_503 = vector.shape_cast %swap3A_502 : vector<16xf32> to vector<16xf32>
        %swap3A_504 = vector.shape_cast %get3A_500 : vector<16xf32> to vector<16xf32>
        tpu.vector_store %arg9[%swap3A_501], %swap3A_504 {strides = array<i32>} : memref<1024xf32, #tpu.memory_space<vmem>>, vector<16xf32>,
        %get3A_505 = arith.constant 36 : i32
        %get3A_506 = arith.index_cast %get3A_505 : i32 to index
        %get3A_507 = arith.constant 0 : index
        %get3A_508 = tpu.vector_load %arg8[%get3A_506, %get3A_507] {strides = array<i32>} : memref<64x128xf32, #tpu.memory_space<vmem>>, vector<1x16xf32>,
        %get3A_509 = vector.shape_cast %get3A_508 : vector<1x16xf32> to vector<16xf32>
        %swap3A_510 = arith.constant 576 : index
        %swap3A_511 = tpu.vector_load %arg9[%swap3A_510] {strides = array<i32>} : memref<1024xf32, #tpu.memory_space<vmem>>, vector<16xf32>,
        %swap3A_512 = vector.shape_cast %swap3A_511 : vector<16xf32> to vector<16xf32>
        %swap3A_513 = vector.shape_cast %get3A_509 : vector<16xf32> to vector<16xf32>
        tpu.vector_store %arg9[%swap3A_510], %swap3A_513 {strides = array<i32>} : memref<1024xf32, #tpu.memory_space<vmem>>, vector<16xf32>,
        %get3A_514 = arith.constant 37 : i32
        %get3A_515 = arith.index_cast %get3A_514 : i32 to index
        %get3A_516 = arith.constant 0 : index
        %get3A_517 = tpu.vector_load %arg8[%get3A_515, %get3A_516] {strides = array<i32>} : memref<64x128xf32, #tpu.memory_space<vmem>>, vector<1x16xf32>,
        %get3A_518 = vector.shape_cast %get3A_517 : vector<1x16xf32> to vector<16xf32>
        %swap3A_519 = arith.constant 592 : index
        %swap3A_520 = tpu.vector_load %arg9[%swap3A_519] {strides = array<i32>} : memref<1024xf32, #tpu.memory_space<vmem>>, vector<16xf32>,
        %swap3A_521 = vector.shape_cast %swap3A_520 : vector<16xf32> to vector<16xf32>
        %swap3A_522 = vector.shape_cast %get3A_518 : vector<16xf32> to vector<16xf32>
        tpu.vector_store %arg9[%swap3A_519], %swap3A_522 {strides = array<i32>} : memref<1024xf32, #tpu.memory_space<vmem>>, vector<16xf32>,
        %get3A_523 = arith.constant 38 : i32
        %get3A_524 = arith.index_cast %get3A_523 : i32 to index
        %get3A_525 = arith.constant 0 : index
        %get3A_526 = tpu.vector_load %arg8[%get3A_524, %get3A_525] {strides = array<i32>} : memref<64x128xf32, #tpu.memory_space<vmem>>, vector<1x16xf32>,
        %get3A_527 = vector.shape_cast %get3A_526 : vector<1x16xf32> to vector<16xf32>
        %swap3A_528 = arith.constant 608 : index
        %swap3A_529 = tpu.vector_load %arg9[%swap3A_528] {strides = array<i32>} : memref<1024xf32, #tpu.memory_space<vmem>>, vector<16xf32>,
        %swap3A_530 = vector.shape_cast %swap3A_529 : vector<16xf32> to vector<16xf32>
        %swap3A_531 = vector.shape_cast %get3A_527 : vector<16xf32> to vector<16xf32>
        tpu.vector_store %arg9[%swap3A_528], %swap3A_531 {strides = array<i32>} : memref<1024xf32, #tpu.memory_space<vmem>>, vector<16xf32>,
        %get3A_532 = arith.constant 39 : i32
        %get3A_533 = arith.index_cast %get3A_532 : i32 to index
        %get3A_534 = arith.constant 0 : index
        %get3A_535 = tpu.vector_load %arg8[%get3A_533, %get3A_534] {strides = array<i32>} : memref<64x128xf32, #tpu.memory_space<vmem>>, vector<1x16xf32>,
        %get3A_536 = vector.shape_cast %get3A_535 : vector<1x16xf32> to vector<16xf32>
        %swap3A_537 = arith.constant 624 : index
        %swap3A_538 = tpu.vector_load %arg9[%swap3A_537] {strides = array<i32>} : memref<1024xf32, #tpu.memory_space<vmem>>, vector<16xf32>,
        %swap3A_539 = vector.shape_cast %swap3A_538 : vector<16xf32> to vector<16xf32>
        %swap3A_540 = vector.shape_cast %get3A_536 : vector<16xf32> to vector<16xf32>
        tpu.vector_store %arg9[%swap3A_537], %swap3A_540 {strides = array<i32>} : memref<1024xf32, #tpu.memory_space<vmem>>, vector<16xf32>,
        %get3A_541 = arith.constant 40 : i32
        %get3A_542 = arith.index_cast %get3A_541 : i32 to index
        %get3A_543 = arith.constant 0 : index
        %get3A_544 = tpu.vector_load %arg8[%get3A_542, %get3A_543] {strides = array<i32>} : memref<64x128xf32, #tpu.memory_space<vmem>>, vector<1x16xf32>,
        %get3A_545 = vector.shape_cast %get3A_544 : vector<1x16xf32> to vector<16xf32>
        %swap3A_546 = arith.constant 640 : index
        %swap3A_547 = tpu.vector_load %arg9[%swap3A_546] {strides = array<i32>} : memref<1024xf32, #tpu.memory_space<vmem>>, vector<16xf32>,
        %swap3A_548 = vector.shape_cast %swap3A_547 : vector<16xf32> to vector<16xf32>
        %swap3A_549 = vector.shape_cast %get3A_545 : vector<16xf32> to vector<16xf32>
        tpu.vector_store %arg9[%swap3A_546], %swap3A_549 {strides = array<i32>} : memref<1024xf32, #tpu.memory_space<vmem>>, vector<16xf32>,
        %get3A_550 = arith.constant 41 : i32
        %get3A_551 = arith.index_cast %get3A_550 : i32 to index
        %get3A_552 = arith.constant 0 : index
        %get3A_553 = tpu.vector_load %arg8[%get3A_551, %get3A_552] {strides = array<i32>} : memref<64x128xf32, #tpu.memory_space<vmem>>, vector<1x16xf32>,
        %get3A_554 = vector.shape_cast %get3A_553 : vector<1x16xf32> to vector<16xf32>
        %swap3A_555 = arith.constant 656 : index
        %swap3A_556 = tpu.vector_load %arg9[%swap3A_555] {strides = array<i32>} : memref<1024xf32, #tpu.memory_space<vmem>>, vector<16xf32>,
        %swap3A_557 = vector.shape_cast %swap3A_556 : vector<16xf32> to vector<16xf32>
        %swap3A_558 = vector.shape_cast %get3A_554 : vector<16xf32> to vector<16xf32>
        tpu.vector_store %arg9[%swap3A_555], %swap3A_558 {strides = array<i32>} : memref<1024xf32, #tpu.memory_space<vmem>>, vector<16xf32>,
        %get3A_559 = arith.constant 42 : i32
        %get3A_560 = arith.index_cast %get3A_559 : i32 to index
        %get3A_561 = arith.constant 0 : index
        %get3A_562 = tpu.vector_load %arg8[%get3A_560, %get3A_561] {strides = array<i32>} : memref<64x128xf32, #tpu.memory_space<vmem>>, vector<1x16xf32>,
        %get3A_563 = vector.shape_cast %get3A_562 : vector<1x16xf32> to vector<16xf32>
        %swap3A_564 = arith.constant 672 : index
        %swap3A_565 = tpu.vector_load %arg9[%swap3A_564] {strides = array<i32>} : memref<1024xf32, #tpu.memory_space<vmem>>, vector<16xf32>,
        %swap3A_566 = vector.shape_cast %swap3A_565 : vector<16xf32> to vector<16xf32>
        %swap3A_567 = vector.shape_cast %get3A_563 : vector<16xf32> to vector<16xf32>
        tpu.vector_store %arg9[%swap3A_564], %swap3A_567 {strides = array<i32>} : memref<1024xf32, #tpu.memory_space<vmem>>, vector<16xf32>,
        %get3A_568 = arith.constant 43 : i32
        %get3A_569 = arith.index_cast %get3A_568 : i32 to index
        %get3A_570 = arith.constant 0 : index
        %get3A_571 = tpu.vector_load %arg8[%get3A_569, %get3A_570] {strides = array<i32>} : memref<64x128xf32, #tpu.memory_space<vmem>>, vector<1x16xf32>,
        %get3A_572 = vector.shape_cast %get3A_571 : vector<1x16xf32> to vector<16xf32>
        %swap3A_573 = arith.constant 688 : index
        %swap3A_574 = tpu.vector_load %arg9[%swap3A_573] {strides = array<i32>} : memref<1024xf32, #tpu.memory_space<vmem>>, vector<16xf32>,
        %swap3A_575 = vector.shape_cast %swap3A_574 : vector<16xf32> to vector<16xf32>
        %swap3A_576 = vector.shape_cast %get3A_572 : vector<16xf32> to vector<16xf32>
        tpu.vector_store %arg9[%swap3A_573], %swap3A_576 {strides = array<i32>} : memref<1024xf32, #tpu.memory_space<vmem>>, vector<16xf32>,
        %get3A_577 = arith.constant 44 : i32
        %get3A_578 = arith.index_cast %get3A_577 : i32 to index
        %get3A_579 = arith.constant 0 : index
        %get3A_580 = tpu.vector_load %arg8[%get3A_578, %get3A_579] {strides = array<i32>} : memref<64x128xf32, #tpu.memory_space<vmem>>, vector<1x16xf32>,
        %get3A_581 = vector.shape_cast %get3A_580 : vector<1x16xf32> to vector<16xf32>
        %swap3A_582 = arith.constant 704 : index
        %swap3A_583 = tpu.vector_load %arg9[%swap3A_582] {strides = array<i32>} : memref<1024xf32, #tpu.memory_space<vmem>>, vector<16xf32>,
        %swap3A_584 = vector.shape_cast %swap3A_583 : vector<16xf32> to vector<16xf32>
        %swap3A_585 = vector.shape_cast %get3A_581 : vector<16xf32> to vector<16xf32>
        tpu.vector_store %arg9[%swap3A_582], %swap3A_585 {strides = array<i32>} : memref<1024xf32, #tpu.memory_space<vmem>>, vector<16xf32>,
        %get3A_586 = arith.constant 45 : i32
        %get3A_587 = arith.index_cast %get3A_586 : i32 to index
        %get3A_588 = arith.constant 0 : index
        %get3A_589 = tpu.vector_load %arg8[%get3A_587, %get3A_588] {strides = array<i32>} : memref<64x128xf32, #tpu.memory_space<vmem>>, vector<1x16xf32>,
        %get3A_590 = vector.shape_cast %get3A_589 : vector<1x16xf32> to vector<16xf32>
        %swap3A_591 = arith.constant 720 : index
        %swap3A_592 = tpu.vector_load %arg9[%swap3A_591] {strides = array<i32>} : memref<1024xf32, #tpu.memory_space<vmem>>, vector<16xf32>,
        %swap3A_593 = vector.shape_cast %swap3A_592 : vector<16xf32> to vector<16xf32>
        %swap3A_594 = vector.shape_cast %get3A_590 : vector<16xf32> to vector<16xf32>
        tpu.vector_store %arg9[%swap3A_591], %swap3A_594 {strides = array<i32>} : memref<1024xf32, #tpu.memory_space<vmem>>, vector<16xf32>,
        %get3A_595 = arith.constant 46 : i32
        %get3A_596 = arith.index_cast %get3A_595 : i32 to index
        %get3A_597 = arith.constant 0 : index
        %get3A_598 = tpu.vector_load %arg8[%get3A_596, %get3A_597] {strides = array<i32>} : memref<64x128xf32, #tpu.memory_space<vmem>>, vector<1x16xf32>,
        %get3A_599 = vector.shape_cast %get3A_598 : vector<1x16xf32> to vector<16xf32>
        %swap3A_600 = arith.constant 736 : index
        %swap3A_601 = tpu.vector_load %arg9[%swap3A_600] {strides = array<i32>} : memref<1024xf32, #tpu.memory_space<vmem>>, vector<16xf32>,
        %swap3A_602 = vector.shape_cast %swap3A_601 : vector<16xf32> to vector<16xf32>
        %swap3A_603 = vector.shape_cast %get3A_599 : vector<16xf32> to vector<16xf32>
        tpu.vector_store %arg9[%swap3A_600], %swap3A_603 {strides = array<i32>} : memref<1024xf32, #tpu.memory_space<vmem>>, vector<16xf32>,
        %get3A_604 = arith.constant 47 : i32
        %get3A_605 = arith.index_cast %get3A_604 : i32 to index
        %get3A_606 = arith.constant 0 : index
        %get3A_607 = tpu.vector_load %arg8[%get3A_605, %get3A_606] {strides = array<i32>} : memref<64x128xf32, #tpu.memory_space<vmem>>, vector<1x16xf32>,
        %get3A_608 = vector.shape_cast %get3A_607 : vector<1x16xf32> to vector<16xf32>
        %swap3A_609 = arith.constant 752 : index
        %swap3A_610 = tpu.vector_load %arg9[%swap3A_609] {strides = array<i32>} : memref<1024xf32, #tpu.memory_space<vmem>>, vector<16xf32>,
        %swap3A_611 = vector.shape_cast %swap3A_610 : vector<16xf32> to vector<16xf32>
        %swap3A_612 = vector.shape_cast %get3A_608 : vector<16xf32> to vector<16xf32>
        tpu.vector_store %arg9[%swap3A_609], %swap3A_612 {strides = array<i32>} : memref<1024xf32, #tpu.memory_space<vmem>>, vector<16xf32>,
        %get3A_613 = arith.constant 48 : i32
        %get3A_614 = arith.index_cast %get3A_613 : i32 to index
        %get3A_615 = arith.constant 0 : index
        %get3A_616 = tpu.vector_load %arg8[%get3A_614, %get3A_615] {strides = array<i32>} : memref<64x128xf32, #tpu.memory_space<vmem>>, vector<1x16xf32>,
        %get3A_617 = vector.shape_cast %get3A_616 : vector<1x16xf32> to vector<16xf32>
        %swap3A_618 = arith.constant 768 : index
        %swap3A_619 = tpu.vector_load %arg9[%swap3A_618] {strides = array<i32>} : memref<1024xf32, #tpu.memory_space<vmem>>, vector<16xf32>,
        %swap3A_620 = vector.shape_cast %swap3A_619 : vector<16xf32> to vector<16xf32>
        %swap3A_621 = vector.shape_cast %get3A_617 : vector<16xf32> to vector<16xf32>
        tpu.vector_store %arg9[%swap3A_618], %swap3A_621 {strides = array<i32>} : memref<1024xf32, #tpu.memory_space<vmem>>, vector<16xf32>,
        %get3A_622 = arith.constant 49 : i32
        %get3A_623 = arith.index_cast %get3A_622 : i32 to index
        %get3A_624 = arith.constant 0 : index
        %get3A_625 = tpu.vector_load %arg8[%get3A_623, %get3A_624] {strides = array<i32>} : memref<64x128xf32, #tpu.memory_space<vmem>>, vector<1x16xf32>,
        %get3A_626 = vector.shape_cast %get3A_625 : vector<1x16xf32> to vector<16xf32>
        %swap3A_627 = arith.constant 784 : index
        %swap3A_628 = tpu.vector_load %arg9[%swap3A_627] {strides = array<i32>} : memref<1024xf32, #tpu.memory_space<vmem>>, vector<16xf32>,
        %swap3A_629 = vector.shape_cast %swap3A_628 : vector<16xf32> to vector<16xf32>
        %swap3A_630 = vector.shape_cast %get3A_626 : vector<16xf32> to vector<16xf32>
        tpu.vector_store %arg9[%swap3A_627], %swap3A_630 {strides = array<i32>} : memref<1024xf32, #tpu.memory_space<vmem>>, vector<16xf32>,
        %get3A_631 = arith.constant 50 : i32
        %get3A_632 = arith.index_cast %get3A_631 : i32 to index
        %get3A_633 = arith.constant 0 : index
        %get3A_634 = tpu.vector_load %arg8[%get3A_632, %get3A_633] {strides = array<i32>} : memref<64x128xf32, #tpu.memory_space<vmem>>, vector<1x16xf32>,
        %get3A_635 = vector.shape_cast %get3A_634 : vector<1x16xf32> to vector<16xf32>
        %swap3A_636 = arith.constant 800 : index
        %swap3A_637 = tpu.vector_load %arg9[%swap3A_636] {strides = array<i32>} : memref<1024xf32, #tpu.memory_space<vmem>>, vector<16xf32>,
        %swap3A_638 = vector.shape_cast %swap3A_637 : vector<16xf32> to vector<16xf32>
        %swap3A_639 = vector.shape_cast %get3A_635 : vector<16xf32> to vector<16xf32>
        tpu.vector_store %arg9[%swap3A_636], %swap3A_639 {strides = array<i32>} : memref<1024xf32, #tpu.memory_space<vmem>>, vector<16xf32>,
        %get3A_640 = arith.constant 51 : i32
        %get3A_641 = arith.index_cast %get3A_640 : i32 to index
        %get3A_642 = arith.constant 0 : index
        %get3A_643 = tpu.vector_load %arg8[%get3A_641, %get3A_642] {strides = array<i32>} : memref<64x128xf32, #tpu.memory_space<vmem>>, vector<1x16xf32>,
        %get3A_644 = vector.shape_cast %get3A_643 : vector<1x16xf32> to vector<16xf32>
        %swap3A_645 = arith.constant 816 : index
        %swap3A_646 = tpu.vector_load %arg9[%swap3A_645] {strides = array<i32>} : memref<1024xf32, #tpu.memory_space<vmem>>, vector<16xf32>,
        %swap3A_647 = vector.shape_cast %swap3A_646 : vector<16xf32> to vector<16xf32>
        %swap3A_648 = vector.shape_cast %get3A_644 : vector<16xf32> to vector<16xf32>
        tpu.vector_store %arg9[%swap3A_645], %swap3A_648 {strides = array<i32>} : memref<1024xf32, #tpu.memory_space<vmem>>, vector<16xf32>,
        %get3A_649 = arith.constant 52 : i32
        %get3A_650 = arith.index_cast %get3A_649 : i32 to index
        %get3A_651 = arith.constant 0 : index
        %get3A_652 = tpu.vector_load %arg8[%get3A_650, %get3A_651] {strides = array<i32>} : memref<64x128xf32, #tpu.memory_space<vmem>>, vector<1x16xf32>,
        %get3A_653 = vector.shape_cast %get3A_652 : vector<1x16xf32> to vector<16xf32>
        %swap3A_654 = arith.constant 832 : index
        %swap3A_655 = tpu.vector_load %arg9[%swap3A_654] {strides = array<i32>} : memref<1024xf32, #tpu.memory_space<vmem>>, vector<16xf32>,
        %swap3A_656 = vector.shape_cast %swap3A_655 : vector<16xf32> to vector<16xf32>
        %swap3A_657 = vector.shape_cast %get3A_653 : vector<16xf32> to vector<16xf32>
        tpu.vector_store %arg9[%swap3A_654], %swap3A_657 {strides = array<i32>} : memref<1024xf32, #tpu.memory_space<vmem>>, vector<16xf32>,
        %get3A_658 = arith.constant 53 : i32
        %get3A_659 = arith.index_cast %get3A_658 : i32 to index
        %get3A_660 = arith.constant 0 : index
        %get3A_661 = tpu.vector_load %arg8[%get3A_659, %get3A_660] {strides = array<i32>} : memref<64x128xf32, #tpu.memory_space<vmem>>, vector<1x16xf32>,
        %get3A_662 = vector.shape_cast %get3A_661 : vector<1x16xf32> to vector<16xf32>
        %swap3A_663 = arith.constant 848 : index
        %swap3A_664 = tpu.vector_load %arg9[%swap3A_663] {strides = array<i32>} : memref<1024xf32, #tpu.memory_space<vmem>>, vector<16xf32>,
        %swap3A_665 = vector.shape_cast %swap3A_664 : vector<16xf32> to vector<16xf32>
        %swap3A_666 = vector.shape_cast %get3A_662 : vector<16xf32> to vector<16xf32>
        tpu.vector_store %arg9[%swap3A_663], %swap3A_666 {strides = array<i32>} : memref<1024xf32, #tpu.memory_space<vmem>>, vector<16xf32>,
        %get3A_667 = arith.constant 54 : i32
        %get3A_668 = arith.index_cast %get3A_667 : i32 to index
        %get3A_669 = arith.constant 0 : index
        %get3A_670 = tpu.vector_load %arg8[%get3A_668, %get3A_669] {strides = array<i32>} : memref<64x128xf32, #tpu.memory_space<vmem>>, vector<1x16xf32>,
        %get3A_671 = vector.shape_cast %get3A_670 : vector<1x16xf32> to vector<16xf32>
        %swap3A_672 = arith.constant 864 : index
        %swap3A_673 = tpu.vector_load %arg9[%swap3A_672] {strides = array<i32>} : memref<1024xf32, #tpu.memory_space<vmem>>, vector<16xf32>,
        %swap3A_674 = vector.shape_cast %swap3A_673 : vector<16xf32> to vector<16xf32>
        %swap3A_675 = vector.shape_cast %get3A_671 : vector<16xf32> to vector<16xf32>
        tpu.vector_store %arg9[%swap3A_672], %swap3A_675 {strides = array<i32>} : memref<1024xf32, #tpu.memory_space<vmem>>, vector<16xf32>,
        %get3A_676 = arith.constant 55 : i32
        %get3A_677 = arith.index_cast %get3A_676 : i32 to index
        %get3A_678 = arith.constant 0 : index
        %get3A_679 = tpu.vector_load %arg8[%get3A_677, %get3A_678] {strides = array<i32>} : memref<64x128xf32, #tpu.memory_space<vmem>>, vector<1x16xf32>,
        %get3A_680 = vector.shape_cast %get3A_679 : vector<1x16xf32> to vector<16xf32>
        %swap3A_681 = arith.constant 880 : index
        %swap3A_682 = tpu.vector_load %arg9[%swap3A_681] {strides = array<i32>} : memref<1024xf32, #tpu.memory_space<vmem>>, vector<16xf32>,
        %swap3A_683 = vector.shape_cast %swap3A_682 : vector<16xf32> to vector<16xf32>
        %swap3A_684 = vector.shape_cast %get3A_680 : vector<16xf32> to vector<16xf32>
        tpu.vector_store %arg9[%swap3A_681], %swap3A_684 {strides = array<i32>} : memref<1024xf32, #tpu.memory_space<vmem>>, vector<16xf32>,
        %get3A_685 = arith.constant 56 : i32
        %get3A_686 = arith.index_cast %get3A_685 : i32 to index
        %get3A_687 = arith.constant 0 : index
        %get3A_688 = tpu.vector_load %arg8[%get3A_686, %get3A_687] {strides = array<i32>} : memref<64x128xf32, #tpu.memory_space<vmem>>, vector<1x16xf32>,
        %get3A_689 = vector.shape_cast %get3A_688 : vector<1x16xf32> to vector<16xf32>
        %swap3A_690 = arith.constant 896 : index
        %swap3A_691 = tpu.vector_load %arg9[%swap3A_690] {strides = array<i32>} : memref<1024xf32, #tpu.memory_space<vmem>>, vector<16xf32>,
        %swap3A_692 = vector.shape_cast %swap3A_691 : vector<16xf32> to vector<16xf32>
        %swap3A_693 = vector.shape_cast %get3A_689 : vector<16xf32> to vector<16xf32>
        tpu.vector_store %arg9[%swap3A_690], %swap3A_693 {strides = array<i32>} : memref<1024xf32, #tpu.memory_space<vmem>>, vector<16xf32>,
        %get3A_694 = arith.constant 57 : i32
        %get3A_695 = arith.index_cast %get3A_694 : i32 to index
        %get3A_696 = arith.constant 0 : index
        %get3A_697 = tpu.vector_load %arg8[%get3A_695, %get3A_696] {strides = array<i32>} : memref<64x128xf32, #tpu.memory_space<vmem>>, vector<1x16xf32>,
        %get3A_698 = vector.shape_cast %get3A_697 : vector<1x16xf32> to vector<16xf32>
        %swap3A_699 = arith.constant 912 : index
        %swap3A_700 = tpu.vector_load %arg9[%swap3A_699] {strides = array<i32>} : memref<1024xf32, #tpu.memory_space<vmem>>, vector<16xf32>,
        %swap3A_701 = vector.shape_cast %swap3A_700 : vector<16xf32> to vector<16xf32>
        %swap3A_702 = vector.shape_cast %get3A_698 : vector<16xf32> to vector<16xf32>
        tpu.vector_store %arg9[%swap3A_699], %swap3A_702 {strides = array<i32>} : memref<1024xf32, #tpu.memory_space<vmem>>, vector<16xf32>,
        %get3A_703 = arith.constant 58 : i32
        %get3A_704 = arith.index_cast %get3A_703 : i32 to index
        %get3A_705 = arith.constant 0 : index
        %get3A_706 = tpu.vector_load %arg8[%get3A_704, %get3A_705] {strides = array<i32>} : memref<64x128xf32, #tpu.memory_space<vmem>>, vector<1x16xf32>,
        %get3A_707 = vector.shape_cast %get3A_706 : vector<1x16xf32> to vector<16xf32>
        %swap3A_708 = arith.constant 928 : index
        %swap3A_709 = tpu.vector_load %arg9[%swap3A_708] {strides = array<i32>} : memref<1024xf32, #tpu.memory_space<vmem>>, vector<16xf32>,
        %swap3A_710 = vector.shape_cast %swap3A_709 : vector<16xf32> to vector<16xf32>
        %swap3A_711 = vector.shape_cast %get3A_707 : vector<16xf32> to vector<16xf32>
        tpu.vector_store %arg9[%swap3A_708], %swap3A_711 {strides = array<i32>} : memref<1024xf32, #tpu.memory_space<vmem>>, vector<16xf32>,
        %get3A_712 = arith.constant 59 : i32
        %get3A_713 = arith.index_cast %get3A_712 : i32 to index
        %get3A_714 = arith.constant 0 : index
        %get3A_715 = tpu.vector_load %arg8[%get3A_713, %get3A_714] {strides = array<i32>} : memref<64x128xf32, #tpu.memory_space<vmem>>, vector<1x16xf32>,
        %get3A_716 = vector.shape_cast %get3A_715 : vector<1x16xf32> to vector<16xf32>
        %swap3A_717 = arith.constant 944 : index
        %swap3A_718 = tpu.vector_load %arg9[%swap3A_717] {strides = array<i32>} : memref<1024xf32, #tpu.memory_space<vmem>>, vector<16xf32>,
        %swap3A_719 = vector.shape_cast %swap3A_718 : vector<16xf32> to vector<16xf32>
        %swap3A_720 = vector.shape_cast %get3A_716 : vector<16xf32> to vector<16xf32>
        tpu.vector_store %arg9[%swap3A_717], %swap3A_720 {strides = array<i32>} : memref<1024xf32, #tpu.memory_space<vmem>>, vector<16xf32>,
        %get3A_721 = arith.constant 60 : i32
        %get3A_722 = arith.index_cast %get3A_721 : i32 to index
        %get3A_723 = arith.constant 0 : index
        %get3A_724 = tpu.vector_load %arg8[%get3A_722, %get3A_723] {strides = array<i32>} : memref<64x128xf32, #tpu.memory_space<vmem>>, vector<1x16xf32>,
        %get3A_725 = vector.shape_cast %get3A_724 : vector<1x16xf32> to vector<16xf32>
        %swap3A_726 = arith.constant 960 : index
        %swap3A_727 = tpu.vector_load %arg9[%swap3A_726] {strides = array<i32>} : memref<1024xf32, #tpu.memory_space<vmem>>, vector<16xf32>,
        %swap3A_728 = vector.shape_cast %swap3A_727 : vector<16xf32> to vector<16xf32>
        %swap3A_729 = vector.shape_cast %get3A_725 : vector<16xf32> to vector<16xf32>
        tpu.vector_store %arg9[%swap3A_726], %swap3A_729 {strides = array<i32>} : memref<1024xf32, #tpu.memory_space<vmem>>, vector<16xf32>,
        %get3A_730 = arith.constant 61 : i32
        %get3A_731 = arith.index_cast %get3A_730 : i32 to index
        %get3A_732 = arith.constant 0 : index
        %get3A_733 = tpu.vector_load %arg8[%get3A_731, %get3A_732] {strides = array<i32>} : memref<64x128xf32, #tpu.memory_space<vmem>>, vector<1x16xf32>,
        %get3A_734 = vector.shape_cast %get3A_733 : vector<1x16xf32> to vector<16xf32>
        %swap3A_735 = arith.constant 976 : index
        %swap3A_736 = tpu.vector_load %arg9[%swap3A_735] {strides = array<i32>} : memref<1024xf32, #tpu.memory_space<vmem>>, vector<16xf32>,
        %swap3A_737 = vector.shape_cast %swap3A_736 : vector<16xf32> to vector<16xf32>
        %swap3A_738 = vector.shape_cast %get3A_734 : vector<16xf32> to vector<16xf32>
        tpu.vector_store %arg9[%swap3A_735], %swap3A_738 {strides = array<i32>} : memref<1024xf32, #tpu.memory_space<vmem>>, vector<16xf32>,
        %get3A_739 = arith.constant 62 : i32
        %get3A_740 = arith.index_cast %get3A_739 : i32 to index
        %get3A_741 = arith.constant 0 : index
        %get3A_742 = tpu.vector_load %arg8[%get3A_740, %get3A_741] {strides = array<i32>} : memref<64x128xf32, #tpu.memory_space<vmem>>, vector<1x16xf32>,
        %get3A_743 = vector.shape_cast %get3A_742 : vector<1x16xf32> to vector<16xf32>
        %swap3A_744 = arith.constant 992 : index
        %swap3A_745 = tpu.vector_load %arg9[%swap3A_744] {strides = array<i32>} : memref<1024xf32, #tpu.memory_space<vmem>>, vector<16xf32>,
        %swap3A_746 = vector.shape_cast %swap3A_745 : vector<16xf32> to vector<16xf32>
        %swap3A_747 = vector.shape_cast %get3A_743 : vector<16xf32> to vector<16xf32>
        tpu.vector_store %arg9[%swap3A_744], %swap3A_747 {strides = array<i32>} : memref<1024xf32, #tpu.memory_space<vmem>>, vector<16xf32>,
        %get3A_748 = arith.constant 63 : i32
        %get3A_749 = arith.index_cast %get3A_748 : i32 to index
        %get3A_750 = arith.constant 0 : index
        %get3A_751 = tpu.vector_load %arg8[%get3A_749, %get3A_750] {strides = array<i32>} : memref<64x128xf32, #tpu.memory_space<vmem>>, vector<1x16xf32>,
        %get3A_752 = vector.shape_cast %get3A_751 : vector<1x16xf32> to vector<16xf32>
        %swap3A_753 = arith.constant 1008 : index
        %swap3A_754 = tpu.vector_load %arg9[%swap3A_753] {strides = array<i32>} : memref<1024xf32, #tpu.memory_space<vmem>>, vector<16xf32>,
        %swap3A_755 = vector.shape_cast %swap3A_754 : vector<16xf32> to vector<16xf32>
        %swap3A_756 = vector.shape_cast %get3A_752 : vector<16xf32> to vector<16xf32>
        tpu.vector_store %arg9[%swap3A_753], %swap3A_756 {strides = array<i32>} : memref<1024xf32, #tpu.memory_space<vmem>>, vector<16xf32>,
      } else {
      }
      %eq3A_49 = arith.constant 1 : i32
      %eq3A_50 = arith.cmpi eq, %arg0, %eq3A_49 : i32
      %convert_element_type3A_51 = arith.extui %eq3A_50 : i1 to i32
      %cond3A_52 = arith.constant 0 : i32
      %cond3A_53 = arith.cmpi ne, %convert_element_type3A_51, %cond3A_52 : i32
      scf.if %cond3A_53 {
        %get3A = arith.constant 0 : i32
        %get3A_183 = arith.index_cast %get3A : i32 to index
        %get3A_184 = arith.constant 16 : index
        %get3A_185 = tpu.vector_load %arg8[%get3A_183, %get3A_184] {strides = array<i32>} : memref<64x128xf32, #tpu.memory_space<vmem>>, vector<1x16xf32>,
        %get3A_186 = vector.shape_cast %get3A_185 : vector<1x16xf32> to vector<16xf32>
        %swap3A = arith.constant 0 : index
        %swap3A_187 = tpu.vector_load %arg9[%swap3A] {strides = array<i32>} : memref<1024xf32, #tpu.memory_space<vmem>>, vector<16xf32>,
        %swap3A_188 = vector.shape_cast %swap3A_187 : vector<16xf32> to vector<16xf32>
        %swap3A_189 = vector.shape_cast %get3A_186 : vector<16xf32> to vector<16xf32>
        tpu.vector_store %arg9[%swap3A], %swap3A_189 {strides = array<i32>} : memref<1024xf32, #tpu.memory_space<vmem>>, vector<16xf32>,
        %get3A_190 = arith.constant 1 : i32
        %get3A_191 = arith.index_cast %get3A_190 : i32 to index
        %get3A_192 = arith.constant 16 : index
        %get3A_193 = tpu.vector_load %arg8[%get3A_191, %get3A_192] {strides = array<i32>} : memref<64x128xf32, #tpu.memory_space<vmem>>, vector<1x16xf32>,
        %get3A_194 = vector.shape_cast %get3A_193 : vector<1x16xf32> to vector<16xf32>
        %swap3A_195 = arith.constant 16 : index
        %swap3A_196 = tpu.vector_load %arg9[%swap3A_195] {strides = array<i32>} : memref<1024xf32, #tpu.memory_space<vmem>>, vector<16xf32>,
        %swap3A_197 = vector.shape_cast %swap3A_196 : vector<16xf32> to vector<16xf32>
        %swap3A_198 = vector.shape_cast %get3A_194 : vector<16xf32> to vector<16xf32>
        tpu.vector_store %arg9[%swap3A_195], %swap3A_198 {strides = array<i32>} : memref<1024xf32, #tpu.memory_space<vmem>>, vector<16xf32>,
        %get3A_199 = arith.constant 2 : i32
        %get3A_200 = arith.index_cast %get3A_199 : i32 to index
        %get3A_201 = arith.constant 16 : index
        %get3A_202 = tpu.vector_load %arg8[%get3A_200, %get3A_201] {strides = array<i32>} : memref<64x128xf32, #tpu.memory_space<vmem>>, vector<1x16xf32>,
        %get3A_203 = vector.shape_cast %get3A_202 : vector<1x16xf32> to vector<16xf32>
        %swap3A_204 = arith.constant 32 : index
        %swap3A_205 = tpu.vector_load %arg9[%swap3A_204] {strides = array<i32>} : memref<1024xf32, #tpu.memory_space<vmem>>, vector<16xf32>,
        %swap3A_206 = vector.shape_cast %swap3A_205 : vector<16xf32> to vector<16xf32>
        %swap3A_207 = vector.shape_cast %get3A_203 : vector<16xf32> to vector<16xf32>
        tpu.vector_store %arg9[%swap3A_204], %swap3A_207 {strides = array<i32>} : memref<1024xf32, #tpu.memory_space<vmem>>, vector<16xf32>,
        %get3A_208 = arith.constant 3 : i32
        %get3A_209 = arith.index_cast %get3A_208 : i32 to index
        %get3A_210 = arith.constant 16 : index
        %get3A_211 = tpu.vector_load %arg8[%get3A_209, %get3A_210] {strides = array<i32>} : memref<64x128xf32, #tpu.memory_space<vmem>>, vector<1x16xf32>,
        %get3A_212 = vector.shape_cast %get3A_211 : vector<1x16xf32> to vector<16xf32>
        %swap3A_213 = arith.constant 48 : index
        %swap3A_214 = tpu.vector_load %arg9[%swap3A_213] {strides = array<i32>} : memref<1024xf32, #tpu.memory_space<vmem>>, vector<16xf32>,
        %swap3A_215 = vector.shape_cast %swap3A_214 : vector<16xf32> to vector<16xf32>
        %swap3A_216 = vector.shape_cast %get3A_212 : vector<16xf32> to vector<16xf32>
        tpu.vector_store %arg9[%swap3A_213], %swap3A_216 {strides = array<i32>} : memref<1024xf32, #tpu.memory_space<vmem>>, vector<16xf32>,
        %get3A_217 = arith.constant 4 : i32
        %get3A_218 = arith.index_cast %get3A_217 : i32 to index
        %get3A_219 = arith.constant 16 : index
        %get3A_220 = tpu.vector_load %arg8[%get3A_218, %get3A_219] {strides = array<i32>} : memref<64x128xf32, #tpu.memory_space<vmem>>, vector<1x16xf32>,
        %get3A_221 = vector.shape_cast %get3A_220 : vector<1x16xf32> to vector<16xf32>
        %swap3A_222 = arith.constant 64 : index
        %swap3A_223 = tpu.vector_load %arg9[%swap3A_222] {strides = array<i32>} : memref<1024xf32, #tpu.memory_space<vmem>>, vector<16xf32>,
        %swap3A_224 = vector.shape_cast %swap3A_223 : vector<16xf32> to vector<16xf32>
        %swap3A_225 = vector.shape_cast %get3A_221 : vector<16xf32> to vector<16xf32>
        tpu.vector_store %arg9[%swap3A_222], %swap3A_225 {strides = array<i32>} : memref<1024xf32, #tpu.memory_space<vmem>>, vector<16xf32>,
        %get3A_226 = arith.constant 5 : i32
        %get3A_227 = arith.index_cast %get3A_226 : i32 to index
        %get3A_228 = arith.constant 16 : index
        %get3A_229 = tpu.vector_load %arg8[%get3A_227, %get3A_228] {strides = array<i32>} : memref<64x128xf32, #tpu.memory_space<vmem>>, vector<1x16xf32>,
        %get3A_230 = vector.shape_cast %get3A_229 : vector<1x16xf32> to vector<16xf32>
        %swap3A_231 = arith.constant 80 : index
        %swap3A_232 = tpu.vector_load %arg9[%swap3A_231] {strides = array<i32>} : memref<1024xf32, #tpu.memory_space<vmem>>, vector<16xf32>,
        %swap3A_233 = vector.shape_cast %swap3A_232 : vector<16xf32> to vector<16xf32>
        %swap3A_234 = vector.shape_cast %get3A_230 : vector<16xf32> to vector<16xf32>
        tpu.vector_store %arg9[%swap3A_231], %swap3A_234 {strides = array<i32>} : memref<1024xf32, #tpu.memory_space<vmem>>, vector<16xf32>,
        %get3A_235 = arith.constant 6 : i32
        %get3A_236 = arith.index_cast %get3A_235 : i32 to index
        %get3A_237 = arith.constant 16 : index
        %get3A_238 = tpu.vector_load %arg8[%get3A_236, %get3A_237] {strides = array<i32>} : memref<64x128xf32, #tpu.memory_space<vmem>>, vector<1x16xf32>,
        %get3A_239 = vector.shape_cast %get3A_238 : vector<1x16xf32> to vector<16xf32>
        %swap3A_240 = arith.constant 96 : index
        %swap3A_241 = tpu.vector_load %arg9[%swap3A_240] {strides = array<i32>} : memref<1024xf32, #tpu.memory_space<vmem>>, vector<16xf32>,
        %swap3A_242 = vector.shape_cast %swap3A_241 : vector<16xf32> to vector<16xf32>
        %swap3A_243 = vector.shape_cast %get3A_239 : vector<16xf32> to vector<16xf32>
        tpu.vector_store %arg9[%swap3A_240], %swap3A_243 {strides = array<i32>} : memref<1024xf32, #tpu.memory_space<vmem>>, vector<16xf32>,
        %get3A_244 = arith.constant 7 : i32
        %get3A_245 = arith.index_cast %get3A_244 : i32 to index
        %get3A_246 = arith.constant 16 : index
        %get3A_247 = tpu.vector_load %arg8[%get3A_245, %get3A_246] {strides = array<i32>} : memref<64x128xf32, #tpu.memory_space<vmem>>, vector<1x16xf32>,
        %get3A_248 = vector.shape_cast %get3A_247 : vector<1x16xf32> to vector<16xf32>
        %swap3A_249 = arith.constant 112 : index
        %swap3A_250 = tpu.vector_load %arg9[%swap3A_249] {strides = array<i32>} : memref<1024xf32, #tpu.memory_space<vmem>>, vector<16xf32>,
        %swap3A_251 = vector.shape_cast %swap3A_250 : vector<16xf32> to vector<16xf32>
        %swap3A_252 = vector.shape_cast %get3A_248 : vector<16xf32> to vector<16xf32>
        tpu.vector_store %arg9[%swap3A_249], %swap3A_252 {strides = array<i32>} : memref<1024xf32, #tpu.memory_space<vmem>>, vector<16xf32>,
        %get3A_253 = arith.constant 8 : i32
        %get3A_254 = arith.index_cast %get3A_253 : i32 to index
        %get3A_255 = arith.constant 16 : index
        %get3A_256 = tpu.vector_load %arg8[%get3A_254, %get3A_255] {strides = array<i32>} : memref<64x128xf32, #tpu.memory_space<vmem>>, vector<1x16xf32>,
        %get3A_257 = vector.shape_cast %get3A_256 : vector<1x16xf32> to vector<16xf32>
        %swap3A_258 = arith.constant 128 : index
        %swap3A_259 = tpu.vector_load %arg9[%swap3A_258] {strides = array<i32>} : memref<1024xf32, #tpu.memory_space<vmem>>, vector<16xf32>,
        %swap3A_260 = vector.shape_cast %swap3A_259 : vector<16xf32> to vector<16xf32>
        %swap3A_261 = vector.shape_cast %get3A_257 : vector<16xf32> to vector<16xf32>
        tpu.vector_store %arg9[%swap3A_258], %swap3A_261 {strides = array<i32>} : memref<1024xf32, #tpu.memory_space<vmem>>, vector<16xf32>,
        %get3A_262 = arith.constant 9 : i32
        %get3A_263 = arith.index_cast %get3A_262 : i32 to index
        %get3A_264 = arith.constant 16 : index
        %get3A_265 = tpu.vector_load %arg8[%get3A_263, %get3A_264] {strides = array<i32>} : memref<64x128xf32, #tpu.memory_space<vmem>>, vector<1x16xf32>,
        %get3A_266 = vector.shape_cast %get3A_265 : vector<1x16xf32> to vector<16xf32>
        %swap3A_267 = arith.constant 144 : index
        %swap3A_268 = tpu.vector_load %arg9[%swap3A_267] {strides = array<i32>} : memref<1024xf32, #tpu.memory_space<vmem>>, vector<16xf32>,
        %swap3A_269 = vector.shape_cast %swap3A_268 : vector<16xf32> to vector<16xf32>
        %swap3A_270 = vector.shape_cast %get3A_266 : vector<16xf32> to vector<16xf32>
        tpu.vector_store %arg9[%swap3A_267], %swap3A_270 {strides = array<i32>} : memref<1024xf32, #tpu.memory_space<vmem>>, vector<16xf32>,
        %get3A_271 = arith.constant 10 : i32
        %get3A_272 = arith.index_cast %get3A_271 : i32 to index
        %get3A_273 = arith.constant 16 : index
        %get3A_274 = tpu.vector_load %arg8[%get3A_272, %get3A_273] {strides = array<i32>} : memref<64x128xf32, #tpu.memory_space<vmem>>, vector<1x16xf32>,
        %get3A_275 = vector.shape_cast %get3A_274 : vector<1x16xf32> to vector<16xf32>
        %swap3A_276 = arith.constant 160 : index
        %swap3A_277 = tpu.vector_load %arg9[%swap3A_276] {strides = array<i32>} : memref<1024xf32, #tpu.memory_space<vmem>>, vector<16xf32>,
        %swap3A_278 = vector.shape_cast %swap3A_277 : vector<16xf32> to vector<16xf32>
        %swap3A_279 = vector.shape_cast %get3A_275 : vector<16xf32> to vector<16xf32>
        tpu.vector_store %arg9[%swap3A_276], %swap3A_279 {strides = array<i32>} : memref<1024xf32, #tpu.memory_space<vmem>>, vector<16xf32>,
        %get3A_280 = arith.constant 11 : i32
        %get3A_281 = arith.index_cast %get3A_280 : i32 to index
        %get3A_282 = arith.constant 16 : index
        %get3A_283 = tpu.vector_load %arg8[%get3A_281, %get3A_282] {strides = array<i32>} : memref<64x128xf32, #tpu.memory_space<vmem>>, vector<1x16xf32>,
        %get3A_284 = vector.shape_cast %get3A_283 : vector<1x16xf32> to vector<16xf32>
        %swap3A_285 = arith.constant 176 : index
        %swap3A_286 = tpu.vector_load %arg9[%swap3A_285] {strides = array<i32>} : memref<1024xf32, #tpu.memory_space<vmem>>, vector<16xf32>,
        %swap3A_287 = vector.shape_cast %swap3A_286 : vector<16xf32> to vector<16xf32>
        %swap3A_288 = vector.shape_cast %get3A_284 : vector<16xf32> to vector<16xf32>
        tpu.vector_store %arg9[%swap3A_285], %swap3A_288 {strides = array<i32>} : memref<1024xf32, #tpu.memory_space<vmem>>, vector<16xf32>,
        %get3A_289 = arith.constant 12 : i32
        %get3A_290 = arith.index_cast %get3A_289 : i32 to index
        %get3A_291 = arith.constant 16 : index
        %get3A_292 = tpu.vector_load %arg8[%get3A_290, %get3A_291] {strides = array<i32>} : memref<64x128xf32, #tpu.memory_space<vmem>>, vector<1x16xf32>,
        %get3A_293 = vector.shape_cast %get3A_292 : vector<1x16xf32> to vector<16xf32>
        %swap3A_294 = arith.constant 192 : index
        %swap3A_295 = tpu.vector_load %arg9[%swap3A_294] {strides = array<i32>} : memref<1024xf32, #tpu.memory_space<vmem>>, vector<16xf32>,
        %swap3A_296 = vector.shape_cast %swap3A_295 : vector<16xf32> to vector<16xf32>
        %swap3A_297 = vector.shape_cast %get3A_293 : vector<16xf32> to vector<16xf32>
        tpu.vector_store %arg9[%swap3A_294], %swap3A_297 {strides = array<i32>} : memref<1024xf32, #tpu.memory_space<vmem>>, vector<16xf32>,
        %get3A_298 = arith.constant 13 : i32
        %get3A_299 = arith.index_cast %get3A_298 : i32 to index
        %get3A_300 = arith.constant 16 : index
        %get3A_301 = tpu.vector_load %arg8[%get3A_299, %get3A_300] {strides = array<i32>} : memref<64x128xf32, #tpu.memory_space<vmem>>, vector<1x16xf32>,
        %get3A_302 = vector.shape_cast %get3A_301 : vector<1x16xf32> to vector<16xf32>
        %swap3A_303 = arith.constant 208 : index
        %swap3A_304 = tpu.vector_load %arg9[%swap3A_303] {strides = array<i32>} : memref<1024xf32, #tpu.memory_space<vmem>>, vector<16xf32>,
        %swap3A_305 = vector.shape_cast %swap3A_304 : vector<16xf32> to vector<16xf32>
        %swap3A_306 = vector.shape_cast %get3A_302 : vector<16xf32> to vector<16xf32>
        tpu.vector_store %arg9[%swap3A_303], %swap3A_306 {strides = array<i32>} : memref<1024xf32, #tpu.memory_space<vmem>>, vector<16xf32>,
        %get3A_307 = arith.constant 14 : i32
        %get3A_308 = arith.index_cast %get3A_307 : i32 to index
        %get3A_309 = arith.constant 16 : index
        %get3A_310 = tpu.vector_load %arg8[%get3A_308, %get3A_309] {strides = array<i32>} : memref<64x128xf32, #tpu.memory_space<vmem>>, vector<1x16xf32>,
        %get3A_311 = vector.shape_cast %get3A_310 : vector<1x16xf32> to vector<16xf32>
        %swap3A_312 = arith.constant 224 : index
        %swap3A_313 = tpu.vector_load %arg9[%swap3A_312] {strides = array<i32>} : memref<1024xf32, #tpu.memory_space<vmem>>, vector<16xf32>,
        %swap3A_314 = vector.shape_cast %swap3A_313 : vector<16xf32> to vector<16xf32>
        %swap3A_315 = vector.shape_cast %get3A_311 : vector<16xf32> to vector<16xf32>
        tpu.vector_store %arg9[%swap3A_312], %swap3A_315 {strides = array<i32>} : memref<1024xf32, #tpu.memory_space<vmem>>, vector<16xf32>,
        %get3A_316 = arith.constant 15 : i32
        %get3A_317 = arith.index_cast %get3A_316 : i32 to index
        %get3A_318 = arith.constant 16 : index
        %get3A_319 = tpu.vector_load %arg8[%get3A_317, %get3A_318] {strides = array<i32>} : memref<64x128xf32, #tpu.memory_space<vmem>>, vector<1x16xf32>,
        %get3A_320 = vector.shape_cast %get3A_319 : vector<1x16xf32> to vector<16xf32>
        %swap3A_321 = arith.constant 240 : index
        %swap3A_322 = tpu.vector_load %arg9[%swap3A_321] {strides = array<i32>} : memref<1024xf32, #tpu.memory_space<vmem>>, vector<16xf32>,
        %swap3A_323 = vector.shape_cast %swap3A_322 : vector<16xf32> to vector<16xf32>
        %swap3A_324 = vector.shape_cast %get3A_320 : vector<16xf32> to vector<16xf32>
        tpu.vector_store %arg9[%swap3A_321], %swap3A_324 {strides = array<i32>} : memref<1024xf32, #tpu.memory_space<vmem>>, vector<16xf32>,
        %get3A_325 = arith.constant 16 : i32
        %get3A_326 = arith.index_cast %get3A_325 : i32 to index
        %get3A_327 = arith.constant 16 : index
        %get3A_328 = tpu.vector_load %arg8[%get3A_326, %get3A_327] {strides = array<i32>} : memref<64x128xf32, #tpu.memory_space<vmem>>, vector<1x16xf32>,
        %get3A_329 = vector.shape_cast %get3A_328 : vector<1x16xf32> to vector<16xf32>
        %swap3A_330 = arith.constant 256 : index
        %swap3A_331 = tpu.vector_load %arg9[%swap3A_330] {strides = array<i32>} : memref<1024xf32, #tpu.memory_space<vmem>>, vector<16xf32>,
        %swap3A_332 = vector.shape_cast %swap3A_331 : vector<16xf32> to vector<16xf32>
        %swap3A_333 = vector.shape_cast %get3A_329 : vector<16xf32> to vector<16xf32>
        tpu.vector_store %arg9[%swap3A_330], %swap3A_333 {strides = array<i32>} : memref<1024xf32, #tpu.memory_space<vmem>>, vector<16xf32>,
        %get3A_334 = arith.constant 17 : i32
        %get3A_335 = arith.index_cast %get3A_334 : i32 to index
        %get3A_336 = arith.constant 16 : index
        %get3A_337 = tpu.vector_load %arg8[%get3A_335, %get3A_336] {strides = array<i32>} : memref<64x128xf32, #tpu.memory_space<vmem>>, vector<1x16xf32>,
        %get3A_338 = vector.shape_cast %get3A_337 : vector<1x16xf32> to vector<16xf32>
        %swap3A_339 = arith.constant 272 : index
        %swap3A_340 = tpu.vector_load %arg9[%swap3A_339] {strides = array<i32>} : memref<1024xf32, #tpu.memory_space<vmem>>, vector<16xf32>,
        %swap3A_341 = vector.shape_cast %swap3A_340 : vector<16xf32> to vector<16xf32>
        %swap3A_342 = vector.shape_cast %get3A_338 : vector<16xf32> to vector<16xf32>
        tpu.vector_store %arg9[%swap3A_339], %swap3A_342 {strides = array<i32>} : memref<1024xf32, #tpu.memory_space<vmem>>, vector<16xf32>,
        %get3A_343 = arith.constant 18 : i32
        %get3A_344 = arith.index_cast %get3A_343 : i32 to index
        %get3A_345 = arith.constant 16 : index
        %get3A_346 = tpu.vector_load %arg8[%get3A_344, %get3A_345] {strides = array<i32>} : memref<64x128xf32, #tpu.memory_space<vmem>>, vector<1x16xf32>,
        %get3A_347 = vector.shape_cast %get3A_346 : vector<1x16xf32> to vector<16xf32>
        %swap3A_348 = arith.constant 288 : index
        %swap3A_349 = tpu.vector_load %arg9[%swap3A_348] {strides = array<i32>} : memref<1024xf32, #tpu.memory_space<vmem>>, vector<16xf32>,
        %swap3A_350 = vector.shape_cast %swap3A_349 : vector<16xf32> to vector<16xf32>
        %swap3A_351 = vector.shape_cast %get3A_347 : vector<16xf32> to vector<16xf32>
        tpu.vector_store %arg9[%swap3A_348], %swap3A_351 {strides = array<i32>} : memref<1024xf32, #tpu.memory_space<vmem>>, vector<16xf32>,
        %get3A_352 = arith.constant 19 : i32
        %get3A_353 = arith.index_cast %get3A_352 : i32 to index
        %get3A_354 = arith.constant 16 : index
        %get3A_355 = tpu.vector_load %arg8[%get3A_353, %get3A_354] {strides = array<i32>} : memref<64x128xf32, #tpu.memory_space<vmem>>, vector<1x16xf32>,
        %get3A_356 = vector.shape_cast %get3A_355 : vector<1x16xf32> to vector<16xf32>
        %swap3A_357 = arith.constant 304 : index
        %swap3A_358 = tpu.vector_load %arg9[%swap3A_357] {strides = array<i32>} : memref<1024xf32, #tpu.memory_space<vmem>>, vector<16xf32>,
        %swap3A_359 = vector.shape_cast %swap3A_358 : vector<16xf32> to vector<16xf32>
        %swap3A_360 = vector.shape_cast %get3A_356 : vector<16xf32> to vector<16xf32>
        tpu.vector_store %arg9[%swap3A_357], %swap3A_360 {strides = array<i32>} : memref<1024xf32, #tpu.memory_space<vmem>>, vector<16xf32>,
        %get3A_361 = arith.constant 20 : i32
        %get3A_362 = arith.index_cast %get3A_361 : i32 to index
        %get3A_363 = arith.constant 16 : index
        %get3A_364 = tpu.vector_load %arg8[%get3A_362, %get3A_363] {strides = array<i32>} : memref<64x128xf32, #tpu.memory_space<vmem>>, vector<1x16xf32>,
        %get3A_365 = vector.shape_cast %get3A_364 : vector<1x16xf32> to vector<16xf32>
        %swap3A_366 = arith.constant 320 : index
        %swap3A_367 = tpu.vector_load %arg9[%swap3A_366] {strides = array<i32>} : memref<1024xf32, #tpu.memory_space<vmem>>, vector<16xf32>,
        %swap3A_368 = vector.shape_cast %swap3A_367 : vector<16xf32> to vector<16xf32>
        %swap3A_369 = vector.shape_cast %get3A_365 : vector<16xf32> to vector<16xf32>
        tpu.vector_store %arg9[%swap3A_366], %swap3A_369 {strides = array<i32>} : memref<1024xf32, #tpu.memory_space<vmem>>, vector<16xf32>,
        %get3A_370 = arith.constant 21 : i32
        %get3A_371 = arith.index_cast %get3A_370 : i32 to index
        %get3A_372 = arith.constant 16 : index
        %get3A_373 = tpu.vector_load %arg8[%get3A_371, %get3A_372] {strides = array<i32>} : memref<64x128xf32, #tpu.memory_space<vmem>>, vector<1x16xf32>,
        %get3A_374 = vector.shape_cast %get3A_373 : vector<1x16xf32> to vector<16xf32>
        %swap3A_375 = arith.constant 336 : index
        %swap3A_376 = tpu.vector_load %arg9[%swap3A_375] {strides = array<i32>} : memref<1024xf32, #tpu.memory_space<vmem>>, vector<16xf32>,
        %swap3A_377 = vector.shape_cast %swap3A_376 : vector<16xf32> to vector<16xf32>
        %swap3A_378 = vector.shape_cast %get3A_374 : vector<16xf32> to vector<16xf32>
        tpu.vector_store %arg9[%swap3A_375], %swap3A_378 {strides = array<i32>} : memref<1024xf32, #tpu.memory_space<vmem>>, vector<16xf32>,
        %get3A_379 = arith.constant 22 : i32
        %get3A_380 = arith.index_cast %get3A_379 : i32 to index
        %get3A_381 = arith.constant 16 : index
        %get3A_382 = tpu.vector_load %arg8[%get3A_380, %get3A_381] {strides = array<i32>} : memref<64x128xf32, #tpu.memory_space<vmem>>, vector<1x16xf32>,
        %get3A_383 = vector.shape_cast %get3A_382 : vector<1x16xf32> to vector<16xf32>
        %swap3A_384 = arith.constant 352 : index
        %swap3A_385 = tpu.vector_load %arg9[%swap3A_384] {strides = array<i32>} : memref<1024xf32, #tpu.memory_space<vmem>>, vector<16xf32>,
        %swap3A_386 = vector.shape_cast %swap3A_385 : vector<16xf32> to vector<16xf32>
        %swap3A_387 = vector.shape_cast %get3A_383 : vector<16xf32> to vector<16xf32>
        tpu.vector_store %arg9[%swap3A_384], %swap3A_387 {strides = array<i32>} : memref<1024xf32, #tpu.memory_space<vmem>>, vector<16xf32>,
        %get3A_388 = arith.constant 23 : i32
        %get3A_389 = arith.index_cast %get3A_388 : i32 to index
        %get3A_390 = arith.constant 16 : index
        %get3A_391 = tpu.vector_load %arg8[%get3A_389, %get3A_390] {strides = array<i32>} : memref<64x128xf32, #tpu.memory_space<vmem>>, vector<1x16xf32>,
        %get3A_392 = vector.shape_cast %get3A_391 : vector<1x16xf32> to vector<16xf32>
        %swap3A_393 = arith.constant 368 : index
        %swap3A_394 = tpu.vector_load %arg9[%swap3A_393] {strides = array<i32>} : memref<1024xf32, #tpu.memory_space<vmem>>, vector<16xf32>,
        %swap3A_395 = vector.shape_cast %swap3A_394 : vector<16xf32> to vector<16xf32>
        %swap3A_396 = vector.shape_cast %get3A_392 : vector<16xf32> to vector<16xf32>
        tpu.vector_store %arg9[%swap3A_393], %swap3A_396 {strides = array<i32>} : memref<1024xf32, #tpu.memory_space<vmem>>, vector<16xf32>,
        %get3A_397 = arith.constant 24 : i32
        %get3A_398 = arith.index_cast %get3A_397 : i32 to index
        %get3A_399 = arith.constant 16 : index
        %get3A_400 = tpu.vector_load %arg8[%get3A_398, %get3A_399] {strides = array<i32>} : memref<64x128xf32, #tpu.memory_space<vmem>>, vector<1x16xf32>,
        %get3A_401 = vector.shape_cast %get3A_400 : vector<1x16xf32> to vector<16xf32>
        %swap3A_402 = arith.constant 384 : index
        %swap3A_403 = tpu.vector_load %arg9[%swap3A_402] {strides = array<i32>} : memref<1024xf32, #tpu.memory_space<vmem>>, vector<16xf32>,
        %swap3A_404 = vector.shape_cast %swap3A_403 : vector<16xf32> to vector<16xf32>
        %swap3A_405 = vector.shape_cast %get3A_401 : vector<16xf32> to vector<16xf32>
        tpu.vector_store %arg9[%swap3A_402], %swap3A_405 {strides = array<i32>} : memref<1024xf32, #tpu.memory_space<vmem>>, vector<16xf32>,
        %get3A_406 = arith.constant 25 : i32
        %get3A_407 = arith.index_cast %get3A_406 : i32 to index
        %get3A_408 = arith.constant 16 : index
        %get3A_409 = tpu.vector_load %arg8[%get3A_407, %get3A_408] {strides = array<i32>} : memref<64x128xf32, #tpu.memory_space<vmem>>, vector<1x16xf32>,
        %get3A_410 = vector.shape_cast %get3A_409 : vector<1x16xf32> to vector<16xf32>
        %swap3A_411 = arith.constant 400 : index
        %swap3A_412 = tpu.vector_load %arg9[%swap3A_411] {strides = array<i32>} : memref<1024xf32, #tpu.memory_space<vmem>>, vector<16xf32>,
        %swap3A_413 = vector.shape_cast %swap3A_412 : vector<16xf32> to vector<16xf32>
        %swap3A_414 = vector.shape_cast %get3A_410 : vector<16xf32> to vector<16xf32>
        tpu.vector_store %arg9[%swap3A_411], %swap3A_414 {strides = array<i32>} : memref<1024xf32, #tpu.memory_space<vmem>>, vector<16xf32>,
        %get3A_415 = arith.constant 26 : i32
        %get3A_416 = arith.index_cast %get3A_415 : i32 to index
        %get3A_417 = arith.constant 16 : index
        %get3A_418 = tpu.vector_load %arg8[%get3A_416, %get3A_417] {strides = array<i32>} : memref<64x128xf32, #tpu.memory_space<vmem>>, vector<1x16xf32>,
        %get3A_419 = vector.shape_cast %get3A_418 : vector<1x16xf32> to vector<16xf32>
        %swap3A_420 = arith.constant 416 : index
        %swap3A_421 = tpu.vector_load %arg9[%swap3A_420] {strides = array<i32>} : memref<1024xf32, #tpu.memory_space<vmem>>, vector<16xf32>,
        %swap3A_422 = vector.shape_cast %swap3A_421 : vector<16xf32> to vector<16xf32>
        %swap3A_423 = vector.shape_cast %get3A_419 : vector<16xf32> to vector<16xf32>
        tpu.vector_store %arg9[%swap3A_420], %swap3A_423 {strides = array<i32>} : memref<1024xf32, #tpu.memory_space<vmem>>, vector<16xf32>,
        %get3A_424 = arith.constant 27 : i32
        %get3A_425 = arith.index_cast %get3A_424 : i32 to index
        %get3A_426 = arith.constant 16 : index
        %get3A_427 = tpu.vector_load %arg8[%get3A_425, %get3A_426] {strides = array<i32>} : memref<64x128xf32, #tpu.memory_space<vmem>>, vector<1x16xf32>,
        %get3A_428 = vector.shape_cast %get3A_427 : vector<1x16xf32> to vector<16xf32>
        %swap3A_429 = arith.constant 432 : index
        %swap3A_430 = tpu.vector_load %arg9[%swap3A_429] {strides = array<i32>} : memref<1024xf32, #tpu.memory_space<vmem>>, vector<16xf32>,
        %swap3A_431 = vector.shape_cast %swap3A_430 : vector<16xf32> to vector<16xf32>
        %swap3A_432 = vector.shape_cast %get3A_428 : vector<16xf32> to vector<16xf32>
        tpu.vector_store %arg9[%swap3A_429], %swap3A_432 {strides = array<i32>} : memref<1024xf32, #tpu.memory_space<vmem>>, vector<16xf32>,
        %get3A_433 = arith.constant 28 : i32
        %get3A_434 = arith.index_cast %get3A_433 : i32 to index
        %get3A_435 = arith.constant 16 : index
        %get3A_436 = tpu.vector_load %arg8[%get3A_434, %get3A_435] {strides = array<i32>} : memref<64x128xf32, #tpu.memory_space<vmem>>, vector<1x16xf32>,
        %get3A_437 = vector.shape_cast %get3A_436 : vector<1x16xf32> to vector<16xf32>
        %swap3A_438 = arith.constant 448 : index
        %swap3A_439 = tpu.vector_load %arg9[%swap3A_438] {strides = array<i32>} : memref<1024xf32, #tpu.memory_space<vmem>>, vector<16xf32>,
        %swap3A_440 = vector.shape_cast %swap3A_439 : vector<16xf32> to vector<16xf32>
        %swap3A_441 = vector.shape_cast %get3A_437 : vector<16xf32> to vector<16xf32>
        tpu.vector_store %arg9[%swap3A_438], %swap3A_441 {strides = array<i32>} : memref<1024xf32, #tpu.memory_space<vmem>>, vector<16xf32>,
        %get3A_442 = arith.constant 29 : i32
        %get3A_443 = arith.index_cast %get3A_442 : i32 to index
        %get3A_444 = arith.constant 16 : index
        %get3A_445 = tpu.vector_load %arg8[%get3A_443, %get3A_444] {strides = array<i32>} : memref<64x128xf32, #tpu.memory_space<vmem>>, vector<1x16xf32>,
        %get3A_446 = vector.shape_cast %get3A_445 : vector<1x16xf32> to vector<16xf32>
        %swap3A_447 = arith.constant 464 : index
        %swap3A_448 = tpu.vector_load %arg9[%swap3A_447] {strides = array<i32>} : memref<1024xf32, #tpu.memory_space<vmem>>, vector<16xf32>,
        %swap3A_449 = vector.shape_cast %swap3A_448 : vector<16xf32> to vector<16xf32>
        %swap3A_450 = vector.shape_cast %get3A_446 : vector<16xf32> to vector<16xf32>
        tpu.vector_store %arg9[%swap3A_447], %swap3A_450 {strides = array<i32>} : memref<1024xf32, #tpu.memory_space<vmem>>, vector<16xf32>,
        %get3A_451 = arith.constant 30 : i32
        %get3A_452 = arith.index_cast %get3A_451 : i32 to index
        %get3A_453 = arith.constant 16 : index
        %get3A_454 = tpu.vector_load %arg8[%get3A_452, %get3A_453] {strides = array<i32>} : memref<64x128xf32, #tpu.memory_space<vmem>>, vector<1x16xf32>,
        %get3A_455 = vector.shape_cast %get3A_454 : vector<1x16xf32> to vector<16xf32>
        %swap3A_456 = arith.constant 480 : index
        %swap3A_457 = tpu.vector_load %arg9[%swap3A_456] {strides = array<i32>} : memref<1024xf32, #tpu.memory_space<vmem>>, vector<16xf32>,
        %swap3A_458 = vector.shape_cast %swap3A_457 : vector<16xf32> to vector<16xf32>
        %swap3A_459 = vector.shape_cast %get3A_455 : vector<16xf32> to vector<16xf32>
        tpu.vector_store %arg9[%swap3A_456], %swap3A_459 {strides = array<i32>} : memref<1024xf32, #tpu.memory_space<vmem>>, vector<16xf32>,
        %get3A_460 = arith.constant 31 : i32
        %get3A_461 = arith.index_cast %get3A_460 : i32 to index
        %get3A_462 = arith.constant 16 : index
        %get3A_463 = tpu.vector_load %arg8[%get3A_461, %get3A_462] {strides = array<i32>} : memref<64x128xf32, #tpu.memory_space<vmem>>, vector<1x16xf32>,
        %get3A_464 = vector.shape_cast %get3A_463 : vector<1x16xf32> to vector<16xf32>
        %swap3A_465 = arith.constant 496 : index
        %swap3A_466 = tpu.vector_load %arg9[%swap3A_465] {strides = array<i32>} : memref<1024xf32, #tpu.memory_space<vmem>>, vector<16xf32>,
        %swap3A_467 = vector.shape_cast %swap3A_466 : vector<16xf32> to vector<16xf32>
        %swap3A_468 = vector.shape_cast %get3A_464 : vector<16xf32> to vector<16xf32>
        tpu.vector_store %arg9[%swap3A_465], %swap3A_468 {strides = array<i32>} : memref<1024xf32, #tpu.memory_space<vmem>>, vector<16xf32>,
        %get3A_469 = arith.constant 32 : i32
        %get3A_470 = arith.index_cast %get3A_469 : i32 to index
        %get3A_471 = arith.constant 16 : index
        %get3A_472 = tpu.vector_load %arg8[%get3A_470, %get3A_471] {strides = array<i32>} : memref<64x128xf32, #tpu.memory_space<vmem>>, vector<1x16xf32>,
        %get3A_473 = vector.shape_cast %get3A_472 : vector<1x16xf32> to vector<16xf32>
        %swap3A_474 = arith.constant 512 : index
        %swap3A_475 = tpu.vector_load %arg9[%swap3A_474] {strides = array<i32>} : memref<1024xf32, #tpu.memory_space<vmem>>, vector<16xf32>,
        %swap3A_476 = vector.shape_cast %swap3A_475 : vector<16xf32> to vector<16xf32>
        %swap3A_477 = vector.shape_cast %get3A_473 : vector<16xf32> to vector<16xf32>
        tpu.vector_store %arg9[%swap3A_474], %swap3A_477 {strides = array<i32>} : memref<1024xf32, #tpu.memory_space<vmem>>, vector<16xf32>,
        %get3A_478 = arith.constant 33 : i32
        %get3A_479 = arith.index_cast %get3A_478 : i32 to index
        %get3A_480 = arith.constant 16 : index
        %get3A_481 = tpu.vector_load %arg8[%get3A_479, %get3A_480] {strides = array<i32>} : memref<64x128xf32, #tpu.memory_space<vmem>>, vector<1x16xf32>,
        %get3A_482 = vector.shape_cast %get3A_481 : vector<1x16xf32> to vector<16xf32>
        %swap3A_483 = arith.constant 528 : index
        %swap3A_484 = tpu.vector_load %arg9[%swap3A_483] {strides = array<i32>} : memref<1024xf32, #tpu.memory_space<vmem>>, vector<16xf32>,
        %swap3A_485 = vector.shape_cast %swap3A_484 : vector<16xf32> to vector<16xf32>
        %swap3A_486 = vector.shape_cast %get3A_482 : vector<16xf32> to vector<16xf32>
        tpu.vector_store %arg9[%swap3A_483], %swap3A_486 {strides = array<i32>} : memref<1024xf32, #tpu.memory_space<vmem>>, vector<16xf32>,
        %get3A_487 = arith.constant 34 : i32
        %get3A_488 = arith.index_cast %get3A_487 : i32 to index
        %get3A_489 = arith.constant 16 : index
        %get3A_490 = tpu.vector_load %arg8[%get3A_488, %get3A_489] {strides = array<i32>} : memref<64x128xf32, #tpu.memory_space<vmem>>, vector<1x16xf32>,
        %get3A_491 = vector.shape_cast %get3A_490 : vector<1x16xf32> to vector<16xf32>
        %swap3A_492 = arith.constant 544 : index
        %swap3A_493 = tpu.vector_load %arg9[%swap3A_492] {strides = array<i32>} : memref<1024xf32, #tpu.memory_space<vmem>>, vector<16xf32>,
        %swap3A_494 = vector.shape_cast %swap3A_493 : vector<16xf32> to vector<16xf32>
        %swap3A_495 = vector.shape_cast %get3A_491 : vector<16xf32> to vector<16xf32>
        tpu.vector_store %arg9[%swap3A_492], %swap3A_495 {strides = array<i32>} : memref<1024xf32, #tpu.memory_space<vmem>>, vector<16xf32>,
        %get3A_496 = arith.constant 35 : i32
        %get3A_497 = arith.index_cast %get3A_496 : i32 to index
        %get3A_498 = arith.constant 16 : index
        %get3A_499 = tpu.vector_load %arg8[%get3A_497, %get3A_498] {strides = array<i32>} : memref<64x128xf32, #tpu.memory_space<vmem>>, vector<1x16xf32>,
        %get3A_500 = vector.shape_cast %get3A_499 : vector<1x16xf32> to vector<16xf32>
        %swap3A_501 = arith.constant 560 : index
        %swap3A_502 = tpu.vector_load %arg9[%swap3A_501] {strides = array<i32>} : memref<1024xf32, #tpu.memory_space<vmem>>, vector<16xf32>,
        %swap3A_503 = vector.shape_cast %swap3A_502 : vector<16xf32> to vector<16xf32>
        %swap3A_504 = vector.shape_cast %get3A_500 : vector<16xf32> to vector<16xf32>
        tpu.vector_store %arg9[%swap3A_501], %swap3A_504 {strides = array<i32>} : memref<1024xf32, #tpu.memory_space<vmem>>, vector<16xf32>,
        %get3A_505 = arith.constant 36 : i32
        %get3A_506 = arith.index_cast %get3A_505 : i32 to index
        %get3A_507 = arith.constant 16 : index
        %get3A_508 = tpu.vector_load %arg8[%get3A_506, %get3A_507] {strides = array<i32>} : memref<64x128xf32, #tpu.memory_space<vmem>>, vector<1x16xf32>,
        %get3A_509 = vector.shape_cast %get3A_508 : vector<1x16xf32> to vector<16xf32>
        %swap3A_510 = arith.constant 576 : index
        %swap3A_511 = tpu.vector_load %arg9[%swap3A_510] {strides = array<i32>} : memref<1024xf32, #tpu.memory_space<vmem>>, vector<16xf32>,
        %swap3A_512 = vector.shape_cast %swap3A_511 : vector<16xf32> to vector<16xf32>
        %swap3A_513 = vector.shape_cast %get3A_509 : vector<16xf32> to vector<16xf32>
        tpu.vector_store %arg9[%swap3A_510], %swap3A_513 {strides = array<i32>} : memref<1024xf32, #tpu.memory_space<vmem>>, vector<16xf32>,
        %get3A_514 = arith.constant 37 : i32
        %get3A_515 = arith.index_cast %get3A_514 : i32 to index
        %get3A_516 = arith.constant 16 : index
        %get3A_517 = tpu.vector_load %arg8[%get3A_515, %get3A_516] {strides = array<i32>} : memref<64x128xf32, #tpu.memory_space<vmem>>, vector<1x16xf32>,
        %get3A_518 = vector.shape_cast %get3A_517 : vector<1x16xf32> to vector<16xf32>
        %swap3A_519 = arith.constant 592 : index
        %swap3A_520 = tpu.vector_load %arg9[%swap3A_519] {strides = array<i32>} : memref<1024xf32, #tpu.memory_space<vmem>>, vector<16xf32>,
        %swap3A_521 = vector.shape_cast %swap3A_520 : vector<16xf32> to vector<16xf32>
        %swap3A_522 = vector.shape_cast %get3A_518 : vector<16xf32> to vector<16xf32>
        tpu.vector_store %arg9[%swap3A_519], %swap3A_522 {strides = array<i32>} : memref<1024xf32, #tpu.memory_space<vmem>>, vector<16xf32>,
        %get3A_523 = arith.constant 38 : i32
        %get3A_524 = arith.index_cast %get3A_523 : i32 to index
        %get3A_525 = arith.constant 16 : index
        %get3A_526 = tpu.vector_load %arg8[%get3A_524, %get3A_525] {strides = array<i32>} : memref<64x128xf32, #tpu.memory_space<vmem>>, vector<1x16xf32>,
        %get3A_527 = vector.shape_cast %get3A_526 : vector<1x16xf32> to vector<16xf32>
        %swap3A_528 = arith.constant 608 : index
        %swap3A_529 = tpu.vector_load %arg9[%swap3A_528] {strides = array<i32>} : memref<1024xf32, #tpu.memory_space<vmem>>, vector<16xf32>,
        %swap3A_530 = vector.shape_cast %swap3A_529 : vector<16xf32> to vector<16xf32>
        %swap3A_531 = vector.shape_cast %get3A_527 : vector<16xf32> to vector<16xf32>
        tpu.vector_store %arg9[%swap3A_528], %swap3A_531 {strides = array<i32>} : memref<1024xf32, #tpu.memory_space<vmem>>, vector<16xf32>,
        %get3A_532 = arith.constant 39 : i32
        %get3A_533 = arith.index_cast %get3A_532 : i32 to index
        %get3A_534 = arith.constant 16 : index
        %get3A_535 = tpu.vector_load %arg8[%get3A_533, %get3A_534] {strides = array<i32>} : memref<64x128xf32, #tpu.memory_space<vmem>>, vector<1x16xf32>,
        %get3A_536 = vector.shape_cast %get3A_535 : vector<1x16xf32> to vector<16xf32>
        %swap3A_537 = arith.constant 624 : index
        %swap3A_538 = tpu.vector_load %arg9[%swap3A_537] {strides = array<i32>} : memref<1024xf32, #tpu.memory_space<vmem>>, vector<16xf32>,
        %swap3A_539 = vector.shape_cast %swap3A_538 : vector<16xf32> to vector<16xf32>
        %swap3A_540 = vector.shape_cast %get3A_536 : vector<16xf32> to vector<16xf32>
        tpu.vector_store %arg9[%swap3A_537], %swap3A_540 {strides = array<i32>} : memref<1024xf32, #tpu.memory_space<vmem>>, vector<16xf32>,
        %get3A_541 = arith.constant 40 : i32
        %get3A_542 = arith.index_cast %get3A_541 : i32 to index
        %get3A_543 = arith.constant 16 : index
        %get3A_544 = tpu.vector_load %arg8[%get3A_542, %get3A_543] {strides = array<i32>} : memref<64x128xf32, #tpu.memory_space<vmem>>, vector<1x16xf32>,
        %get3A_545 = vector.shape_cast %get3A_544 : vector<1x16xf32> to vector<16xf32>
        %swap3A_546 = arith.constant 640 : index
        %swap3A_547 = tpu.vector_load %arg9[%swap3A_546] {strides = array<i32>} : memref<1024xf32, #tpu.memory_space<vmem>>, vector<16xf32>,
        %swap3A_548 = vector.shape_cast %swap3A_547 : vector<16xf32> to vector<16xf32>
        %swap3A_549 = vector.shape_cast %get3A_545 : vector<16xf32> to vector<16xf32>
        tpu.vector_store %arg9[%swap3A_546], %swap3A_549 {strides = array<i32>} : memref<1024xf32, #tpu.memory_space<vmem>>, vector<16xf32>,
        %get3A_550 = arith.constant 41 : i32
        %get3A_551 = arith.index_cast %get3A_550 : i32 to index
        %get3A_552 = arith.constant 16 : index
        %get3A_553 = tpu.vector_load %arg8[%get3A_551, %get3A_552] {strides = array<i32>} : memref<64x128xf32, #tpu.memory_space<vmem>>, vector<1x16xf32>,
        %get3A_554 = vector.shape_cast %get3A_553 : vector<1x16xf32> to vector<16xf32>
        %swap3A_555 = arith.constant 656 : index
        %swap3A_556 = tpu.vector_load %arg9[%swap3A_555] {strides = array<i32>} : memref<1024xf32, #tpu.memory_space<vmem>>, vector<16xf32>,
        %swap3A_557 = vector.shape_cast %swap3A_556 : vector<16xf32> to vector<16xf32>
        %swap3A_558 = vector.shape_cast %get3A_554 : vector<16xf32> to vector<16xf32>
        tpu.vector_store %arg9[%swap3A_555], %swap3A_558 {strides = array<i32>} : memref<1024xf32, #tpu.memory_space<vmem>>, vector<16xf32>,
        %get3A_559 = arith.constant 42 : i32
        %get3A_560 = arith.index_cast %get3A_559 : i32 to index
        %get3A_561 = arith.constant 16 : index
        %get3A_562 = tpu.vector_load %arg8[%get3A_560, %get3A_561] {strides = array<i32>} : memref<64x128xf32, #tpu.memory_space<vmem>>, vector<1x16xf32>,
        %get3A_563 = vector.shape_cast %get3A_562 : vector<1x16xf32> to vector<16xf32>
        %swap3A_564 = arith.constant 672 : index
        %swap3A_565 = tpu.vector_load %arg9[%swap3A_564] {strides = array<i32>} : memref<1024xf32, #tpu.memory_space<vmem>>, vector<16xf32>,
        %swap3A_566 = vector.shape_cast %swap3A_565 : vector<16xf32> to vector<16xf32>
        %swap3A_567 = vector.shape_cast %get3A_563 : vector<16xf32> to vector<16xf32>
        tpu.vector_store %arg9[%swap3A_564], %swap3A_567 {strides = array<i32>} : memref<1024xf32, #tpu.memory_space<vmem>>, vector<16xf32>,
        %get3A_568 = arith.constant 43 : i32
        %get3A_569 = arith.index_cast %get3A_568 : i32 to index
        %get3A_570 = arith.constant 16 : index
        %get3A_571 = tpu.vector_load %arg8[%get3A_569, %get3A_570] {strides = array<i32>} : memref<64x128xf32, #tpu.memory_space<vmem>>, vector<1x16xf32>,
        %get3A_572 = vector.shape_cast %get3A_571 : vector<1x16xf32> to vector<16xf32>
        %swap3A_573 = arith.constant 688 : index
        %swap3A_574 = tpu.vector_load %arg9[%swap3A_573] {strides = array<i32>} : memref<1024xf32, #tpu.memory_space<vmem>>, vector<16xf32>,
        %swap3A_575 = vector.shape_cast %swap3A_574 : vector<16xf32> to vector<16xf32>
        %swap3A_576 = vector.shape_cast %get3A_572 : vector<16xf32> to vector<16xf32>
        tpu.vector_store %arg9[%swap3A_573], %swap3A_576 {strides = array<i32>} : memref<1024xf32, #tpu.memory_space<vmem>>, vector<16xf32>,
        %get3A_577 = arith.constant 44 : i32
        %get3A_578 = arith.index_cast %get3A_577 : i32 to index
        %get3A_579 = arith.constant 16 : index
        %get3A_580 = tpu.vector_load %arg8[%get3A_578, %get3A_579] {strides = array<i32>} : memref<64x128xf32, #tpu.memory_space<vmem>>, vector<1x16xf32>,
        %get3A_581 = vector.shape_cast %get3A_580 : vector<1x16xf32> to vector<16xf32>
        %swap3A_582 = arith.constant 704 : index
        %swap3A_583 = tpu.vector_load %arg9[%swap3A_582] {strides = array<i32>} : memref<1024xf32, #tpu.memory_space<vmem>>, vector<16xf32>,
        %swap3A_584 = vector.shape_cast %swap3A_583 : vector<16xf32> to vector<16xf32>
        %swap3A_585 = vector.shape_cast %get3A_581 : vector<16xf32> to vector<16xf32>
        tpu.vector_store %arg9[%swap3A_582], %swap3A_585 {strides = array<i32>} : memref<1024xf32, #tpu.memory_space<vmem>>, vector<16xf32>,
        %get3A_586 = arith.constant 45 : i32
        %get3A_587 = arith.index_cast %get3A_586 : i32 to index
        %get3A_588 = arith.constant 16 : index
        %get3A_589 = tpu.vector_load %arg8[%get3A_587, %get3A_588] {strides = array<i32>} : memref<64x128xf32, #tpu.memory_space<vmem>>, vector<1x16xf32>,
        %get3A_590 = vector.shape_cast %get3A_589 : vector<1x16xf32> to vector<16xf32>
        %swap3A_591 = arith.constant 720 : index
        %swap3A_592 = tpu.vector_load %arg9[%swap3A_591] {strides = array<i32>} : memref<1024xf32, #tpu.memory_space<vmem>>, vector<16xf32>,
        %swap3A_593 = vector.shape_cast %swap3A_592 : vector<16xf32> to vector<16xf32>
        %swap3A_594 = vector.shape_cast %get3A_590 : vector<16xf32> to vector<16xf32>
        tpu.vector_store %arg9[%swap3A_591], %swap3A_594 {strides = array<i32>} : memref<1024xf32, #tpu.memory_space<vmem>>, vector<16xf32>,
        %get3A_595 = arith.constant 46 : i32
        %get3A_596 = arith.index_cast %get3A_595 : i32 to index
        %get3A_597 = arith.constant 16 : index
        %get3A_598 = tpu.vector_load %arg8[%get3A_596, %get3A_597] {strides = array<i32>} : memref<64x128xf32, #tpu.memory_space<vmem>>, vector<1x16xf32>,
        %get3A_599 = vector.shape_cast %get3A_598 : vector<1x16xf32> to vector<16xf32>
        %swap3A_600 = arith.constant 736 : index
        %swap3A_601 = tpu.vector_load %arg9[%swap3A_600] {strides = array<i32>} : memref<1024xf32, #tpu.memory_space<vmem>>, vector<16xf32>,
        %swap3A_602 = vector.shape_cast %swap3A_601 : vector<16xf32> to vector<16xf32>
        %swap3A_603 = vector.shape_cast %get3A_599 : vector<16xf32> to vector<16xf32>
        tpu.vector_store %arg9[%swap3A_600], %swap3A_603 {strides = array<i32>} : memref<1024xf32, #tpu.memory_space<vmem>>, vector<16xf32>,
        %get3A_604 = arith.constant 47 : i32
        %get3A_605 = arith.index_cast %get3A_604 : i32 to index
        %get3A_606 = arith.constant 16 : index
        %get3A_607 = tpu.vector_load %arg8[%get3A_605, %get3A_606] {strides = array<i32>} : memref<64x128xf32, #tpu.memory_space<vmem>>, vector<1x16xf32>,
        %get3A_608 = vector.shape_cast %get3A_607 : vector<1x16xf32> to vector<16xf32>
        %swap3A_609 = arith.constant 752 : index
        %swap3A_610 = tpu.vector_load %arg9[%swap3A_609] {strides = array<i32>} : memref<1024xf32, #tpu.memory_space<vmem>>, vector<16xf32>,
        %swap3A_611 = vector.shape_cast %swap3A_610 : vector<16xf32> to vector<16xf32>
        %swap3A_612 = vector.shape_cast %get3A_608 : vector<16xf32> to vector<16xf32>
        tpu.vector_store %arg9[%swap3A_609], %swap3A_612 {strides = array<i32>} : memref<1024xf32, #tpu.memory_space<vmem>>, vector<16xf32>,
        %get3A_613 = arith.constant 48 : i32
        %get3A_614 = arith.index_cast %get3A_613 : i32 to index
        %get3A_615 = arith.constant 16 : index
        %get3A_616 = tpu.vector_load %arg8[%get3A_614, %get3A_615] {strides = array<i32>} : memref<64x128xf32, #tpu.memory_space<vmem>>, vector<1x16xf32>,
        %get3A_617 = vector.shape_cast %get3A_616 : vector<1x16xf32> to vector<16xf32>
        %swap3A_618 = arith.constant 768 : index
        %swap3A_619 = tpu.vector_load %arg9[%swap3A_618] {strides = array<i32>} : memref<1024xf32, #tpu.memory_space<vmem>>, vector<16xf32>,
        %swap3A_620 = vector.shape_cast %swap3A_619 : vector<16xf32> to vector<16xf32>
        %swap3A_621 = vector.shape_cast %get3A_617 : vector<16xf32> to vector<16xf32>
        tpu.vector_store %arg9[%swap3A_618], %swap3A_621 {strides = array<i32>} : memref<1024xf32, #tpu.memory_space<vmem>>, vector<16xf32>,
        %get3A_622 = arith.constant 49 : i32
        %get3A_623 = arith.index_cast %get3A_622 : i32 to index
        %get3A_624 = arith.constant 16 : index
        %get3A_625 = tpu.vector_load %arg8[%get3A_623, %get3A_624] {strides = array<i32>} : memref<64x128xf32, #tpu.memory_space<vmem>>, vector<1x16xf32>,
        %get3A_626 = vector.shape_cast %get3A_625 : vector<1x16xf32> to vector<16xf32>
        %swap3A_627 = arith.constant 784 : index
        %swap3A_628 = tpu.vector_load %arg9[%swap3A_627] {strides = array<i32>} : memref<1024xf32, #tpu.memory_space<vmem>>, vector<16xf32>,
        %swap3A_629 = vector.shape_cast %swap3A_628 : vector<16xf32> to vector<16xf32>
        %swap3A_630 = vector.shape_cast %get3A_626 : vector<16xf32> to vector<16xf32>
        tpu.vector_store %arg9[%swap3A_627], %swap3A_630 {strides = array<i32>} : memref<1024xf32, #tpu.memory_space<vmem>>, vector<16xf32>,
        %get3A_631 = arith.constant 50 : i32
        %get3A_632 = arith.index_cast %get3A_631 : i32 to index
        %get3A_633 = arith.constant 16 : index
        %get3A_634 = tpu.vector_load %arg8[%get3A_632, %get3A_633] {strides = array<i32>} : memref<64x128xf32, #tpu.memory_space<vmem>>, vector<1x16xf32>,
        %get3A_635 = vector.shape_cast %get3A_634 : vector<1x16xf32> to vector<16xf32>
        %swap3A_636 = arith.constant 800 : index
        %swap3A_637 = tpu.vector_load %arg9[%swap3A_636] {strides = array<i32>} : memref<1024xf32, #tpu.memory_space<vmem>>, vector<16xf32>,
        %swap3A_638 = vector.shape_cast %swap3A_637 : vector<16xf32> to vector<16xf32>
        %swap3A_639 = vector.shape_cast %get3A_635 : vector<16xf32> to vector<16xf32>
        tpu.vector_store %arg9[%swap3A_636], %swap3A_639 {strides = array<i32>} : memref<1024xf32, #tpu.memory_space<vmem>>, vector<16xf32>,
        %get3A_640 = arith.constant 51 : i32
        %get3A_641 = arith.index_cast %get3A_640 : i32 to index
        %get3A_642 = arith.constant 16 : index
        %get3A_643 = tpu.vector_load %arg8[%get3A_641, %get3A_642] {strides = array<i32>} : memref<64x128xf32, #tpu.memory_space<vmem>>, vector<1x16xf32>,
        %get3A_644 = vector.shape_cast %get3A_643 : vector<1x16xf32> to vector<16xf32>
        %swap3A_645 = arith.constant 816 : index
        %swap3A_646 = tpu.vector_load %arg9[%swap3A_645] {strides = array<i32>} : memref<1024xf32, #tpu.memory_space<vmem>>, vector<16xf32>,
        %swap3A_647 = vector.shape_cast %swap3A_646 : vector<16xf32> to vector<16xf32>
        %swap3A_648 = vector.shape_cast %get3A_644 : vector<16xf32> to vector<16xf32>
        tpu.vector_store %arg9[%swap3A_645], %swap3A_648 {strides = array<i32>} : memref<1024xf32, #tpu.memory_space<vmem>>, vector<16xf32>,
        %get3A_649 = arith.constant 52 : i32
        %get3A_650 = arith.index_cast %get3A_649 : i32 to index
        %get3A_651 = arith.constant 16 : index
        %get3A_652 = tpu.vector_load %arg8[%get3A_650, %get3A_651] {strides = array<i32>} : memref<64x128xf32, #tpu.memory_space<vmem>>, vector<1x16xf32>,
        %get3A_653 = vector.shape_cast %get3A_652 : vector<1x16xf32> to vector<16xf32>
        %swap3A_654 = arith.constant 832 : index
        %swap3A_655 = tpu.vector_load %arg9[%swap3A_654] {strides = array<i32>} : memref<1024xf32, #tpu.memory_space<vmem>>, vector<16xf32>,
        %swap3A_656 = vector.shape_cast %swap3A_655 : vector<16xf32> to vector<16xf32>
        %swap3A_657 = vector.shape_cast %get3A_653 : vector<16xf32> to vector<16xf32>
        tpu.vector_store %arg9[%swap3A_654], %swap3A_657 {strides = array<i32>} : memref<1024xf32, #tpu.memory_space<vmem>>, vector<16xf32>,
        %get3A_658 = arith.constant 53 : i32
        %get3A_659 = arith.index_cast %get3A_658 : i32 to index
        %get3A_660 = arith.constant 16 : index
        %get3A_661 = tpu.vector_load %arg8[%get3A_659, %get3A_660] {strides = array<i32>} : memref<64x128xf32, #tpu.memory_space<vmem>>, vector<1x16xf32>,
        %get3A_662 = vector.shape_cast %get3A_661 : vector<1x16xf32> to vector<16xf32>
        %swap3A_663 = arith.constant 848 : index
        %swap3A_664 = tpu.vector_load %arg9[%swap3A_663] {strides = array<i32>} : memref<1024xf32, #tpu.memory_space<vmem>>, vector<16xf32>,
        %swap3A_665 = vector.shape_cast %swap3A_664 : vector<16xf32> to vector<16xf32>
        %swap3A_666 = vector.shape_cast %get3A_662 : vector<16xf32> to vector<16xf32>
        tpu.vector_store %arg9[%swap3A_663], %swap3A_666 {strides = array<i32>} : memref<1024xf32, #tpu.memory_space<vmem>>, vector<16xf32>,
        %get3A_667 = arith.constant 54 : i32
        %get3A_668 = arith.index_cast %get3A_667 : i32 to index
        %get3A_669 = arith.constant 16 : index
        %get3A_670 = tpu.vector_load %arg8[%get3A_668, %get3A_669] {strides = array<i32>} : memref<64x128xf32, #tpu.memory_space<vmem>>, vector<1x16xf32>,
        %get3A_671 = vector.shape_cast %get3A_670 : vector<1x16xf32> to vector<16xf32>
        %swap3A_672 = arith.constant 864 : index
        %swap3A_673 = tpu.vector_load %arg9[%swap3A_672] {strides = array<i32>} : memref<1024xf32, #tpu.memory_space<vmem>>, vector<16xf32>,
        %swap3A_674 = vector.shape_cast %swap3A_673 : vector<16xf32> to vector<16xf32>
        %swap3A_675 = vector.shape_cast %get3A_671 : vector<16xf32> to vector<16xf32>
        tpu.vector_store %arg9[%swap3A_672], %swap3A_675 {strides = array<i32>} : memref<1024xf32, #tpu.memory_space<vmem>>, vector<16xf32>,
        %get3A_676 = arith.constant 55 : i32
        %get3A_677 = arith.index_cast %get3A_676 : i32 to index
        %get3A_678 = arith.constant 16 : index
        %get3A_679 = tpu.vector_load %arg8[%get3A_677, %get3A_678] {strides = array<i32>} : memref<64x128xf32, #tpu.memory_space<vmem>>, vector<1x16xf32>,
        %get3A_680 = vector.shape_cast %get3A_679 : vector<1x16xf32> to vector<16xf32>
        %swap3A_681 = arith.constant 880 : index
        %swap3A_682 = tpu.vector_load %arg9[%swap3A_681] {strides = array<i32>} : memref<1024xf32, #tpu.memory_space<vmem>>, vector<16xf32>,
        %swap3A_683 = vector.shape_cast %swap3A_682 : vector<16xf32> to vector<16xf32>
        %swap3A_684 = vector.shape_cast %get3A_680 : vector<16xf32> to vector<16xf32>
        tpu.vector_store %arg9[%swap3A_681], %swap3A_684 {strides = array<i32>} : memref<1024xf32, #tpu.memory_space<vmem>>, vector<16xf32>,
        %get3A_685 = arith.constant 56 : i32
        %get3A_686 = arith.index_cast %get3A_685 : i32 to index
        %get3A_687 = arith.constant 16 : index
        %get3A_688 = tpu.vector_load %arg8[%get3A_686, %get3A_687] {strides = array<i32>} : memref<64x128xf32, #tpu.memory_space<vmem>>, vector<1x16xf32>,
        %get3A_689 = vector.shape_cast %get3A_688 : vector<1x16xf32> to vector<16xf32>
        %swap3A_690 = arith.constant 896 : index
        %swap3A_691 = tpu.vector_load %arg9[%swap3A_690] {strides = array<i32>} : memref<1024xf32, #tpu.memory_space<vmem>>, vector<16xf32>,
        %swap3A_692 = vector.shape_cast %swap3A_691 : vector<16xf32> to vector<16xf32>
        %swap3A_693 = vector.shape_cast %get3A_689 : vector<16xf32> to vector<16xf32>
        tpu.vector_store %arg9[%swap3A_690], %swap3A_693 {strides = array<i32>} : memref<1024xf32, #tpu.memory_space<vmem>>, vector<16xf32>,
        %get3A_694 = arith.constant 57 : i32
        %get3A_695 = arith.index_cast %get3A_694 : i32 to index
        %get3A_696 = arith.constant 16 : index
        %get3A_697 = tpu.vector_load %arg8[%get3A_695, %get3A_696] {strides = array<i32>} : memref<64x128xf32, #tpu.memory_space<vmem>>, vector<1x16xf32>,
        %get3A_698 = vector.shape_cast %get3A_697 : vector<1x16xf32> to vector<16xf32>
        %swap3A_699 = arith.constant 912 : index
        %swap3A_700 = tpu.vector_load %arg9[%swap3A_699] {strides = array<i32>} : memref<1024xf32, #tpu.memory_space<vmem>>, vector<16xf32>,
        %swap3A_701 = vector.shape_cast %swap3A_700 : vector<16xf32> to vector<16xf32>
        %swap3A_702 = vector.shape_cast %get3A_698 : vector<16xf32> to vector<16xf32>
        tpu.vector_store %arg9[%swap3A_699], %swap3A_702 {strides = array<i32>} : memref<1024xf32, #tpu.memory_space<vmem>>, vector<16xf32>,
        %get3A_703 = arith.constant 58 : i32
        %get3A_704 = arith.index_cast %get3A_703 : i32 to index
        %get3A_705 = arith.constant 16 : index
        %get3A_706 = tpu.vector_load %arg8[%get3A_704, %get3A_705] {strides = array<i32>} : memref<64x128xf32, #tpu.memory_space<vmem>>, vector<1x16xf32>,
        %get3A_707 = vector.shape_cast %get3A_706 : vector<1x16xf32> to vector<16xf32>
        %swap3A_708 = arith.constant 928 : index
        %swap3A_709 = tpu.vector_load %arg9[%swap3A_708] {strides = array<i32>} : memref<1024xf32, #tpu.memory_space<vmem>>, vector<16xf32>,
        %swap3A_710 = vector.shape_cast %swap3A_709 : vector<16xf32> to vector<16xf32>
        %swap3A_711 = vector.shape_cast %get3A_707 : vector<16xf32> to vector<16xf32>
        tpu.vector_store %arg9[%swap3A_708], %swap3A_711 {strides = array<i32>} : memref<1024xf32, #tpu.memory_space<vmem>>, vector<16xf32>,
        %get3A_712 = arith.constant 59 : i32
        %get3A_713 = arith.index_cast %get3A_712 : i32 to index
        %get3A_714 = arith.constant 16 : index
        %get3A_715 = tpu.vector_load %arg8[%get3A_713, %get3A_714] {strides = array<i32>} : memref<64x128xf32, #tpu.memory_space<vmem>>, vector<1x16xf32>,
        %get3A_716 = vector.shape_cast %get3A_715 : vector<1x16xf32> to vector<16xf32>
        %swap3A_717 = arith.constant 944 : index
        %swap3A_718 = tpu.vector_load %arg9[%swap3A_717] {strides = array<i32>} : memref<1024xf32, #tpu.memory_space<vmem>>, vector<16xf32>,
        %swap3A_719 = vector.shape_cast %swap3A_718 : vector<16xf32> to vector<16xf32>
        %swap3A_720 = vector.shape_cast %get3A_716 : vector<16xf32> to vector<16xf32>
        tpu.vector_store %arg9[%swap3A_717], %swap3A_720 {strides = array<i32>} : memref<1024xf32, #tpu.memory_space<vmem>>, vector<16xf32>,
        %get3A_721 = arith.constant 60 : i32
        %get3A_722 = arith.index_cast %get3A_721 : i32 to index
        %get3A_723 = arith.constant 16 : index
        %get3A_724 = tpu.vector_load %arg8[%get3A_722, %get3A_723] {strides = array<i32>} : memref<64x128xf32, #tpu.memory_space<vmem>>, vector<1x16xf32>,
        %get3A_725 = vector.shape_cast %get3A_724 : vector<1x16xf32> to vector<16xf32>
        %swap3A_726 = arith.constant 960 : index
        %swap3A_727 = tpu.vector_load %arg9[%swap3A_726] {strides = array<i32>} : memref<1024xf32, #tpu.memory_space<vmem>>, vector<16xf32>,
        %swap3A_728 = vector.shape_cast %swap3A_727 : vector<16xf32> to vector<16xf32>
        %swap3A_729 = vector.shape_cast %get3A_725 : vector<16xf32> to vector<16xf32>
        tpu.vector_store %arg9[%swap3A_726], %swap3A_729 {strides = array<i32>} : memref<1024xf32, #tpu.memory_space<vmem>>, vector<16xf32>,
        %get3A_730 = arith.constant 61 : i32
        %get3A_731 = arith.index_cast %get3A_730 : i32 to index
        %get3A_732 = arith.constant 16 : index
        %get3A_733 = tpu.vector_load %arg8[%get3A_731, %get3A_732] {strides = array<i32>} : memref<64x128xf32, #tpu.memory_space<vmem>>, vector<1x16xf32>,
        %get3A_734 = vector.shape_cast %get3A_733 : vector<1x16xf32> to vector<16xf32>
        %swap3A_735 = arith.constant 976 : index
        %swap3A_736 = tpu.vector_load %arg9[%swap3A_735] {strides = array<i32>} : memref<1024xf32, #tpu.memory_space<vmem>>, vector<16xf32>,
        %swap3A_737 = vector.shape_cast %swap3A_736 : vector<16xf32> to vector<16xf32>
        %swap3A_738 = vector.shape_cast %get3A_734 : vector<16xf32> to vector<16xf32>
        tpu.vector_store %arg9[%swap3A_735], %swap3A_738 {strides = array<i32>} : memref<1024xf32, #tpu.memory_space<vmem>>, vector<16xf32>,
        %get3A_739 = arith.constant 62 : i32
        %get3A_740 = arith.index_cast %get3A_739 : i32 to index
        %get3A_741 = arith.constant 16 : index
        %get3A_742 = tpu.vector_load %arg8[%get3A_740, %get3A_741] {strides = array<i32>} : memref<64x128xf32, #tpu.memory_space<vmem>>, vector<1x16xf32>,
        %get3A_743 = vector.shape_cast %get3A_742 : vector<1x16xf32> to vector<16xf32>
        %swap3A_744 = arith.constant 992 : index
        %swap3A_745 = tpu.vector_load %arg9[%swap3A_744] {strides = array<i32>} : memref<1024xf32, #tpu.memory_space<vmem>>, vector<16xf32>,
        %swap3A_746 = vector.shape_cast %swap3A_745 : vector<16xf32> to vector<16xf32>
        %swap3A_747 = vector.shape_cast %get3A_743 : vector<16xf32> to vector<16xf32>
        tpu.vector_store %arg9[%swap3A_744], %swap3A_747 {strides = array<i32>} : memref<1024xf32, #tpu.memory_space<vmem>>, vector<16xf32>,
        %get3A_748 = arith.constant 63 : i32
        %get3A_749 = arith.index_cast %get3A_748 : i32 to index
        %get3A_750 = arith.constant 16 : index
        %get3A_751 = tpu.vector_load %arg8[%get3A_749, %get3A_750] {strides = array<i32>} : memref<64x128xf32, #tpu.memory_space<vmem>>, vector<1x16xf32>,
        %get3A_752 = vector.shape_cast %get3A_751 : vector<1x16xf32> to vector<16xf32>
        %swap3A_753 = arith.constant 1008 : index
        %swap3A_754 = tpu.vector_load %arg9[%swap3A_753] {strides = array<i32>} : memref<1024xf32, #tpu.memory_space<vmem>>, vector<16xf32>,
        %swap3A_755 = vector.shape_cast %swap3A_754 : vector<16xf32> to vector<16xf32>
        %swap3A_756 = vector.shape_cast %get3A_752 : vector<16xf32> to vector<16xf32>
        tpu.vector_store %arg9[%swap3A_753], %swap3A_756 {strides = array<i32>} : memref<1024xf32, #tpu.memory_space<vmem>>, vector<16xf32>,
      } else {
      }
      %dma_start3A_54 = arith.constant 0 : i32
      %dma_start3A_55 = arith.constant 0 : i32
      %dma_start3A_56 = tpu.memref_slice %arg9[%dma_start3A_55] : memref<1024xf32, #tpu.memory_space<vmem>> -> memref<128xf32, #tpu.memory_space<vmem>>
      %dma_start3A_57 = arith.constant 0 : i32
      %dma_start3A_58 = tpu.memref_slice %arg10[%dma_start3A_54, %dma_start3A_57] : memref<8x128xi32, #tpu.memory_space<vmem>> -> memref<1x128xi32, #tpu.memory_space<vmem>>
      %dma_start3A_59 = tpu.memref_squeeze %dma_start3A_58 : memref<1x128xi32, #tpu.memory_space<vmem>> -> memref<128xi32, #tpu.memory_space<vmem>>
      %dma_start3A_60 = arith.constant 0 : i32
      %dma_start3A_61 = tpu.memref_slice %arg12[%dma_start3A_60] : memref<1605632xf32, #tpu.memory_space<vmem_shared>> -> memref<1605632xf32, #tpu.memory_space<vmem_shared>>
      tpu.enqueue_indirect_dma source(%dma_start3A_56 : memref<128xf32, #tpu.memory_space<vmem>>) target(%dma_start3A_61 : memref<1605632xf32, #tpu.memory_space<vmem_shared>>) offsets(%dma_start3A_59 : memref<128xi32, #tpu.memory_space<vmem>>) semaphore(%arg14 : memref<!tpu.dma_semaphore, #tpu.memory_space<semaphore_mem>>) {add = true}
      %dma_start3A_62 = arith.constant 1 : i32
      %dma_start3A_63 = arith.constant 128 : i32
      %dma_start3A_64 = tpu.memref_slice %arg9[%dma_start3A_63] : memref<1024xf32, #tpu.memory_space<vmem>> -> memref<128xf32, #tpu.memory_space<vmem>>
      %dma_start3A_65 = arith.constant 0 : i32
      %dma_start3A_66 = tpu.memref_slice %arg10[%dma_start3A_62, %dma_start3A_65] : memref<8x128xi32, #tpu.memory_space<vmem>> -> memref<1x128xi32, #tpu.memory_space<vmem>>
      %dma_start3A_67 = tpu.memref_squeeze %dma_start3A_66 : memref<1x128xi32, #tpu.memory_space<vmem>> -> memref<128xi32, #tpu.memory_space<vmem>>
      %dma_start3A_68 = arith.constant 0 : i32
      %dma_start3A_69 = tpu.memref_slice %arg12[%dma_start3A_68] : memref<1605632xf32, #tpu.memory_space<vmem_shared>> -> memref<1605632xf32, #tpu.memory_space<vmem_shared>>
      tpu.enqueue_indirect_dma source(%dma_start3A_64 : memref<128xf32, #tpu.memory_space<vmem>>) target(%dma_start3A_69 : memref<1605632xf32, #tpu.memory_space<vmem_shared>>) offsets(%dma_start3A_67 : memref<128xi32, #tpu.memory_space<vmem>>) semaphore(%arg14 : memref<!tpu.dma_semaphore, #tpu.memory_space<semaphore_mem>>) {add = true}
      %dma_start3A_70 = arith.constant 2 : i32
      %dma_start3A_71 = arith.constant 256 : i32
      %dma_start3A_72 = tpu.memref_slice %arg9[%dma_start3A_71] : memref<1024xf32, #tpu.memory_space<vmem>> -> memref<128xf32, #tpu.memory_space<vmem>>
      %dma_start3A_73 = arith.constant 0 : i32
      %dma_start3A_74 = tpu.memref_slice %arg10[%dma_start3A_70, %dma_start3A_73] : memref<8x128xi32, #tpu.memory_space<vmem>> -> memref<1x128xi32, #tpu.memory_space<vmem>>
      %dma_start3A_75 = tpu.memref_squeeze %dma_start3A_74 : memref<1x128xi32, #tpu.memory_space<vmem>> -> memref<128xi32, #tpu.memory_space<vmem>>
      %dma_start3A_76 = arith.constant 0 : i32
      %dma_start3A_77 = tpu.memref_slice %arg12[%dma_start3A_76] : memref<1605632xf32, #tpu.memory_space<vmem_shared>> -> memref<1605632xf32, #tpu.memory_space<vmem_shared>>
      tpu.enqueue_indirect_dma source(%dma_start3A_72 : memref<128xf32, #tpu.memory_space<vmem>>) target(%dma_start3A_77 : memref<1605632xf32, #tpu.memory_space<vmem_shared>>) offsets(%dma_start3A_75 : memref<128xi32, #tpu.memory_space<vmem>>) semaphore(%arg14 : memref<!tpu.dma_semaphore, #tpu.memory_space<semaphore_mem>>) {add = true}
      %dma_start3A_78 = arith.constant 3 : i32
      %dma_start3A_79 = arith.constant 384 : i32
      %dma_start3A_80 = tpu.memref_slice %arg9[%dma_start3A_79] : memref<1024xf32, #tpu.memory_space<vmem>> -> memref<128xf32, #tpu.memory_space<vmem>>
      %dma_start3A_81 = arith.constant 0 : i32
      %dma_start3A_82 = tpu.memref_slice %arg10[%dma_start3A_78, %dma_start3A_81] : memref<8x128xi32, #tpu.memory_space<vmem>> -> memref<1x128xi32, #tpu.memory_space<vmem>>
      %dma_start3A_83 = tpu.memref_squeeze %dma_start3A_82 : memref<1x128xi32, #tpu.memory_space<vmem>> -> memref<128xi32, #tpu.memory_space<vmem>>
      %dma_start3A_84 = arith.constant 0 : i32
      %dma_start3A_85 = tpu.memref_slice %arg12[%dma_start3A_84] : memref<1605632xf32, #tpu.memory_space<vmem_shared>> -> memref<1605632xf32, #tpu.memory_space<vmem_shared>>
      tpu.enqueue_indirect_dma source(%dma_start3A_80 : memref<128xf32, #tpu.memory_space<vmem>>) target(%dma_start3A_85 : memref<1605632xf32, #tpu.memory_space<vmem_shared>>) offsets(%dma_start3A_83 : memref<128xi32, #tpu.memory_space<vmem>>) semaphore(%arg14 : memref<!tpu.dma_semaphore, #tpu.memory_space<semaphore_mem>>) {add = true}
      %dma_start3A_86 = arith.constant 4 : i32
      %dma_start3A_87 = arith.constant 512 : i32
      %dma_start3A_88 = tpu.memref_slice %arg9[%dma_start3A_87] : memref<1024xf32, #tpu.memory_space<vmem>> -> memref<128xf32, #tpu.memory_space<vmem>>
      %dma_start3A_89 = arith.constant 0 : i32
      %dma_start3A_90 = tpu.memref_slice %arg10[%dma_start3A_86, %dma_start3A_89] : memref<8x128xi32, #tpu.memory_space<vmem>> -> memref<1x128xi32, #tpu.memory_space<vmem>>
      %dma_start3A_91 = tpu.memref_squeeze %dma_start3A_90 : memref<1x128xi32, #tpu.memory_space<vmem>> -> memref<128xi32, #tpu.memory_space<vmem>>
      %dma_start3A_92 = arith.constant 0 : i32
      %dma_start3A_93 = tpu.memref_slice %arg12[%dma_start3A_92] : memref<1605632xf32, #tpu.memory_space<vmem_shared>> -> memref<1605632xf32, #tpu.memory_space<vmem_shared>>
      tpu.enqueue_indirect_dma source(%dma_start3A_88 : memref<128xf32, #tpu.memory_space<vmem>>) target(%dma_start3A_93 : memref<1605632xf32, #tpu.memory_space<vmem_shared>>) offsets(%dma_start3A_91 : memref<128xi32, #tpu.memory_space<vmem>>) semaphore(%arg14 : memref<!tpu.dma_semaphore, #tpu.memory_space<semaphore_mem>>) {add = true}
      %dma_start3A_94 = arith.constant 5 : i32
      %dma_start3A_95 = arith.constant 640 : i32
      %dma_start3A_96 = tpu.memref_slice %arg9[%dma_start3A_95] : memref<1024xf32, #tpu.memory_space<vmem>> -> memref<128xf32, #tpu.memory_space<vmem>>
      %dma_start3A_97 = arith.constant 0 : i32
      %dma_start3A_98 = tpu.memref_slice %arg10[%dma_start3A_94, %dma_start3A_97] : memref<8x128xi32, #tpu.memory_space<vmem>> -> memref<1x128xi32, #tpu.memory_space<vmem>>
      %dma_start3A_99 = tpu.memref_squeeze %dma_start3A_98 : memref<1x128xi32, #tpu.memory_space<vmem>> -> memref<128xi32, #tpu.memory_space<vmem>>
      %dma_start3A_100 = arith.constant 0 : i32
      %dma_start3A_101 = tpu.memref_slice %arg12[%dma_start3A_100] : memref<1605632xf32, #tpu.memory_space<vmem_shared>> -> memref<1605632xf32, #tpu.memory_space<vmem_shared>>
      tpu.enqueue_indirect_dma source(%dma_start3A_96 : memref<128xf32, #tpu.memory_space<vmem>>) target(%dma_start3A_101 : memref<1605632xf32, #tpu.memory_space<vmem_shared>>) offsets(%dma_start3A_99 : memref<128xi32, #tpu.memory_space<vmem>>) semaphore(%arg14 : memref<!tpu.dma_semaphore, #tpu.memory_space<semaphore_mem>>) {add = true}
      %dma_start3A_102 = arith.constant 6 : i32
      %dma_start3A_103 = arith.constant 768 : i32
      %dma_start3A_104 = tpu.memref_slice %arg9[%dma_start3A_103] : memref<1024xf32, #tpu.memory_space<vmem>> -> memref<128xf32, #tpu.memory_space<vmem>>
      %dma_start3A_105 = arith.constant 0 : i32
      %dma_start3A_106 = tpu.memref_slice %arg10[%dma_start3A_102, %dma_start3A_105] : memref<8x128xi32, #tpu.memory_space<vmem>> -> memref<1x128xi32, #tpu.memory_space<vmem>>
      %dma_start3A_107 = tpu.memref_squeeze %dma_start3A_106 : memref<1x128xi32, #tpu.memory_space<vmem>> -> memref<128xi32, #tpu.memory_space<vmem>>
      %dma_start3A_108 = arith.constant 0 : i32
      %dma_start3A_109 = tpu.memref_slice %arg12[%dma_start3A_108] : memref<1605632xf32, #tpu.memory_space<vmem_shared>> -> memref<1605632xf32, #tpu.memory_space<vmem_shared>>
      tpu.enqueue_indirect_dma source(%dma_start3A_104 : memref<128xf32, #tpu.memory_space<vmem>>) target(%dma_start3A_109 : memref<1605632xf32, #tpu.memory_space<vmem_shared>>) offsets(%dma_start3A_107 : memref<128xi32, #tpu.memory_space<vmem>>) semaphore(%arg14 : memref<!tpu.dma_semaphore, #tpu.memory_space<semaphore_mem>>) {add = true}
      %dma_start3A_110 = arith.constant 7 : i32
      %dma_start3A_111 = arith.constant 896 : i32
      %dma_start3A_112 = tpu.memref_slice %arg9[%dma_start3A_111] : memref<1024xf32, #tpu.memory_space<vmem>> -> memref<128xf32, #tpu.memory_space<vmem>>
      %dma_start3A_113 = arith.constant 0 : i32
      %dma_start3A_114 = tpu.memref_slice %arg10[%dma_start3A_110, %dma_start3A_113] : memref<8x128xi32, #tpu.memory_space<vmem>> -> memref<1x128xi32, #tpu.memory_space<vmem>>
      %dma_start3A_115 = tpu.memref_squeeze %dma_start3A_114 : memref<1x128xi32, #tpu.memory_space<vmem>> -> memref<128xi32, #tpu.memory_space<vmem>>
      %dma_start3A_116 = arith.constant 0 : i32
      %dma_start3A_117 = tpu.memref_slice %arg12[%dma_start3A_116] : memref<1605632xf32, #tpu.memory_space<vmem_shared>> -> memref<1605632xf32, #tpu.memory_space<vmem_shared>>
      tpu.enqueue_indirect_dma source(%dma_start3A_112 : memref<128xf32, #tpu.memory_space<vmem>>) target(%dma_start3A_117 : memref<1605632xf32, #tpu.memory_space<vmem_shared>>) offsets(%dma_start3A_115 : memref<128xi32, #tpu.memory_space<vmem>>) semaphore(%arg14 : memref<!tpu.dma_semaphore, #tpu.memory_space<semaphore_mem>>) {add = true}
      %dma_wait3A_118 = arith.constant 0 : i32
      %dma_wait3A_119 = arith.constant 0 : i32
      %dma_wait3A_120 = tpu.memref_slice %arg9[%dma_wait3A_119] : memref<1024xf32, #tpu.memory_space<vmem>> -> memref<128xf32, #tpu.memory_space<vmem>>
      %dma_wait3A_121 = arith.constant 0 : i32
      %dma_wait3A_122 = tpu.memref_slice %arg10[%dma_wait3A_118, %dma_wait3A_121] : memref<8x128xi32, #tpu.memory_space<vmem>> -> memref<1x128xi32, #tpu.memory_space<vmem>>
      %dma_wait3A_123 = tpu.memref_squeeze %dma_wait3A_122 : memref<1x128xi32, #tpu.memory_space<vmem>> -> memref<128xi32, #tpu.memory_space<vmem>>
      %dma_wait3A_124 = arith.constant 0 : i32
      %dma_wait3A_125 = tpu.memref_slice %arg12[%dma_wait3A_124] : memref<1605632xf32, #tpu.memory_space<vmem_shared>> -> memref<1605632xf32, #tpu.memory_space<vmem_shared>>
      tpu.wait_indirect_dma semaphore(%arg14 : memref<!tpu.dma_semaphore, #tpu.memory_space<semaphore_mem>>) src(%dma_wait3A_120 : memref<128xf32, #tpu.memory_space<vmem>>) dst(%dma_wait3A_125 : memref<1605632xf32, #tpu.memory_space<vmem_shared>>)
      %dma_wait3A_126 = arith.constant 1 : i32
      %dma_wait3A_127 = arith.constant 128 : i32
      %dma_wait3A_128 = tpu.memref_slice %arg9[%dma_wait3A_127] : memref<1024xf32, #tpu.memory_space<vmem>> -> memref<128xf32, #tpu.memory_space<vmem>>
      %dma_wait3A_129 = arith.constant 0 : i32
      %dma_wait3A_130 = tpu.memref_slice %arg10[%dma_wait3A_126, %dma_wait3A_129] : memref<8x128xi32, #tpu.memory_space<vmem>> -> memref<1x128xi32, #tpu.memory_space<vmem>>
      %dma_wait3A_131 = tpu.memref_squeeze %dma_wait3A_130 : memref<1x128xi32, #tpu.memory_space<vmem>> -> memref<128xi32, #tpu.memory_space<vmem>>
      %dma_wait3A_132 = arith.constant 0 : i32
      %dma_wait3A_133 = tpu.memref_slice %arg12[%dma_wait3A_132] : memref<1605632xf32, #tpu.memory_space<vmem_shared>> -> memref<1605632xf32, #tpu.memory_space<vmem_shared>>
      tpu.wait_indirect_dma semaphore(%arg14 : memref<!tpu.dma_semaphore, #tpu.memory_space<semaphore_mem>>) src(%dma_wait3A_128 : memref<128xf32, #tpu.memory_space<vmem>>) dst(%dma_wait3A_133 : memref<1605632xf32, #tpu.memory_space<vmem_shared>>)
      %dma_wait3A_134 = arith.constant 2 : i32
      %dma_wait3A_135 = arith.constant 256 : i32
      %dma_wait3A_136 = tpu.memref_slice %arg9[%dma_wait3A_135] : memref<1024xf32, #tpu.memory_space<vmem>> -> memref<128xf32, #tpu.memory_space<vmem>>
      %dma_wait3A_137 = arith.constant 0 : i32
      %dma_wait3A_138 = tpu.memref_slice %arg10[%dma_wait3A_134, %dma_wait3A_137] : memref<8x128xi32, #tpu.memory_space<vmem>> -> memref<1x128xi32, #tpu.memory_space<vmem>>
      %dma_wait3A_139 = tpu.memref_squeeze %dma_wait3A_138 : memref<1x128xi32, #tpu.memory_space<vmem>> -> memref<128xi32, #tpu.memory_space<vmem>>
      %dma_wait3A_140 = arith.constant 0 : i32
      %dma_wait3A_141 = tpu.memref_slice %arg12[%dma_wait3A_140] : memref<1605632xf32, #tpu.memory_space<vmem_shared>> -> memref<1605632xf32, #tpu.memory_space<vmem_shared>>
      tpu.wait_indirect_dma semaphore(%arg14 : memref<!tpu.dma_semaphore, #tpu.memory_space<semaphore_mem>>) src(%dma_wait3A_136 : memref<128xf32, #tpu.memory_space<vmem>>) dst(%dma_wait3A_141 : memref<1605632xf32, #tpu.memory_space<vmem_shared>>)
      %dma_wait3A_142 = arith.constant 3 : i32
      %dma_wait3A_143 = arith.constant 384 : i32
      %dma_wait3A_144 = tpu.memref_slice %arg9[%dma_wait3A_143] : memref<1024xf32, #tpu.memory_space<vmem>> -> memref<128xf32, #tpu.memory_space<vmem>>
      %dma_wait3A_145 = arith.constant 0 : i32
      %dma_wait3A_146 = tpu.memref_slice %arg10[%dma_wait3A_142, %dma_wait3A_145] : memref<8x128xi32, #tpu.memory_space<vmem>> -> memref<1x128xi32, #tpu.memory_space<vmem>>
      %dma_wait3A_147 = tpu.memref_squeeze %dma_wait3A_146 : memref<1x128xi32, #tpu.memory_space<vmem>> -> memref<128xi32, #tpu.memory_space<vmem>>
      %dma_wait3A_148 = arith.constant 0 : i32
      %dma_wait3A_149 = tpu.memref_slice %arg12[%dma_wait3A_148] : memref<1605632xf32, #tpu.memory_space<vmem_shared>> -> memref<1605632xf32, #tpu.memory_space<vmem_shared>>
      tpu.wait_indirect_dma semaphore(%arg14 : memref<!tpu.dma_semaphore, #tpu.memory_space<semaphore_mem>>) src(%dma_wait3A_144 : memref<128xf32, #tpu.memory_space<vmem>>) dst(%dma_wait3A_149 : memref<1605632xf32, #tpu.memory_space<vmem_shared>>)
      %dma_wait3A_150 = arith.constant 4 : i32
      %dma_wait3A_151 = arith.constant 512 : i32
      %dma_wait3A_152 = tpu.memref_slice %arg9[%dma_wait3A_151] : memref<1024xf32, #tpu.memory_space<vmem>> -> memref<128xf32, #tpu.memory_space<vmem>>
      %dma_wait3A_153 = arith.constant 0 : i32
      %dma_wait3A_154 = tpu.memref_slice %arg10[%dma_wait3A_150, %dma_wait3A_153] : memref<8x128xi32, #tpu.memory_space<vmem>> -> memref<1x128xi32, #tpu.memory_space<vmem>>
      %dma_wait3A_155 = tpu.memref_squeeze %dma_wait3A_154 : memref<1x128xi32, #tpu.memory_space<vmem>> -> memref<128xi32, #tpu.memory_space<vmem>>
      %dma_wait3A_156 = arith.constant 0 : i32
      %dma_wait3A_157 = tpu.memref_slice %arg12[%dma_wait3A_156] : memref<1605632xf32, #tpu.memory_space<vmem_shared>> -> memref<1605632xf32, #tpu.memory_space<vmem_shared>>
      tpu.wait_indirect_dma semaphore(%arg14 : memref<!tpu.dma_semaphore, #tpu.memory_space<semaphore_mem>>) src(%dma_wait3A_152 : memref<128xf32, #tpu.memory_space<vmem>>) dst(%dma_wait3A_157 : memref<1605632xf32, #tpu.memory_space<vmem_shared>>)
      %dma_wait3A_158 = arith.constant 5 : i32
      %dma_wait3A_159 = arith.constant 640 : i32
      %dma_wait3A_160 = tpu.memref_slice %arg9[%dma_wait3A_159] : memref<1024xf32, #tpu.memory_space<vmem>> -> memref<128xf32, #tpu.memory_space<vmem>>
      %dma_wait3A_161 = arith.constant 0 : i32
      %dma_wait3A_162 = tpu.memref_slice %arg10[%dma_wait3A_158, %dma_wait3A_161] : memref<8x128xi32, #tpu.memory_space<vmem>> -> memref<1x128xi32, #tpu.memory_space<vmem>>
      %dma_wait3A_163 = tpu.memref_squeeze %dma_wait3A_162 : memref<1x128xi32, #tpu.memory_space<vmem>> -> memref<128xi32, #tpu.memory_space<vmem>>
      %dma_wait3A_164 = arith.constant 0 : i32
      %dma_wait3A_165 = tpu.memref_slice %arg12[%dma_wait3A_164] : memref<1605632xf32, #tpu.memory_space<vmem_shared>> -> memref<1605632xf32, #tpu.memory_space<vmem_shared>>
      tpu.wait_indirect_dma semaphore(%arg14 : memref<!tpu.dma_semaphore, #tpu.memory_space<semaphore_mem>>) src(%dma_wait3A_160 : memref<128xf32, #tpu.memory_space<vmem>>) dst(%dma_wait3A_165 : memref<1605632xf32, #tpu.memory_space<vmem_shared>>)
      %dma_wait3A_166 = arith.constant 6 : i32
      %dma_wait3A_167 = arith.constant 768 : i32
      %dma_wait3A_168 = tpu.memref_slice %arg9[%dma_wait3A_167] : memref<1024xf32, #tpu.memory_space<vmem>> -> memref<128xf32, #tpu.memory_space<vmem>>
      %dma_wait3A_169 = arith.constant 0 : i32
      %dma_wait3A_170 = tpu.memref_slice %arg10[%dma_wait3A_166, %dma_wait3A_169] : memref<8x128xi32, #tpu.memory_space<vmem>> -> memref<1x128xi32, #tpu.memory_space<vmem>>
      %dma_wait3A_171 = tpu.memref_squeeze %dma_wait3A_170 : memref<1x128xi32, #tpu.memory_space<vmem>> -> memref<128xi32, #tpu.memory_space<vmem>>
      %dma_wait3A_172 = arith.constant 0 : i32
      %dma_wait3A_173 = tpu.memref_slice %arg12[%dma_wait3A_172] : memref<1605632xf32, #tpu.memory_space<vmem_shared>> -> memref<1605632xf32, #tpu.memory_space<vmem_shared>>
      tpu.wait_indirect_dma semaphore(%arg14 : memref<!tpu.dma_semaphore, #tpu.memory_space<semaphore_mem>>) src(%dma_wait3A_168 : memref<128xf32, #tpu.memory_space<vmem>>) dst(%dma_wait3A_173 : memref<1605632xf32, #tpu.memory_space<vmem_shared>>)
      %dma_wait3A_174 = arith.constant 7 : i32
      %dma_wait3A_175 = arith.constant 896 : i32
      %dma_wait3A_176 = tpu.memref_slice %arg9[%dma_wait3A_175] : memref<1024xf32, #tpu.memory_space<vmem>> -> memref<128xf32, #tpu.memory_space<vmem>>
      %dma_wait3A_177 = arith.constant 0 : i32
      %dma_wait3A_178 = tpu.memref_slice %arg10[%dma_wait3A_174, %dma_wait3A_177] : memref<8x128xi32, #tpu.memory_space<vmem>> -> memref<1x128xi32, #tpu.memory_space<vmem>>
      %dma_wait3A_179 = tpu.memref_squeeze %dma_wait3A_178 : memref<1x128xi32, #tpu.memory_space<vmem>> -> memref<128xi32, #tpu.memory_space<vmem>>
      %dma_wait3A_180 = arith.constant 0 : i32
      %dma_wait3A_181 = tpu.memref_slice %arg12[%dma_wait3A_180] : memref<1605632xf32, #tpu.memory_space<vmem_shared>> -> memref<1605632xf32, #tpu.memory_space<vmem_shared>>
      tpu.wait_indirect_dma semaphore(%arg14 : memref<!tpu.dma_semaphore, #tpu.memory_space<semaphore_mem>>) src(%dma_wait3A_176 : memref<128xf32, #tpu.memory_space<vmem>>) dst(%dma_wait3A_181 : memref<1605632xf32, #tpu.memory_space<vmem_shared>>)
      %scan3A_182 = arith.constant 0 : i32
      scf.yield %scan3A_182 : i32
    }
    %scan3A_20 = arith.constant 1568 : i32
    %barrier3A_21 = arith.constant 0 : index
    tpu.barrier barrier_id(%barrier3A_21)
    %mul3A_22 = arith.constant 100352 : i32
    %mul3A_23 = arith.muli %arg1, %mul3A_22 : i32
    %mul3A_24 = arith.constant 100352 : i32
    %mul3A_25 = arith.muli %arg0, %mul3A_24 : i32
    %mul3A_26 = arith.constant 16 : i32
    %mul3A_27 = arith.muli %mul3A_25, %mul3A_26 : i32
    %mul3A_28 = arith.constant 100352 : i32
    %mul3A_29 = arith.muli %arg1, %mul3A_28 : i32
    %add3A = arith.addi %mul3A_27, %mul3A_29 : i32
    "tpu.region"() ({
      %run_scoped3A = tpu.sem_alloc : memref<!tpu.dma_semaphore, #tpu.memory_space<semaphore_mem>>
      %dma_start3A = tpu.memref_slice %arg5[%add3A] : memref<3211264xf32, #tpu.memory_space<hbm>> -> memref<100352xf32, #tpu.memory_space<hbm>>
      %dma_start3A_30 = tpu.memref_slice %arg12[%mul3A_23] : memref<1605632xf32, #tpu.memory_space<vmem_shared>> -> memref<100352xf32, #tpu.memory_space<vmem_shared>>
      tpu.enqueue_dma source(%dma_start3A_30 : memref<100352xf32, #tpu.memory_space<vmem_shared>>) target(%dma_start3A : memref<100352xf32, #tpu.memory_space<hbm>>) target_semaphore(%run_scoped3A : memref<!tpu.dma_semaphore, #tpu.memory_space<semaphore_mem>>)
      %dma_wait3A = tpu.memref_slice %arg5[%add3A] : memref<3211264xf32, #tpu.memory_space<hbm>> -> memref<100352xf32, #tpu.memory_space<hbm>>
      %dma_wait3A_31 = tpu.memref_slice %arg12[%mul3A_23] : memref<1605632xf32, #tpu.memory_space<vmem_shared>> -> memref<100352xf32, #tpu.memory_space<vmem_shared>>
      tpu.wait_dma2 semaphore(%run_scoped3A : memref<!tpu.dma_semaphore, #tpu.memory_space<semaphore_mem>>) src(%dma_wait3A_31 : memref<100352xf32, #tpu.memory_space<vmem_shared>>) dst(%dma_wait3A : memref<100352xf32, #tpu.memory_space<hbm>>)
      tpu.yield
    }) : () -> ()
    return
  }
}

#map = affine_map<(d0, d1) -> (0, 0)>
#map1 = affine_map<(d0, d1) -> (0)>
module attributes {stable_mosaic.version = 14 : i64} {
  func.func @_prop_kernel(%arg0: i32, %arg1: i32, %arg2: memref<25088x64xi32, #tpu.memory_space<hbm>>, %arg3: memref<200704x128xi32, #tpu.memory_space<hbm>>, %arg4: memref<100352x128xf32, #tpu.memory_space<hbm>>, %arg5: memref<3211264xf32, #tpu.memory_space<hbm>>, %arg6: memref<1x64xi32, #tpu.memory_space<vmem>>, %arg7: memref<1x64xi32, #tpu.memory_space<vmem>>, %arg8: memref<64x128xf32, #tpu.memory_space<vmem>>, %arg9: memref<1024xf32, #tpu.memory_space<vmem>>, %arg10: memref<8x128xi32, #tpu.memory_space<vmem>>, %arg11: memref<1024xf32, #tpu.memory_space<vmem>>, %arg12: memref<1605632xf32, #tpu.memory_space<vmem_shared>>, %arg13: memref<!tpu.dma_semaphore, #tpu.memory_space<semaphore_mem>>, %arg14: memref<!tpu.dma_semaphore, #tpu.memory_space<semaphore_mem>>) attributes {dimension_semantics = [#tpu.dimension_semantics<core_parallel>, #tpu.dimension_semantics<subcore_parallel>], iteration_bounds = array<i64: 2, 16>, scalar_prefetch = 0 : i64, scratch_operands = 9 : i64, tpu.core_type = #tpu.core_type<sc_vector_subcore>, window_params = [{transform_indices = #map}, {transform_indices = #map}, {transform_indices = #map}, {transform_indices = #map1}]} {
    %scan3A = arith.constant 0 : i32
    %scan3A_0 = arith.constant 0 : i32
    %scan3A_1 = arith.constant 64 : i32
    %scan3A_2 = arith.addi %scan3A_0, %scan3A_1 : i32
    %scan3A_3 = arith.constant 1 : i32
    %scan3A_4 = scf.for %scan3A_30 = %scan3A_0 to %scan3A_2 step %scan3A_3 iter_args(%scan3A_31 = %scan3A) -> (i32)  : i32 {
      %broadcast_in_dim3A = arith.constant 0.000000e+00 : f32
      %broadcast_in_dim3A_32 = vector.broadcast %broadcast_in_dim3A : f32 to vector<16xf32>
      %mul3A_33 = arith.constant 16 : i32
      %mul3A_34 = arith.muli %scan3A_30, %mul3A_33 : i32
      %swap3A = arith.index_cast %mul3A_34 : i32 to index
      %swap3A_35 = tpu.vector_load %arg11[%swap3A] {strides = array<i32>} : memref<1024xf32, #tpu.memory_space<vmem>>, vector<16xf32>,
      %swap3A_36 = vector.shape_cast %swap3A_35 : vector<16xf32> to vector<16xf32>
      %swap3A_37 = vector.shape_cast %broadcast_in_dim3A_32 : vector<16xf32> to vector<16xf32>
      tpu.vector_store %arg11[%swap3A], %swap3A_37 {strides = array<i32>} : memref<1024xf32, #tpu.memory_space<vmem>>, vector<16xf32>,
      %scan3A_38 = arith.constant 0 : i32
      scf.yield %scan3A_38 : i32
    }
    %scan3A_5 = arith.constant 64 : i32
    %scan3A_6 = arith.constant 0 : i32
    %scan3A_7 = arith.constant 0 : i32
    %scan3A_8 = arith.constant 98 : i32
    %scan3A_9 = arith.addi %scan3A_7, %scan3A_8 : i32
    %scan3A_10 = arith.constant 1 : i32
    %scan3A_11 = scf.for %scan3A_30 = %scan3A_7 to %scan3A_9 step %scan3A_10 iter_args(%scan3A_31 = %scan3A_6) -> (i32)  : i32 {
      %mul3A_32 = arith.constant 100352 : i32
      %mul3A_33 = arith.muli %arg1, %mul3A_32 : i32
      %mul3A_34 = arith.constant 1024 : i32
      %mul3A_35 = arith.muli %scan3A_30, %mul3A_34 : i32
      %add3A_36 = arith.addi %mul3A_33, %mul3A_35 : i32
      "tpu.region"() ({
        %run_scoped3A = tpu.sem_alloc : memref<!tpu.dma_semaphore, #tpu.memory_space<semaphore_mem>>
        %dma_start3A = tpu.memref_slice %arg12[%add3A_36] : memref<1605632xf32, #tpu.memory_space<vmem_shared>> -> memref<1024xf32, #tpu.memory_space<vmem_shared>>
        %dma_start3A_38 = tpu.memref_slice %arg12[%add3A_36] : memref<1605632xf32, #tpu.memory_space<vmem_shared>> -> memref<1024xf32, #tpu.memory_space<vmem_shared>>
        tpu.enqueue_dma source(%arg11 : memref<1024xf32, #tpu.memory_space<vmem>>) target(%dma_start3A_38 : memref<1024xf32, #tpu.memory_space<vmem_shared>>) target_semaphore(%run_scoped3A : memref<!tpu.dma_semaphore, #tpu.memory_space<semaphore_mem>>)
        %dma_wait3A = tpu.memref_slice %arg12[%add3A_36] : memref<1605632xf32, #tpu.memory_space<vmem_shared>> -> memref<1024xf32, #tpu.memory_space<vmem_shared>>
        %dma_wait3A_39 = tpu.memref_slice %arg12[%add3A_36] : memref<1605632xf32, #tpu.memory_space<vmem_shared>> -> memref<1024xf32, #tpu.memory_space<vmem_shared>>
        tpu.wait_dma2 semaphore(%run_scoped3A : memref<!tpu.dma_semaphore, #tpu.memory_space<semaphore_mem>>) src(%arg11 : memref<1024xf32, #tpu.memory_space<vmem>>) dst(%dma_wait3A_39 : memref<1024xf32, #tpu.memory_space<vmem_shared>>)
        tpu.yield
      }) : () -> ()
      %scan3A_37 = arith.constant 0 : i32
      scf.yield %scan3A_37 : i32
    }
    %scan3A_12 = arith.constant 98 : i32
    %barrier3A = arith.constant 0 : index
    tpu.barrier barrier_id(%barrier3A)
    %mul3A = arith.constant 1568 : i32
    %mul3A_13 = arith.muli %arg1, %mul3A : i32
    %scan3A_14 = arith.constant 0 : i32
    %scan3A_15 = arith.constant 0 : i32
    %scan3A_16 = arith.constant 1568 : i32
    %scan3A_17 = arith.addi %scan3A_15, %scan3A_16 : i32
    %scan3A_18 = arith.constant 1 : i32
    %scan3A_19 = scf.for %scan3A_30 = %scan3A_15 to %scan3A_17 step %scan3A_18 iter_args(%scan3A_31 = %scan3A_14) -> (i32)  : i32 {
      %add3A_32 = arith.addi %mul3A_13, %scan3A_30 : i32
      "tpu.region"() ({
        %run_scoped3A = tpu.sem_alloc : memref<!tpu.dma_semaphore, #tpu.memory_space<semaphore_mem>>
        %dma_start3A_183 = arith.constant 0 : i32
        %dma_start3A_184 = tpu.memref_slice %arg2[%add3A_32, %dma_start3A_183] : memref<25088x64xi32, #tpu.memory_space<hbm>> -> memref<1x64xi32, #tpu.memory_space<hbm>>
        %dma_start3A_185 = arith.constant 0 : i32
        %dma_start3A_186 = tpu.memref_slice %arg2[%add3A_32, %dma_start3A_185] : memref<25088x64xi32, #tpu.memory_space<hbm>> -> memref<1x64xi32, #tpu.memory_space<hbm>>
        tpu.enqueue_dma source(%dma_start3A_186 : memref<1x64xi32, #tpu.memory_space<hbm>>) target(%arg6 : memref<1x64xi32, #tpu.memory_space<vmem>>) target_semaphore(%run_scoped3A : memref<!tpu.dma_semaphore, #tpu.memory_space<semaphore_mem>>)
        %dma_wait3A_187 = arith.constant 0 : i32
        %dma_wait3A_188 = tpu.memref_slice %arg2[%add3A_32, %dma_wait3A_187] : memref<25088x64xi32, #tpu.memory_space<hbm>> -> memref<1x64xi32, #tpu.memory_space<hbm>>
        %dma_wait3A_189 = arith.constant 0 : i32
        %dma_wait3A_190 = tpu.memref_slice %arg2[%add3A_32, %dma_wait3A_189] : memref<25088x64xi32, #tpu.memory_space<hbm>> -> memref<1x64xi32, #tpu.memory_space<hbm>>
        tpu.wait_dma2 semaphore(%run_scoped3A : memref<!tpu.dma_semaphore, #tpu.memory_space<semaphore_mem>>) src(%dma_wait3A_190 : memref<1x64xi32, #tpu.memory_space<hbm>>) dst(%arg6 : memref<1x64xi32, #tpu.memory_space<vmem>>)
        tpu.yield
      }) : () -> ()
      %mul3A_33 = arith.constant 8 : i32
      %mul3A_34 = arith.muli %add3A_32, %mul3A_33 : i32
      "tpu.region"() ({
        %run_scoped3A = tpu.sem_alloc : memref<!tpu.dma_semaphore, #tpu.memory_space<semaphore_mem>>
        %dma_start3A_183 = arith.constant 0 : i32
        %dma_start3A_184 = tpu.memref_slice %arg3[%mul3A_34, %dma_start3A_183] : memref<200704x128xi32, #tpu.memory_space<hbm>> -> memref<8x128xi32, #tpu.memory_space<hbm>>
        %dma_start3A_185 = arith.constant 0 : i32
        %dma_start3A_186 = tpu.memref_slice %arg3[%mul3A_34, %dma_start3A_185] : memref<200704x128xi32, #tpu.memory_space<hbm>> -> memref<8x128xi32, #tpu.memory_space<hbm>>
        tpu.enqueue_dma source(%dma_start3A_186 : memref<8x128xi32, #tpu.memory_space<hbm>>) target(%arg10 : memref<8x128xi32, #tpu.memory_space<vmem>>) target_semaphore(%run_scoped3A : memref<!tpu.dma_semaphore, #tpu.memory_space<semaphore_mem>>)
        %dma_wait3A_187 = arith.constant 0 : i32
        %dma_wait3A_188 = tpu.memref_slice %arg3[%mul3A_34, %dma_wait3A_187] : memref<200704x128xi32, #tpu.memory_space<hbm>> -> memref<8x128xi32, #tpu.memory_space<hbm>>
        %dma_wait3A_189 = arith.constant 0 : i32
        %dma_wait3A_190 = tpu.memref_slice %arg3[%mul3A_34, %dma_wait3A_189] : memref<200704x128xi32, #tpu.memory_space<hbm>> -> memref<8x128xi32, #tpu.memory_space<hbm>>
        tpu.wait_dma2 semaphore(%run_scoped3A : memref<!tpu.dma_semaphore, #tpu.memory_space<semaphore_mem>>) src(%dma_wait3A_190 : memref<8x128xi32, #tpu.memory_space<hbm>>) dst(%arg10 : memref<8x128xi32, #tpu.memory_space<vmem>>)
        tpu.yield
      }) : () -> ()
      %dma_start3A = arith.constant 0 : i32
      %dma_start3A_35 = arith.constant 0 : i32
      %dma_start3A_36 = tpu.memref_slice %arg6[%dma_start3A, %dma_start3A_35] : memref<1x64xi32, #tpu.memory_space<vmem>> -> memref<1x64xi32, #tpu.memory_space<vmem>>
      %dma_start3A_37 = tpu.memref_squeeze %dma_start3A_36 : memref<1x64xi32, #tpu.memory_space<vmem>> -> memref<64xi32, #tpu.memory_space<vmem>>
      %dma_start3A_38 = arith.constant 0 : i32
      %dma_start3A_39 = arith.constant 0 : i32
      %dma_start3A_40 = tpu.memref_slice %arg4[%dma_start3A_38, %dma_start3A_39] : memref<100352x128xf32, #tpu.memory_space<hbm>> -> memref<100352x128xf32, #tpu.memory_space<hbm>>
      tpu.enqueue_indirect_dma source(%dma_start3A_40 : memref<100352x128xf32, #tpu.memory_space<hbm>>) target(%arg8 : memref<64x128xf32, #tpu.memory_space<vmem>>) offsets(%dma_start3A_37 : memref<64xi32, #tpu.memory_space<vmem>>) semaphore(%arg13 : memref<!tpu.dma_semaphore, #tpu.memory_space<semaphore_mem>>)
      %dma_wait3A = arith.constant 0 : i32
      %dma_wait3A_41 = arith.constant 0 : i32
      %dma_wait3A_42 = tpu.memref_slice %arg6[%dma_wait3A, %dma_wait3A_41] : memref<1x64xi32, #tpu.memory_space<vmem>> -> memref<1x64xi32, #tpu.memory_space<vmem>>
      %dma_wait3A_43 = tpu.memref_squeeze %dma_wait3A_42 : memref<1x64xi32, #tpu.memory_space<vmem>> -> memref<64xi32, #tpu.memory_space<vmem>>
      %dma_wait3A_44 = arith.constant 0 : i32
      %dma_wait3A_45 = arith.constant 0 : i32
      %dma_wait3A_46 = tpu.memref_slice %arg4[%dma_wait3A_44, %dma_wait3A_45] : memref<100352x128xf32, #tpu.memory_space<hbm>> -> memref<100352x128xf32, #tpu.memory_space<hbm>>
      tpu.wait_indirect_dma semaphore(%arg13 : memref<!tpu.dma_semaphore, #tpu.memory_space<semaphore_mem>>) src(%dma_wait3A_46 : memref<100352x128xf32, #tpu.memory_space<hbm>>) dst(%arg8 : memref<64x128xf32, #tpu.memory_space<vmem>>)
      %eq3A = arith.constant 0 : i32
      %eq3A_47 = arith.cmpi eq, %arg0, %eq3A : i32
      %convert_element_type3A = arith.extui %eq3A_47 : i1 to i32
      %cond3A = arith.constant 0 : i32
      %cond3A_48 = arith.cmpi ne, %convert_element_type3A, %cond3A : i32
      scf.if %cond3A_48 {
        %get3A = arith.constant 0 : i32
        %get3A_183 = arith.index_cast %get3A : i32 to index
        %get3A_184 = arith.constant 0 : index
        %get3A_185 = tpu.vector_load %arg8[%get3A_183, %get3A_184] {strides = array<i32>} : memref<64x128xf32, #tpu.memory_space<vmem>>, vector<1x16xf32>,
        %get3A_186 = vector.shape_cast %get3A_185 : vector<1x16xf32> to vector<16xf32>
        %swap3A = arith.constant 0 : index
        %swap3A_187 = tpu.vector_load %arg9[%swap3A] {strides = array<i32>} : memref<1024xf32, #tpu.memory_space<vmem>>, vector<16xf32>,
        %swap3A_188 = vector.shape_cast %swap3A_187 : vector<16xf32> to vector<16xf32>
        %swap3A_189 = vector.shape_cast %get3A_186 : vector<16xf32> to vector<16xf32>
        tpu.vector_store %arg9[%swap3A], %swap3A_189 {strides = array<i32>} : memref<1024xf32, #tpu.memory_space<vmem>>, vector<16xf32>,
        %get3A_190 = arith.constant 1 : i32
        %get3A_191 = arith.index_cast %get3A_190 : i32 to index
        %get3A_192 = arith.constant 0 : index
        %get3A_193 = tpu.vector_load %arg8[%get3A_191, %get3A_192] {strides = array<i32>} : memref<64x128xf32, #tpu.memory_space<vmem>>, vector<1x16xf32>,
        %get3A_194 = vector.shape_cast %get3A_193 : vector<1x16xf32> to vector<16xf32>
        %swap3A_195 = arith.constant 16 : index
        %swap3A_196 = tpu.vector_load %arg9[%swap3A_195] {strides = array<i32>} : memref<1024xf32, #tpu.memory_space<vmem>>, vector<16xf32>,
        %swap3A_197 = vector.shape_cast %swap3A_196 : vector<16xf32> to vector<16xf32>
        %swap3A_198 = vector.shape_cast %get3A_194 : vector<16xf32> to vector<16xf32>
        tpu.vector_store %arg9[%swap3A_195], %swap3A_198 {strides = array<i32>} : memref<1024xf32, #tpu.memory_space<vmem>>, vector<16xf32>,
        %get3A_199 = arith.constant 2 : i32
        %get3A_200 = arith.index_cast %get3A_199 : i32 to index
        %get3A_201 = arith.constant 0 : index
        %get3A_202 = tpu.vector_load %arg8[%get3A_200, %get3A_201] {strides = array<i32>} : memref<64x128xf32, #tpu.memory_space<vmem>>, vector<1x16xf32>,
        %get3A_203 = vector.shape_cast %get3A_202 : vector<1x16xf32> to vector<16xf32>
        %swap3A_204 = arith.constant 32 : index
        %swap3A_205 = tpu.vector_load %arg9[%swap3A_204] {strides = array<i32>} : memref<1024xf32, #tpu.memory_space<vmem>>, vector<16xf32>,
        %swap3A_206 = vector.shape_cast %swap3A_205 : vector<16xf32> to vector<16xf32>
        %swap3A_207 = vector.shape_cast %get3A_203 : vector<16xf32> to vector<16xf32>
        tpu.vector_store %arg9[%swap3A_204], %swap3A_207 {strides = array<i32>} : memref<1024xf32, #tpu.memory_space<vmem>>, vector<16xf32>,
        %get3A_208 = arith.constant 3 : i32
        %get3A_209 = arith.index_cast %get3A_208 : i32 to index
        %get3A_210 = arith.constant 0 : index
        %get3A_211 = tpu.vector_load %arg8[%get3A_209, %get3A_210] {strides = array<i32>} : memref<64x128xf32, #tpu.memory_space<vmem>>, vector<1x16xf32>,
        %get3A_212 = vector.shape_cast %get3A_211 : vector<1x16xf32> to vector<16xf32>
        %swap3A_213 = arith.constant 48 : index
        %swap3A_214 = tpu.vector_load %arg9[%swap3A_213] {strides = array<i32>} : memref<1024xf32, #tpu.memory_space<vmem>>, vector<16xf32>,
        %swap3A_215 = vector.shape_cast %swap3A_214 : vector<16xf32> to vector<16xf32>
        %swap3A_216 = vector.shape_cast %get3A_212 : vector<16xf32> to vector<16xf32>
        tpu.vector_store %arg9[%swap3A_213], %swap3A_216 {strides = array<i32>} : memref<1024xf32, #tpu.memory_space<vmem>>, vector<16xf32>,
        %get3A_217 = arith.constant 4 : i32
        %get3A_218 = arith.index_cast %get3A_217 : i32 to index
        %get3A_219 = arith.constant 0 : index
        %get3A_220 = tpu.vector_load %arg8[%get3A_218, %get3A_219] {strides = array<i32>} : memref<64x128xf32, #tpu.memory_space<vmem>>, vector<1x16xf32>,
        %get3A_221 = vector.shape_cast %get3A_220 : vector<1x16xf32> to vector<16xf32>
        %swap3A_222 = arith.constant 64 : index
        %swap3A_223 = tpu.vector_load %arg9[%swap3A_222] {strides = array<i32>} : memref<1024xf32, #tpu.memory_space<vmem>>, vector<16xf32>,
        %swap3A_224 = vector.shape_cast %swap3A_223 : vector<16xf32> to vector<16xf32>
        %swap3A_225 = vector.shape_cast %get3A_221 : vector<16xf32> to vector<16xf32>
        tpu.vector_store %arg9[%swap3A_222], %swap3A_225 {strides = array<i32>} : memref<1024xf32, #tpu.memory_space<vmem>>, vector<16xf32>,
        %get3A_226 = arith.constant 5 : i32
        %get3A_227 = arith.index_cast %get3A_226 : i32 to index
        %get3A_228 = arith.constant 0 : index
        %get3A_229 = tpu.vector_load %arg8[%get3A_227, %get3A_228] {strides = array<i32>} : memref<64x128xf32, #tpu.memory_space<vmem>>, vector<1x16xf32>,
        %get3A_230 = vector.shape_cast %get3A_229 : vector<1x16xf32> to vector<16xf32>
        %swap3A_231 = arith.constant 80 : index
        %swap3A_232 = tpu.vector_load %arg9[%swap3A_231] {strides = array<i32>} : memref<1024xf32, #tpu.memory_space<vmem>>, vector<16xf32>,
        %swap3A_233 = vector.shape_cast %swap3A_232 : vector<16xf32> to vector<16xf32>
        %swap3A_234 = vector.shape_cast %get3A_230 : vector<16xf32> to vector<16xf32>
        tpu.vector_store %arg9[%swap3A_231], %swap3A_234 {strides = array<i32>} : memref<1024xf32, #tpu.memory_space<vmem>>, vector<16xf32>,
        %get3A_235 = arith.constant 6 : i32
        %get3A_236 = arith.index_cast %get3A_235 : i32 to index
        %get3A_237 = arith.constant 0 : index
        %get3A_238 = tpu.vector_load %arg8[%get3A_236, %get3A_237] {strides = array<i32>} : memref<64x128xf32, #tpu.memory_space<vmem>>, vector<1x16xf32>,
        %get3A_239 = vector.shape_cast %get3A_238 : vector<1x16xf32> to vector<16xf32>
        %swap3A_240 = arith.constant 96 : index
        %swap3A_241 = tpu.vector_load %arg9[%swap3A_240] {strides = array<i32>} : memref<1024xf32, #tpu.memory_space<vmem>>, vector<16xf32>,
        %swap3A_242 = vector.shape_cast %swap3A_241 : vector<16xf32> to vector<16xf32>
        %swap3A_243 = vector.shape_cast %get3A_239 : vector<16xf32> to vector<16xf32>
        tpu.vector_store %arg9[%swap3A_240], %swap3A_243 {strides = array<i32>} : memref<1024xf32, #tpu.memory_space<vmem>>, vector<16xf32>,
        %get3A_244 = arith.constant 7 : i32
        %get3A_245 = arith.index_cast %get3A_244 : i32 to index
        %get3A_246 = arith.constant 0 : index
        %get3A_247 = tpu.vector_load %arg8[%get3A_245, %get3A_246] {strides = array<i32>} : memref<64x128xf32, #tpu.memory_space<vmem>>, vector<1x16xf32>,
        %get3A_248 = vector.shape_cast %get3A_247 : vector<1x16xf32> to vector<16xf32>
        %swap3A_249 = arith.constant 112 : index
        %swap3A_250 = tpu.vector_load %arg9[%swap3A_249] {strides = array<i32>} : memref<1024xf32, #tpu.memory_space<vmem>>, vector<16xf32>,
        %swap3A_251 = vector.shape_cast %swap3A_250 : vector<16xf32> to vector<16xf32>
        %swap3A_252 = vector.shape_cast %get3A_248 : vector<16xf32> to vector<16xf32>
        tpu.vector_store %arg9[%swap3A_249], %swap3A_252 {strides = array<i32>} : memref<1024xf32, #tpu.memory_space<vmem>>, vector<16xf32>,
        %get3A_253 = arith.constant 8 : i32
        %get3A_254 = arith.index_cast %get3A_253 : i32 to index
        %get3A_255 = arith.constant 0 : index
        %get3A_256 = tpu.vector_load %arg8[%get3A_254, %get3A_255] {strides = array<i32>} : memref<64x128xf32, #tpu.memory_space<vmem>>, vector<1x16xf32>,
        %get3A_257 = vector.shape_cast %get3A_256 : vector<1x16xf32> to vector<16xf32>
        %swap3A_258 = arith.constant 128 : index
        %swap3A_259 = tpu.vector_load %arg9[%swap3A_258] {strides = array<i32>} : memref<1024xf32, #tpu.memory_space<vmem>>, vector<16xf32>,
        %swap3A_260 = vector.shape_cast %swap3A_259 : vector<16xf32> to vector<16xf32>
        %swap3A_261 = vector.shape_cast %get3A_257 : vector<16xf32> to vector<16xf32>
        tpu.vector_store %arg9[%swap3A_258], %swap3A_261 {strides = array<i32>} : memref<1024xf32, #tpu.memory_space<vmem>>, vector<16xf32>,
        %get3A_262 = arith.constant 9 : i32
        %get3A_263 = arith.index_cast %get3A_262 : i32 to index
        %get3A_264 = arith.constant 0 : index
        %get3A_265 = tpu.vector_load %arg8[%get3A_263, %get3A_264] {strides = array<i32>} : memref<64x128xf32, #tpu.memory_space<vmem>>, vector<1x16xf32>,
        %get3A_266 = vector.shape_cast %get3A_265 : vector<1x16xf32> to vector<16xf32>
        %swap3A_267 = arith.constant 144 : index
        %swap3A_268 = tpu.vector_load %arg9[%swap3A_267] {strides = array<i32>} : memref<1024xf32, #tpu.memory_space<vmem>>, vector<16xf32>,
        %swap3A_269 = vector.shape_cast %swap3A_268 : vector<16xf32> to vector<16xf32>
        %swap3A_270 = vector.shape_cast %get3A_266 : vector<16xf32> to vector<16xf32>
        tpu.vector_store %arg9[%swap3A_267], %swap3A_270 {strides = array<i32>} : memref<1024xf32, #tpu.memory_space<vmem>>, vector<16xf32>,
        %get3A_271 = arith.constant 10 : i32
        %get3A_272 = arith.index_cast %get3A_271 : i32 to index
        %get3A_273 = arith.constant 0 : index
        %get3A_274 = tpu.vector_load %arg8[%get3A_272, %get3A_273] {strides = array<i32>} : memref<64x128xf32, #tpu.memory_space<vmem>>, vector<1x16xf32>,
        %get3A_275 = vector.shape_cast %get3A_274 : vector<1x16xf32> to vector<16xf32>
        %swap3A_276 = arith.constant 160 : index
        %swap3A_277 = tpu.vector_load %arg9[%swap3A_276] {strides = array<i32>} : memref<1024xf32, #tpu.memory_space<vmem>>, vector<16xf32>,
        %swap3A_278 = vector.shape_cast %swap3A_277 : vector<16xf32> to vector<16xf32>
        %swap3A_279 = vector.shape_cast %get3A_275 : vector<16xf32> to vector<16xf32>
        tpu.vector_store %arg9[%swap3A_276], %swap3A_279 {strides = array<i32>} : memref<1024xf32, #tpu.memory_space<vmem>>, vector<16xf32>,
        %get3A_280 = arith.constant 11 : i32
        %get3A_281 = arith.index_cast %get3A_280 : i32 to index
        %get3A_282 = arith.constant 0 : index
        %get3A_283 = tpu.vector_load %arg8[%get3A_281, %get3A_282] {strides = array<i32>} : memref<64x128xf32, #tpu.memory_space<vmem>>, vector<1x16xf32>,
        %get3A_284 = vector.shape_cast %get3A_283 : vector<1x16xf32> to vector<16xf32>
        %swap3A_285 = arith.constant 176 : index
        %swap3A_286 = tpu.vector_load %arg9[%swap3A_285] {strides = array<i32>} : memref<1024xf32, #tpu.memory_space<vmem>>, vector<16xf32>,
        %swap3A_287 = vector.shape_cast %swap3A_286 : vector<16xf32> to vector<16xf32>
        %swap3A_288 = vector.shape_cast %get3A_284 : vector<16xf32> to vector<16xf32>
        tpu.vector_store %arg9[%swap3A_285], %swap3A_288 {strides = array<i32>} : memref<1024xf32, #tpu.memory_space<vmem>>, vector<16xf32>,
        %get3A_289 = arith.constant 12 : i32
        %get3A_290 = arith.index_cast %get3A_289 : i32 to index
        %get3A_291 = arith.constant 0 : index
        %get3A_292 = tpu.vector_load %arg8[%get3A_290, %get3A_291] {strides = array<i32>} : memref<64x128xf32, #tpu.memory_space<vmem>>, vector<1x16xf32>,
        %get3A_293 = vector.shape_cast %get3A_292 : vector<1x16xf32> to vector<16xf32>
        %swap3A_294 = arith.constant 192 : index
        %swap3A_295 = tpu.vector_load %arg9[%swap3A_294] {strides = array<i32>} : memref<1024xf32, #tpu.memory_space<vmem>>, vector<16xf32>,
        %swap3A_296 = vector.shape_cast %swap3A_295 : vector<16xf32> to vector<16xf32>
        %swap3A_297 = vector.shape_cast %get3A_293 : vector<16xf32> to vector<16xf32>
        tpu.vector_store %arg9[%swap3A_294], %swap3A_297 {strides = array<i32>} : memref<1024xf32, #tpu.memory_space<vmem>>, vector<16xf32>,
        %get3A_298 = arith.constant 13 : i32
        %get3A_299 = arith.index_cast %get3A_298 : i32 to index
        %get3A_300 = arith.constant 0 : index
        %get3A_301 = tpu.vector_load %arg8[%get3A_299, %get3A_300] {strides = array<i32>} : memref<64x128xf32, #tpu.memory_space<vmem>>, vector<1x16xf32>,
        %get3A_302 = vector.shape_cast %get3A_301 : vector<1x16xf32> to vector<16xf32>
        %swap3A_303 = arith.constant 208 : index
        %swap3A_304 = tpu.vector_load %arg9[%swap3A_303] {strides = array<i32>} : memref<1024xf32, #tpu.memory_space<vmem>>, vector<16xf32>,
        %swap3A_305 = vector.shape_cast %swap3A_304 : vector<16xf32> to vector<16xf32>
        %swap3A_306 = vector.shape_cast %get3A_302 : vector<16xf32> to vector<16xf32>
        tpu.vector_store %arg9[%swap3A_303], %swap3A_306 {strides = array<i32>} : memref<1024xf32, #tpu.memory_space<vmem>>, vector<16xf32>,
        %get3A_307 = arith.constant 14 : i32
        %get3A_308 = arith.index_cast %get3A_307 : i32 to index
        %get3A_309 = arith.constant 0 : index
        %get3A_310 = tpu.vector_load %arg8[%get3A_308, %get3A_309] {strides = array<i32>} : memref<64x128xf32, #tpu.memory_space<vmem>>, vector<1x16xf32>,
        %get3A_311 = vector.shape_cast %get3A_310 : vector<1x16xf32> to vector<16xf32>
        %swap3A_312 = arith.constant 224 : index
        %swap3A_313 = tpu.vector_load %arg9[%swap3A_312] {strides = array<i32>} : memref<1024xf32, #tpu.memory_space<vmem>>, vector<16xf32>,
        %swap3A_314 = vector.shape_cast %swap3A_313 : vector<16xf32> to vector<16xf32>
        %swap3A_315 = vector.shape_cast %get3A_311 : vector<16xf32> to vector<16xf32>
        tpu.vector_store %arg9[%swap3A_312], %swap3A_315 {strides = array<i32>} : memref<1024xf32, #tpu.memory_space<vmem>>, vector<16xf32>,
        %get3A_316 = arith.constant 15 : i32
        %get3A_317 = arith.index_cast %get3A_316 : i32 to index
        %get3A_318 = arith.constant 0 : index
        %get3A_319 = tpu.vector_load %arg8[%get3A_317, %get3A_318] {strides = array<i32>} : memref<64x128xf32, #tpu.memory_space<vmem>>, vector<1x16xf32>,
        %get3A_320 = vector.shape_cast %get3A_319 : vector<1x16xf32> to vector<16xf32>
        %swap3A_321 = arith.constant 240 : index
        %swap3A_322 = tpu.vector_load %arg9[%swap3A_321] {strides = array<i32>} : memref<1024xf32, #tpu.memory_space<vmem>>, vector<16xf32>,
        %swap3A_323 = vector.shape_cast %swap3A_322 : vector<16xf32> to vector<16xf32>
        %swap3A_324 = vector.shape_cast %get3A_320 : vector<16xf32> to vector<16xf32>
        tpu.vector_store %arg9[%swap3A_321], %swap3A_324 {strides = array<i32>} : memref<1024xf32, #tpu.memory_space<vmem>>, vector<16xf32>,
        %get3A_325 = arith.constant 16 : i32
        %get3A_326 = arith.index_cast %get3A_325 : i32 to index
        %get3A_327 = arith.constant 0 : index
        %get3A_328 = tpu.vector_load %arg8[%get3A_326, %get3A_327] {strides = array<i32>} : memref<64x128xf32, #tpu.memory_space<vmem>>, vector<1x16xf32>,
        %get3A_329 = vector.shape_cast %get3A_328 : vector<1x16xf32> to vector<16xf32>
        %swap3A_330 = arith.constant 256 : index
        %swap3A_331 = tpu.vector_load %arg9[%swap3A_330] {strides = array<i32>} : memref<1024xf32, #tpu.memory_space<vmem>>, vector<16xf32>,
        %swap3A_332 = vector.shape_cast %swap3A_331 : vector<16xf32> to vector<16xf32>
        %swap3A_333 = vector.shape_cast %get3A_329 : vector<16xf32> to vector<16xf32>
        tpu.vector_store %arg9[%swap3A_330], %swap3A_333 {strides = array<i32>} : memref<1024xf32, #tpu.memory_space<vmem>>, vector<16xf32>,
        %get3A_334 = arith.constant 17 : i32
        %get3A_335 = arith.index_cast %get3A_334 : i32 to index
        %get3A_336 = arith.constant 0 : index
        %get3A_337 = tpu.vector_load %arg8[%get3A_335, %get3A_336] {strides = array<i32>} : memref<64x128xf32, #tpu.memory_space<vmem>>, vector<1x16xf32>,
        %get3A_338 = vector.shape_cast %get3A_337 : vector<1x16xf32> to vector<16xf32>
        %swap3A_339 = arith.constant 272 : index
        %swap3A_340 = tpu.vector_load %arg9[%swap3A_339] {strides = array<i32>} : memref<1024xf32, #tpu.memory_space<vmem>>, vector<16xf32>,
        %swap3A_341 = vector.shape_cast %swap3A_340 : vector<16xf32> to vector<16xf32>
        %swap3A_342 = vector.shape_cast %get3A_338 : vector<16xf32> to vector<16xf32>
        tpu.vector_store %arg9[%swap3A_339], %swap3A_342 {strides = array<i32>} : memref<1024xf32, #tpu.memory_space<vmem>>, vector<16xf32>,
        %get3A_343 = arith.constant 18 : i32
        %get3A_344 = arith.index_cast %get3A_343 : i32 to index
        %get3A_345 = arith.constant 0 : index
        %get3A_346 = tpu.vector_load %arg8[%get3A_344, %get3A_345] {strides = array<i32>} : memref<64x128xf32, #tpu.memory_space<vmem>>, vector<1x16xf32>,
        %get3A_347 = vector.shape_cast %get3A_346 : vector<1x16xf32> to vector<16xf32>
        %swap3A_348 = arith.constant 288 : index
        %swap3A_349 = tpu.vector_load %arg9[%swap3A_348] {strides = array<i32>} : memref<1024xf32, #tpu.memory_space<vmem>>, vector<16xf32>,
        %swap3A_350 = vector.shape_cast %swap3A_349 : vector<16xf32> to vector<16xf32>
        %swap3A_351 = vector.shape_cast %get3A_347 : vector<16xf32> to vector<16xf32>
        tpu.vector_store %arg9[%swap3A_348], %swap3A_351 {strides = array<i32>} : memref<1024xf32, #tpu.memory_space<vmem>>, vector<16xf32>,
        %get3A_352 = arith.constant 19 : i32
        %get3A_353 = arith.index_cast %get3A_352 : i32 to index
        %get3A_354 = arith.constant 0 : index
        %get3A_355 = tpu.vector_load %arg8[%get3A_353, %get3A_354] {strides = array<i32>} : memref<64x128xf32, #tpu.memory_space<vmem>>, vector<1x16xf32>,
        %get3A_356 = vector.shape_cast %get3A_355 : vector<1x16xf32> to vector<16xf32>
        %swap3A_357 = arith.constant 304 : index
        %swap3A_358 = tpu.vector_load %arg9[%swap3A_357] {strides = array<i32>} : memref<1024xf32, #tpu.memory_space<vmem>>, vector<16xf32>,
        %swap3A_359 = vector.shape_cast %swap3A_358 : vector<16xf32> to vector<16xf32>
        %swap3A_360 = vector.shape_cast %get3A_356 : vector<16xf32> to vector<16xf32>
        tpu.vector_store %arg9[%swap3A_357], %swap3A_360 {strides = array<i32>} : memref<1024xf32, #tpu.memory_space<vmem>>, vector<16xf32>,
        %get3A_361 = arith.constant 20 : i32
        %get3A_362 = arith.index_cast %get3A_361 : i32 to index
        %get3A_363 = arith.constant 0 : index
        %get3A_364 = tpu.vector_load %arg8[%get3A_362, %get3A_363] {strides = array<i32>} : memref<64x128xf32, #tpu.memory_space<vmem>>, vector<1x16xf32>,
        %get3A_365 = vector.shape_cast %get3A_364 : vector<1x16xf32> to vector<16xf32>
        %swap3A_366 = arith.constant 320 : index
        %swap3A_367 = tpu.vector_load %arg9[%swap3A_366] {strides = array<i32>} : memref<1024xf32, #tpu.memory_space<vmem>>, vector<16xf32>,
        %swap3A_368 = vector.shape_cast %swap3A_367 : vector<16xf32> to vector<16xf32>
        %swap3A_369 = vector.shape_cast %get3A_365 : vector<16xf32> to vector<16xf32>
        tpu.vector_store %arg9[%swap3A_366], %swap3A_369 {strides = array<i32>} : memref<1024xf32, #tpu.memory_space<vmem>>, vector<16xf32>,
        %get3A_370 = arith.constant 21 : i32
        %get3A_371 = arith.index_cast %get3A_370 : i32 to index
        %get3A_372 = arith.constant 0 : index
        %get3A_373 = tpu.vector_load %arg8[%get3A_371, %get3A_372] {strides = array<i32>} : memref<64x128xf32, #tpu.memory_space<vmem>>, vector<1x16xf32>,
        %get3A_374 = vector.shape_cast %get3A_373 : vector<1x16xf32> to vector<16xf32>
        %swap3A_375 = arith.constant 336 : index
        %swap3A_376 = tpu.vector_load %arg9[%swap3A_375] {strides = array<i32>} : memref<1024xf32, #tpu.memory_space<vmem>>, vector<16xf32>,
        %swap3A_377 = vector.shape_cast %swap3A_376 : vector<16xf32> to vector<16xf32>
        %swap3A_378 = vector.shape_cast %get3A_374 : vector<16xf32> to vector<16xf32>
        tpu.vector_store %arg9[%swap3A_375], %swap3A_378 {strides = array<i32>} : memref<1024xf32, #tpu.memory_space<vmem>>, vector<16xf32>,
        %get3A_379 = arith.constant 22 : i32
        %get3A_380 = arith.index_cast %get3A_379 : i32 to index
        %get3A_381 = arith.constant 0 : index
        %get3A_382 = tpu.vector_load %arg8[%get3A_380, %get3A_381] {strides = array<i32>} : memref<64x128xf32, #tpu.memory_space<vmem>>, vector<1x16xf32>,
        %get3A_383 = vector.shape_cast %get3A_382 : vector<1x16xf32> to vector<16xf32>
        %swap3A_384 = arith.constant 352 : index
        %swap3A_385 = tpu.vector_load %arg9[%swap3A_384] {strides = array<i32>} : memref<1024xf32, #tpu.memory_space<vmem>>, vector<16xf32>,
        %swap3A_386 = vector.shape_cast %swap3A_385 : vector<16xf32> to vector<16xf32>
        %swap3A_387 = vector.shape_cast %get3A_383 : vector<16xf32> to vector<16xf32>
        tpu.vector_store %arg9[%swap3A_384], %swap3A_387 {strides = array<i32>} : memref<1024xf32, #tpu.memory_space<vmem>>, vector<16xf32>,
        %get3A_388 = arith.constant 23 : i32
        %get3A_389 = arith.index_cast %get3A_388 : i32 to index
        %get3A_390 = arith.constant 0 : index
        %get3A_391 = tpu.vector_load %arg8[%get3A_389, %get3A_390] {strides = array<i32>} : memref<64x128xf32, #tpu.memory_space<vmem>>, vector<1x16xf32>,
        %get3A_392 = vector.shape_cast %get3A_391 : vector<1x16xf32> to vector<16xf32>
        %swap3A_393 = arith.constant 368 : index
        %swap3A_394 = tpu.vector_load %arg9[%swap3A_393] {strides = array<i32>} : memref<1024xf32, #tpu.memory_space<vmem>>, vector<16xf32>,
        %swap3A_395 = vector.shape_cast %swap3A_394 : vector<16xf32> to vector<16xf32>
        %swap3A_396 = vector.shape_cast %get3A_392 : vector<16xf32> to vector<16xf32>
        tpu.vector_store %arg9[%swap3A_393], %swap3A_396 {strides = array<i32>} : memref<1024xf32, #tpu.memory_space<vmem>>, vector<16xf32>,
        %get3A_397 = arith.constant 24 : i32
        %get3A_398 = arith.index_cast %get3A_397 : i32 to index
        %get3A_399 = arith.constant 0 : index
        %get3A_400 = tpu.vector_load %arg8[%get3A_398, %get3A_399] {strides = array<i32>} : memref<64x128xf32, #tpu.memory_space<vmem>>, vector<1x16xf32>,
        %get3A_401 = vector.shape_cast %get3A_400 : vector<1x16xf32> to vector<16xf32>
        %swap3A_402 = arith.constant 384 : index
        %swap3A_403 = tpu.vector_load %arg9[%swap3A_402] {strides = array<i32>} : memref<1024xf32, #tpu.memory_space<vmem>>, vector<16xf32>,
        %swap3A_404 = vector.shape_cast %swap3A_403 : vector<16xf32> to vector<16xf32>
        %swap3A_405 = vector.shape_cast %get3A_401 : vector<16xf32> to vector<16xf32>
        tpu.vector_store %arg9[%swap3A_402], %swap3A_405 {strides = array<i32>} : memref<1024xf32, #tpu.memory_space<vmem>>, vector<16xf32>,
        %get3A_406 = arith.constant 25 : i32
        %get3A_407 = arith.index_cast %get3A_406 : i32 to index
        %get3A_408 = arith.constant 0 : index
        %get3A_409 = tpu.vector_load %arg8[%get3A_407, %get3A_408] {strides = array<i32>} : memref<64x128xf32, #tpu.memory_space<vmem>>, vector<1x16xf32>,
        %get3A_410 = vector.shape_cast %get3A_409 : vector<1x16xf32> to vector<16xf32>
        %swap3A_411 = arith.constant 400 : index
        %swap3A_412 = tpu.vector_load %arg9[%swap3A_411] {strides = array<i32>} : memref<1024xf32, #tpu.memory_space<vmem>>, vector<16xf32>,
        %swap3A_413 = vector.shape_cast %swap3A_412 : vector<16xf32> to vector<16xf32>
        %swap3A_414 = vector.shape_cast %get3A_410 : vector<16xf32> to vector<16xf32>
        tpu.vector_store %arg9[%swap3A_411], %swap3A_414 {strides = array<i32>} : memref<1024xf32, #tpu.memory_space<vmem>>, vector<16xf32>,
        %get3A_415 = arith.constant 26 : i32
        %get3A_416 = arith.index_cast %get3A_415 : i32 to index
        %get3A_417 = arith.constant 0 : index
        %get3A_418 = tpu.vector_load %arg8[%get3A_416, %get3A_417] {strides = array<i32>} : memref<64x128xf32, #tpu.memory_space<vmem>>, vector<1x16xf32>,
        %get3A_419 = vector.shape_cast %get3A_418 : vector<1x16xf32> to vector<16xf32>
        %swap3A_420 = arith.constant 416 : index
        %swap3A_421 = tpu.vector_load %arg9[%swap3A_420] {strides = array<i32>} : memref<1024xf32, #tpu.memory_space<vmem>>, vector<16xf32>,
        %swap3A_422 = vector.shape_cast %swap3A_421 : vector<16xf32> to vector<16xf32>
        %swap3A_423 = vector.shape_cast %get3A_419 : vector<16xf32> to vector<16xf32>
        tpu.vector_store %arg9[%swap3A_420], %swap3A_423 {strides = array<i32>} : memref<1024xf32, #tpu.memory_space<vmem>>, vector<16xf32>,
        %get3A_424 = arith.constant 27 : i32
        %get3A_425 = arith.index_cast %get3A_424 : i32 to index
        %get3A_426 = arith.constant 0 : index
        %get3A_427 = tpu.vector_load %arg8[%get3A_425, %get3A_426] {strides = array<i32>} : memref<64x128xf32, #tpu.memory_space<vmem>>, vector<1x16xf32>,
        %get3A_428 = vector.shape_cast %get3A_427 : vector<1x16xf32> to vector<16xf32>
        %swap3A_429 = arith.constant 432 : index
        %swap3A_430 = tpu.vector_load %arg9[%swap3A_429] {strides = array<i32>} : memref<1024xf32, #tpu.memory_space<vmem>>, vector<16xf32>,
        %swap3A_431 = vector.shape_cast %swap3A_430 : vector<16xf32> to vector<16xf32>
        %swap3A_432 = vector.shape_cast %get3A_428 : vector<16xf32> to vector<16xf32>
        tpu.vector_store %arg9[%swap3A_429], %swap3A_432 {strides = array<i32>} : memref<1024xf32, #tpu.memory_space<vmem>>, vector<16xf32>,
        %get3A_433 = arith.constant 28 : i32
        %get3A_434 = arith.index_cast %get3A_433 : i32 to index
        %get3A_435 = arith.constant 0 : index
        %get3A_436 = tpu.vector_load %arg8[%get3A_434, %get3A_435] {strides = array<i32>} : memref<64x128xf32, #tpu.memory_space<vmem>>, vector<1x16xf32>,
        %get3A_437 = vector.shape_cast %get3A_436 : vector<1x16xf32> to vector<16xf32>
        %swap3A_438 = arith.constant 448 : index
        %swap3A_439 = tpu.vector_load %arg9[%swap3A_438] {strides = array<i32>} : memref<1024xf32, #tpu.memory_space<vmem>>, vector<16xf32>,
        %swap3A_440 = vector.shape_cast %swap3A_439 : vector<16xf32> to vector<16xf32>
        %swap3A_441 = vector.shape_cast %get3A_437 : vector<16xf32> to vector<16xf32>
        tpu.vector_store %arg9[%swap3A_438], %swap3A_441 {strides = array<i32>} : memref<1024xf32, #tpu.memory_space<vmem>>, vector<16xf32>,
        %get3A_442 = arith.constant 29 : i32
        %get3A_443 = arith.index_cast %get3A_442 : i32 to index
        %get3A_444 = arith.constant 0 : index
        %get3A_445 = tpu.vector_load %arg8[%get3A_443, %get3A_444] {strides = array<i32>} : memref<64x128xf32, #tpu.memory_space<vmem>>, vector<1x16xf32>,
        %get3A_446 = vector.shape_cast %get3A_445 : vector<1x16xf32> to vector<16xf32>
        %swap3A_447 = arith.constant 464 : index
        %swap3A_448 = tpu.vector_load %arg9[%swap3A_447] {strides = array<i32>} : memref<1024xf32, #tpu.memory_space<vmem>>, vector<16xf32>,
        %swap3A_449 = vector.shape_cast %swap3A_448 : vector<16xf32> to vector<16xf32>
        %swap3A_450 = vector.shape_cast %get3A_446 : vector<16xf32> to vector<16xf32>
        tpu.vector_store %arg9[%swap3A_447], %swap3A_450 {strides = array<i32>} : memref<1024xf32, #tpu.memory_space<vmem>>, vector<16xf32>,
        %get3A_451 = arith.constant 30 : i32
        %get3A_452 = arith.index_cast %get3A_451 : i32 to index
        %get3A_453 = arith.constant 0 : index
        %get3A_454 = tpu.vector_load %arg8[%get3A_452, %get3A_453] {strides = array<i32>} : memref<64x128xf32, #tpu.memory_space<vmem>>, vector<1x16xf32>,
        %get3A_455 = vector.shape_cast %get3A_454 : vector<1x16xf32> to vector<16xf32>
        %swap3A_456 = arith.constant 480 : index
        %swap3A_457 = tpu.vector_load %arg9[%swap3A_456] {strides = array<i32>} : memref<1024xf32, #tpu.memory_space<vmem>>, vector<16xf32>,
        %swap3A_458 = vector.shape_cast %swap3A_457 : vector<16xf32> to vector<16xf32>
        %swap3A_459 = vector.shape_cast %get3A_455 : vector<16xf32> to vector<16xf32>
        tpu.vector_store %arg9[%swap3A_456], %swap3A_459 {strides = array<i32>} : memref<1024xf32, #tpu.memory_space<vmem>>, vector<16xf32>,
        %get3A_460 = arith.constant 31 : i32
        %get3A_461 = arith.index_cast %get3A_460 : i32 to index
        %get3A_462 = arith.constant 0 : index
        %get3A_463 = tpu.vector_load %arg8[%get3A_461, %get3A_462] {strides = array<i32>} : memref<64x128xf32, #tpu.memory_space<vmem>>, vector<1x16xf32>,
        %get3A_464 = vector.shape_cast %get3A_463 : vector<1x16xf32> to vector<16xf32>
        %swap3A_465 = arith.constant 496 : index
        %swap3A_466 = tpu.vector_load %arg9[%swap3A_465] {strides = array<i32>} : memref<1024xf32, #tpu.memory_space<vmem>>, vector<16xf32>,
        %swap3A_467 = vector.shape_cast %swap3A_466 : vector<16xf32> to vector<16xf32>
        %swap3A_468 = vector.shape_cast %get3A_464 : vector<16xf32> to vector<16xf32>
        tpu.vector_store %arg9[%swap3A_465], %swap3A_468 {strides = array<i32>} : memref<1024xf32, #tpu.memory_space<vmem>>, vector<16xf32>,
        %get3A_469 = arith.constant 32 : i32
        %get3A_470 = arith.index_cast %get3A_469 : i32 to index
        %get3A_471 = arith.constant 0 : index
        %get3A_472 = tpu.vector_load %arg8[%get3A_470, %get3A_471] {strides = array<i32>} : memref<64x128xf32, #tpu.memory_space<vmem>>, vector<1x16xf32>,
        %get3A_473 = vector.shape_cast %get3A_472 : vector<1x16xf32> to vector<16xf32>
        %swap3A_474 = arith.constant 512 : index
        %swap3A_475 = tpu.vector_load %arg9[%swap3A_474] {strides = array<i32>} : memref<1024xf32, #tpu.memory_space<vmem>>, vector<16xf32>,
        %swap3A_476 = vector.shape_cast %swap3A_475 : vector<16xf32> to vector<16xf32>
        %swap3A_477 = vector.shape_cast %get3A_473 : vector<16xf32> to vector<16xf32>
        tpu.vector_store %arg9[%swap3A_474], %swap3A_477 {strides = array<i32>} : memref<1024xf32, #tpu.memory_space<vmem>>, vector<16xf32>,
        %get3A_478 = arith.constant 33 : i32
        %get3A_479 = arith.index_cast %get3A_478 : i32 to index
        %get3A_480 = arith.constant 0 : index
        %get3A_481 = tpu.vector_load %arg8[%get3A_479, %get3A_480] {strides = array<i32>} : memref<64x128xf32, #tpu.memory_space<vmem>>, vector<1x16xf32>,
        %get3A_482 = vector.shape_cast %get3A_481 : vector<1x16xf32> to vector<16xf32>
        %swap3A_483 = arith.constant 528 : index
        %swap3A_484 = tpu.vector_load %arg9[%swap3A_483] {strides = array<i32>} : memref<1024xf32, #tpu.memory_space<vmem>>, vector<16xf32>,
        %swap3A_485 = vector.shape_cast %swap3A_484 : vector<16xf32> to vector<16xf32>
        %swap3A_486 = vector.shape_cast %get3A_482 : vector<16xf32> to vector<16xf32>
        tpu.vector_store %arg9[%swap3A_483], %swap3A_486 {strides = array<i32>} : memref<1024xf32, #tpu.memory_space<vmem>>, vector<16xf32>,
        %get3A_487 = arith.constant 34 : i32
        %get3A_488 = arith.index_cast %get3A_487 : i32 to index
        %get3A_489 = arith.constant 0 : index
        %get3A_490 = tpu.vector_load %arg8[%get3A_488, %get3A_489] {strides = array<i32>} : memref<64x128xf32, #tpu.memory_space<vmem>>, vector<1x16xf32>,
        %get3A_491 = vector.shape_cast %get3A_490 : vector<1x16xf32> to vector<16xf32>
        %swap3A_492 = arith.constant 544 : index
        %swap3A_493 = tpu.vector_load %arg9[%swap3A_492] {strides = array<i32>} : memref<1024xf32, #tpu.memory_space<vmem>>, vector<16xf32>,
        %swap3A_494 = vector.shape_cast %swap3A_493 : vector<16xf32> to vector<16xf32>
        %swap3A_495 = vector.shape_cast %get3A_491 : vector<16xf32> to vector<16xf32>
        tpu.vector_store %arg9[%swap3A_492], %swap3A_495 {strides = array<i32>} : memref<1024xf32, #tpu.memory_space<vmem>>, vector<16xf32>,
        %get3A_496 = arith.constant 35 : i32
        %get3A_497 = arith.index_cast %get3A_496 : i32 to index
        %get3A_498 = arith.constant 0 : index
        %get3A_499 = tpu.vector_load %arg8[%get3A_497, %get3A_498] {strides = array<i32>} : memref<64x128xf32, #tpu.memory_space<vmem>>, vector<1x16xf32>,
        %get3A_500 = vector.shape_cast %get3A_499 : vector<1x16xf32> to vector<16xf32>
        %swap3A_501 = arith.constant 560 : index
        %swap3A_502 = tpu.vector_load %arg9[%swap3A_501] {strides = array<i32>} : memref<1024xf32, #tpu.memory_space<vmem>>, vector<16xf32>,
        %swap3A_503 = vector.shape_cast %swap3A_502 : vector<16xf32> to vector<16xf32>
        %swap3A_504 = vector.shape_cast %get3A_500 : vector<16xf32> to vector<16xf32>
        tpu.vector_store %arg9[%swap3A_501], %swap3A_504 {strides = array<i32>} : memref<1024xf32, #tpu.memory_space<vmem>>, vector<16xf32>,
        %get3A_505 = arith.constant 36 : i32
        %get3A_506 = arith.index_cast %get3A_505 : i32 to index
        %get3A_507 = arith.constant 0 : index
        %get3A_508 = tpu.vector_load %arg8[%get3A_506, %get3A_507] {strides = array<i32>} : memref<64x128xf32, #tpu.memory_space<vmem>>, vector<1x16xf32>,
        %get3A_509 = vector.shape_cast %get3A_508 : vector<1x16xf32> to vector<16xf32>
        %swap3A_510 = arith.constant 576 : index
        %swap3A_511 = tpu.vector_load %arg9[%swap3A_510] {strides = array<i32>} : memref<1024xf32, #tpu.memory_space<vmem>>, vector<16xf32>,
        %swap3A_512 = vector.shape_cast %swap3A_511 : vector<16xf32> to vector<16xf32>
        %swap3A_513 = vector.shape_cast %get3A_509 : vector<16xf32> to vector<16xf32>
        tpu.vector_store %arg9[%swap3A_510], %swap3A_513 {strides = array<i32>} : memref<1024xf32, #tpu.memory_space<vmem>>, vector<16xf32>,
        %get3A_514 = arith.constant 37 : i32
        %get3A_515 = arith.index_cast %get3A_514 : i32 to index
        %get3A_516 = arith.constant 0 : index
        %get3A_517 = tpu.vector_load %arg8[%get3A_515, %get3A_516] {strides = array<i32>} : memref<64x128xf32, #tpu.memory_space<vmem>>, vector<1x16xf32>,
        %get3A_518 = vector.shape_cast %get3A_517 : vector<1x16xf32> to vector<16xf32>
        %swap3A_519 = arith.constant 592 : index
        %swap3A_520 = tpu.vector_load %arg9[%swap3A_519] {strides = array<i32>} : memref<1024xf32, #tpu.memory_space<vmem>>, vector<16xf32>,
        %swap3A_521 = vector.shape_cast %swap3A_520 : vector<16xf32> to vector<16xf32>
        %swap3A_522 = vector.shape_cast %get3A_518 : vector<16xf32> to vector<16xf32>
        tpu.vector_store %arg9[%swap3A_519], %swap3A_522 {strides = array<i32>} : memref<1024xf32, #tpu.memory_space<vmem>>, vector<16xf32>,
        %get3A_523 = arith.constant 38 : i32
        %get3A_524 = arith.index_cast %get3A_523 : i32 to index
        %get3A_525 = arith.constant 0 : index
        %get3A_526 = tpu.vector_load %arg8[%get3A_524, %get3A_525] {strides = array<i32>} : memref<64x128xf32, #tpu.memory_space<vmem>>, vector<1x16xf32>,
        %get3A_527 = vector.shape_cast %get3A_526 : vector<1x16xf32> to vector<16xf32>
        %swap3A_528 = arith.constant 608 : index
        %swap3A_529 = tpu.vector_load %arg9[%swap3A_528] {strides = array<i32>} : memref<1024xf32, #tpu.memory_space<vmem>>, vector<16xf32>,
        %swap3A_530 = vector.shape_cast %swap3A_529 : vector<16xf32> to vector<16xf32>
        %swap3A_531 = vector.shape_cast %get3A_527 : vector<16xf32> to vector<16xf32>
        tpu.vector_store %arg9[%swap3A_528], %swap3A_531 {strides = array<i32>} : memref<1024xf32, #tpu.memory_space<vmem>>, vector<16xf32>,
        %get3A_532 = arith.constant 39 : i32
        %get3A_533 = arith.index_cast %get3A_532 : i32 to index
        %get3A_534 = arith.constant 0 : index
        %get3A_535 = tpu.vector_load %arg8[%get3A_533, %get3A_534] {strides = array<i32>} : memref<64x128xf32, #tpu.memory_space<vmem>>, vector<1x16xf32>,
        %get3A_536 = vector.shape_cast %get3A_535 : vector<1x16xf32> to vector<16xf32>
        %swap3A_537 = arith.constant 624 : index
        %swap3A_538 = tpu.vector_load %arg9[%swap3A_537] {strides = array<i32>} : memref<1024xf32, #tpu.memory_space<vmem>>, vector<16xf32>,
        %swap3A_539 = vector.shape_cast %swap3A_538 : vector<16xf32> to vector<16xf32>
        %swap3A_540 = vector.shape_cast %get3A_536 : vector<16xf32> to vector<16xf32>
        tpu.vector_store %arg9[%swap3A_537], %swap3A_540 {strides = array<i32>} : memref<1024xf32, #tpu.memory_space<vmem>>, vector<16xf32>,
        %get3A_541 = arith.constant 40 : i32
        %get3A_542 = arith.index_cast %get3A_541 : i32 to index
        %get3A_543 = arith.constant 0 : index
        %get3A_544 = tpu.vector_load %arg8[%get3A_542, %get3A_543] {strides = array<i32>} : memref<64x128xf32, #tpu.memory_space<vmem>>, vector<1x16xf32>,
        %get3A_545 = vector.shape_cast %get3A_544 : vector<1x16xf32> to vector<16xf32>
        %swap3A_546 = arith.constant 640 : index
        %swap3A_547 = tpu.vector_load %arg9[%swap3A_546] {strides = array<i32>} : memref<1024xf32, #tpu.memory_space<vmem>>, vector<16xf32>,
        %swap3A_548 = vector.shape_cast %swap3A_547 : vector<16xf32> to vector<16xf32>
        %swap3A_549 = vector.shape_cast %get3A_545 : vector<16xf32> to vector<16xf32>
        tpu.vector_store %arg9[%swap3A_546], %swap3A_549 {strides = array<i32>} : memref<1024xf32, #tpu.memory_space<vmem>>, vector<16xf32>,
        %get3A_550 = arith.constant 41 : i32
        %get3A_551 = arith.index_cast %get3A_550 : i32 to index
        %get3A_552 = arith.constant 0 : index
        %get3A_553 = tpu.vector_load %arg8[%get3A_551, %get3A_552] {strides = array<i32>} : memref<64x128xf32, #tpu.memory_space<vmem>>, vector<1x16xf32>,
        %get3A_554 = vector.shape_cast %get3A_553 : vector<1x16xf32> to vector<16xf32>
        %swap3A_555 = arith.constant 656 : index
        %swap3A_556 = tpu.vector_load %arg9[%swap3A_555] {strides = array<i32>} : memref<1024xf32, #tpu.memory_space<vmem>>, vector<16xf32>,
        %swap3A_557 = vector.shape_cast %swap3A_556 : vector<16xf32> to vector<16xf32>
        %swap3A_558 = vector.shape_cast %get3A_554 : vector<16xf32> to vector<16xf32>
        tpu.vector_store %arg9[%swap3A_555], %swap3A_558 {strides = array<i32>} : memref<1024xf32, #tpu.memory_space<vmem>>, vector<16xf32>,
        %get3A_559 = arith.constant 42 : i32
        %get3A_560 = arith.index_cast %get3A_559 : i32 to index
        %get3A_561 = arith.constant 0 : index
        %get3A_562 = tpu.vector_load %arg8[%get3A_560, %get3A_561] {strides = array<i32>} : memref<64x128xf32, #tpu.memory_space<vmem>>, vector<1x16xf32>,
        %get3A_563 = vector.shape_cast %get3A_562 : vector<1x16xf32> to vector<16xf32>
        %swap3A_564 = arith.constant 672 : index
        %swap3A_565 = tpu.vector_load %arg9[%swap3A_564] {strides = array<i32>} : memref<1024xf32, #tpu.memory_space<vmem>>, vector<16xf32>,
        %swap3A_566 = vector.shape_cast %swap3A_565 : vector<16xf32> to vector<16xf32>
        %swap3A_567 = vector.shape_cast %get3A_563 : vector<16xf32> to vector<16xf32>
        tpu.vector_store %arg9[%swap3A_564], %swap3A_567 {strides = array<i32>} : memref<1024xf32, #tpu.memory_space<vmem>>, vector<16xf32>,
        %get3A_568 = arith.constant 43 : i32
        %get3A_569 = arith.index_cast %get3A_568 : i32 to index
        %get3A_570 = arith.constant 0 : index
        %get3A_571 = tpu.vector_load %arg8[%get3A_569, %get3A_570] {strides = array<i32>} : memref<64x128xf32, #tpu.memory_space<vmem>>, vector<1x16xf32>,
        %get3A_572 = vector.shape_cast %get3A_571 : vector<1x16xf32> to vector<16xf32>
        %swap3A_573 = arith.constant 688 : index
        %swap3A_574 = tpu.vector_load %arg9[%swap3A_573] {strides = array<i32>} : memref<1024xf32, #tpu.memory_space<vmem>>, vector<16xf32>,
        %swap3A_575 = vector.shape_cast %swap3A_574 : vector<16xf32> to vector<16xf32>
        %swap3A_576 = vector.shape_cast %get3A_572 : vector<16xf32> to vector<16xf32>
        tpu.vector_store %arg9[%swap3A_573], %swap3A_576 {strides = array<i32>} : memref<1024xf32, #tpu.memory_space<vmem>>, vector<16xf32>,
        %get3A_577 = arith.constant 44 : i32
        %get3A_578 = arith.index_cast %get3A_577 : i32 to index
        %get3A_579 = arith.constant 0 : index
        %get3A_580 = tpu.vector_load %arg8[%get3A_578, %get3A_579] {strides = array<i32>} : memref<64x128xf32, #tpu.memory_space<vmem>>, vector<1x16xf32>,
        %get3A_581 = vector.shape_cast %get3A_580 : vector<1x16xf32> to vector<16xf32>
        %swap3A_582 = arith.constant 704 : index
        %swap3A_583 = tpu.vector_load %arg9[%swap3A_582] {strides = array<i32>} : memref<1024xf32, #tpu.memory_space<vmem>>, vector<16xf32>,
        %swap3A_584 = vector.shape_cast %swap3A_583 : vector<16xf32> to vector<16xf32>
        %swap3A_585 = vector.shape_cast %get3A_581 : vector<16xf32> to vector<16xf32>
        tpu.vector_store %arg9[%swap3A_582], %swap3A_585 {strides = array<i32>} : memref<1024xf32, #tpu.memory_space<vmem>>, vector<16xf32>,
        %get3A_586 = arith.constant 45 : i32
        %get3A_587 = arith.index_cast %get3A_586 : i32 to index
        %get3A_588 = arith.constant 0 : index
        %get3A_589 = tpu.vector_load %arg8[%get3A_587, %get3A_588] {strides = array<i32>} : memref<64x128xf32, #tpu.memory_space<vmem>>, vector<1x16xf32>,
        %get3A_590 = vector.shape_cast %get3A_589 : vector<1x16xf32> to vector<16xf32>
        %swap3A_591 = arith.constant 720 : index
        %swap3A_592 = tpu.vector_load %arg9[%swap3A_591] {strides = array<i32>} : memref<1024xf32, #tpu.memory_space<vmem>>, vector<16xf32>,
        %swap3A_593 = vector.shape_cast %swap3A_592 : vector<16xf32> to vector<16xf32>
        %swap3A_594 = vector.shape_cast %get3A_590 : vector<16xf32> to vector<16xf32>
        tpu.vector_store %arg9[%swap3A_591], %swap3A_594 {strides = array<i32>} : memref<1024xf32, #tpu.memory_space<vmem>>, vector<16xf32>,
        %get3A_595 = arith.constant 46 : i32
        %get3A_596 = arith.index_cast %get3A_595 : i32 to index
        %get3A_597 = arith.constant 0 : index
        %get3A_598 = tpu.vector_load %arg8[%get3A_596, %get3A_597] {strides = array<i32>} : memref<64x128xf32, #tpu.memory_space<vmem>>, vector<1x16xf32>,
        %get3A_599 = vector.shape_cast %get3A_598 : vector<1x16xf32> to vector<16xf32>
        %swap3A_600 = arith.constant 736 : index
        %swap3A_601 = tpu.vector_load %arg9[%swap3A_600] {strides = array<i32>} : memref<1024xf32, #tpu.memory_space<vmem>>, vector<16xf32>,
        %swap3A_602 = vector.shape_cast %swap3A_601 : vector<16xf32> to vector<16xf32>
        %swap3A_603 = vector.shape_cast %get3A_599 : vector<16xf32> to vector<16xf32>
        tpu.vector_store %arg9[%swap3A_600], %swap3A_603 {strides = array<i32>} : memref<1024xf32, #tpu.memory_space<vmem>>, vector<16xf32>,
        %get3A_604 = arith.constant 47 : i32
        %get3A_605 = arith.index_cast %get3A_604 : i32 to index
        %get3A_606 = arith.constant 0 : index
        %get3A_607 = tpu.vector_load %arg8[%get3A_605, %get3A_606] {strides = array<i32>} : memref<64x128xf32, #tpu.memory_space<vmem>>, vector<1x16xf32>,
        %get3A_608 = vector.shape_cast %get3A_607 : vector<1x16xf32> to vector<16xf32>
        %swap3A_609 = arith.constant 752 : index
        %swap3A_610 = tpu.vector_load %arg9[%swap3A_609] {strides = array<i32>} : memref<1024xf32, #tpu.memory_space<vmem>>, vector<16xf32>,
        %swap3A_611 = vector.shape_cast %swap3A_610 : vector<16xf32> to vector<16xf32>
        %swap3A_612 = vector.shape_cast %get3A_608 : vector<16xf32> to vector<16xf32>
        tpu.vector_store %arg9[%swap3A_609], %swap3A_612 {strides = array<i32>} : memref<1024xf32, #tpu.memory_space<vmem>>, vector<16xf32>,
        %get3A_613 = arith.constant 48 : i32
        %get3A_614 = arith.index_cast %get3A_613 : i32 to index
        %get3A_615 = arith.constant 0 : index
        %get3A_616 = tpu.vector_load %arg8[%get3A_614, %get3A_615] {strides = array<i32>} : memref<64x128xf32, #tpu.memory_space<vmem>>, vector<1x16xf32>,
        %get3A_617 = vector.shape_cast %get3A_616 : vector<1x16xf32> to vector<16xf32>
        %swap3A_618 = arith.constant 768 : index
        %swap3A_619 = tpu.vector_load %arg9[%swap3A_618] {strides = array<i32>} : memref<1024xf32, #tpu.memory_space<vmem>>, vector<16xf32>,
        %swap3A_620 = vector.shape_cast %swap3A_619 : vector<16xf32> to vector<16xf32>
        %swap3A_621 = vector.shape_cast %get3A_617 : vector<16xf32> to vector<16xf32>
        tpu.vector_store %arg9[%swap3A_618], %swap3A_621 {strides = array<i32>} : memref<1024xf32, #tpu.memory_space<vmem>>, vector<16xf32>,
        %get3A_622 = arith.constant 49 : i32
        %get3A_623 = arith.index_cast %get3A_622 : i32 to index
        %get3A_624 = arith.constant 0 : index
        %get3A_625 = tpu.vector_load %arg8[%get3A_623, %get3A_624] {strides = array<i32>} : memref<64x128xf32, #tpu.memory_space<vmem>>, vector<1x16xf32>,
        %get3A_626 = vector.shape_cast %get3A_625 : vector<1x16xf32> to vector<16xf32>
        %swap3A_627 = arith.constant 784 : index
        %swap3A_628 = tpu.vector_load %arg9[%swap3A_627] {strides = array<i32>} : memref<1024xf32, #tpu.memory_space<vmem>>, vector<16xf32>,
        %swap3A_629 = vector.shape_cast %swap3A_628 : vector<16xf32> to vector<16xf32>
        %swap3A_630 = vector.shape_cast %get3A_626 : vector<16xf32> to vector<16xf32>
        tpu.vector_store %arg9[%swap3A_627], %swap3A_630 {strides = array<i32>} : memref<1024xf32, #tpu.memory_space<vmem>>, vector<16xf32>,
        %get3A_631 = arith.constant 50 : i32
        %get3A_632 = arith.index_cast %get3A_631 : i32 to index
        %get3A_633 = arith.constant 0 : index
        %get3A_634 = tpu.vector_load %arg8[%get3A_632, %get3A_633] {strides = array<i32>} : memref<64x128xf32, #tpu.memory_space<vmem>>, vector<1x16xf32>,
        %get3A_635 = vector.shape_cast %get3A_634 : vector<1x16xf32> to vector<16xf32>
        %swap3A_636 = arith.constant 800 : index
        %swap3A_637 = tpu.vector_load %arg9[%swap3A_636] {strides = array<i32>} : memref<1024xf32, #tpu.memory_space<vmem>>, vector<16xf32>,
        %swap3A_638 = vector.shape_cast %swap3A_637 : vector<16xf32> to vector<16xf32>
        %swap3A_639 = vector.shape_cast %get3A_635 : vector<16xf32> to vector<16xf32>
        tpu.vector_store %arg9[%swap3A_636], %swap3A_639 {strides = array<i32>} : memref<1024xf32, #tpu.memory_space<vmem>>, vector<16xf32>,
        %get3A_640 = arith.constant 51 : i32
        %get3A_641 = arith.index_cast %get3A_640 : i32 to index
        %get3A_642 = arith.constant 0 : index
        %get3A_643 = tpu.vector_load %arg8[%get3A_641, %get3A_642] {strides = array<i32>} : memref<64x128xf32, #tpu.memory_space<vmem>>, vector<1x16xf32>,
        %get3A_644 = vector.shape_cast %get3A_643 : vector<1x16xf32> to vector<16xf32>
        %swap3A_645 = arith.constant 816 : index
        %swap3A_646 = tpu.vector_load %arg9[%swap3A_645] {strides = array<i32>} : memref<1024xf32, #tpu.memory_space<vmem>>, vector<16xf32>,
        %swap3A_647 = vector.shape_cast %swap3A_646 : vector<16xf32> to vector<16xf32>
        %swap3A_648 = vector.shape_cast %get3A_644 : vector<16xf32> to vector<16xf32>
        tpu.vector_store %arg9[%swap3A_645], %swap3A_648 {strides = array<i32>} : memref<1024xf32, #tpu.memory_space<vmem>>, vector<16xf32>,
        %get3A_649 = arith.constant 52 : i32
        %get3A_650 = arith.index_cast %get3A_649 : i32 to index
        %get3A_651 = arith.constant 0 : index
        %get3A_652 = tpu.vector_load %arg8[%get3A_650, %get3A_651] {strides = array<i32>} : memref<64x128xf32, #tpu.memory_space<vmem>>, vector<1x16xf32>,
        %get3A_653 = vector.shape_cast %get3A_652 : vector<1x16xf32> to vector<16xf32>
        %swap3A_654 = arith.constant 832 : index
        %swap3A_655 = tpu.vector_load %arg9[%swap3A_654] {strides = array<i32>} : memref<1024xf32, #tpu.memory_space<vmem>>, vector<16xf32>,
        %swap3A_656 = vector.shape_cast %swap3A_655 : vector<16xf32> to vector<16xf32>
        %swap3A_657 = vector.shape_cast %get3A_653 : vector<16xf32> to vector<16xf32>
        tpu.vector_store %arg9[%swap3A_654], %swap3A_657 {strides = array<i32>} : memref<1024xf32, #tpu.memory_space<vmem>>, vector<16xf32>,
        %get3A_658 = arith.constant 53 : i32
        %get3A_659 = arith.index_cast %get3A_658 : i32 to index
        %get3A_660 = arith.constant 0 : index
        %get3A_661 = tpu.vector_load %arg8[%get3A_659, %get3A_660] {strides = array<i32>} : memref<64x128xf32, #tpu.memory_space<vmem>>, vector<1x16xf32>,
        %get3A_662 = vector.shape_cast %get3A_661 : vector<1x16xf32> to vector<16xf32>
        %swap3A_663 = arith.constant 848 : index
        %swap3A_664 = tpu.vector_load %arg9[%swap3A_663] {strides = array<i32>} : memref<1024xf32, #tpu.memory_space<vmem>>, vector<16xf32>,
        %swap3A_665 = vector.shape_cast %swap3A_664 : vector<16xf32> to vector<16xf32>
        %swap3A_666 = vector.shape_cast %get3A_662 : vector<16xf32> to vector<16xf32>
        tpu.vector_store %arg9[%swap3A_663], %swap3A_666 {strides = array<i32>} : memref<1024xf32, #tpu.memory_space<vmem>>, vector<16xf32>,
        %get3A_667 = arith.constant 54 : i32
        %get3A_668 = arith.index_cast %get3A_667 : i32 to index
        %get3A_669 = arith.constant 0 : index
        %get3A_670 = tpu.vector_load %arg8[%get3A_668, %get3A_669] {strides = array<i32>} : memref<64x128xf32, #tpu.memory_space<vmem>>, vector<1x16xf32>,
        %get3A_671 = vector.shape_cast %get3A_670 : vector<1x16xf32> to vector<16xf32>
        %swap3A_672 = arith.constant 864 : index
        %swap3A_673 = tpu.vector_load %arg9[%swap3A_672] {strides = array<i32>} : memref<1024xf32, #tpu.memory_space<vmem>>, vector<16xf32>,
        %swap3A_674 = vector.shape_cast %swap3A_673 : vector<16xf32> to vector<16xf32>
        %swap3A_675 = vector.shape_cast %get3A_671 : vector<16xf32> to vector<16xf32>
        tpu.vector_store %arg9[%swap3A_672], %swap3A_675 {strides = array<i32>} : memref<1024xf32, #tpu.memory_space<vmem>>, vector<16xf32>,
        %get3A_676 = arith.constant 55 : i32
        %get3A_677 = arith.index_cast %get3A_676 : i32 to index
        %get3A_678 = arith.constant 0 : index
        %get3A_679 = tpu.vector_load %arg8[%get3A_677, %get3A_678] {strides = array<i32>} : memref<64x128xf32, #tpu.memory_space<vmem>>, vector<1x16xf32>,
        %get3A_680 = vector.shape_cast %get3A_679 : vector<1x16xf32> to vector<16xf32>
        %swap3A_681 = arith.constant 880 : index
        %swap3A_682 = tpu.vector_load %arg9[%swap3A_681] {strides = array<i32>} : memref<1024xf32, #tpu.memory_space<vmem>>, vector<16xf32>,
        %swap3A_683 = vector.shape_cast %swap3A_682 : vector<16xf32> to vector<16xf32>
        %swap3A_684 = vector.shape_cast %get3A_680 : vector<16xf32> to vector<16xf32>
        tpu.vector_store %arg9[%swap3A_681], %swap3A_684 {strides = array<i32>} : memref<1024xf32, #tpu.memory_space<vmem>>, vector<16xf32>,
        %get3A_685 = arith.constant 56 : i32
        %get3A_686 = arith.index_cast %get3A_685 : i32 to index
        %get3A_687 = arith.constant 0 : index
        %get3A_688 = tpu.vector_load %arg8[%get3A_686, %get3A_687] {strides = array<i32>} : memref<64x128xf32, #tpu.memory_space<vmem>>, vector<1x16xf32>,
        %get3A_689 = vector.shape_cast %get3A_688 : vector<1x16xf32> to vector<16xf32>
        %swap3A_690 = arith.constant 896 : index
        %swap3A_691 = tpu.vector_load %arg9[%swap3A_690] {strides = array<i32>} : memref<1024xf32, #tpu.memory_space<vmem>>, vector<16xf32>,
        %swap3A_692 = vector.shape_cast %swap3A_691 : vector<16xf32> to vector<16xf32>
        %swap3A_693 = vector.shape_cast %get3A_689 : vector<16xf32> to vector<16xf32>
        tpu.vector_store %arg9[%swap3A_690], %swap3A_693 {strides = array<i32>} : memref<1024xf32, #tpu.memory_space<vmem>>, vector<16xf32>,
        %get3A_694 = arith.constant 57 : i32
        %get3A_695 = arith.index_cast %get3A_694 : i32 to index
        %get3A_696 = arith.constant 0 : index
        %get3A_697 = tpu.vector_load %arg8[%get3A_695, %get3A_696] {strides = array<i32>} : memref<64x128xf32, #tpu.memory_space<vmem>>, vector<1x16xf32>,
        %get3A_698 = vector.shape_cast %get3A_697 : vector<1x16xf32> to vector<16xf32>
        %swap3A_699 = arith.constant 912 : index
        %swap3A_700 = tpu.vector_load %arg9[%swap3A_699] {strides = array<i32>} : memref<1024xf32, #tpu.memory_space<vmem>>, vector<16xf32>,
        %swap3A_701 = vector.shape_cast %swap3A_700 : vector<16xf32> to vector<16xf32>
        %swap3A_702 = vector.shape_cast %get3A_698 : vector<16xf32> to vector<16xf32>
        tpu.vector_store %arg9[%swap3A_699], %swap3A_702 {strides = array<i32>} : memref<1024xf32, #tpu.memory_space<vmem>>, vector<16xf32>,
        %get3A_703 = arith.constant 58 : i32
        %get3A_704 = arith.index_cast %get3A_703 : i32 to index
        %get3A_705 = arith.constant 0 : index
        %get3A_706 = tpu.vector_load %arg8[%get3A_704, %get3A_705] {strides = array<i32>} : memref<64x128xf32, #tpu.memory_space<vmem>>, vector<1x16xf32>,
        %get3A_707 = vector.shape_cast %get3A_706 : vector<1x16xf32> to vector<16xf32>
        %swap3A_708 = arith.constant 928 : index
        %swap3A_709 = tpu.vector_load %arg9[%swap3A_708] {strides = array<i32>} : memref<1024xf32, #tpu.memory_space<vmem>>, vector<16xf32>,
        %swap3A_710 = vector.shape_cast %swap3A_709 : vector<16xf32> to vector<16xf32>
        %swap3A_711 = vector.shape_cast %get3A_707 : vector<16xf32> to vector<16xf32>
        tpu.vector_store %arg9[%swap3A_708], %swap3A_711 {strides = array<i32>} : memref<1024xf32, #tpu.memory_space<vmem>>, vector<16xf32>,
        %get3A_712 = arith.constant 59 : i32
        %get3A_713 = arith.index_cast %get3A_712 : i32 to index
        %get3A_714 = arith.constant 0 : index
        %get3A_715 = tpu.vector_load %arg8[%get3A_713, %get3A_714] {strides = array<i32>} : memref<64x128xf32, #tpu.memory_space<vmem>>, vector<1x16xf32>,
        %get3A_716 = vector.shape_cast %get3A_715 : vector<1x16xf32> to vector<16xf32>
        %swap3A_717 = arith.constant 944 : index
        %swap3A_718 = tpu.vector_load %arg9[%swap3A_717] {strides = array<i32>} : memref<1024xf32, #tpu.memory_space<vmem>>, vector<16xf32>,
        %swap3A_719 = vector.shape_cast %swap3A_718 : vector<16xf32> to vector<16xf32>
        %swap3A_720 = vector.shape_cast %get3A_716 : vector<16xf32> to vector<16xf32>
        tpu.vector_store %arg9[%swap3A_717], %swap3A_720 {strides = array<i32>} : memref<1024xf32, #tpu.memory_space<vmem>>, vector<16xf32>,
        %get3A_721 = arith.constant 60 : i32
        %get3A_722 = arith.index_cast %get3A_721 : i32 to index
        %get3A_723 = arith.constant 0 : index
        %get3A_724 = tpu.vector_load %arg8[%get3A_722, %get3A_723] {strides = array<i32>} : memref<64x128xf32, #tpu.memory_space<vmem>>, vector<1x16xf32>,
        %get3A_725 = vector.shape_cast %get3A_724 : vector<1x16xf32> to vector<16xf32>
        %swap3A_726 = arith.constant 960 : index
        %swap3A_727 = tpu.vector_load %arg9[%swap3A_726] {strides = array<i32>} : memref<1024xf32, #tpu.memory_space<vmem>>, vector<16xf32>,
        %swap3A_728 = vector.shape_cast %swap3A_727 : vector<16xf32> to vector<16xf32>
        %swap3A_729 = vector.shape_cast %get3A_725 : vector<16xf32> to vector<16xf32>
        tpu.vector_store %arg9[%swap3A_726], %swap3A_729 {strides = array<i32>} : memref<1024xf32, #tpu.memory_space<vmem>>, vector<16xf32>,
        %get3A_730 = arith.constant 61 : i32
        %get3A_731 = arith.index_cast %get3A_730 : i32 to index
        %get3A_732 = arith.constant 0 : index
        %get3A_733 = tpu.vector_load %arg8[%get3A_731, %get3A_732] {strides = array<i32>} : memref<64x128xf32, #tpu.memory_space<vmem>>, vector<1x16xf32>,
        %get3A_734 = vector.shape_cast %get3A_733 : vector<1x16xf32> to vector<16xf32>
        %swap3A_735 = arith.constant 976 : index
        %swap3A_736 = tpu.vector_load %arg9[%swap3A_735] {strides = array<i32>} : memref<1024xf32, #tpu.memory_space<vmem>>, vector<16xf32>,
        %swap3A_737 = vector.shape_cast %swap3A_736 : vector<16xf32> to vector<16xf32>
        %swap3A_738 = vector.shape_cast %get3A_734 : vector<16xf32> to vector<16xf32>
        tpu.vector_store %arg9[%swap3A_735], %swap3A_738 {strides = array<i32>} : memref<1024xf32, #tpu.memory_space<vmem>>, vector<16xf32>,
        %get3A_739 = arith.constant 62 : i32
        %get3A_740 = arith.index_cast %get3A_739 : i32 to index
        %get3A_741 = arith.constant 0 : index
        %get3A_742 = tpu.vector_load %arg8[%get3A_740, %get3A_741] {strides = array<i32>} : memref<64x128xf32, #tpu.memory_space<vmem>>, vector<1x16xf32>,
        %get3A_743 = vector.shape_cast %get3A_742 : vector<1x16xf32> to vector<16xf32>
        %swap3A_744 = arith.constant 992 : index
        %swap3A_745 = tpu.vector_load %arg9[%swap3A_744] {strides = array<i32>} : memref<1024xf32, #tpu.memory_space<vmem>>, vector<16xf32>,
        %swap3A_746 = vector.shape_cast %swap3A_745 : vector<16xf32> to vector<16xf32>
        %swap3A_747 = vector.shape_cast %get3A_743 : vector<16xf32> to vector<16xf32>
        tpu.vector_store %arg9[%swap3A_744], %swap3A_747 {strides = array<i32>} : memref<1024xf32, #tpu.memory_space<vmem>>, vector<16xf32>,
        %get3A_748 = arith.constant 63 : i32
        %get3A_749 = arith.index_cast %get3A_748 : i32 to index
        %get3A_750 = arith.constant 0 : index
        %get3A_751 = tpu.vector_load %arg8[%get3A_749, %get3A_750] {strides = array<i32>} : memref<64x128xf32, #tpu.memory_space<vmem>>, vector<1x16xf32>,
        %get3A_752 = vector.shape_cast %get3A_751 : vector<1x16xf32> to vector<16xf32>
        %swap3A_753 = arith.constant 1008 : index
        %swap3A_754 = tpu.vector_load %arg9[%swap3A_753] {strides = array<i32>} : memref<1024xf32, #tpu.memory_space<vmem>>, vector<16xf32>,
        %swap3A_755 = vector.shape_cast %swap3A_754 : vector<16xf32> to vector<16xf32>
        %swap3A_756 = vector.shape_cast %get3A_752 : vector<16xf32> to vector<16xf32>
        tpu.vector_store %arg9[%swap3A_753], %swap3A_756 {strides = array<i32>} : memref<1024xf32, #tpu.memory_space<vmem>>, vector<16xf32>,
      } else {
      }
      %eq3A_49 = arith.constant 1 : i32
      %eq3A_50 = arith.cmpi eq, %arg0, %eq3A_49 : i32
      %convert_element_type3A_51 = arith.extui %eq3A_50 : i1 to i32
      %cond3A_52 = arith.constant 0 : i32
      %cond3A_53 = arith.cmpi ne, %convert_element_type3A_51, %cond3A_52 : i32
      scf.if %cond3A_53 {
        %get3A = arith.constant 0 : i32
        %get3A_183 = arith.index_cast %get3A : i32 to index
        %get3A_184 = arith.constant 16 : index
        %get3A_185 = tpu.vector_load %arg8[%get3A_183, %get3A_184] {strides = array<i32>} : memref<64x128xf32, #tpu.memory_space<vmem>>, vector<1x16xf32>,
        %get3A_186 = vector.shape_cast %get3A_185 : vector<1x16xf32> to vector<16xf32>
        %swap3A = arith.constant 0 : index
        %swap3A_187 = tpu.vector_load %arg9[%swap3A] {strides = array<i32>} : memref<1024xf32, #tpu.memory_space<vmem>>, vector<16xf32>,
        %swap3A_188 = vector.shape_cast %swap3A_187 : vector<16xf32> to vector<16xf32>
        %swap3A_189 = vector.shape_cast %get3A_186 : vector<16xf32> to vector<16xf32>
        tpu.vector_store %arg9[%swap3A], %swap3A_189 {strides = array<i32>} : memref<1024xf32, #tpu.memory_space<vmem>>, vector<16xf32>,
        %get3A_190 = arith.constant 1 : i32
        %get3A_191 = arith.index_cast %get3A_190 : i32 to index
        %get3A_192 = arith.constant 16 : index
        %get3A_193 = tpu.vector_load %arg8[%get3A_191, %get3A_192] {strides = array<i32>} : memref<64x128xf32, #tpu.memory_space<vmem>>, vector<1x16xf32>,
        %get3A_194 = vector.shape_cast %get3A_193 : vector<1x16xf32> to vector<16xf32>
        %swap3A_195 = arith.constant 16 : index
        %swap3A_196 = tpu.vector_load %arg9[%swap3A_195] {strides = array<i32>} : memref<1024xf32, #tpu.memory_space<vmem>>, vector<16xf32>,
        %swap3A_197 = vector.shape_cast %swap3A_196 : vector<16xf32> to vector<16xf32>
        %swap3A_198 = vector.shape_cast %get3A_194 : vector<16xf32> to vector<16xf32>
        tpu.vector_store %arg9[%swap3A_195], %swap3A_198 {strides = array<i32>} : memref<1024xf32, #tpu.memory_space<vmem>>, vector<16xf32>,
        %get3A_199 = arith.constant 2 : i32
        %get3A_200 = arith.index_cast %get3A_199 : i32 to index
        %get3A_201 = arith.constant 16 : index
        %get3A_202 = tpu.vector_load %arg8[%get3A_200, %get3A_201] {strides = array<i32>} : memref<64x128xf32, #tpu.memory_space<vmem>>, vector<1x16xf32>,
        %get3A_203 = vector.shape_cast %get3A_202 : vector<1x16xf32> to vector<16xf32>
        %swap3A_204 = arith.constant 32 : index
        %swap3A_205 = tpu.vector_load %arg9[%swap3A_204] {strides = array<i32>} : memref<1024xf32, #tpu.memory_space<vmem>>, vector<16xf32>,
        %swap3A_206 = vector.shape_cast %swap3A_205 : vector<16xf32> to vector<16xf32>
        %swap3A_207 = vector.shape_cast %get3A_203 : vector<16xf32> to vector<16xf32>
        tpu.vector_store %arg9[%swap3A_204], %swap3A_207 {strides = array<i32>} : memref<1024xf32, #tpu.memory_space<vmem>>, vector<16xf32>,
        %get3A_208 = arith.constant 3 : i32
        %get3A_209 = arith.index_cast %get3A_208 : i32 to index
        %get3A_210 = arith.constant 16 : index
        %get3A_211 = tpu.vector_load %arg8[%get3A_209, %get3A_210] {strides = array<i32>} : memref<64x128xf32, #tpu.memory_space<vmem>>, vector<1x16xf32>,
        %get3A_212 = vector.shape_cast %get3A_211 : vector<1x16xf32> to vector<16xf32>
        %swap3A_213 = arith.constant 48 : index
        %swap3A_214 = tpu.vector_load %arg9[%swap3A_213] {strides = array<i32>} : memref<1024xf32, #tpu.memory_space<vmem>>, vector<16xf32>,
        %swap3A_215 = vector.shape_cast %swap3A_214 : vector<16xf32> to vector<16xf32>
        %swap3A_216 = vector.shape_cast %get3A_212 : vector<16xf32> to vector<16xf32>
        tpu.vector_store %arg9[%swap3A_213], %swap3A_216 {strides = array<i32>} : memref<1024xf32, #tpu.memory_space<vmem>>, vector<16xf32>,
        %get3A_217 = arith.constant 4 : i32
        %get3A_218 = arith.index_cast %get3A_217 : i32 to index
        %get3A_219 = arith.constant 16 : index
        %get3A_220 = tpu.vector_load %arg8[%get3A_218, %get3A_219] {strides = array<i32>} : memref<64x128xf32, #tpu.memory_space<vmem>>, vector<1x16xf32>,
        %get3A_221 = vector.shape_cast %get3A_220 : vector<1x16xf32> to vector<16xf32>
        %swap3A_222 = arith.constant 64 : index
        %swap3A_223 = tpu.vector_load %arg9[%swap3A_222] {strides = array<i32>} : memref<1024xf32, #tpu.memory_space<vmem>>, vector<16xf32>,
        %swap3A_224 = vector.shape_cast %swap3A_223 : vector<16xf32> to vector<16xf32>
        %swap3A_225 = vector.shape_cast %get3A_221 : vector<16xf32> to vector<16xf32>
        tpu.vector_store %arg9[%swap3A_222], %swap3A_225 {strides = array<i32>} : memref<1024xf32, #tpu.memory_space<vmem>>, vector<16xf32>,
        %get3A_226 = arith.constant 5 : i32
        %get3A_227 = arith.index_cast %get3A_226 : i32 to index
        %get3A_228 = arith.constant 16 : index
        %get3A_229 = tpu.vector_load %arg8[%get3A_227, %get3A_228] {strides = array<i32>} : memref<64x128xf32, #tpu.memory_space<vmem>>, vector<1x16xf32>,
        %get3A_230 = vector.shape_cast %get3A_229 : vector<1x16xf32> to vector<16xf32>
        %swap3A_231 = arith.constant 80 : index
        %swap3A_232 = tpu.vector_load %arg9[%swap3A_231] {strides = array<i32>} : memref<1024xf32, #tpu.memory_space<vmem>>, vector<16xf32>,
        %swap3A_233 = vector.shape_cast %swap3A_232 : vector<16xf32> to vector<16xf32>
        %swap3A_234 = vector.shape_cast %get3A_230 : vector<16xf32> to vector<16xf32>
        tpu.vector_store %arg9[%swap3A_231], %swap3A_234 {strides = array<i32>} : memref<1024xf32, #tpu.memory_space<vmem>>, vector<16xf32>,
        %get3A_235 = arith.constant 6 : i32
        %get3A_236 = arith.index_cast %get3A_235 : i32 to index
        %get3A_237 = arith.constant 16 : index
        %get3A_238 = tpu.vector_load %arg8[%get3A_236, %get3A_237] {strides = array<i32>} : memref<64x128xf32, #tpu.memory_space<vmem>>, vector<1x16xf32>,
        %get3A_239 = vector.shape_cast %get3A_238 : vector<1x16xf32> to vector<16xf32>
        %swap3A_240 = arith.constant 96 : index
        %swap3A_241 = tpu.vector_load %arg9[%swap3A_240] {strides = array<i32>} : memref<1024xf32, #tpu.memory_space<vmem>>, vector<16xf32>,
        %swap3A_242 = vector.shape_cast %swap3A_241 : vector<16xf32> to vector<16xf32>
        %swap3A_243 = vector.shape_cast %get3A_239 : vector<16xf32> to vector<16xf32>
        tpu.vector_store %arg9[%swap3A_240], %swap3A_243 {strides = array<i32>} : memref<1024xf32, #tpu.memory_space<vmem>>, vector<16xf32>,
        %get3A_244 = arith.constant 7 : i32
        %get3A_245 = arith.index_cast %get3A_244 : i32 to index
        %get3A_246 = arith.constant 16 : index
        %get3A_247 = tpu.vector_load %arg8[%get3A_245, %get3A_246] {strides = array<i32>} : memref<64x128xf32, #tpu.memory_space<vmem>>, vector<1x16xf32>,
        %get3A_248 = vector.shape_cast %get3A_247 : vector<1x16xf32> to vector<16xf32>
        %swap3A_249 = arith.constant 112 : index
        %swap3A_250 = tpu.vector_load %arg9[%swap3A_249] {strides = array<i32>} : memref<1024xf32, #tpu.memory_space<vmem>>, vector<16xf32>,
        %swap3A_251 = vector.shape_cast %swap3A_250 : vector<16xf32> to vector<16xf32>
        %swap3A_252 = vector.shape_cast %get3A_248 : vector<16xf32> to vector<16xf32>
        tpu.vector_store %arg9[%swap3A_249], %swap3A_252 {strides = array<i32>} : memref<1024xf32, #tpu.memory_space<vmem>>, vector<16xf32>,
        %get3A_253 = arith.constant 8 : i32
        %get3A_254 = arith.index_cast %get3A_253 : i32 to index
        %get3A_255 = arith.constant 16 : index
        %get3A_256 = tpu.vector_load %arg8[%get3A_254, %get3A_255] {strides = array<i32>} : memref<64x128xf32, #tpu.memory_space<vmem>>, vector<1x16xf32>,
        %get3A_257 = vector.shape_cast %get3A_256 : vector<1x16xf32> to vector<16xf32>
        %swap3A_258 = arith.constant 128 : index
        %swap3A_259 = tpu.vector_load %arg9[%swap3A_258] {strides = array<i32>} : memref<1024xf32, #tpu.memory_space<vmem>>, vector<16xf32>,
        %swap3A_260 = vector.shape_cast %swap3A_259 : vector<16xf32> to vector<16xf32>
        %swap3A_261 = vector.shape_cast %get3A_257 : vector<16xf32> to vector<16xf32>
        tpu.vector_store %arg9[%swap3A_258], %swap3A_261 {strides = array<i32>} : memref<1024xf32, #tpu.memory_space<vmem>>, vector<16xf32>,
        %get3A_262 = arith.constant 9 : i32
        %get3A_263 = arith.index_cast %get3A_262 : i32 to index
        %get3A_264 = arith.constant 16 : index
        %get3A_265 = tpu.vector_load %arg8[%get3A_263, %get3A_264] {strides = array<i32>} : memref<64x128xf32, #tpu.memory_space<vmem>>, vector<1x16xf32>,
        %get3A_266 = vector.shape_cast %get3A_265 : vector<1x16xf32> to vector<16xf32>
        %swap3A_267 = arith.constant 144 : index
        %swap3A_268 = tpu.vector_load %arg9[%swap3A_267] {strides = array<i32>} : memref<1024xf32, #tpu.memory_space<vmem>>, vector<16xf32>,
        %swap3A_269 = vector.shape_cast %swap3A_268 : vector<16xf32> to vector<16xf32>
        %swap3A_270 = vector.shape_cast %get3A_266 : vector<16xf32> to vector<16xf32>
        tpu.vector_store %arg9[%swap3A_267], %swap3A_270 {strides = array<i32>} : memref<1024xf32, #tpu.memory_space<vmem>>, vector<16xf32>,
        %get3A_271 = arith.constant 10 : i32
        %get3A_272 = arith.index_cast %get3A_271 : i32 to index
        %get3A_273 = arith.constant 16 : index
        %get3A_274 = tpu.vector_load %arg8[%get3A_272, %get3A_273] {strides = array<i32>} : memref<64x128xf32, #tpu.memory_space<vmem>>, vector<1x16xf32>,
        %get3A_275 = vector.shape_cast %get3A_274 : vector<1x16xf32> to vector<16xf32>
        %swap3A_276 = arith.constant 160 : index
        %swap3A_277 = tpu.vector_load %arg9[%swap3A_276] {strides = array<i32>} : memref<1024xf32, #tpu.memory_space<vmem>>, vector<16xf32>,
        %swap3A_278 = vector.shape_cast %swap3A_277 : vector<16xf32> to vector<16xf32>
        %swap3A_279 = vector.shape_cast %get3A_275 : vector<16xf32> to vector<16xf32>
        tpu.vector_store %arg9[%swap3A_276], %swap3A_279 {strides = array<i32>} : memref<1024xf32, #tpu.memory_space<vmem>>, vector<16xf32>,
        %get3A_280 = arith.constant 11 : i32
        %get3A_281 = arith.index_cast %get3A_280 : i32 to index
        %get3A_282 = arith.constant 16 : index
        %get3A_283 = tpu.vector_load %arg8[%get3A_281, %get3A_282] {strides = array<i32>} : memref<64x128xf32, #tpu.memory_space<vmem>>, vector<1x16xf32>,
        %get3A_284 = vector.shape_cast %get3A_283 : vector<1x16xf32> to vector<16xf32>
        %swap3A_285 = arith.constant 176 : index
        %swap3A_286 = tpu.vector_load %arg9[%swap3A_285] {strides = array<i32>} : memref<1024xf32, #tpu.memory_space<vmem>>, vector<16xf32>,
        %swap3A_287 = vector.shape_cast %swap3A_286 : vector<16xf32> to vector<16xf32>
        %swap3A_288 = vector.shape_cast %get3A_284 : vector<16xf32> to vector<16xf32>
        tpu.vector_store %arg9[%swap3A_285], %swap3A_288 {strides = array<i32>} : memref<1024xf32, #tpu.memory_space<vmem>>, vector<16xf32>,
        %get3A_289 = arith.constant 12 : i32
        %get3A_290 = arith.index_cast %get3A_289 : i32 to index
        %get3A_291 = arith.constant 16 : index
        %get3A_292 = tpu.vector_load %arg8[%get3A_290, %get3A_291] {strides = array<i32>} : memref<64x128xf32, #tpu.memory_space<vmem>>, vector<1x16xf32>,
        %get3A_293 = vector.shape_cast %get3A_292 : vector<1x16xf32> to vector<16xf32>
        %swap3A_294 = arith.constant 192 : index
        %swap3A_295 = tpu.vector_load %arg9[%swap3A_294] {strides = array<i32>} : memref<1024xf32, #tpu.memory_space<vmem>>, vector<16xf32>,
        %swap3A_296 = vector.shape_cast %swap3A_295 : vector<16xf32> to vector<16xf32>
        %swap3A_297 = vector.shape_cast %get3A_293 : vector<16xf32> to vector<16xf32>
        tpu.vector_store %arg9[%swap3A_294], %swap3A_297 {strides = array<i32>} : memref<1024xf32, #tpu.memory_space<vmem>>, vector<16xf32>,
        %get3A_298 = arith.constant 13 : i32
        %get3A_299 = arith.index_cast %get3A_298 : i32 to index
        %get3A_300 = arith.constant 16 : index
        %get3A_301 = tpu.vector_load %arg8[%get3A_299, %get3A_300] {strides = array<i32>} : memref<64x128xf32, #tpu.memory_space<vmem>>, vector<1x16xf32>,
        %get3A_302 = vector.shape_cast %get3A_301 : vector<1x16xf32> to vector<16xf32>
        %swap3A_303 = arith.constant 208 : index
        %swap3A_304 = tpu.vector_load %arg9[%swap3A_303] {strides = array<i32>} : memref<1024xf32, #tpu.memory_space<vmem>>, vector<16xf32>,
        %swap3A_305 = vector.shape_cast %swap3A_304 : vector<16xf32> to vector<16xf32>
        %swap3A_306 = vector.shape_cast %get3A_302 : vector<16xf32> to vector<16xf32>
        tpu.vector_store %arg9[%swap3A_303], %swap3A_306 {strides = array<i32>} : memref<1024xf32, #tpu.memory_space<vmem>>, vector<16xf32>,
        %get3A_307 = arith.constant 14 : i32
        %get3A_308 = arith.index_cast %get3A_307 : i32 to index
        %get3A_309 = arith.constant 16 : index
        %get3A_310 = tpu.vector_load %arg8[%get3A_308, %get3A_309] {strides = array<i32>} : memref<64x128xf32, #tpu.memory_space<vmem>>, vector<1x16xf32>,
        %get3A_311 = vector.shape_cast %get3A_310 : vector<1x16xf32> to vector<16xf32>
        %swap3A_312 = arith.constant 224 : index
        %swap3A_313 = tpu.vector_load %arg9[%swap3A_312] {strides = array<i32>} : memref<1024xf32, #tpu.memory_space<vmem>>, vector<16xf32>,
        %swap3A_314 = vector.shape_cast %swap3A_313 : vector<16xf32> to vector<16xf32>
        %swap3A_315 = vector.shape_cast %get3A_311 : vector<16xf32> to vector<16xf32>
        tpu.vector_store %arg9[%swap3A_312], %swap3A_315 {strides = array<i32>} : memref<1024xf32, #tpu.memory_space<vmem>>, vector<16xf32>,
        %get3A_316 = arith.constant 15 : i32
        %get3A_317 = arith.index_cast %get3A_316 : i32 to index
        %get3A_318 = arith.constant 16 : index
        %get3A_319 = tpu.vector_load %arg8[%get3A_317, %get3A_318] {strides = array<i32>} : memref<64x128xf32, #tpu.memory_space<vmem>>, vector<1x16xf32>,
        %get3A_320 = vector.shape_cast %get3A_319 : vector<1x16xf32> to vector<16xf32>
        %swap3A_321 = arith.constant 240 : index
        %swap3A_322 = tpu.vector_load %arg9[%swap3A_321] {strides = array<i32>} : memref<1024xf32, #tpu.memory_space<vmem>>, vector<16xf32>,
        %swap3A_323 = vector.shape_cast %swap3A_322 : vector<16xf32> to vector<16xf32>
        %swap3A_324 = vector.shape_cast %get3A_320 : vector<16xf32> to vector<16xf32>
        tpu.vector_store %arg9[%swap3A_321], %swap3A_324 {strides = array<i32>} : memref<1024xf32, #tpu.memory_space<vmem>>, vector<16xf32>,
        %get3A_325 = arith.constant 16 : i32
        %get3A_326 = arith.index_cast %get3A_325 : i32 to index
        %get3A_327 = arith.constant 16 : index
        %get3A_328 = tpu.vector_load %arg8[%get3A_326, %get3A_327] {strides = array<i32>} : memref<64x128xf32, #tpu.memory_space<vmem>>, vector<1x16xf32>,
        %get3A_329 = vector.shape_cast %get3A_328 : vector<1x16xf32> to vector<16xf32>
        %swap3A_330 = arith.constant 256 : index
        %swap3A_331 = tpu.vector_load %arg9[%swap3A_330] {strides = array<i32>} : memref<1024xf32, #tpu.memory_space<vmem>>, vector<16xf32>,
        %swap3A_332 = vector.shape_cast %swap3A_331 : vector<16xf32> to vector<16xf32>
        %swap3A_333 = vector.shape_cast %get3A_329 : vector<16xf32> to vector<16xf32>
        tpu.vector_store %arg9[%swap3A_330], %swap3A_333 {strides = array<i32>} : memref<1024xf32, #tpu.memory_space<vmem>>, vector<16xf32>,
        %get3A_334 = arith.constant 17 : i32
        %get3A_335 = arith.index_cast %get3A_334 : i32 to index
        %get3A_336 = arith.constant 16 : index
        %get3A_337 = tpu.vector_load %arg8[%get3A_335, %get3A_336] {strides = array<i32>} : memref<64x128xf32, #tpu.memory_space<vmem>>, vector<1x16xf32>,
        %get3A_338 = vector.shape_cast %get3A_337 : vector<1x16xf32> to vector<16xf32>
        %swap3A_339 = arith.constant 272 : index
        %swap3A_340 = tpu.vector_load %arg9[%swap3A_339] {strides = array<i32>} : memref<1024xf32, #tpu.memory_space<vmem>>, vector<16xf32>,
        %swap3A_341 = vector.shape_cast %swap3A_340 : vector<16xf32> to vector<16xf32>
        %swap3A_342 = vector.shape_cast %get3A_338 : vector<16xf32> to vector<16xf32>
        tpu.vector_store %arg9[%swap3A_339], %swap3A_342 {strides = array<i32>} : memref<1024xf32, #tpu.memory_space<vmem>>, vector<16xf32>,
        %get3A_343 = arith.constant 18 : i32
        %get3A_344 = arith.index_cast %get3A_343 : i32 to index
        %get3A_345 = arith.constant 16 : index
        %get3A_346 = tpu.vector_load %arg8[%get3A_344, %get3A_345] {strides = array<i32>} : memref<64x128xf32, #tpu.memory_space<vmem>>, vector<1x16xf32>,
        %get3A_347 = vector.shape_cast %get3A_346 : vector<1x16xf32> to vector<16xf32>
        %swap3A_348 = arith.constant 288 : index
        %swap3A_349 = tpu.vector_load %arg9[%swap3A_348] {strides = array<i32>} : memref<1024xf32, #tpu.memory_space<vmem>>, vector<16xf32>,
        %swap3A_350 = vector.shape_cast %swap3A_349 : vector<16xf32> to vector<16xf32>
        %swap3A_351 = vector.shape_cast %get3A_347 : vector<16xf32> to vector<16xf32>
        tpu.vector_store %arg9[%swap3A_348], %swap3A_351 {strides = array<i32>} : memref<1024xf32, #tpu.memory_space<vmem>>, vector<16xf32>,
        %get3A_352 = arith.constant 19 : i32
        %get3A_353 = arith.index_cast %get3A_352 : i32 to index
        %get3A_354 = arith.constant 16 : index
        %get3A_355 = tpu.vector_load %arg8[%get3A_353, %get3A_354] {strides = array<i32>} : memref<64x128xf32, #tpu.memory_space<vmem>>, vector<1x16xf32>,
        %get3A_356 = vector.shape_cast %get3A_355 : vector<1x16xf32> to vector<16xf32>
        %swap3A_357 = arith.constant 304 : index
        %swap3A_358 = tpu.vector_load %arg9[%swap3A_357] {strides = array<i32>} : memref<1024xf32, #tpu.memory_space<vmem>>, vector<16xf32>,
        %swap3A_359 = vector.shape_cast %swap3A_358 : vector<16xf32> to vector<16xf32>
        %swap3A_360 = vector.shape_cast %get3A_356 : vector<16xf32> to vector<16xf32>
        tpu.vector_store %arg9[%swap3A_357], %swap3A_360 {strides = array<i32>} : memref<1024xf32, #tpu.memory_space<vmem>>, vector<16xf32>,
        %get3A_361 = arith.constant 20 : i32
        %get3A_362 = arith.index_cast %get3A_361 : i32 to index
        %get3A_363 = arith.constant 16 : index
        %get3A_364 = tpu.vector_load %arg8[%get3A_362, %get3A_363] {strides = array<i32>} : memref<64x128xf32, #tpu.memory_space<vmem>>, vector<1x16xf32>,
        %get3A_365 = vector.shape_cast %get3A_364 : vector<1x16xf32> to vector<16xf32>
        %swap3A_366 = arith.constant 320 : index
        %swap3A_367 = tpu.vector_load %arg9[%swap3A_366] {strides = array<i32>} : memref<1024xf32, #tpu.memory_space<vmem>>, vector<16xf32>,
        %swap3A_368 = vector.shape_cast %swap3A_367 : vector<16xf32> to vector<16xf32>
        %swap3A_369 = vector.shape_cast %get3A_365 : vector<16xf32> to vector<16xf32>
        tpu.vector_store %arg9[%swap3A_366], %swap3A_369 {strides = array<i32>} : memref<1024xf32, #tpu.memory_space<vmem>>, vector<16xf32>,
        %get3A_370 = arith.constant 21 : i32
        %get3A_371 = arith.index_cast %get3A_370 : i32 to index
        %get3A_372 = arith.constant 16 : index
        %get3A_373 = tpu.vector_load %arg8[%get3A_371, %get3A_372] {strides = array<i32>} : memref<64x128xf32, #tpu.memory_space<vmem>>, vector<1x16xf32>,
        %get3A_374 = vector.shape_cast %get3A_373 : vector<1x16xf32> to vector<16xf32>
        %swap3A_375 = arith.constant 336 : index
        %swap3A_376 = tpu.vector_load %arg9[%swap3A_375] {strides = array<i32>} : memref<1024xf32, #tpu.memory_space<vmem>>, vector<16xf32>,
        %swap3A_377 = vector.shape_cast %swap3A_376 : vector<16xf32> to vector<16xf32>
        %swap3A_378 = vector.shape_cast %get3A_374 : vector<16xf32> to vector<16xf32>
        tpu.vector_store %arg9[%swap3A_375], %swap3A_378 {strides = array<i32>} : memref<1024xf32, #tpu.memory_space<vmem>>, vector<16xf32>,
        %get3A_379 = arith.constant 22 : i32
        %get3A_380 = arith.index_cast %get3A_379 : i32 to index
        %get3A_381 = arith.constant 16 : index
        %get3A_382 = tpu.vector_load %arg8[%get3A_380, %get3A_381] {strides = array<i32>} : memref<64x128xf32, #tpu.memory_space<vmem>>, vector<1x16xf32>,
        %get3A_383 = vector.shape_cast %get3A_382 : vector<1x16xf32> to vector<16xf32>
        %swap3A_384 = arith.constant 352 : index
        %swap3A_385 = tpu.vector_load %arg9[%swap3A_384] {strides = array<i32>} : memref<1024xf32, #tpu.memory_space<vmem>>, vector<16xf32>,
        %swap3A_386 = vector.shape_cast %swap3A_385 : vector<16xf32> to vector<16xf32>
        %swap3A_387 = vector.shape_cast %get3A_383 : vector<16xf32> to vector<16xf32>
        tpu.vector_store %arg9[%swap3A_384], %swap3A_387 {strides = array<i32>} : memref<1024xf32, #tpu.memory_space<vmem>>, vector<16xf32>,
        %get3A_388 = arith.constant 23 : i32
        %get3A_389 = arith.index_cast %get3A_388 : i32 to index
        %get3A_390 = arith.constant 16 : index
        %get3A_391 = tpu.vector_load %arg8[%get3A_389, %get3A_390] {strides = array<i32>} : memref<64x128xf32, #tpu.memory_space<vmem>>, vector<1x16xf32>,
        %get3A_392 = vector.shape_cast %get3A_391 : vector<1x16xf32> to vector<16xf32>
        %swap3A_393 = arith.constant 368 : index
        %swap3A_394 = tpu.vector_load %arg9[%swap3A_393] {strides = array<i32>} : memref<1024xf32, #tpu.memory_space<vmem>>, vector<16xf32>,
        %swap3A_395 = vector.shape_cast %swap3A_394 : vector<16xf32> to vector<16xf32>
        %swap3A_396 = vector.shape_cast %get3A_392 : vector<16xf32> to vector<16xf32>
        tpu.vector_store %arg9[%swap3A_393], %swap3A_396 {strides = array<i32>} : memref<1024xf32, #tpu.memory_space<vmem>>, vector<16xf32>,
        %get3A_397 = arith.constant 24 : i32
        %get3A_398 = arith.index_cast %get3A_397 : i32 to index
        %get3A_399 = arith.constant 16 : index
        %get3A_400 = tpu.vector_load %arg8[%get3A_398, %get3A_399] {strides = array<i32>} : memref<64x128xf32, #tpu.memory_space<vmem>>, vector<1x16xf32>,
        %get3A_401 = vector.shape_cast %get3A_400 : vector<1x16xf32> to vector<16xf32>
        %swap3A_402 = arith.constant 384 : index
        %swap3A_403 = tpu.vector_load %arg9[%swap3A_402] {strides = array<i32>} : memref<1024xf32, #tpu.memory_space<vmem>>, vector<16xf32>,
        %swap3A_404 = vector.shape_cast %swap3A_403 : vector<16xf32> to vector<16xf32>
        %swap3A_405 = vector.shape_cast %get3A_401 : vector<16xf32> to vector<16xf32>
        tpu.vector_store %arg9[%swap3A_402], %swap3A_405 {strides = array<i32>} : memref<1024xf32, #tpu.memory_space<vmem>>, vector<16xf32>,
        %get3A_406 = arith.constant 25 : i32
        %get3A_407 = arith.index_cast %get3A_406 : i32 to index
        %get3A_408 = arith.constant 16 : index
        %get3A_409 = tpu.vector_load %arg8[%get3A_407, %get3A_408] {strides = array<i32>} : memref<64x128xf32, #tpu.memory_space<vmem>>, vector<1x16xf32>,
        %get3A_410 = vector.shape_cast %get3A_409 : vector<1x16xf32> to vector<16xf32>
        %swap3A_411 = arith.constant 400 : index
        %swap3A_412 = tpu.vector_load %arg9[%swap3A_411] {strides = array<i32>} : memref<1024xf32, #tpu.memory_space<vmem>>, vector<16xf32>,
        %swap3A_413 = vector.shape_cast %swap3A_412 : vector<16xf32> to vector<16xf32>
        %swap3A_414 = vector.shape_cast %get3A_410 : vector<16xf32> to vector<16xf32>
        tpu.vector_store %arg9[%swap3A_411], %swap3A_414 {strides = array<i32>} : memref<1024xf32, #tpu.memory_space<vmem>>, vector<16xf32>,
        %get3A_415 = arith.constant 26 : i32
        %get3A_416 = arith.index_cast %get3A_415 : i32 to index
        %get3A_417 = arith.constant 16 : index
        %get3A_418 = tpu.vector_load %arg8[%get3A_416, %get3A_417] {strides = array<i32>} : memref<64x128xf32, #tpu.memory_space<vmem>>, vector<1x16xf32>,
        %get3A_419 = vector.shape_cast %get3A_418 : vector<1x16xf32> to vector<16xf32>
        %swap3A_420 = arith.constant 416 : index
        %swap3A_421 = tpu.vector_load %arg9[%swap3A_420] {strides = array<i32>} : memref<1024xf32, #tpu.memory_space<vmem>>, vector<16xf32>,
        %swap3A_422 = vector.shape_cast %swap3A_421 : vector<16xf32> to vector<16xf32>
        %swap3A_423 = vector.shape_cast %get3A_419 : vector<16xf32> to vector<16xf32>
        tpu.vector_store %arg9[%swap3A_420], %swap3A_423 {strides = array<i32>} : memref<1024xf32, #tpu.memory_space<vmem>>, vector<16xf32>,
        %get3A_424 = arith.constant 27 : i32
        %get3A_425 = arith.index_cast %get3A_424 : i32 to index
        %get3A_426 = arith.constant 16 : index
        %get3A_427 = tpu.vector_load %arg8[%get3A_425, %get3A_426] {strides = array<i32>} : memref<64x128xf32, #tpu.memory_space<vmem>>, vector<1x16xf32>,
        %get3A_428 = vector.shape_cast %get3A_427 : vector<1x16xf32> to vector<16xf32>
        %swap3A_429 = arith.constant 432 : index
        %swap3A_430 = tpu.vector_load %arg9[%swap3A_429] {strides = array<i32>} : memref<1024xf32, #tpu.memory_space<vmem>>, vector<16xf32>,
        %swap3A_431 = vector.shape_cast %swap3A_430 : vector<16xf32> to vector<16xf32>
        %swap3A_432 = vector.shape_cast %get3A_428 : vector<16xf32> to vector<16xf32>
        tpu.vector_store %arg9[%swap3A_429], %swap3A_432 {strides = array<i32>} : memref<1024xf32, #tpu.memory_space<vmem>>, vector<16xf32>,
        %get3A_433 = arith.constant 28 : i32
        %get3A_434 = arith.index_cast %get3A_433 : i32 to index
        %get3A_435 = arith.constant 16 : index
        %get3A_436 = tpu.vector_load %arg8[%get3A_434, %get3A_435] {strides = array<i32>} : memref<64x128xf32, #tpu.memory_space<vmem>>, vector<1x16xf32>,
        %get3A_437 = vector.shape_cast %get3A_436 : vector<1x16xf32> to vector<16xf32>
        %swap3A_438 = arith.constant 448 : index
        %swap3A_439 = tpu.vector_load %arg9[%swap3A_438] {strides = array<i32>} : memref<1024xf32, #tpu.memory_space<vmem>>, vector<16xf32>,
        %swap3A_440 = vector.shape_cast %swap3A_439 : vector<16xf32> to vector<16xf32>
        %swap3A_441 = vector.shape_cast %get3A_437 : vector<16xf32> to vector<16xf32>
        tpu.vector_store %arg9[%swap3A_438], %swap3A_441 {strides = array<i32>} : memref<1024xf32, #tpu.memory_space<vmem>>, vector<16xf32>,
        %get3A_442 = arith.constant 29 : i32
        %get3A_443 = arith.index_cast %get3A_442 : i32 to index
        %get3A_444 = arith.constant 16 : index
        %get3A_445 = tpu.vector_load %arg8[%get3A_443, %get3A_444] {strides = array<i32>} : memref<64x128xf32, #tpu.memory_space<vmem>>, vector<1x16xf32>,
        %get3A_446 = vector.shape_cast %get3A_445 : vector<1x16xf32> to vector<16xf32>
        %swap3A_447 = arith.constant 464 : index
        %swap3A_448 = tpu.vector_load %arg9[%swap3A_447] {strides = array<i32>} : memref<1024xf32, #tpu.memory_space<vmem>>, vector<16xf32>,
        %swap3A_449 = vector.shape_cast %swap3A_448 : vector<16xf32> to vector<16xf32>
        %swap3A_450 = vector.shape_cast %get3A_446 : vector<16xf32> to vector<16xf32>
        tpu.vector_store %arg9[%swap3A_447], %swap3A_450 {strides = array<i32>} : memref<1024xf32, #tpu.memory_space<vmem>>, vector<16xf32>,
        %get3A_451 = arith.constant 30 : i32
        %get3A_452 = arith.index_cast %get3A_451 : i32 to index
        %get3A_453 = arith.constant 16 : index
        %get3A_454 = tpu.vector_load %arg8[%get3A_452, %get3A_453] {strides = array<i32>} : memref<64x128xf32, #tpu.memory_space<vmem>>, vector<1x16xf32>,
        %get3A_455 = vector.shape_cast %get3A_454 : vector<1x16xf32> to vector<16xf32>
        %swap3A_456 = arith.constant 480 : index
        %swap3A_457 = tpu.vector_load %arg9[%swap3A_456] {strides = array<i32>} : memref<1024xf32, #tpu.memory_space<vmem>>, vector<16xf32>,
        %swap3A_458 = vector.shape_cast %swap3A_457 : vector<16xf32> to vector<16xf32>
        %swap3A_459 = vector.shape_cast %get3A_455 : vector<16xf32> to vector<16xf32>
        tpu.vector_store %arg9[%swap3A_456], %swap3A_459 {strides = array<i32>} : memref<1024xf32, #tpu.memory_space<vmem>>, vector<16xf32>,
        %get3A_460 = arith.constant 31 : i32
        %get3A_461 = arith.index_cast %get3A_460 : i32 to index
        %get3A_462 = arith.constant 16 : index
        %get3A_463 = tpu.vector_load %arg8[%get3A_461, %get3A_462] {strides = array<i32>} : memref<64x128xf32, #tpu.memory_space<vmem>>, vector<1x16xf32>,
        %get3A_464 = vector.shape_cast %get3A_463 : vector<1x16xf32> to vector<16xf32>
        %swap3A_465 = arith.constant 496 : index
        %swap3A_466 = tpu.vector_load %arg9[%swap3A_465] {strides = array<i32>} : memref<1024xf32, #tpu.memory_space<vmem>>, vector<16xf32>,
        %swap3A_467 = vector.shape_cast %swap3A_466 : vector<16xf32> to vector<16xf32>
        %swap3A_468 = vector.shape_cast %get3A_464 : vector<16xf32> to vector<16xf32>
        tpu.vector_store %arg9[%swap3A_465], %swap3A_468 {strides = array<i32>} : memref<1024xf32, #tpu.memory_space<vmem>>, vector<16xf32>,
        %get3A_469 = arith.constant 32 : i32
        %get3A_470 = arith.index_cast %get3A_469 : i32 to index
        %get3A_471 = arith.constant 16 : index
        %get3A_472 = tpu.vector_load %arg8[%get3A_470, %get3A_471] {strides = array<i32>} : memref<64x128xf32, #tpu.memory_space<vmem>>, vector<1x16xf32>,
        %get3A_473 = vector.shape_cast %get3A_472 : vector<1x16xf32> to vector<16xf32>
        %swap3A_474 = arith.constant 512 : index
        %swap3A_475 = tpu.vector_load %arg9[%swap3A_474] {strides = array<i32>} : memref<1024xf32, #tpu.memory_space<vmem>>, vector<16xf32>,
        %swap3A_476 = vector.shape_cast %swap3A_475 : vector<16xf32> to vector<16xf32>
        %swap3A_477 = vector.shape_cast %get3A_473 : vector<16xf32> to vector<16xf32>
        tpu.vector_store %arg9[%swap3A_474], %swap3A_477 {strides = array<i32>} : memref<1024xf32, #tpu.memory_space<vmem>>, vector<16xf32>,
        %get3A_478 = arith.constant 33 : i32
        %get3A_479 = arith.index_cast %get3A_478 : i32 to index
        %get3A_480 = arith.constant 16 : index
        %get3A_481 = tpu.vector_load %arg8[%get3A_479, %get3A_480] {strides = array<i32>} : memref<64x128xf32, #tpu.memory_space<vmem>>, vector<1x16xf32>,
        %get3A_482 = vector.shape_cast %get3A_481 : vector<1x16xf32> to vector<16xf32>
        %swap3A_483 = arith.constant 528 : index
        %swap3A_484 = tpu.vector_load %arg9[%swap3A_483] {strides = array<i32>} : memref<1024xf32, #tpu.memory_space<vmem>>, vector<16xf32>,
        %swap3A_485 = vector.shape_cast %swap3A_484 : vector<16xf32> to vector<16xf32>
        %swap3A_486 = vector.shape_cast %get3A_482 : vector<16xf32> to vector<16xf32>
        tpu.vector_store %arg9[%swap3A_483], %swap3A_486 {strides = array<i32>} : memref<1024xf32, #tpu.memory_space<vmem>>, vector<16xf32>,
        %get3A_487 = arith.constant 34 : i32
        %get3A_488 = arith.index_cast %get3A_487 : i32 to index
        %get3A_489 = arith.constant 16 : index
        %get3A_490 = tpu.vector_load %arg8[%get3A_488, %get3A_489] {strides = array<i32>} : memref<64x128xf32, #tpu.memory_space<vmem>>, vector<1x16xf32>,
        %get3A_491 = vector.shape_cast %get3A_490 : vector<1x16xf32> to vector<16xf32>
        %swap3A_492 = arith.constant 544 : index
        %swap3A_493 = tpu.vector_load %arg9[%swap3A_492] {strides = array<i32>} : memref<1024xf32, #tpu.memory_space<vmem>>, vector<16xf32>,
        %swap3A_494 = vector.shape_cast %swap3A_493 : vector<16xf32> to vector<16xf32>
        %swap3A_495 = vector.shape_cast %get3A_491 : vector<16xf32> to vector<16xf32>
        tpu.vector_store %arg9[%swap3A_492], %swap3A_495 {strides = array<i32>} : memref<1024xf32, #tpu.memory_space<vmem>>, vector<16xf32>,
        %get3A_496 = arith.constant 35 : i32
        %get3A_497 = arith.index_cast %get3A_496 : i32 to index
        %get3A_498 = arith.constant 16 : index
        %get3A_499 = tpu.vector_load %arg8[%get3A_497, %get3A_498] {strides = array<i32>} : memref<64x128xf32, #tpu.memory_space<vmem>>, vector<1x16xf32>,
        %get3A_500 = vector.shape_cast %get3A_499 : vector<1x16xf32> to vector<16xf32>
        %swap3A_501 = arith.constant 560 : index
        %swap3A_502 = tpu.vector_load %arg9[%swap3A_501] {strides = array<i32>} : memref<1024xf32, #tpu.memory_space<vmem>>, vector<16xf32>,
        %swap3A_503 = vector.shape_cast %swap3A_502 : vector<16xf32> to vector<16xf32>
        %swap3A_504 = vector.shape_cast %get3A_500 : vector<16xf32> to vector<16xf32>
        tpu.vector_store %arg9[%swap3A_501], %swap3A_504 {strides = array<i32>} : memref<1024xf32, #tpu.memory_space<vmem>>, vector<16xf32>,
        %get3A_505 = arith.constant 36 : i32
        %get3A_506 = arith.index_cast %get3A_505 : i32 to index
        %get3A_507 = arith.constant 16 : index
        %get3A_508 = tpu.vector_load %arg8[%get3A_506, %get3A_507] {strides = array<i32>} : memref<64x128xf32, #tpu.memory_space<vmem>>, vector<1x16xf32>,
        %get3A_509 = vector.shape_cast %get3A_508 : vector<1x16xf32> to vector<16xf32>
        %swap3A_510 = arith.constant 576 : index
        %swap3A_511 = tpu.vector_load %arg9[%swap3A_510] {strides = array<i32>} : memref<1024xf32, #tpu.memory_space<vmem>>, vector<16xf32>,
        %swap3A_512 = vector.shape_cast %swap3A_511 : vector<16xf32> to vector<16xf32>
        %swap3A_513 = vector.shape_cast %get3A_509 : vector<16xf32> to vector<16xf32>
        tpu.vector_store %arg9[%swap3A_510], %swap3A_513 {strides = array<i32>} : memref<1024xf32, #tpu.memory_space<vmem>>, vector<16xf32>,
        %get3A_514 = arith.constant 37 : i32
        %get3A_515 = arith.index_cast %get3A_514 : i32 to index
        %get3A_516 = arith.constant 16 : index
        %get3A_517 = tpu.vector_load %arg8[%get3A_515, %get3A_516] {strides = array<i32>} : memref<64x128xf32, #tpu.memory_space<vmem>>, vector<1x16xf32>,
        %get3A_518 = vector.shape_cast %get3A_517 : vector<1x16xf32> to vector<16xf32>
        %swap3A_519 = arith.constant 592 : index
        %swap3A_520 = tpu.vector_load %arg9[%swap3A_519] {strides = array<i32>} : memref<1024xf32, #tpu.memory_space<vmem>>, vector<16xf32>,
        %swap3A_521 = vector.shape_cast %swap3A_520 : vector<16xf32> to vector<16xf32>
        %swap3A_522 = vector.shape_cast %get3A_518 : vector<16xf32> to vector<16xf32>
        tpu.vector_store %arg9[%swap3A_519], %swap3A_522 {strides = array<i32>} : memref<1024xf32, #tpu.memory_space<vmem>>, vector<16xf32>,
        %get3A_523 = arith.constant 38 : i32
        %get3A_524 = arith.index_cast %get3A_523 : i32 to index
        %get3A_525 = arith.constant 16 : index
        %get3A_526 = tpu.vector_load %arg8[%get3A_524, %get3A_525] {strides = array<i32>} : memref<64x128xf32, #tpu.memory_space<vmem>>, vector<1x16xf32>,
        %get3A_527 = vector.shape_cast %get3A_526 : vector<1x16xf32> to vector<16xf32>
        %swap3A_528 = arith.constant 608 : index
        %swap3A_529 = tpu.vector_load %arg9[%swap3A_528] {strides = array<i32>} : memref<1024xf32, #tpu.memory_space<vmem>>, vector<16xf32>,
        %swap3A_530 = vector.shape_cast %swap3A_529 : vector<16xf32> to vector<16xf32>
        %swap3A_531 = vector.shape_cast %get3A_527 : vector<16xf32> to vector<16xf32>
        tpu.vector_store %arg9[%swap3A_528], %swap3A_531 {strides = array<i32>} : memref<1024xf32, #tpu.memory_space<vmem>>, vector<16xf32>,
        %get3A_532 = arith.constant 39 : i32
        %get3A_533 = arith.index_cast %get3A_532 : i32 to index
        %get3A_534 = arith.constant 16 : index
        %get3A_535 = tpu.vector_load %arg8[%get3A_533, %get3A_534] {strides = array<i32>} : memref<64x128xf32, #tpu.memory_space<vmem>>, vector<1x16xf32>,
        %get3A_536 = vector.shape_cast %get3A_535 : vector<1x16xf32> to vector<16xf32>
        %swap3A_537 = arith.constant 624 : index
        %swap3A_538 = tpu.vector_load %arg9[%swap3A_537] {strides = array<i32>} : memref<1024xf32, #tpu.memory_space<vmem>>, vector<16xf32>,
        %swap3A_539 = vector.shape_cast %swap3A_538 : vector<16xf32> to vector<16xf32>
        %swap3A_540 = vector.shape_cast %get3A_536 : vector<16xf32> to vector<16xf32>
        tpu.vector_store %arg9[%swap3A_537], %swap3A_540 {strides = array<i32>} : memref<1024xf32, #tpu.memory_space<vmem>>, vector<16xf32>,
        %get3A_541 = arith.constant 40 : i32
        %get3A_542 = arith.index_cast %get3A_541 : i32 to index
        %get3A_543 = arith.constant 16 : index
        %get3A_544 = tpu.vector_load %arg8[%get3A_542, %get3A_543] {strides = array<i32>} : memref<64x128xf32, #tpu.memory_space<vmem>>, vector<1x16xf32>,
        %get3A_545 = vector.shape_cast %get3A_544 : vector<1x16xf32> to vector<16xf32>
        %swap3A_546 = arith.constant 640 : index
        %swap3A_547 = tpu.vector_load %arg9[%swap3A_546] {strides = array<i32>} : memref<1024xf32, #tpu.memory_space<vmem>>, vector<16xf32>,
        %swap3A_548 = vector.shape_cast %swap3A_547 : vector<16xf32> to vector<16xf32>
        %swap3A_549 = vector.shape_cast %get3A_545 : vector<16xf32> to vector<16xf32>
        tpu.vector_store %arg9[%swap3A_546], %swap3A_549 {strides = array<i32>} : memref<1024xf32, #tpu.memory_space<vmem>>, vector<16xf32>,
        %get3A_550 = arith.constant 41 : i32
        %get3A_551 = arith.index_cast %get3A_550 : i32 to index
        %get3A_552 = arith.constant 16 : index
        %get3A_553 = tpu.vector_load %arg8[%get3A_551, %get3A_552] {strides = array<i32>} : memref<64x128xf32, #tpu.memory_space<vmem>>, vector<1x16xf32>,
        %get3A_554 = vector.shape_cast %get3A_553 : vector<1x16xf32> to vector<16xf32>
        %swap3A_555 = arith.constant 656 : index
        %swap3A_556 = tpu.vector_load %arg9[%swap3A_555] {strides = array<i32>} : memref<1024xf32, #tpu.memory_space<vmem>>, vector<16xf32>,
        %swap3A_557 = vector.shape_cast %swap3A_556 : vector<16xf32> to vector<16xf32>
        %swap3A_558 = vector.shape_cast %get3A_554 : vector<16xf32> to vector<16xf32>
        tpu.vector_store %arg9[%swap3A_555], %swap3A_558 {strides = array<i32>} : memref<1024xf32, #tpu.memory_space<vmem>>, vector<16xf32>,
        %get3A_559 = arith.constant 42 : i32
        %get3A_560 = arith.index_cast %get3A_559 : i32 to index
        %get3A_561 = arith.constant 16 : index
        %get3A_562 = tpu.vector_load %arg8[%get3A_560, %get3A_561] {strides = array<i32>} : memref<64x128xf32, #tpu.memory_space<vmem>>, vector<1x16xf32>,
        %get3A_563 = vector.shape_cast %get3A_562 : vector<1x16xf32> to vector<16xf32>
        %swap3A_564 = arith.constant 672 : index
        %swap3A_565 = tpu.vector_load %arg9[%swap3A_564] {strides = array<i32>} : memref<1024xf32, #tpu.memory_space<vmem>>, vector<16xf32>,
        %swap3A_566 = vector.shape_cast %swap3A_565 : vector<16xf32> to vector<16xf32>
        %swap3A_567 = vector.shape_cast %get3A_563 : vector<16xf32> to vector<16xf32>
        tpu.vector_store %arg9[%swap3A_564], %swap3A_567 {strides = array<i32>} : memref<1024xf32, #tpu.memory_space<vmem>>, vector<16xf32>,
        %get3A_568 = arith.constant 43 : i32
        %get3A_569 = arith.index_cast %get3A_568 : i32 to index
        %get3A_570 = arith.constant 16 : index
        %get3A_571 = tpu.vector_load %arg8[%get3A_569, %get3A_570] {strides = array<i32>} : memref<64x128xf32, #tpu.memory_space<vmem>>, vector<1x16xf32>,
        %get3A_572 = vector.shape_cast %get3A_571 : vector<1x16xf32> to vector<16xf32>
        %swap3A_573 = arith.constant 688 : index
        %swap3A_574 = tpu.vector_load %arg9[%swap3A_573] {strides = array<i32>} : memref<1024xf32, #tpu.memory_space<vmem>>, vector<16xf32>,
        %swap3A_575 = vector.shape_cast %swap3A_574 : vector<16xf32> to vector<16xf32>
        %swap3A_576 = vector.shape_cast %get3A_572 : vector<16xf32> to vector<16xf32>
        tpu.vector_store %arg9[%swap3A_573], %swap3A_576 {strides = array<i32>} : memref<1024xf32, #tpu.memory_space<vmem>>, vector<16xf32>,
        %get3A_577 = arith.constant 44 : i32
        %get3A_578 = arith.index_cast %get3A_577 : i32 to index
        %get3A_579 = arith.constant 16 : index
        %get3A_580 = tpu.vector_load %arg8[%get3A_578, %get3A_579] {strides = array<i32>} : memref<64x128xf32, #tpu.memory_space<vmem>>, vector<1x16xf32>,
        %get3A_581 = vector.shape_cast %get3A_580 : vector<1x16xf32> to vector<16xf32>
        %swap3A_582 = arith.constant 704 : index
        %swap3A_583 = tpu.vector_load %arg9[%swap3A_582] {strides = array<i32>} : memref<1024xf32, #tpu.memory_space<vmem>>, vector<16xf32>,
        %swap3A_584 = vector.shape_cast %swap3A_583 : vector<16xf32> to vector<16xf32>
        %swap3A_585 = vector.shape_cast %get3A_581 : vector<16xf32> to vector<16xf32>
        tpu.vector_store %arg9[%swap3A_582], %swap3A_585 {strides = array<i32>} : memref<1024xf32, #tpu.memory_space<vmem>>, vector<16xf32>,
        %get3A_586 = arith.constant 45 : i32
        %get3A_587 = arith.index_cast %get3A_586 : i32 to index
        %get3A_588 = arith.constant 16 : index
        %get3A_589 = tpu.vector_load %arg8[%get3A_587, %get3A_588] {strides = array<i32>} : memref<64x128xf32, #tpu.memory_space<vmem>>, vector<1x16xf32>,
        %get3A_590 = vector.shape_cast %get3A_589 : vector<1x16xf32> to vector<16xf32>
        %swap3A_591 = arith.constant 720 : index
        %swap3A_592 = tpu.vector_load %arg9[%swap3A_591] {strides = array<i32>} : memref<1024xf32, #tpu.memory_space<vmem>>, vector<16xf32>,
        %swap3A_593 = vector.shape_cast %swap3A_592 : vector<16xf32> to vector<16xf32>
        %swap3A_594 = vector.shape_cast %get3A_590 : vector<16xf32> to vector<16xf32>
        tpu.vector_store %arg9[%swap3A_591], %swap3A_594 {strides = array<i32>} : memref<1024xf32, #tpu.memory_space<vmem>>, vector<16xf32>,
        %get3A_595 = arith.constant 46 : i32
        %get3A_596 = arith.index_cast %get3A_595 : i32 to index
        %get3A_597 = arith.constant 16 : index
        %get3A_598 = tpu.vector_load %arg8[%get3A_596, %get3A_597] {strides = array<i32>} : memref<64x128xf32, #tpu.memory_space<vmem>>, vector<1x16xf32>,
        %get3A_599 = vector.shape_cast %get3A_598 : vector<1x16xf32> to vector<16xf32>
        %swap3A_600 = arith.constant 736 : index
        %swap3A_601 = tpu.vector_load %arg9[%swap3A_600] {strides = array<i32>} : memref<1024xf32, #tpu.memory_space<vmem>>, vector<16xf32>,
        %swap3A_602 = vector.shape_cast %swap3A_601 : vector<16xf32> to vector<16xf32>
        %swap3A_603 = vector.shape_cast %get3A_599 : vector<16xf32> to vector<16xf32>
        tpu.vector_store %arg9[%swap3A_600], %swap3A_603 {strides = array<i32>} : memref<1024xf32, #tpu.memory_space<vmem>>, vector<16xf32>,
        %get3A_604 = arith.constant 47 : i32
        %get3A_605 = arith.index_cast %get3A_604 : i32 to index
        %get3A_606 = arith.constant 16 : index
        %get3A_607 = tpu.vector_load %arg8[%get3A_605, %get3A_606] {strides = array<i32>} : memref<64x128xf32, #tpu.memory_space<vmem>>, vector<1x16xf32>,
        %get3A_608 = vector.shape_cast %get3A_607 : vector<1x16xf32> to vector<16xf32>
        %swap3A_609 = arith.constant 752 : index
        %swap3A_610 = tpu.vector_load %arg9[%swap3A_609] {strides = array<i32>} : memref<1024xf32, #tpu.memory_space<vmem>>, vector<16xf32>,
        %swap3A_611 = vector.shape_cast %swap3A_610 : vector<16xf32> to vector<16xf32>
        %swap3A_612 = vector.shape_cast %get3A_608 : vector<16xf32> to vector<16xf32>
        tpu.vector_store %arg9[%swap3A_609], %swap3A_612 {strides = array<i32>} : memref<1024xf32, #tpu.memory_space<vmem>>, vector<16xf32>,
        %get3A_613 = arith.constant 48 : i32
        %get3A_614 = arith.index_cast %get3A_613 : i32 to index
        %get3A_615 = arith.constant 16 : index
        %get3A_616 = tpu.vector_load %arg8[%get3A_614, %get3A_615] {strides = array<i32>} : memref<64x128xf32, #tpu.memory_space<vmem>>, vector<1x16xf32>,
        %get3A_617 = vector.shape_cast %get3A_616 : vector<1x16xf32> to vector<16xf32>
        %swap3A_618 = arith.constant 768 : index
        %swap3A_619 = tpu.vector_load %arg9[%swap3A_618] {strides = array<i32>} : memref<1024xf32, #tpu.memory_space<vmem>>, vector<16xf32>,
        %swap3A_620 = vector.shape_cast %swap3A_619 : vector<16xf32> to vector<16xf32>
        %swap3A_621 = vector.shape_cast %get3A_617 : vector<16xf32> to vector<16xf32>
        tpu.vector_store %arg9[%swap3A_618], %swap3A_621 {strides = array<i32>} : memref<1024xf32, #tpu.memory_space<vmem>>, vector<16xf32>,
        %get3A_622 = arith.constant 49 : i32
        %get3A_623 = arith.index_cast %get3A_622 : i32 to index
        %get3A_624 = arith.constant 16 : index
        %get3A_625 = tpu.vector_load %arg8[%get3A_623, %get3A_624] {strides = array<i32>} : memref<64x128xf32, #tpu.memory_space<vmem>>, vector<1x16xf32>,
        %get3A_626 = vector.shape_cast %get3A_625 : vector<1x16xf32> to vector<16xf32>
        %swap3A_627 = arith.constant 784 : index
        %swap3A_628 = tpu.vector_load %arg9[%swap3A_627] {strides = array<i32>} : memref<1024xf32, #tpu.memory_space<vmem>>, vector<16xf32>,
        %swap3A_629 = vector.shape_cast %swap3A_628 : vector<16xf32> to vector<16xf32>
        %swap3A_630 = vector.shape_cast %get3A_626 : vector<16xf32> to vector<16xf32>
        tpu.vector_store %arg9[%swap3A_627], %swap3A_630 {strides = array<i32>} : memref<1024xf32, #tpu.memory_space<vmem>>, vector<16xf32>,
        %get3A_631 = arith.constant 50 : i32
        %get3A_632 = arith.index_cast %get3A_631 : i32 to index
        %get3A_633 = arith.constant 16 : index
        %get3A_634 = tpu.vector_load %arg8[%get3A_632, %get3A_633] {strides = array<i32>} : memref<64x128xf32, #tpu.memory_space<vmem>>, vector<1x16xf32>,
        %get3A_635 = vector.shape_cast %get3A_634 : vector<1x16xf32> to vector<16xf32>
        %swap3A_636 = arith.constant 800 : index
        %swap3A_637 = tpu.vector_load %arg9[%swap3A_636] {strides = array<i32>} : memref<1024xf32, #tpu.memory_space<vmem>>, vector<16xf32>,
        %swap3A_638 = vector.shape_cast %swap3A_637 : vector<16xf32> to vector<16xf32>
        %swap3A_639 = vector.shape_cast %get3A_635 : vector<16xf32> to vector<16xf32>
        tpu.vector_store %arg9[%swap3A_636], %swap3A_639 {strides = array<i32>} : memref<1024xf32, #tpu.memory_space<vmem>>, vector<16xf32>,
        %get3A_640 = arith.constant 51 : i32
        %get3A_641 = arith.index_cast %get3A_640 : i32 to index
        %get3A_642 = arith.constant 16 : index
        %get3A_643 = tpu.vector_load %arg8[%get3A_641, %get3A_642] {strides = array<i32>} : memref<64x128xf32, #tpu.memory_space<vmem>>, vector<1x16xf32>,
        %get3A_644 = vector.shape_cast %get3A_643 : vector<1x16xf32> to vector<16xf32>
        %swap3A_645 = arith.constant 816 : index
        %swap3A_646 = tpu.vector_load %arg9[%swap3A_645] {strides = array<i32>} : memref<1024xf32, #tpu.memory_space<vmem>>, vector<16xf32>,
        %swap3A_647 = vector.shape_cast %swap3A_646 : vector<16xf32> to vector<16xf32>
        %swap3A_648 = vector.shape_cast %get3A_644 : vector<16xf32> to vector<16xf32>
        tpu.vector_store %arg9[%swap3A_645], %swap3A_648 {strides = array<i32>} : memref<1024xf32, #tpu.memory_space<vmem>>, vector<16xf32>,
        %get3A_649 = arith.constant 52 : i32
        %get3A_650 = arith.index_cast %get3A_649 : i32 to index
        %get3A_651 = arith.constant 16 : index
        %get3A_652 = tpu.vector_load %arg8[%get3A_650, %get3A_651] {strides = array<i32>} : memref<64x128xf32, #tpu.memory_space<vmem>>, vector<1x16xf32>,
        %get3A_653 = vector.shape_cast %get3A_652 : vector<1x16xf32> to vector<16xf32>
        %swap3A_654 = arith.constant 832 : index
        %swap3A_655 = tpu.vector_load %arg9[%swap3A_654] {strides = array<i32>} : memref<1024xf32, #tpu.memory_space<vmem>>, vector<16xf32>,
        %swap3A_656 = vector.shape_cast %swap3A_655 : vector<16xf32> to vector<16xf32>
        %swap3A_657 = vector.shape_cast %get3A_653 : vector<16xf32> to vector<16xf32>
        tpu.vector_store %arg9[%swap3A_654], %swap3A_657 {strides = array<i32>} : memref<1024xf32, #tpu.memory_space<vmem>>, vector<16xf32>,
        %get3A_658 = arith.constant 53 : i32
        %get3A_659 = arith.index_cast %get3A_658 : i32 to index
        %get3A_660 = arith.constant 16 : index
        %get3A_661 = tpu.vector_load %arg8[%get3A_659, %get3A_660] {strides = array<i32>} : memref<64x128xf32, #tpu.memory_space<vmem>>, vector<1x16xf32>,
        %get3A_662 = vector.shape_cast %get3A_661 : vector<1x16xf32> to vector<16xf32>
        %swap3A_663 = arith.constant 848 : index
        %swap3A_664 = tpu.vector_load %arg9[%swap3A_663] {strides = array<i32>} : memref<1024xf32, #tpu.memory_space<vmem>>, vector<16xf32>,
        %swap3A_665 = vector.shape_cast %swap3A_664 : vector<16xf32> to vector<16xf32>
        %swap3A_666 = vector.shape_cast %get3A_662 : vector<16xf32> to vector<16xf32>
        tpu.vector_store %arg9[%swap3A_663], %swap3A_666 {strides = array<i32>} : memref<1024xf32, #tpu.memory_space<vmem>>, vector<16xf32>,
        %get3A_667 = arith.constant 54 : i32
        %get3A_668 = arith.index_cast %get3A_667 : i32 to index
        %get3A_669 = arith.constant 16 : index
        %get3A_670 = tpu.vector_load %arg8[%get3A_668, %get3A_669] {strides = array<i32>} : memref<64x128xf32, #tpu.memory_space<vmem>>, vector<1x16xf32>,
        %get3A_671 = vector.shape_cast %get3A_670 : vector<1x16xf32> to vector<16xf32>
        %swap3A_672 = arith.constant 864 : index
        %swap3A_673 = tpu.vector_load %arg9[%swap3A_672] {strides = array<i32>} : memref<1024xf32, #tpu.memory_space<vmem>>, vector<16xf32>,
        %swap3A_674 = vector.shape_cast %swap3A_673 : vector<16xf32> to vector<16xf32>
        %swap3A_675 = vector.shape_cast %get3A_671 : vector<16xf32> to vector<16xf32>
        tpu.vector_store %arg9[%swap3A_672], %swap3A_675 {strides = array<i32>} : memref<1024xf32, #tpu.memory_space<vmem>>, vector<16xf32>,
        %get3A_676 = arith.constant 55 : i32
        %get3A_677 = arith.index_cast %get3A_676 : i32 to index
        %get3A_678 = arith.constant 16 : index
        %get3A_679 = tpu.vector_load %arg8[%get3A_677, %get3A_678] {strides = array<i32>} : memref<64x128xf32, #tpu.memory_space<vmem>>, vector<1x16xf32>,
        %get3A_680 = vector.shape_cast %get3A_679 : vector<1x16xf32> to vector<16xf32>
        %swap3A_681 = arith.constant 880 : index
        %swap3A_682 = tpu.vector_load %arg9[%swap3A_681] {strides = array<i32>} : memref<1024xf32, #tpu.memory_space<vmem>>, vector<16xf32>,
        %swap3A_683 = vector.shape_cast %swap3A_682 : vector<16xf32> to vector<16xf32>
        %swap3A_684 = vector.shape_cast %get3A_680 : vector<16xf32> to vector<16xf32>
        tpu.vector_store %arg9[%swap3A_681], %swap3A_684 {strides = array<i32>} : memref<1024xf32, #tpu.memory_space<vmem>>, vector<16xf32>,
        %get3A_685 = arith.constant 56 : i32
        %get3A_686 = arith.index_cast %get3A_685 : i32 to index
        %get3A_687 = arith.constant 16 : index
        %get3A_688 = tpu.vector_load %arg8[%get3A_686, %get3A_687] {strides = array<i32>} : memref<64x128xf32, #tpu.memory_space<vmem>>, vector<1x16xf32>,
        %get3A_689 = vector.shape_cast %get3A_688 : vector<1x16xf32> to vector<16xf32>
        %swap3A_690 = arith.constant 896 : index
        %swap3A_691 = tpu.vector_load %arg9[%swap3A_690] {strides = array<i32>} : memref<1024xf32, #tpu.memory_space<vmem>>, vector<16xf32>,
        %swap3A_692 = vector.shape_cast %swap3A_691 : vector<16xf32> to vector<16xf32>
        %swap3A_693 = vector.shape_cast %get3A_689 : vector<16xf32> to vector<16xf32>
        tpu.vector_store %arg9[%swap3A_690], %swap3A_693 {strides = array<i32>} : memref<1024xf32, #tpu.memory_space<vmem>>, vector<16xf32>,
        %get3A_694 = arith.constant 57 : i32
        %get3A_695 = arith.index_cast %get3A_694 : i32 to index
        %get3A_696 = arith.constant 16 : index
        %get3A_697 = tpu.vector_load %arg8[%get3A_695, %get3A_696] {strides = array<i32>} : memref<64x128xf32, #tpu.memory_space<vmem>>, vector<1x16xf32>,
        %get3A_698 = vector.shape_cast %get3A_697 : vector<1x16xf32> to vector<16xf32>
        %swap3A_699 = arith.constant 912 : index
        %swap3A_700 = tpu.vector_load %arg9[%swap3A_699] {strides = array<i32>} : memref<1024xf32, #tpu.memory_space<vmem>>, vector<16xf32>,
        %swap3A_701 = vector.shape_cast %swap3A_700 : vector<16xf32> to vector<16xf32>
        %swap3A_702 = vector.shape_cast %get3A_698 : vector<16xf32> to vector<16xf32>
        tpu.vector_store %arg9[%swap3A_699], %swap3A_702 {strides = array<i32>} : memref<1024xf32, #tpu.memory_space<vmem>>, vector<16xf32>,
        %get3A_703 = arith.constant 58 : i32
        %get3A_704 = arith.index_cast %get3A_703 : i32 to index
        %get3A_705 = arith.constant 16 : index
        %get3A_706 = tpu.vector_load %arg8[%get3A_704, %get3A_705] {strides = array<i32>} : memref<64x128xf32, #tpu.memory_space<vmem>>, vector<1x16xf32>,
        %get3A_707 = vector.shape_cast %get3A_706 : vector<1x16xf32> to vector<16xf32>
        %swap3A_708 = arith.constant 928 : index
        %swap3A_709 = tpu.vector_load %arg9[%swap3A_708] {strides = array<i32>} : memref<1024xf32, #tpu.memory_space<vmem>>, vector<16xf32>,
        %swap3A_710 = vector.shape_cast %swap3A_709 : vector<16xf32> to vector<16xf32>
        %swap3A_711 = vector.shape_cast %get3A_707 : vector<16xf32> to vector<16xf32>
        tpu.vector_store %arg9[%swap3A_708], %swap3A_711 {strides = array<i32>} : memref<1024xf32, #tpu.memory_space<vmem>>, vector<16xf32>,
        %get3A_712 = arith.constant 59 : i32
        %get3A_713 = arith.index_cast %get3A_712 : i32 to index
        %get3A_714 = arith.constant 16 : index
        %get3A_715 = tpu.vector_load %arg8[%get3A_713, %get3A_714] {strides = array<i32>} : memref<64x128xf32, #tpu.memory_space<vmem>>, vector<1x16xf32>,
        %get3A_716 = vector.shape_cast %get3A_715 : vector<1x16xf32> to vector<16xf32>
        %swap3A_717 = arith.constant 944 : index
        %swap3A_718 = tpu.vector_load %arg9[%swap3A_717] {strides = array<i32>} : memref<1024xf32, #tpu.memory_space<vmem>>, vector<16xf32>,
        %swap3A_719 = vector.shape_cast %swap3A_718 : vector<16xf32> to vector<16xf32>
        %swap3A_720 = vector.shape_cast %get3A_716 : vector<16xf32> to vector<16xf32>
        tpu.vector_store %arg9[%swap3A_717], %swap3A_720 {strides = array<i32>} : memref<1024xf32, #tpu.memory_space<vmem>>, vector<16xf32>,
        %get3A_721 = arith.constant 60 : i32
        %get3A_722 = arith.index_cast %get3A_721 : i32 to index
        %get3A_723 = arith.constant 16 : index
        %get3A_724 = tpu.vector_load %arg8[%get3A_722, %get3A_723] {strides = array<i32>} : memref<64x128xf32, #tpu.memory_space<vmem>>, vector<1x16xf32>,
        %get3A_725 = vector.shape_cast %get3A_724 : vector<1x16xf32> to vector<16xf32>
        %swap3A_726 = arith.constant 960 : index
        %swap3A_727 = tpu.vector_load %arg9[%swap3A_726] {strides = array<i32>} : memref<1024xf32, #tpu.memory_space<vmem>>, vector<16xf32>,
        %swap3A_728 = vector.shape_cast %swap3A_727 : vector<16xf32> to vector<16xf32>
        %swap3A_729 = vector.shape_cast %get3A_725 : vector<16xf32> to vector<16xf32>
        tpu.vector_store %arg9[%swap3A_726], %swap3A_729 {strides = array<i32>} : memref<1024xf32, #tpu.memory_space<vmem>>, vector<16xf32>,
        %get3A_730 = arith.constant 61 : i32
        %get3A_731 = arith.index_cast %get3A_730 : i32 to index
        %get3A_732 = arith.constant 16 : index
        %get3A_733 = tpu.vector_load %arg8[%get3A_731, %get3A_732] {strides = array<i32>} : memref<64x128xf32, #tpu.memory_space<vmem>>, vector<1x16xf32>,
        %get3A_734 = vector.shape_cast %get3A_733 : vector<1x16xf32> to vector<16xf32>
        %swap3A_735 = arith.constant 976 : index
        %swap3A_736 = tpu.vector_load %arg9[%swap3A_735] {strides = array<i32>} : memref<1024xf32, #tpu.memory_space<vmem>>, vector<16xf32>,
        %swap3A_737 = vector.shape_cast %swap3A_736 : vector<16xf32> to vector<16xf32>
        %swap3A_738 = vector.shape_cast %get3A_734 : vector<16xf32> to vector<16xf32>
        tpu.vector_store %arg9[%swap3A_735], %swap3A_738 {strides = array<i32>} : memref<1024xf32, #tpu.memory_space<vmem>>, vector<16xf32>,
        %get3A_739 = arith.constant 62 : i32
        %get3A_740 = arith.index_cast %get3A_739 : i32 to index
        %get3A_741 = arith.constant 16 : index
        %get3A_742 = tpu.vector_load %arg8[%get3A_740, %get3A_741] {strides = array<i32>} : memref<64x128xf32, #tpu.memory_space<vmem>>, vector<1x16xf32>,
        %get3A_743 = vector.shape_cast %get3A_742 : vector<1x16xf32> to vector<16xf32>
        %swap3A_744 = arith.constant 992 : index
        %swap3A_745 = tpu.vector_load %arg9[%swap3A_744] {strides = array<i32>} : memref<1024xf32, #tpu.memory_space<vmem>>, vector<16xf32>,
        %swap3A_746 = vector.shape_cast %swap3A_745 : vector<16xf32> to vector<16xf32>
        %swap3A_747 = vector.shape_cast %get3A_743 : vector<16xf32> to vector<16xf32>
        tpu.vector_store %arg9[%swap3A_744], %swap3A_747 {strides = array<i32>} : memref<1024xf32, #tpu.memory_space<vmem>>, vector<16xf32>,
        %get3A_748 = arith.constant 63 : i32
        %get3A_749 = arith.index_cast %get3A_748 : i32 to index
        %get3A_750 = arith.constant 16 : index
        %get3A_751 = tpu.vector_load %arg8[%get3A_749, %get3A_750] {strides = array<i32>} : memref<64x128xf32, #tpu.memory_space<vmem>>, vector<1x16xf32>,
        %get3A_752 = vector.shape_cast %get3A_751 : vector<1x16xf32> to vector<16xf32>
        %swap3A_753 = arith.constant 1008 : index
        %swap3A_754 = tpu.vector_load %arg9[%swap3A_753] {strides = array<i32>} : memref<1024xf32, #tpu.memory_space<vmem>>, vector<16xf32>,
        %swap3A_755 = vector.shape_cast %swap3A_754 : vector<16xf32> to vector<16xf32>
        %swap3A_756 = vector.shape_cast %get3A_752 : vector<16xf32> to vector<16xf32>
        tpu.vector_store %arg9[%swap3A_753], %swap3A_756 {strides = array<i32>} : memref<1024xf32, #tpu.memory_space<vmem>>, vector<16xf32>,
      } else {
      }
      %dma_start3A_54 = arith.constant 0 : i32
      %dma_start3A_55 = arith.constant 0 : i32
      %dma_start3A_56 = tpu.memref_slice %arg9[%dma_start3A_55] : memref<1024xf32, #tpu.memory_space<vmem>> -> memref<128xf32, #tpu.memory_space<vmem>>
      %dma_start3A_57 = arith.constant 0 : i32
      %dma_start3A_58 = tpu.memref_slice %arg10[%dma_start3A_54, %dma_start3A_57] : memref<8x128xi32, #tpu.memory_space<vmem>> -> memref<1x128xi32, #tpu.memory_space<vmem>>
      %dma_start3A_59 = tpu.memref_squeeze %dma_start3A_58 : memref<1x128xi32, #tpu.memory_space<vmem>> -> memref<128xi32, #tpu.memory_space<vmem>>
      %dma_start3A_60 = arith.constant 0 : i32
      %dma_start3A_61 = tpu.memref_slice %arg12[%dma_start3A_60] : memref<1605632xf32, #tpu.memory_space<vmem_shared>> -> memref<1605632xf32, #tpu.memory_space<vmem_shared>>
      tpu.enqueue_indirect_dma source(%dma_start3A_56 : memref<128xf32, #tpu.memory_space<vmem>>) target(%dma_start3A_61 : memref<1605632xf32, #tpu.memory_space<vmem_shared>>) offsets(%dma_start3A_59 : memref<128xi32, #tpu.memory_space<vmem>>) semaphore(%arg14 : memref<!tpu.dma_semaphore, #tpu.memory_space<semaphore_mem>>) {add = true}
      %dma_start3A_62 = arith.constant 1 : i32
      %dma_start3A_63 = arith.constant 128 : i32
      %dma_start3A_64 = tpu.memref_slice %arg9[%dma_start3A_63] : memref<1024xf32, #tpu.memory_space<vmem>> -> memref<128xf32, #tpu.memory_space<vmem>>
      %dma_start3A_65 = arith.constant 0 : i32
      %dma_start3A_66 = tpu.memref_slice %arg10[%dma_start3A_62, %dma_start3A_65] : memref<8x128xi32, #tpu.memory_space<vmem>> -> memref<1x128xi32, #tpu.memory_space<vmem>>
      %dma_start3A_67 = tpu.memref_squeeze %dma_start3A_66 : memref<1x128xi32, #tpu.memory_space<vmem>> -> memref<128xi32, #tpu.memory_space<vmem>>
      %dma_start3A_68 = arith.constant 0 : i32
      %dma_start3A_69 = tpu.memref_slice %arg12[%dma_start3A_68] : memref<1605632xf32, #tpu.memory_space<vmem_shared>> -> memref<1605632xf32, #tpu.memory_space<vmem_shared>>
      tpu.enqueue_indirect_dma source(%dma_start3A_64 : memref<128xf32, #tpu.memory_space<vmem>>) target(%dma_start3A_69 : memref<1605632xf32, #tpu.memory_space<vmem_shared>>) offsets(%dma_start3A_67 : memref<128xi32, #tpu.memory_space<vmem>>) semaphore(%arg14 : memref<!tpu.dma_semaphore, #tpu.memory_space<semaphore_mem>>) {add = true}
      %dma_start3A_70 = arith.constant 2 : i32
      %dma_start3A_71 = arith.constant 256 : i32
      %dma_start3A_72 = tpu.memref_slice %arg9[%dma_start3A_71] : memref<1024xf32, #tpu.memory_space<vmem>> -> memref<128xf32, #tpu.memory_space<vmem>>
      %dma_start3A_73 = arith.constant 0 : i32
      %dma_start3A_74 = tpu.memref_slice %arg10[%dma_start3A_70, %dma_start3A_73] : memref<8x128xi32, #tpu.memory_space<vmem>> -> memref<1x128xi32, #tpu.memory_space<vmem>>
      %dma_start3A_75 = tpu.memref_squeeze %dma_start3A_74 : memref<1x128xi32, #tpu.memory_space<vmem>> -> memref<128xi32, #tpu.memory_space<vmem>>
      %dma_start3A_76 = arith.constant 0 : i32
      %dma_start3A_77 = tpu.memref_slice %arg12[%dma_start3A_76] : memref<1605632xf32, #tpu.memory_space<vmem_shared>> -> memref<1605632xf32, #tpu.memory_space<vmem_shared>>
      tpu.enqueue_indirect_dma source(%dma_start3A_72 : memref<128xf32, #tpu.memory_space<vmem>>) target(%dma_start3A_77 : memref<1605632xf32, #tpu.memory_space<vmem_shared>>) offsets(%dma_start3A_75 : memref<128xi32, #tpu.memory_space<vmem>>) semaphore(%arg14 : memref<!tpu.dma_semaphore, #tpu.memory_space<semaphore_mem>>) {add = true}
      %dma_start3A_78 = arith.constant 3 : i32
      %dma_start3A_79 = arith.constant 384 : i32
      %dma_start3A_80 = tpu.memref_slice %arg9[%dma_start3A_79] : memref<1024xf32, #tpu.memory_space<vmem>> -> memref<128xf32, #tpu.memory_space<vmem>>
      %dma_start3A_81 = arith.constant 0 : i32
      %dma_start3A_82 = tpu.memref_slice %arg10[%dma_start3A_78, %dma_start3A_81] : memref<8x128xi32, #tpu.memory_space<vmem>> -> memref<1x128xi32, #tpu.memory_space<vmem>>
      %dma_start3A_83 = tpu.memref_squeeze %dma_start3A_82 : memref<1x128xi32, #tpu.memory_space<vmem>> -> memref<128xi32, #tpu.memory_space<vmem>>
      %dma_start3A_84 = arith.constant 0 : i32
      %dma_start3A_85 = tpu.memref_slice %arg12[%dma_start3A_84] : memref<1605632xf32, #tpu.memory_space<vmem_shared>> -> memref<1605632xf32, #tpu.memory_space<vmem_shared>>
      tpu.enqueue_indirect_dma source(%dma_start3A_80 : memref<128xf32, #tpu.memory_space<vmem>>) target(%dma_start3A_85 : memref<1605632xf32, #tpu.memory_space<vmem_shared>>) offsets(%dma_start3A_83 : memref<128xi32, #tpu.memory_space<vmem>>) semaphore(%arg14 : memref<!tpu.dma_semaphore, #tpu.memory_space<semaphore_mem>>) {add = true}
      %dma_start3A_86 = arith.constant 4 : i32
      %dma_start3A_87 = arith.constant 512 : i32
      %dma_start3A_88 = tpu.memref_slice %arg9[%dma_start3A_87] : memref<1024xf32, #tpu.memory_space<vmem>> -> memref<128xf32, #tpu.memory_space<vmem>>
      %dma_start3A_89 = arith.constant 0 : i32
      %dma_start3A_90 = tpu.memref_slice %arg10[%dma_start3A_86, %dma_start3A_89] : memref<8x128xi32, #tpu.memory_space<vmem>> -> memref<1x128xi32, #tpu.memory_space<vmem>>
      %dma_start3A_91 = tpu.memref_squeeze %dma_start3A_90 : memref<1x128xi32, #tpu.memory_space<vmem>> -> memref<128xi32, #tpu.memory_space<vmem>>
      %dma_start3A_92 = arith.constant 0 : i32
      %dma_start3A_93 = tpu.memref_slice %arg12[%dma_start3A_92] : memref<1605632xf32, #tpu.memory_space<vmem_shared>> -> memref<1605632xf32, #tpu.memory_space<vmem_shared>>
      tpu.enqueue_indirect_dma source(%dma_start3A_88 : memref<128xf32, #tpu.memory_space<vmem>>) target(%dma_start3A_93 : memref<1605632xf32, #tpu.memory_space<vmem_shared>>) offsets(%dma_start3A_91 : memref<128xi32, #tpu.memory_space<vmem>>) semaphore(%arg14 : memref<!tpu.dma_semaphore, #tpu.memory_space<semaphore_mem>>) {add = true}
      %dma_start3A_94 = arith.constant 5 : i32
      %dma_start3A_95 = arith.constant 640 : i32
      %dma_start3A_96 = tpu.memref_slice %arg9[%dma_start3A_95] : memref<1024xf32, #tpu.memory_space<vmem>> -> memref<128xf32, #tpu.memory_space<vmem>>
      %dma_start3A_97 = arith.constant 0 : i32
      %dma_start3A_98 = tpu.memref_slice %arg10[%dma_start3A_94, %dma_start3A_97] : memref<8x128xi32, #tpu.memory_space<vmem>> -> memref<1x128xi32, #tpu.memory_space<vmem>>
      %dma_start3A_99 = tpu.memref_squeeze %dma_start3A_98 : memref<1x128xi32, #tpu.memory_space<vmem>> -> memref<128xi32, #tpu.memory_space<vmem>>
      %dma_start3A_100 = arith.constant 0 : i32
      %dma_start3A_101 = tpu.memref_slice %arg12[%dma_start3A_100] : memref<1605632xf32, #tpu.memory_space<vmem_shared>> -> memref<1605632xf32, #tpu.memory_space<vmem_shared>>
      tpu.enqueue_indirect_dma source(%dma_start3A_96 : memref<128xf32, #tpu.memory_space<vmem>>) target(%dma_start3A_101 : memref<1605632xf32, #tpu.memory_space<vmem_shared>>) offsets(%dma_start3A_99 : memref<128xi32, #tpu.memory_space<vmem>>) semaphore(%arg14 : memref<!tpu.dma_semaphore, #tpu.memory_space<semaphore_mem>>) {add = true}
      %dma_start3A_102 = arith.constant 6 : i32
      %dma_start3A_103 = arith.constant 768 : i32
      %dma_start3A_104 = tpu.memref_slice %arg9[%dma_start3A_103] : memref<1024xf32, #tpu.memory_space<vmem>> -> memref<128xf32, #tpu.memory_space<vmem>>
      %dma_start3A_105 = arith.constant 0 : i32
      %dma_start3A_106 = tpu.memref_slice %arg10[%dma_start3A_102, %dma_start3A_105] : memref<8x128xi32, #tpu.memory_space<vmem>> -> memref<1x128xi32, #tpu.memory_space<vmem>>
      %dma_start3A_107 = tpu.memref_squeeze %dma_start3A_106 : memref<1x128xi32, #tpu.memory_space<vmem>> -> memref<128xi32, #tpu.memory_space<vmem>>
      %dma_start3A_108 = arith.constant 0 : i32
      %dma_start3A_109 = tpu.memref_slice %arg12[%dma_start3A_108] : memref<1605632xf32, #tpu.memory_space<vmem_shared>> -> memref<1605632xf32, #tpu.memory_space<vmem_shared>>
      tpu.enqueue_indirect_dma source(%dma_start3A_104 : memref<128xf32, #tpu.memory_space<vmem>>) target(%dma_start3A_109 : memref<1605632xf32, #tpu.memory_space<vmem_shared>>) offsets(%dma_start3A_107 : memref<128xi32, #tpu.memory_space<vmem>>) semaphore(%arg14 : memref<!tpu.dma_semaphore, #tpu.memory_space<semaphore_mem>>) {add = true}
      %dma_start3A_110 = arith.constant 7 : i32
      %dma_start3A_111 = arith.constant 896 : i32
      %dma_start3A_112 = tpu.memref_slice %arg9[%dma_start3A_111] : memref<1024xf32, #tpu.memory_space<vmem>> -> memref<128xf32, #tpu.memory_space<vmem>>
      %dma_start3A_113 = arith.constant 0 : i32
      %dma_start3A_114 = tpu.memref_slice %arg10[%dma_start3A_110, %dma_start3A_113] : memref<8x128xi32, #tpu.memory_space<vmem>> -> memref<1x128xi32, #tpu.memory_space<vmem>>
      %dma_start3A_115 = tpu.memref_squeeze %dma_start3A_114 : memref<1x128xi32, #tpu.memory_space<vmem>> -> memref<128xi32, #tpu.memory_space<vmem>>
      %dma_start3A_116 = arith.constant 0 : i32
      %dma_start3A_117 = tpu.memref_slice %arg12[%dma_start3A_116] : memref<1605632xf32, #tpu.memory_space<vmem_shared>> -> memref<1605632xf32, #tpu.memory_space<vmem_shared>>
      tpu.enqueue_indirect_dma source(%dma_start3A_112 : memref<128xf32, #tpu.memory_space<vmem>>) target(%dma_start3A_117 : memref<1605632xf32, #tpu.memory_space<vmem_shared>>) offsets(%dma_start3A_115 : memref<128xi32, #tpu.memory_space<vmem>>) semaphore(%arg14 : memref<!tpu.dma_semaphore, #tpu.memory_space<semaphore_mem>>) {add = true}
      %dma_wait3A_118 = arith.constant 0 : i32
      %dma_wait3A_119 = arith.constant 0 : i32
      %dma_wait3A_120 = tpu.memref_slice %arg9[%dma_wait3A_119] : memref<1024xf32, #tpu.memory_space<vmem>> -> memref<128xf32, #tpu.memory_space<vmem>>
      %dma_wait3A_121 = arith.constant 0 : i32
      %dma_wait3A_122 = tpu.memref_slice %arg10[%dma_wait3A_118, %dma_wait3A_121] : memref<8x128xi32, #tpu.memory_space<vmem>> -> memref<1x128xi32, #tpu.memory_space<vmem>>
      %dma_wait3A_123 = tpu.memref_squeeze %dma_wait3A_122 : memref<1x128xi32, #tpu.memory_space<vmem>> -> memref<128xi32, #tpu.memory_space<vmem>>
      %dma_wait3A_124 = arith.constant 0 : i32
      %dma_wait3A_125 = tpu.memref_slice %arg12[%dma_wait3A_124] : memref<1605632xf32, #tpu.memory_space<vmem_shared>> -> memref<1605632xf32, #tpu.memory_space<vmem_shared>>
      tpu.wait_indirect_dma semaphore(%arg14 : memref<!tpu.dma_semaphore, #tpu.memory_space<semaphore_mem>>) src(%dma_wait3A_120 : memref<128xf32, #tpu.memory_space<vmem>>) dst(%dma_wait3A_125 : memref<1605632xf32, #tpu.memory_space<vmem_shared>>)
      %dma_wait3A_126 = arith.constant 1 : i32
      %dma_wait3A_127 = arith.constant 128 : i32
      %dma_wait3A_128 = tpu.memref_slice %arg9[%dma_wait3A_127] : memref<1024xf32, #tpu.memory_space<vmem>> -> memref<128xf32, #tpu.memory_space<vmem>>
      %dma_wait3A_129 = arith.constant 0 : i32
      %dma_wait3A_130 = tpu.memref_slice %arg10[%dma_wait3A_126, %dma_wait3A_129] : memref<8x128xi32, #tpu.memory_space<vmem>> -> memref<1x128xi32, #tpu.memory_space<vmem>>
      %dma_wait3A_131 = tpu.memref_squeeze %dma_wait3A_130 : memref<1x128xi32, #tpu.memory_space<vmem>> -> memref<128xi32, #tpu.memory_space<vmem>>
      %dma_wait3A_132 = arith.constant 0 : i32
      %dma_wait3A_133 = tpu.memref_slice %arg12[%dma_wait3A_132] : memref<1605632xf32, #tpu.memory_space<vmem_shared>> -> memref<1605632xf32, #tpu.memory_space<vmem_shared>>
      tpu.wait_indirect_dma semaphore(%arg14 : memref<!tpu.dma_semaphore, #tpu.memory_space<semaphore_mem>>) src(%dma_wait3A_128 : memref<128xf32, #tpu.memory_space<vmem>>) dst(%dma_wait3A_133 : memref<1605632xf32, #tpu.memory_space<vmem_shared>>)
      %dma_wait3A_134 = arith.constant 2 : i32
      %dma_wait3A_135 = arith.constant 256 : i32
      %dma_wait3A_136 = tpu.memref_slice %arg9[%dma_wait3A_135] : memref<1024xf32, #tpu.memory_space<vmem>> -> memref<128xf32, #tpu.memory_space<vmem>>
      %dma_wait3A_137 = arith.constant 0 : i32
      %dma_wait3A_138 = tpu.memref_slice %arg10[%dma_wait3A_134, %dma_wait3A_137] : memref<8x128xi32, #tpu.memory_space<vmem>> -> memref<1x128xi32, #tpu.memory_space<vmem>>
      %dma_wait3A_139 = tpu.memref_squeeze %dma_wait3A_138 : memref<1x128xi32, #tpu.memory_space<vmem>> -> memref<128xi32, #tpu.memory_space<vmem>>
      %dma_wait3A_140 = arith.constant 0 : i32
      %dma_wait3A_141 = tpu.memref_slice %arg12[%dma_wait3A_140] : memref<1605632xf32, #tpu.memory_space<vmem_shared>> -> memref<1605632xf32, #tpu.memory_space<vmem_shared>>
      tpu.wait_indirect_dma semaphore(%arg14 : memref<!tpu.dma_semaphore, #tpu.memory_space<semaphore_mem>>) src(%dma_wait3A_136 : memref<128xf32, #tpu.memory_space<vmem>>) dst(%dma_wait3A_141 : memref<1605632xf32, #tpu.memory_space<vmem_shared>>)
      %dma_wait3A_142 = arith.constant 3 : i32
      %dma_wait3A_143 = arith.constant 384 : i32
      %dma_wait3A_144 = tpu.memref_slice %arg9[%dma_wait3A_143] : memref<1024xf32, #tpu.memory_space<vmem>> -> memref<128xf32, #tpu.memory_space<vmem>>
      %dma_wait3A_145 = arith.constant 0 : i32
      %dma_wait3A_146 = tpu.memref_slice %arg10[%dma_wait3A_142, %dma_wait3A_145] : memref<8x128xi32, #tpu.memory_space<vmem>> -> memref<1x128xi32, #tpu.memory_space<vmem>>
      %dma_wait3A_147 = tpu.memref_squeeze %dma_wait3A_146 : memref<1x128xi32, #tpu.memory_space<vmem>> -> memref<128xi32, #tpu.memory_space<vmem>>
      %dma_wait3A_148 = arith.constant 0 : i32
      %dma_wait3A_149 = tpu.memref_slice %arg12[%dma_wait3A_148] : memref<1605632xf32, #tpu.memory_space<vmem_shared>> -> memref<1605632xf32, #tpu.memory_space<vmem_shared>>
      tpu.wait_indirect_dma semaphore(%arg14 : memref<!tpu.dma_semaphore, #tpu.memory_space<semaphore_mem>>) src(%dma_wait3A_144 : memref<128xf32, #tpu.memory_space<vmem>>) dst(%dma_wait3A_149 : memref<1605632xf32, #tpu.memory_space<vmem_shared>>)
      %dma_wait3A_150 = arith.constant 4 : i32
      %dma_wait3A_151 = arith.constant 512 : i32
      %dma_wait3A_152 = tpu.memref_slice %arg9[%dma_wait3A_151] : memref<1024xf32, #tpu.memory_space<vmem>> -> memref<128xf32, #tpu.memory_space<vmem>>
      %dma_wait3A_153 = arith.constant 0 : i32
      %dma_wait3A_154 = tpu.memref_slice %arg10[%dma_wait3A_150, %dma_wait3A_153] : memref<8x128xi32, #tpu.memory_space<vmem>> -> memref<1x128xi32, #tpu.memory_space<vmem>>
      %dma_wait3A_155 = tpu.memref_squeeze %dma_wait3A_154 : memref<1x128xi32, #tpu.memory_space<vmem>> -> memref<128xi32, #tpu.memory_space<vmem>>
      %dma_wait3A_156 = arith.constant 0 : i32
      %dma_wait3A_157 = tpu.memref_slice %arg12[%dma_wait3A_156] : memref<1605632xf32, #tpu.memory_space<vmem_shared>> -> memref<1605632xf32, #tpu.memory_space<vmem_shared>>
      tpu.wait_indirect_dma semaphore(%arg14 : memref<!tpu.dma_semaphore, #tpu.memory_space<semaphore_mem>>) src(%dma_wait3A_152 : memref<128xf32, #tpu.memory_space<vmem>>) dst(%dma_wait3A_157 : memref<1605632xf32, #tpu.memory_space<vmem_shared>>)
      %dma_wait3A_158 = arith.constant 5 : i32
      %dma_wait3A_159 = arith.constant 640 : i32
      %dma_wait3A_160 = tpu.memref_slice %arg9[%dma_wait3A_159] : memref<1024xf32, #tpu.memory_space<vmem>> -> memref<128xf32, #tpu.memory_space<vmem>>
      %dma_wait3A_161 = arith.constant 0 : i32
      %dma_wait3A_162 = tpu.memref_slice %arg10[%dma_wait3A_158, %dma_wait3A_161] : memref<8x128xi32, #tpu.memory_space<vmem>> -> memref<1x128xi32, #tpu.memory_space<vmem>>
      %dma_wait3A_163 = tpu.memref_squeeze %dma_wait3A_162 : memref<1x128xi32, #tpu.memory_space<vmem>> -> memref<128xi32, #tpu.memory_space<vmem>>
      %dma_wait3A_164 = arith.constant 0 : i32
      %dma_wait3A_165 = tpu.memref_slice %arg12[%dma_wait3A_164] : memref<1605632xf32, #tpu.memory_space<vmem_shared>> -> memref<1605632xf32, #tpu.memory_space<vmem_shared>>
      tpu.wait_indirect_dma semaphore(%arg14 : memref<!tpu.dma_semaphore, #tpu.memory_space<semaphore_mem>>) src(%dma_wait3A_160 : memref<128xf32, #tpu.memory_space<vmem>>) dst(%dma_wait3A_165 : memref<1605632xf32, #tpu.memory_space<vmem_shared>>)
      %dma_wait3A_166 = arith.constant 6 : i32
      %dma_wait3A_167 = arith.constant 768 : i32
      %dma_wait3A_168 = tpu.memref_slice %arg9[%dma_wait3A_167] : memref<1024xf32, #tpu.memory_space<vmem>> -> memref<128xf32, #tpu.memory_space<vmem>>
      %dma_wait3A_169 = arith.constant 0 : i32
      %dma_wait3A_170 = tpu.memref_slice %arg10[%dma_wait3A_166, %dma_wait3A_169] : memref<8x128xi32, #tpu.memory_space<vmem>> -> memref<1x128xi32, #tpu.memory_space<vmem>>
      %dma_wait3A_171 = tpu.memref_squeeze %dma_wait3A_170 : memref<1x128xi32, #tpu.memory_space<vmem>> -> memref<128xi32, #tpu.memory_space<vmem>>
      %dma_wait3A_172 = arith.constant 0 : i32
      %dma_wait3A_173 = tpu.memref_slice %arg12[%dma_wait3A_172] : memref<1605632xf32, #tpu.memory_space<vmem_shared>> -> memref<1605632xf32, #tpu.memory_space<vmem_shared>>
      tpu.wait_indirect_dma semaphore(%arg14 : memref<!tpu.dma_semaphore, #tpu.memory_space<semaphore_mem>>) src(%dma_wait3A_168 : memref<128xf32, #tpu.memory_space<vmem>>) dst(%dma_wait3A_173 : memref<1605632xf32, #tpu.memory_space<vmem_shared>>)
      %dma_wait3A_174 = arith.constant 7 : i32
      %dma_wait3A_175 = arith.constant 896 : i32
      %dma_wait3A_176 = tpu.memref_slice %arg9[%dma_wait3A_175] : memref<1024xf32, #tpu.memory_space<vmem>> -> memref<128xf32, #tpu.memory_space<vmem>>
      %dma_wait3A_177 = arith.constant 0 : i32
      %dma_wait3A_178 = tpu.memref_slice %arg10[%dma_wait3A_174, %dma_wait3A_177] : memref<8x128xi32, #tpu.memory_space<vmem>> -> memref<1x128xi32, #tpu.memory_space<vmem>>
      %dma_wait3A_179 = tpu.memref_squeeze %dma_wait3A_178 : memref<1x128xi32, #tpu.memory_space<vmem>> -> memref<128xi32, #tpu.memory_space<vmem>>
      %dma_wait3A_180 = arith.constant 0 : i32
      %dma_wait3A_181 = tpu.memref_slice %arg12[%dma_wait3A_180] : memref<1605632xf32, #tpu.memory_space<vmem_shared>> -> memref<1605632xf32, #tpu.memory_space<vmem_shared>>
      tpu.wait_indirect_dma semaphore(%arg14 : memref<!tpu.dma_semaphore, #tpu.memory_space<semaphore_mem>>) src(%dma_wait3A_176 : memref<128xf32, #tpu.memory_space<vmem>>) dst(%dma_wait3A_181 : memref<1605632xf32, #tpu.memory_space<vmem_shared>>)
      %scan3A_182 = arith.constant 0 : i32
      scf.yield %scan3A_182 : i32
    }
    %scan3A_20 = arith.constant 1568 : i32
    %barrier3A_21 = arith.constant 0 : index
    tpu.barrier barrier_id(%barrier3A_21)
    %mul3A_22 = arith.constant 100352 : i32
    %mul3A_23 = arith.muli %arg1, %mul3A_22 : i32
    %mul3A_24 = arith.constant 100352 : i32
    %mul3A_25 = arith.muli %arg0, %mul3A_24 : i32
    %mul3A_26 = arith.constant 16 : i32
    %mul3A_27 = arith.muli %mul3A_25, %mul3A_26 : i32
    %mul3A_28 = arith.constant 100352 : i32
    %mul3A_29 = arith.muli %arg1, %mul3A_28 : i32
    %add3A = arith.addi %mul3A_27, %mul3A_29 : i32
    "tpu.region"() ({
      %run_scoped3A = tpu.sem_alloc : memref<!tpu.dma_semaphore, #tpu.memory_space<semaphore_mem>>
      %dma_start3A = tpu.memref_slice %arg5[%add3A] : memref<3211264xf32, #tpu.memory_space<hbm>> -> memref<100352xf32, #tpu.memory_space<hbm>>
      %dma_start3A_30 = tpu.memref_slice %arg12[%mul3A_23] : memref<1605632xf32, #tpu.memory_space<vmem_shared>> -> memref<100352xf32, #tpu.memory_space<vmem_shared>>
      tpu.enqueue_dma source(%dma_start3A_30 : memref<100352xf32, #tpu.memory_space<vmem_shared>>) target(%dma_start3A : memref<100352xf32, #tpu.memory_space<hbm>>) target_semaphore(%run_scoped3A : memref<!tpu.dma_semaphore, #tpu.memory_space<semaphore_mem>>)
      %dma_wait3A = tpu.memref_slice %arg5[%add3A] : memref<3211264xf32, #tpu.memory_space<hbm>> -> memref<100352xf32, #tpu.memory_space<hbm>>
      %dma_wait3A_31 = tpu.memref_slice %arg12[%mul3A_23] : memref<1605632xf32, #tpu.memory_space<vmem_shared>> -> memref<100352xf32, #tpu.memory_space<vmem_shared>>
      tpu.wait_dma2 semaphore(%run_scoped3A : memref<!tpu.dma_semaphore, #tpu.memory_space<semaphore_mem>>) src(%dma_wait3A_31 : memref<100352xf32, #tpu.memory_space<vmem_shared>>) dst(%dma_wait3A : memref<100352xf32, #tpu.memory_space<hbm>>)
      tpu.yield
    }) : () -> ()
    return
  }
}

module attributes {stable_mosaic.version = 14 : i64} {
  func.func @_tc1_body(%arg0: i32, %arg1: memref<2048x8xf32, #tpu.memory_space<vmem>>, %arg2: memref<1x1x2048xf32, #tpu.memory_space<vmem>>, %arg3: memref<1x1x2048xf32, #tpu.memory_space<vmem>>, %arg4: memref<8x32xf32, #tpu.memory_space<vmem>>, %arg5: memref<2048x128xf32, #tpu.memory_space<vmem>>) attributes {dimension_semantics = [#tpu.dimension_semantics<arbitrary>], iteration_bounds = array<i64: 49>, scalar_prefetch = 0 : i64, scratch_operands = 0 : i64, tpu.core_type = #tpu.core_type<tc>, window_params = [{transform_indices = @transform_0, window_bounds = array<i64: 2048, 8>}, {transform_indices = @transform_1, window_bounds = array<i64: 1, 1, 2048>}, {transform_indices = @transform_2, window_bounds = array<i64: 1, 1, 2048>}, {pipeline_mode = #tpu.pipeline_mode<synchronous>, transform_indices = @transform_3, window_bounds = array<i64: 8, 32>}, {transform_indices = @transform_4, window_bounds = array<i64: 2048, 128>}]} {
    %get3A = arith.constant 0 : index
    %get3A_0 = arith.constant 0 : index
    %get3A_1 = arith.constant 0 : index
    %get3A_2 = vector.load %arg2[%get3A, %get3A_0, %get3A_1] : memref<1x1x2048xf32, #tpu.memory_space<vmem>>, vector<1x1x2048xf32>
    %get3A_3 = vector.shape_cast %get3A_2 : vector<1x1x2048xf32> to vector<2048xf32>
    %get3A_4 = arith.constant 0 : index
    %get3A_5 = arith.constant 0 : index
    %get3A_6 = arith.constant 0 : index
    %get3A_7 = vector.load %arg3[%get3A_4, %get3A_5, %get3A_6] : memref<1x1x2048xf32, #tpu.memory_space<vmem>>, vector<1x1x2048xf32>
    %get3A_8 = vector.shape_cast %get3A_7 : vector<1x1x2048xf32> to vector<2048xf32>
    %add3A = arith.addf %get3A_3, %get3A_8 : vector<2048xf32>
    %add3A_9 = arith.constant 1.000000e+00 : f32
    %add3A_10 = vector.broadcast %add3A_9 : f32 to vector<2048xf32>
    %add3A_11 = arith.addf %add3A, %add3A_10 : vector<2048xf32>
    %rsqrt3A = math.rsqrt %add3A_11 : vector<2048xf32>
    %get3A_12 = arith.constant 0 : index
    %get3A_13 = arith.constant 0 : index
    %get3A_14 = vector.load %arg1[%get3A_12, %get3A_13] : memref<2048x8xf32, #tpu.memory_space<vmem>>, vector<2048x8xf32>
    %get3A_15 = arith.constant 0 : index
    %get3A_16 = arith.constant 0 : index
    %get3A_17 = vector.load %arg4[%get3A_15, %get3A_16] : memref<8x32xf32, #tpu.memory_space<vmem>>, vector<8x32xf32>
    %dot_general3A = arith.constant dense<0.000000e+00> : vector<2048x32xf32>
    %dot_general3A_18 = tpu.matmul %get3A_14, %get3A_17, %dot_general3A {dimension_numbers = #tpu.dot_dimension_numbers<[1], [0], [0], [1], [0, 0, 1, 1], [], []>, transpose_lhs_hint = false} : vector<2048x8xf32>, vector<8x32xf32>, vector<2048x32xf32> -> vector<2048x32xf32>
    %broadcast_in_dim3A = vector.shape_cast %rsqrt3A : vector<2048xf32> to vector<2048x1xf32>
    %mul3A = vector.broadcast %broadcast_in_dim3A : vector<2048x1xf32> to vector<2048x32xf32>
    %mul3A_19 = arith.mulf %dot_general3A_18, %mul3A : vector<2048x32xf32>
    %concatenate3A = tpu.concatenate %mul3A_19, %mul3A_19, %mul3A_19, %mul3A_19 in 1 : vector<2048x32xf32>, vector<2048x32xf32>, vector<2048x32xf32>, vector<2048x32xf32> -> vector<2048x128xf32>
    %swap3A = arith.constant 0 : index
    %swap3A_20 = arith.constant 0 : index
    %swap3A_21 = vector.load %arg5[%swap3A, %swap3A_20] : memref<2048x128xf32, #tpu.memory_space<vmem>>, vector<2048x128xf32>
    tpu.vector_store %arg5[%swap3A, %swap3A_20], %concatenate3A {strides = array<i32>} : memref<2048x128xf32, #tpu.memory_space<vmem>>, vector<2048x128xf32>,
    return
  }
  func.func @transform_0(%arg0: i32) -> (i32, i32) {
    %c0_i32 = arith.constant 0 : i32
    %c0_i32_0 = arith.constant 0 : i32
    return %arg0, %c0_i32 : i32, i32
  }
  func.func @transform_1(%arg0: i32) -> (i32, i32, i32) {
    %c0_i32 = arith.constant 0 : i32
    %c0_i32_0 = arith.constant 0 : i32
    %c0_i32_1 = arith.constant 0 : i32
    return %arg0, %c0_i32, %c0_i32_0 : i32, i32, i32
  }
  func.func @transform_2(%arg0: i32) -> (i32, i32, i32) {
    %add3A = arith.constant 49 : i32
    %add3A_0 = arith.addi %arg0, %add3A : i32
    %c0_i32 = arith.constant 0 : i32
    %c0_i32_1 = arith.constant 0 : i32
    %c0_i32_2 = arith.constant 0 : i32
    return %add3A_0, %c0_i32, %c0_i32_1 : i32, i32, i32
  }
  func.func @transform_3(%arg0: i32) -> (i32, i32) {
    %c0_i32 = arith.constant 0 : i32
    %c0_i32_0 = arith.constant 0 : i32
    %c0_i32_1 = arith.constant 0 : i32
    return %c0_i32, %c0_i32_0 : i32, i32
  }
  func.func @transform_4(%arg0: i32) -> (i32, i32) {
    %c0_i32 = arith.constant 0 : i32
    %c0_i32_0 = arith.constant 0 : i32
    return %arg0, %c0_i32 : i32, i32
  }
}

module attributes {stable_mosaic.version = 14 : i64} {
  func.func @_tc2_body(%arg0: i32, %arg1: memref<2x2048x16xf32, #tpu.memory_space<vmem>>, %arg2: memref<2048x128xf32, #tpu.memory_space<vmem>>, %arg3: memref<1x1x2048xf32, #tpu.memory_space<vmem>>, %arg4: memref<1x1x2048xf32, #tpu.memory_space<vmem>>, %arg5: memref<32x32xf32, #tpu.memory_space<vmem>>, %arg6: memref<1x32xf32, #tpu.memory_space<vmem>>, %arg7: memref<2048x128xf32, #tpu.memory_space<vmem>>) attributes {dimension_semantics = [#tpu.dimension_semantics<arbitrary>], iteration_bounds = array<i64: 49>, scalar_prefetch = 0 : i64, scratch_operands = 0 : i64, tpu.core_type = #tpu.core_type<tc>, window_params = [{transform_indices = @transform_0, window_bounds = array<i64: 2, 2048, 16>}, {transform_indices = @transform_1, window_bounds = array<i64: 2048, 128>}, {transform_indices = @transform_2, window_bounds = array<i64: 1, 1, 2048>}, {transform_indices = @transform_3, window_bounds = array<i64: 1, 1, 2048>}, {pipeline_mode = #tpu.pipeline_mode<synchronous>, transform_indices = @transform_4, window_bounds = array<i64: 32, 32>}, {pipeline_mode = #tpu.pipeline_mode<synchronous>, transform_indices = @transform_5, window_bounds = array<i64: 1, 32>}, {transform_indices = @transform_6, window_bounds = array<i64: 2048, 128>}]} {
    %get3A = arith.constant 0 : index
    %get3A_0 = arith.constant 0 : index
    %get3A_1 = arith.constant 0 : index
    %get3A_2 = vector.load %arg3[%get3A, %get3A_0, %get3A_1] : memref<1x1x2048xf32, #tpu.memory_space<vmem>>, vector<1x1x2048xf32>
    %get3A_3 = vector.shape_cast %get3A_2 : vector<1x1x2048xf32> to vector<2048xf32>
    %get3A_4 = arith.constant 0 : index
    %get3A_5 = arith.constant 0 : index
    %get3A_6 = arith.constant 0 : index
    %get3A_7 = vector.load %arg4[%get3A_4, %get3A_5, %get3A_6] : memref<1x1x2048xf32, #tpu.memory_space<vmem>>, vector<1x1x2048xf32>
    %get3A_8 = vector.shape_cast %get3A_7 : vector<1x1x2048xf32> to vector<2048xf32>
    %add3A = arith.addf %get3A_3, %get3A_8 : vector<2048xf32>
    %add3A_9 = arith.constant 1.000000e+00 : f32
    %add3A_10 = vector.broadcast %add3A_9 : f32 to vector<2048xf32>
    %add3A_11 = arith.addf %add3A, %add3A_10 : vector<2048xf32>
    %rsqrt3A = math.rsqrt %add3A_11 : vector<2048xf32>
    %get3A_12 = arith.constant 0 : index
    %get3A_13 = arith.constant 0 : index
    %get3A_14 = arith.constant 0 : index
    %get3A_15 = vector.load %arg1[%get3A_12, %get3A_13, %get3A_14] : memref<2x2048x16xf32, #tpu.memory_space<vmem>>, vector<1x2048x16xf32>
    %get3A_16 = vector.shape_cast %get3A_15 : vector<1x2048x16xf32> to vector<2048x16xf32>
    %get3A_17 = arith.constant 1 : index
    %get3A_18 = arith.constant 0 : index
    %get3A_19 = arith.constant 0 : index
    %get3A_20 = vector.load %arg1[%get3A_17, %get3A_18, %get3A_19] : memref<2x2048x16xf32, #tpu.memory_space<vmem>>, vector<1x2048x16xf32>
    %get3A_21 = vector.shape_cast %get3A_20 : vector<1x2048x16xf32> to vector<2048x16xf32>
    %concatenate3A = tpu.concatenate %get3A_16, %get3A_21 in 1 : vector<2048x16xf32>, vector<2048x16xf32> -> vector<2048x32xf32>
    %get3A_22 = arith.constant 0 : index
    %get3A_23 = arith.constant 0 : index
    %get3A_24 = vector.load %arg2[%get3A_22, %get3A_23] : memref<2048x128xf32, #tpu.memory_space<vmem>>, vector<2048x32xf32>
    %broadcast_in_dim3A = vector.shape_cast %rsqrt3A : vector<2048xf32> to vector<2048x1xf32>
    %add3A_25 = arith.addf %concatenate3A, %get3A_24 : vector<2048x32xf32>
    %mul3A = vector.broadcast %broadcast_in_dim3A : vector<2048x1xf32> to vector<2048x32xf32>
    %mul3A_26 = arith.mulf %mul3A, %add3A_25 : vector<2048x32xf32>
    %get3A_27 = arith.constant 0 : index
    %get3A_28 = arith.constant 0 : index
    %get3A_29 = vector.load %arg6[%get3A_27, %get3A_28] : memref<1x32xf32, #tpu.memory_space<vmem>>, vector<1x32xf32>
    %add3A_30 = vector.broadcast %get3A_29 : vector<1x32xf32> to vector<2048x32xf32>
    %add3A_31 = arith.addf %mul3A_26, %add3A_30 : vector<2048x32xf32>
    %max3A = arith.constant 0.000000e+00 : f32
    %max3A_32 = vector.broadcast %max3A : f32 to vector<2048x32xf32>
    %max3A_33 = arith.maximumf %add3A_31, %max3A_32 : vector<2048x32xf32>
    %get3A_34 = arith.constant 0 : index
    %get3A_35 = arith.constant 0 : index
    %get3A_36 = vector.load %arg5[%get3A_34, %get3A_35] : memref<32x32xf32, #tpu.memory_space<vmem>>, vector<32x32xf32>
    %dot_general3A = arith.constant dense<0.000000e+00> : vector<2048x32xf32>
    %dot_general3A_37 = tpu.matmul %max3A_33, %get3A_36, %dot_general3A {dimension_numbers = #tpu.dot_dimension_numbers<[1], [0], [0], [1], [0, 0, 1, 1], [], []>, transpose_lhs_hint = false} : vector<2048x32xf32>, vector<32x32xf32>, vector<2048x32xf32> -> vector<2048x32xf32>
    %broadcast_in_dim3A_38 = vector.shape_cast %rsqrt3A : vector<2048xf32> to vector<2048x1xf32>
    %mul3A_39 = vector.broadcast %broadcast_in_dim3A_38 : vector<2048x1xf32> to vector<2048x32xf32>
    %mul3A_40 = arith.mulf %dot_general3A_37, %mul3A_39 : vector<2048x32xf32>
    %concatenate3A_41 = tpu.concatenate %mul3A_40, %mul3A_40, %mul3A_40, %mul3A_40 in 1 : vector<2048x32xf32>, vector<2048x32xf32>, vector<2048x32xf32>, vector<2048x32xf32> -> vector<2048x128xf32>
    %swap3A = arith.constant 0 : index
    %swap3A_42 = arith.constant 0 : index
    %swap3A_43 = vector.load %arg7[%swap3A, %swap3A_42] : memref<2048x128xf32, #tpu.memory_space<vmem>>, vector<2048x128xf32>
    tpu.vector_store %arg7[%swap3A, %swap3A_42], %concatenate3A_41 {strides = array<i32>} : memref<2048x128xf32, #tpu.memory_space<vmem>>, vector<2048x128xf32>,
    return
  }
  func.func @transform_0(%arg0: i32) -> (i32, i32, i32) {
    %c0_i32 = arith.constant 0 : i32
    %c0_i32_0 = arith.constant 0 : i32
    %c0_i32_1 = arith.constant 0 : i32
    return %c0_i32, %arg0, %c0_i32_0 : i32, i32, i32
  }
  func.func @transform_1(%arg0: i32) -> (i32, i32) {
    %c0_i32 = arith.constant 0 : i32
    %c0_i32_0 = arith.constant 0 : i32
    return %arg0, %c0_i32 : i32, i32
  }
  func.func @transform_2(%arg0: i32) -> (i32, i32, i32) {
    %c0_i32 = arith.constant 0 : i32
    %c0_i32_0 = arith.constant 0 : i32
    %c0_i32_1 = arith.constant 0 : i32
    return %arg0, %c0_i32, %c0_i32_0 : i32, i32, i32
  }
  func.func @transform_3(%arg0: i32) -> (i32, i32, i32) {
    %add3A = arith.constant 49 : i32
    %add3A_0 = arith.addi %arg0, %add3A : i32
    %c0_i32 = arith.constant 0 : i32
    %c0_i32_1 = arith.constant 0 : i32
    %c0_i32_2 = arith.constant 0 : i32
    return %add3A_0, %c0_i32, %c0_i32_1 : i32, i32, i32
  }
  func.func @transform_4(%arg0: i32) -> (i32, i32) {
    %c0_i32 = arith.constant 0 : i32
    %c0_i32_0 = arith.constant 0 : i32
    %c0_i32_1 = arith.constant 0 : i32
    return %c0_i32, %c0_i32_0 : i32, i32
  }
  func.func @transform_5(%arg0: i32) -> (i32, i32) {
    %c0_i32 = arith.constant 0 : i32
    %c0_i32_0 = arith.constant 0 : i32
    %c0_i32_1 = arith.constant 0 : i32
    return %c0_i32, %c0_i32_0 : i32, i32
  }
  func.func @transform_6(%arg0: i32) -> (i32, i32) {
    %c0_i32 = arith.constant 0 : i32
    %c0_i32_0 = arith.constant 0 : i32
    return %arg0, %c0_i32 : i32, i32
  }
}

module attributes {stable_mosaic.version = 14 : i64} {
  func.func @_tc3_body(%arg0: i32, %arg1: memref<2x2048x16xf32, #tpu.memory_space<vmem>>, %arg2: memref<2048x128xf32, #tpu.memory_space<vmem>>, %arg3: memref<1x1x2048xf32, #tpu.memory_space<vmem>>, %arg4: memref<1x1x2048xf32, #tpu.memory_space<vmem>>, %arg5: memref<1x32xf32, #tpu.memory_space<vmem>>, %arg6: memref<1x1x2048xi32, #tpu.memory_space<vmem>>, %arg7: memref<32x2xf32, #tpu.memory_space<vmem>>, %arg8: memref<1x2xf32, #tpu.memory_space<vmem>>, %arg9: memref<64x2xf32, #tpu.memory_space<vmem>>, %arg10: memref<64x33xf32, #tpu.memory_space<vmem>>) attributes {dimension_semantics = [#tpu.dimension_semantics<arbitrary>], iteration_bounds = array<i64: 49>, scalar_prefetch = 0 : i64, scratch_operands = 1 : i64, tpu.core_type = #tpu.core_type<tc>, window_params = [{transform_indices = @transform_0, window_bounds = array<i64: 2, 2048, 16>}, {transform_indices = @transform_1, window_bounds = array<i64: 2048, 128>}, {transform_indices = @transform_2, window_bounds = array<i64: 1, 1, 2048>}, {transform_indices = @transform_3, window_bounds = array<i64: 1, 1, 2048>}, {pipeline_mode = #tpu.pipeline_mode<synchronous>, transform_indices = @transform_4, window_bounds = array<i64: 1, 32>}, {transform_indices = @transform_5, window_bounds = array<i64: 1, 1, 2048>}, {pipeline_mode = #tpu.pipeline_mode<synchronous>, transform_indices = @transform_6, window_bounds = array<i64: 32, 2>}, {pipeline_mode = #tpu.pipeline_mode<synchronous>, transform_indices = @transform_7, window_bounds = array<i64: 1, 2>}, {pipeline_mode = #tpu.pipeline_mode<synchronous>, transform_indices = @transform_8, window_bounds = array<i64: 64, 2>}]} {
    %eq3A = arith.constant 0 : i32
    %eq3A_0 = arith.cmpi eq, %arg0, %eq3A : i32
    %convert_element_type3A = arith.extui %eq3A_0 : i1 to i32
    %cond3A = arith.constant 0 : i32
    %cond3A_1 = arith.cmpi ne, %convert_element_type3A, %cond3A : i32
    scf.if %cond3A_1 {
      %broadcast_in_dim3A_61 = arith.constant 0.000000e+00 : f32
      %broadcast_in_dim3A_62 = vector.broadcast %broadcast_in_dim3A_61 : f32 to vector<64x33xf32>
      %swap3A_63 = arith.constant 0 : index
      %swap3A_64 = arith.constant 0 : index
      %swap3A_65 = vector.load %arg10[%swap3A_63, %swap3A_64] : memref<64x33xf32, #tpu.memory_space<vmem>>, vector<64x33xf32>
      tpu.vector_store %arg10[%swap3A_63, %swap3A_64], %broadcast_in_dim3A_62 {strides = array<i32>} : memref<64x33xf32, #tpu.memory_space<vmem>>, vector<64x33xf32>,
    } else {
    }
    %get3A = arith.constant 0 : index
    %get3A_2 = arith.constant 0 : index
    %get3A_3 = arith.constant 0 : index
    %get3A_4 = vector.load %arg3[%get3A, %get3A_2, %get3A_3] : memref<1x1x2048xf32, #tpu.memory_space<vmem>>, vector<1x1x2048xf32>
    %get3A_5 = vector.shape_cast %get3A_4 : vector<1x1x2048xf32> to vector<2048xf32>
    %get3A_6 = arith.constant 0 : index
    %get3A_7 = arith.constant 0 : index
    %get3A_8 = arith.constant 0 : index
    %get3A_9 = vector.load %arg4[%get3A_6, %get3A_7, %get3A_8] : memref<1x1x2048xf32, #tpu.memory_space<vmem>>, vector<1x1x2048xf32>
    %get3A_10 = vector.shape_cast %get3A_9 : vector<1x1x2048xf32> to vector<2048xf32>
    %add3A = arith.addf %get3A_5, %get3A_10 : vector<2048xf32>
    %add3A_11 = arith.constant 1.000000e+00 : f32
    %add3A_12 = vector.broadcast %add3A_11 : f32 to vector<2048xf32>
    %add3A_13 = arith.addf %add3A, %add3A_12 : vector<2048xf32>
    %rsqrt3A = math.rsqrt %add3A_13 : vector<2048xf32>
    %get3A_14 = arith.constant 0 : index
    %get3A_15 = arith.constant 0 : index
    %get3A_16 = arith.constant 0 : index
    %get3A_17 = vector.load %arg1[%get3A_14, %get3A_15, %get3A_16] : memref<2x2048x16xf32, #tpu.memory_space<vmem>>, vector<1x2048x16xf32>
    %get3A_18 = vector.shape_cast %get3A_17 : vector<1x2048x16xf32> to vector<2048x16xf32>
    %get3A_19 = arith.constant 1 : index
    %get3A_20 = arith.constant 0 : index
    %get3A_21 = arith.constant 0 : index
    %get3A_22 = vector.load %arg1[%get3A_19, %get3A_20, %get3A_21] : memref<2x2048x16xf32, #tpu.memory_space<vmem>>, vector<1x2048x16xf32>
    %get3A_23 = vector.shape_cast %get3A_22 : vector<1x2048x16xf32> to vector<2048x16xf32>
    %concatenate3A = tpu.concatenate %get3A_18, %get3A_23 in 1 : vector<2048x16xf32>, vector<2048x16xf32> -> vector<2048x32xf32>
    %get3A_24 = arith.constant 0 : index
    %get3A_25 = arith.constant 0 : index
    %get3A_26 = vector.load %arg2[%get3A_24, %get3A_25] : memref<2048x128xf32, #tpu.memory_space<vmem>>, vector<2048x32xf32>
    %broadcast_in_dim3A = vector.shape_cast %rsqrt3A : vector<2048xf32> to vector<2048x1xf32>
    %add3A_27 = arith.addf %concatenate3A, %get3A_26 : vector<2048x32xf32>
    %mul3A = vector.broadcast %broadcast_in_dim3A : vector<2048x1xf32> to vector<2048x32xf32>
    %mul3A_28 = arith.mulf %mul3A, %add3A_27 : vector<2048x32xf32>
    %get3A_29 = arith.constant 0 : index
    %get3A_30 = arith.constant 0 : index
    %get3A_31 = vector.load %arg5[%get3A_29, %get3A_30] : memref<1x32xf32, #tpu.memory_space<vmem>>, vector<1x32xf32>
    %add3A_32 = vector.broadcast %get3A_31 : vector<1x32xf32> to vector<2048x32xf32>
    %add3A_33 = arith.addf %mul3A_28, %add3A_32 : vector<2048x32xf32>
    %max3A = arith.constant 0.000000e+00 : f32
    %max3A_34 = vector.broadcast %max3A : f32 to vector<2048x32xf32>
    %max3A_35 = arith.maximumf %add3A_33, %max3A_34 : vector<2048x32xf32>
    %broadcast_in_dim3A_36 = arith.constant 1.000000e+00 : f32
    %broadcast_in_dim3A_37 = vector.broadcast %broadcast_in_dim3A_36 : f32 to vector<2048x1xf32>
    %concatenate3A_38 = tpu.concatenate %max3A_35, %broadcast_in_dim3A_37 in 1 : vector<2048x32xf32>, vector<2048x1xf32> -> vector<2048x33xf32>
    %get3A_39 = arith.constant 0 : index
    %get3A_40 = arith.constant 0 : index
    %get3A_41 = arith.constant 0 : index
    %get3A_42 = vector.load %arg6[%get3A_39, %get3A_40, %get3A_41] : memref<1x1x2048xi32, #tpu.memory_space<vmem>>, vector<1x1x2048xi32>
    %get3A_43 = vector.shape_cast %get3A_42 : vector<1x1x2048xi32> to vector<2048xi32>
    %broadcast_in_dim3A_44 = vector.shape_cast %get3A_43 : vector<2048xi32> to vector<2048x1xi32>
    %iota3A = tpu.iota {dimensions = array<i32: 1>} : vector<2048x64xi32>
    %eq3A_45 = vector.broadcast %broadcast_in_dim3A_44 : vector<2048x1xi32> to vector<2048x64xi32>
    %eq3A_46 = arith.cmpi eq, %eq3A_45, %iota3A : vector<2048x64xi32>
    %convert_element_type3A_47 = arith.extui %eq3A_46 : vector<2048x64xi1> to vector<2048x64xi32>
    %convert_element_type3A_48 = arith.sitofp %convert_element_type3A_47 : vector<2048x64xi32> to vector<2048x64xf32>
    %get3A_49 = arith.constant 0 : index
    %get3A_50 = arith.constant 0 : index
    %get3A_51 = vector.load %arg10[%get3A_49, %get3A_50] : memref<64x33xf32, #tpu.memory_space<vmem>>, vector<64x33xf32>
    %dot_general3A = arith.constant dense<0.000000e+00> : vector<64x33xf32>
    %dot_general3A_52 = tpu.matmul %convert_element_type3A_48, %concatenate3A_38, %dot_general3A {dimension_numbers = #tpu.dot_dimension_numbers<[0], [0], [1], [1], [0, 1, 1, 1], [], []>, transpose_lhs_hint = false} : vector<2048x64xf32>, vector<2048x33xf32>, vector<64x33xf32> -> vector<64x33xf32>
    %add3A_53 = arith.addf %get3A_51, %dot_general3A_52 : vector<64x33xf32>
    %swap3A = arith.constant 0 : index
    %swap3A_54 = arith.constant 0 : index
    %swap3A_55 = vector.load %arg10[%swap3A, %swap3A_54] : memref<64x33xf32, #tpu.memory_space<vmem>>, vector<64x33xf32>
    tpu.vector_store %arg10[%swap3A, %swap3A_54], %add3A_53 {strides = array<i32>} : memref<64x33xf32, #tpu.memory_space<vmem>>, vector<64x33xf32>,
    %eq3A_56 = arith.constant 48 : i32
    %eq3A_57 = arith.cmpi eq, %arg0, %eq3A_56 : i32
    %convert_element_type3A_58 = arith.extui %eq3A_57 : i1 to i32
    %cond3A_59 = arith.constant 0 : i32
    %cond3A_60 = arith.cmpi ne, %convert_element_type3A_58, %cond3A_59 : i32
    scf.if %cond3A_60 {
      %get3A_61 = arith.constant 0 : index
      %get3A_62 = arith.constant 0 : index
      %get3A_63 = vector.load %arg10[%get3A_61, %get3A_62] : memref<64x33xf32, #tpu.memory_space<vmem>>, vector<64x32xf32>
      %get3A_64 = arith.constant 0 : index
      %get3A_65 = arith.constant 32 : index
      %get3A_66 = vector.load %arg10[%get3A_64, %get3A_65] : memref<64x33xf32, #tpu.memory_space<vmem>>, vector<64x1xf32>
      %max3A_67 = arith.constant 1.000000e+00 : f32
      %max3A_68 = vector.broadcast %max3A_67 : f32 to vector<64x1xf32>
      %max3A_69 = arith.maximumf %get3A_66, %max3A_68 : vector<64x1xf32>
      %div3A = vector.broadcast %max3A_69 : vector<64x1xf32> to vector<64x32xf32>
      %div3A_70 = arith.divf %get3A_63, %div3A : vector<64x32xf32>
      %get3A_71 = arith.constant 0 : index
      %get3A_72 = arith.constant 0 : index
      %get3A_73 = vector.load %arg7[%get3A_71, %get3A_72] : memref<32x2xf32, #tpu.memory_space<vmem>>, vector<32x2xf32>
      %dot_general3A_74 = arith.constant dense<0.000000e+00> : vector<64x2xf32>
      %dot_general3A_75 = tpu.matmul %div3A_70, %get3A_73, %dot_general3A_74 {dimension_numbers = #tpu.dot_dimension_numbers<[1], [0], [0], [1], [0, 0, 1, 1], [], []>, transpose_lhs_hint = false} : vector<64x32xf32>, vector<32x2xf32>, vector<64x2xf32> -> vector<64x2xf32>
      %get3A_76 = arith.constant 0 : index
      %get3A_77 = arith.constant 0 : index
      %get3A_78 = vector.load %arg8[%get3A_76, %get3A_77] : memref<1x2xf32, #tpu.memory_space<vmem>>, vector<1x2xf32>
      %add3A_79 = vector.broadcast %get3A_78 : vector<1x2xf32> to vector<64x2xf32>
      %add3A_80 = arith.addf %dot_general3A_75, %add3A_79 : vector<64x2xf32>
      %swap3A_81 = arith.constant 0 : index
      %swap3A_82 = arith.constant 0 : index
      %swap3A_83 = vector.load %arg9[%swap3A_81, %swap3A_82] : memref<64x2xf32, #tpu.memory_space<vmem>>, vector<64x2xf32>
      tpu.vector_store %arg9[%swap3A_81, %swap3A_82], %add3A_80 {strides = array<i32>} : memref<64x2xf32, #tpu.memory_space<vmem>>, vector<64x2xf32>,
    } else {
    }
    return
  }
  func.func @transform_0(%arg0: i32) -> (i32, i32, i32) {
    %c0_i32 = arith.constant 0 : i32
    %c0_i32_0 = arith.constant 0 : i32
    %c0_i32_1 = arith.constant 0 : i32
    return %c0_i32, %arg0, %c0_i32_0 : i32, i32, i32
  }
  func.func @transform_1(%arg0: i32) -> (i32, i32) {
    %c0_i32 = arith.constant 0 : i32
    %c0_i32_0 = arith.constant 0 : i32
    return %arg0, %c0_i32 : i32, i32
  }
  func.func @transform_2(%arg0: i32) -> (i32, i32, i32) {
    %c0_i32 = arith.constant 0 : i32
    %c0_i32_0 = arith.constant 0 : i32
    %c0_i32_1 = arith.constant 0 : i32
    return %arg0, %c0_i32, %c0_i32_0 : i32, i32, i32
  }
  func.func @transform_3(%arg0: i32) -> (i32, i32, i32) {
    %add3A = arith.constant 49 : i32
    %add3A_0 = arith.addi %arg0, %add3A : i32
    %c0_i32 = arith.constant 0 : i32
    %c0_i32_1 = arith.constant 0 : i32
    %c0_i32_2 = arith.constant 0 : i32
    return %add3A_0, %c0_i32, %c0_i32_1 : i32, i32, i32
  }
  func.func @transform_4(%arg0: i32) -> (i32, i32) {
    %c0_i32 = arith.constant 0 : i32
    %c0_i32_0 = arith.constant 0 : i32
    %c0_i32_1 = arith.constant 0 : i32
    return %c0_i32, %c0_i32_0 : i32, i32
  }
  func.func @transform_5(%arg0: i32) -> (i32, i32, i32) {
    %c0_i32 = arith.constant 0 : i32
    %c0_i32_0 = arith.constant 0 : i32
    %c0_i32_1 = arith.constant 0 : i32
    return %arg0, %c0_i32, %c0_i32_0 : i32, i32, i32
  }
  func.func @transform_6(%arg0: i32) -> (i32, i32) {
    %c0_i32 = arith.constant 0 : i32
    %c0_i32_0 = arith.constant 0 : i32
    %c0_i32_1 = arith.constant 0 : i32
    return %c0_i32, %c0_i32_0 : i32, i32
  }
  func.func @transform_7(%arg0: i32) -> (i32, i32) {
    %c0_i32 = arith.constant 0 : i32
    %c0_i32_0 = arith.constant 0 : i32
    %c0_i32_1 = arith.constant 0 : i32
    return %c0_i32, %c0_i32_0 : i32, i32
  }
  func.func @transform_8(%arg0: i32) -> (i32, i32) {
    %c0_i32 = arith.constant 0 : i32
    %c0_i32_0 = arith.constant 0 : i32
    %c0_i32_1 = arith.constant 0 : i32
    return %c0_i32, %c0_i32_0 : i32, i32
  }
}

</mosaic_0001>

<sc_bundles>
// kernel: kernel.11.cloned.1.call-start
scs
__scs_entry_jumppad:
0x0: {  	(pc) =	sbr.rel $0x88, $3  }
0x1: {  	(tag) =	ssettag $0x0;
	lr =	simm.s32 $0x1  }
0x2: {  	[smem:$0x3F98] =	sst lr;
	_ =	strace $0xD0000000  }
0x3: {  	_ = 	snop  }
0x4: {  	_ = 	snop  }
0x5: {  	_ = 	snop  }
0x6: {  	_ = 	snop  }
0x7: {  	_ = 	snop  }
__scs_overlays_trampoline_lowered:
0x8: {  	[smem:$0x3FA7] =	sst s0  }
0x9: {  	[smem:$0x3FA8] =	sst s1  }
0xa: {  	[smem:$0x3FA9] =	sst s2  }
0xb: {  	[smem:$0x3FAA] =	sst s3  }
0xc: {  	[smem:$0x3FAB] =	sst s4  }
0xd: {  	[smem:$0x3FAC] =	sst s5  }
0xe: {  	[smem:$0x3FAD] =	sst s6  }
0xf: {  	[smem:$0x3FAE] =	sst s7  }
0x10: {  	[smem:$0x3FAF] =	sst s8  }
0x11: {  	[smem:$0x3FB0] =	sst s9;
	s0 =	simm.s32 @!p0 $0x0  }
0x12: {  	s1 =	sld [smem:$0x3F96];
	s0 =	simm.s32 @p0 $0x1  }
0x13: {  	[smem:$0x3FB1] =	sst s0;
	s0 =	simm.s32 @!p1 $0x0  }
0x14: {  	s2 =	sld [smem:$0x3F95];
	s0 =	simm.s32 @p1 $0x1  }
0x15: {  	[smem:$0x3FB2] =	sst s0;
	s0 =	simm.s32 @!p2 $0x0  }
0x16: {  	s3 =	sld [smem:$0x3FDB];
	s0 =	simm.s32 @p2 $0x1  }
0x17: {  	s4 =	simm.s32 $0x1BF5;
	[smem:$0x3FB4] =	sst s0  }
0x18: {  	s0 =	sld [smem:$0x3F97];
	_ =	swait.ge [sflag:s4], $0x0  }
0x19: {  	s7 =	sld [smem:$0x3F98]  }
0x1a: {  	s8 =	sadd.s32 $0xFFFFE003, lr  }
0x1b: {  	s9 =	sadd.s32 $0xFFFFFEF7, lr;
	s5 =	simm.s32 $0xFFFFFFFF;
	p2 =	slt.u32 s8, $0xFFFFF086  }
0x1c: {  	p1 =	slt.u32 s9, $0xF7A;
	s5 =	simm.s32 @!p2 $0x0  }
0x1d: {  	s5 =	simm.s32 @p1 $0x1;
	p0 =	seq.s32 s7, s2  }
0x1e: {  	s7 =	smul.u32 @!p0 $0xF7A, s2;
	p2 =	seq.s32 @!p0 s5, $0x0  }
0x1f: {  	s9 =	smul.u32 $0xF7A, s1;
	s8 =	simm.s32 @!p0 $0x1BF5;
	p2 =	por !p2, p0  }
0x20: {  	[sflag:s8] =	ssyncset.s32 @!p0 $0xFFFFF086;
	s6 =	sadd.s32 @!p0 s3, s7;
	s7 =	simm.s32 @!p0 $0x108  }
0x21: {  	s3 =	sadd.s32 s3, s9;
	s6 =	sadd.s32 @!p0 $0x88, s6;
	s7 =	simm.s32 @p2 $0x1082  }
0x22: {  	[simem:s7], [sflag:s8] =	dma.local @!p0 [hbm:s6], $0xF7A  }
0x23: {  	s9 =	sor.u32 $0xD0000000, s2;
	s6 =	simm.s32 $0x108;
	_ =	swait.ge @!p0 [sflag:s8], $0x0  }
0x24: {  	s3 =	sadd.s32 $0x88, s3;
	s6 =	simm.s32 @!p1 $0x1082;
	[sflag:s4] =	ssyncset.s32 $0xFFFFF086  }
0x25: {  	[simem:s6], [sflag:s4] =	dma.local [hbm:s3], $0xF7A  }
0x26: {  	[smem:$0x3F98] =	sst s1;
	(tag) =	ssettag s2;
	_ =	strace s9  }
0x27: {  	s1 =	sld [smem:$0x3FA8]  }
0x28: {  	s2 =	sld [smem:$0x3FA9]  }
0x29: {  	s4 =	sld [smem:$0x3FAB]  }
0x2a: {  	p0 =	seq.s32 s5, $0x0;
	s5 =	sld [smem:$0x3FAC]  }
0x2b: {  	s6 =	sld [smem:$0x3FAD]  }
0x2c: {  	s7 =	sld [smem:$0x3FAE]  }
0x2d: {  	s3 =	simm.s32 $0x108;
	s8 =	sld [smem:$0x3FAF]  }
0x2e: {  	s3 =	simm.s32 @!p0 $0x1082;
	s9 =	sld [smem:$0x3FB0]  }
0x2f: {  	lr =	sadd.s32 s0, s3;
	s0 =	sld [smem:$0x3FA7]  }
0x30: {  	s3 =	sld [smem:$0x3FAA]  }
0x31: {  	[smem:$0x3FB3] =	sst s10  }
0x32: {  	s10 =	sld [smem:$0x3FB1];
	_ =	sdelay $0x3  }
0x33: {  	p0 =	seq.s32 s10, $0x1;
	s10 =	sld [smem:$0x3FB3];
	_ =	sdelay $0x3  }
0x34: {  	[smem:$0x3FB3] =	sst s10  }
0x35: {  	s10 =	sld [smem:$0x3FB2];
	_ =	sdelay $0x3  }
0x36: {  	p1 =	seq.s32 s10, $0x1;
	s10 =	sld [smem:$0x3FB3];
	_ =	sdelay $0x3  }
0x37: {  	[smem:$0x3FB3] =	sst s10  }
0x38: {  	s10 =	sld [smem:$0x3FB4]  }
0x39: {  	_ = 	snop;
	(pc) =	sbr.ind lr, $3  }
0x3a: {  	_ = 	snop  }
0x3b: {  	_ = 	snop  }
0x3c: {  	p2 =	seq.s32 s10, $0x1;
	s10 =	sld [smem:$0x3FB3]  }
0x3d: {  	_ =	shalt  }
0x3e: {  	_ =	shalt  }
0x3f: {  	_ =	shalt  }
0x40: {  	_ =	shalt  }
0x41: {  	_ =	shalt  }
0x42: {  	_ =	shalt  }
0x43: {  	_ =	shalt  }
0x44: {  	_ =	shalt  }
0x45: {  	_ =	shalt  }
0x46: {  	_ =	shalt  }
0x47: {  	_ =	shalt  }
0x48: {  	_ =	shalt  }
0x49: {  	_ =	shalt  }
0x4a: {  	_ =	shalt  }
0x4b: {  	_ =	shalt  }
0x4c: {  	_ =	shalt  }
0x4d: {  	_ =	shalt  }
0x4e: {  	_ =	shalt  }
0x4f: {  	_ =	shalt  }
0x50: {  	_ =	shalt  }
0x51: {  	_ =	shalt  }
0x52: {  	_ =	shalt  }
0x53: {  	_ =	shalt  }
0x54: {  	_ =	shalt  }
0x55: {  	_ =	shalt  }
0x56: {  	_ =	shalt  }
0x57: {  	_ =	shalt  }
0x58: {  	_ =	shalt  }
0x59: {  	_ =	shalt  }
0x5a: {  	_ =	shalt  }
0x5b: {  	_ =	shalt  }
0x5c: {  	_ =	shalt  }
0x5d: {  	_ =	shalt  }
0x5e: {  	_ =	shalt  }
0x5f: {  	_ =	shalt  }
0x60: {  	_ =	shalt  }
0x61: {  	_ =	shalt  }
0x62: {  	_ =	shalt  }
0x63: {  	_ =	shalt  }
0x64: {  	_ =	shalt  }
0x65: {  	_ =	shalt  }
0x66: {  	_ =	shalt  }
0x67: {  	_ =	shalt  }
0x68: {  	_ =	shalt  }
0x69: {  	_ =	shalt  }
0x6a: {  	_ =	shalt  }
0x6b: {  	_ =	shalt  }
0x6c: {  	_ =	shalt  }
0x6d: {  	_ =	shalt  }
0x6e: {  	_ =	shalt  }
0x6f: {  	_ =	shalt  }
0x70: {  	_ =	shalt  }
0x71: {  	_ =	shalt  }
0x72: {  	_ =	shalt  }
0x73: {  	_ =	shalt  }
0x74: {  	_ =	shalt  }
0x75: {  	_ =	shalt  }
0x76: {  	_ =	shalt  }
0x77: {  	_ =	shalt  }
0x78: {  	_ =	shalt  }
0x79: {  	_ =	shalt  }
0x7a: {  	_ =	shalt  }
0x7b: {  	_ =	shalt  }
0x7c: {  	_ =	shalt  }
0x7d: {  	_ =	shalt  }
0x7e: {  	_ =	shalt  }
0x7f: {  	_ =	shalt  }
0x80: {  	_ =	shalt  }
0x81: {  	_ =	shalt  }
0x82: {  	_ =	shalt  }
0x83: {  	_ =	shalt  }
0x84: {  	_ =	shalt  }
0x85: {  	_ =	shalt  }
0x86: {  	_ =	shalt  }
0x87: {  	_ =	shalt  }
.Lfunc_end0:
.L_simem_size_0:
called_computation.2_lowered:
.L_overlay_start_0:
0x88: {  	s2 =	sld [smem:$0x3FD9]  }
0x89: {  	s3 =	sld [smem:$0x3FFE];
	_ =	sdelay $0x1  }
0x8a: {  	s1 =	srdreg.scid  }
0x8b: {  	s0 =	sand.u32 $0x1, s1  }
0x8c: {  	s16 =	sshll.u32 s0, $0xA;
	s2 =	sadd.s32 s3, s2  }
0x8d: {  	s2 =	sadd.s32 s2, s16  }
0x8e: {  	[smem:$0x3FBF] =	sst s2  }
0x8f: {  	_ = 	snop  }
0x90: {  	(tm) =	ssettm $0x1  }
0x91: {  	s17 =	sld [smem:$0x3FFB];
	_ =	sdelay $0x3  }
0x92: {  	_ =	strace s17  }
0x93: {  	s2 =	sld [smem:$0x3FFC];
	_ =	sdelay $0x3  }
0x94: {  	_ =	strace s2  }
0x95: {  	s2 =	sld [smem:$0x3FFD];
	_ =	sdelay $0x3  }
0x96: {  	_ =	strace s2  }
0x97: {  	_ =	strace $0x8FFFFFFF  }
0x98: {  	s18 =	sld [smem:$0x3FDB];
	_ =	sdelay $0x1  }
0x99: {  	s19 =	simm.s32 $_scs_section_size  }
0x9a: {  	s4 =	simm.s32 $_size__tile_overlayer_lowered;
	s5 =	simm.s32 $_tile_overlayer_lowered  }
0x9b: {  	s22 =	simm.s32 $0x1BFF;
	s21 =	sshll.u32 s5, $0x1;
	s2 =	sadd.s32 s19, s18  }
0x9c: {  	s6 =	simm.s32 $0x0;
	s20 =	sshll.u32 s4, $0x1;
	s4 =	sadd.s32 s21, s2  }
0x9d: {  	[timem:s6], [sflag:s22] =	dma.local [hbm:s4], s20  }
0x9e: {  	_ =	swait.ge [sflag:s22], s20  }
0x9f: {  	s3 =	ssub.s32 $0x0, s20;
	[sflag:s22] =	ssyncset.done $0x0  }
0xa0: {  	[sflag:s22] =	ssyncadd.s32 s3;
	_ =	sdelay $0x1  }
0xa1: {  	s23 =	simm.s32 $0x1B8B  }
0xa2: {  	_ =	swait.ge [sflag:s23], $0x1  }
0xa3: {  	[sflag:s23] =	ssyncset.done $0x0  }
0xa4: {  	s25 =	simm.s32 $0x1B8E;
	s24 =	sld [smem:$0x3FFE];
	[sflag:s23] =	ssyncadd.s32 $0xFFFFFFFF  }
0xa5: {  	s26 =	simm.s32 $execute0_lowered;
	[smem:$0x3FD2] =	sst s25  }
0xa6: {  	s4 =	sshll.u32 s26, $0x1;
	_ =	strace $0x8000004C;
	[dreg:$0x1] =	wrdreg $0xFFFFFFFF  }
0xa7: {  	s28 =	simm.s32 $_size_execute0_lowered;
	s2 =	sadd.s32 s2, s4;
	[dreg:$0x0] =	wrdreg $0x0  }
0xa8: {  	s4 =	sshll.u32 s28, $0x1;
	[dreg:$0x2] =	wrdreg s2  }
0xa9: {  	[dreg:$0x3] =	wrdreg s4  }
0xaa: {  	[dreg:$0x4] =	wrdreg $0xC0  }
0xab: {  	_ =	task [dreg:s6], $0x5FFFF  }
0xac: {  	[dreg:$0x1] =	wrdreg $0xFFFFFFFF  }
0xad: {  	[dreg:$0x0] =	wrdreg $0x60  }
0xae: {  	[dreg:$0x2] =	wrdreg s24  }
0xaf: {  	[dreg:$0x3] =	wrdreg $0x2C800  }
0xb0: {  	[dreg:$0x4] =	wrdreg $0x9  }
0xb1: {  	_ =	task.clear_ibuf [dreg:s6], $0x5FFFF;
	_ =	strace $0x9000004C  }
0xb2: {  	s29 =	simm.s32 $0x9;
	_ =	strace $0x8000004E  }
0xb3: {  	_ =	swait.ge [sflag:s29], $0x1  }
0xb4: {  	[sflag:s29] =	ssyncadd.s32 $0xFFFFFFFF  }
0xb5: {  	_ =	strace $0x9000004E  }
0xb6: {  	_ =	sfence  }
0xb7: {  	s30 =	sld [smem:$0x0];
	_ =	sdelay $0x2  }
0xb8: {  	s31 =	sshll.u32 s1, $0xD;
	s1 =	sshrl.u32 s1, $0x2  }
0xb9: {  	s3 =	sand.u32 $0x4000, s31;
	s1 =	sadd.s32 s1, s30  }
0xba: {  	s0 =	sor.u32 s3, s0;
	s1 =	sshll.u32 s1, $0x11  }
0xbb: {  	s0 =	sor.u32 s1, s0  }
0xbc: {  	s0 =	sadd.s32 $0x8F2B, s0  }
0xbd: {  	[sflag:s0] =	ssyncadd.remote.s32 $0x1  }
0xbe: {  	_ =	sfence.sel $0xFFFF  }
0xbf: {  	[dreg:$0x0] =	wrdreg $0xFFFFFFFF;
	(pc) =	sbr.abs _section_cstart, $3  }
0xc0: {  	[dreg:$0x1] =	wrdreg $0xFFFFFFFF  }
0xc1: {  	_ =	task.clear_ibuf [dreg:s6], $0x2FFFF;
	_ =	strace $0x9FFFFFFF  }
0xc2: {  	(tm) =	ssettm $0x7FFFFFFF  }
0xc3: {  	_ =	shalt  }
tec
execute0_lowered:
.L_overlay_start_1:
0x0: {  	(tag) =	ssettag $0x1  }
0x1: {  	s4 =	rddreg [dreg:$0x0]  }
0x2: {  	s1 =	rddreg [dreg:$0x1]  }
0x3: {  	s0 =	rddreg [dreg:$0x2];
	s3 =	simm.s32 $0x0  }
0x4: {  	[smem:$0x7FF] =	sst s3;
	s5 =	sadd.s32 $0x80A400, s4  }
0x5: {  	s18 =	sadd.s32 $0x349000, s4;
	_ =	strace $0x8000004D;
	[dreg:$0x3] =	wrdreg s5  }
0x6: {  	s19 =	simm.s32 $0x40;
	[dreg:$0x4] =	wrdreg s18  }
0x7: {  	s20 =	simm.s32 $0x2000;
	[smem:$0x7C9] =	sst s19  }
0x8: {  	s21 =	simm.s32 $0x1F80;
	[smem:$0x7CA] =	sst s20  }
0x9: {  	s22 =	simm.s32 $0x1F00;
	[smem:$0x7CB] =	sst s21  }
0xa: {  	s23 =	simm.s32 $0x1E80;
	[smem:$0x7CC] =	sst s22  }
0xb: {  	s24 =	simm.s32 $0x1E00;
	[smem:$0x7CD] =	sst s23  }
0xc: {  	s25 =	simm.s32 $0x1D80;
	[smem:$0x7CE] =	sst s24  }
0xd: {  	s26 =	simm.s32 $0x1D00;
	[smem:$0x7CF] =	sst s25  }
0xe: {  	s28 =	simm.s32 $0x1C80;
	[smem:$0x7D0] =	sst s26  }
0xf: {  	s29 =	simm.s32 $0x1C00;
	[smem:$0x7D1] =	sst s28  }
0x10: {  	s30 =	simm.s32 $0x1B80;
	[smem:$0x7D2] =	sst s29  }
0x11: {  	s31 =	simm.s32 $0x1B00;
	[smem:$0x7D3] =	sst s30  }
0x12: {  	s7 =	simm.s32 $0x1A00;
	[smem:$0x7D4] =	sst s31  }
0x13: {  	s8 =	simm.s32 $0x1980;
	[smem:$0x7D6] =	sst s7  }
0x14: {  	s9 =	simm.s32 $0x1900;
	[smem:$0x7D7] =	sst s8  }
0x15: {  	s10 =	simm.s32 $0x1880;
	[smem:$0x7D8] =	sst s9  }
0x16: {  	s11 =	simm.s32 $0x1800;
	[smem:$0x7D9] =	sst s10  }
0x17: {  	s12 =	simm.s32 $0x1780;
	[smem:$0x7DA] =	sst s11  }
0x18: {  	s13 =	simm.s32 $0x1700;
	[smem:$0x7DB] =	sst s12  }
0x19: {  	s14 =	simm.s32 $0x1680;
	[smem:$0x7DC] =	sst s13  }
0x1a: {  	s15 =	simm.s32 $0x1600;
	[smem:$0x7DD] =	sst s14  }
0x1b: {  	s2 =	stileid.u32;
	s16 =	simm.s32 $0x1580;
	[smem:$0x7DE] =	sst s15  }
0x1c: {  	s17 =	simm.s32 $0x1500;
	s6 =	smul.u32 $0x6200, s2;
	[smem:$0x7DF] =	sst s16  }
0x1d: {  	[smem:$0x7E0] =	sst s17  }
0x1e: {  	s18 =	simm.s32 $0x1480;
	[dreg:$0x5] =	wrdreg s6  }
0x1f: {  	s19 =	simm.s32 $0x1400;
	[smem:$0x7E1] =	sst s18  }
0x20: {  	s20 =	simm.s32 $0x1380;
	[smem:$0x7E2] =	sst s19  }
0x21: {  	s21 =	simm.s32 $0x1300;
	[smem:$0x7E3] =	sst s20  }
0x22: {  	s22 =	simm.s32 $0x1280;
	[smem:$0x7E4] =	sst s21  }
0x23: {  	s23 =	simm.s32 $0x1200;
	[smem:$0x7E5] =	sst s22  }
0x24: {  	s24 =	simm.s32 $0x1180;
	[smem:$0x7E6] =	sst s23  }
0x25: {  	s25 =	simm.s32 $0x1100;
	[smem:$0x7E7] =	sst s24  }
0x26: {  	s26 =	simm.s32 $0x1080;
	[smem:$0x7E8] =	sst s25  }
0x27: {  	s28 =	simm.s32 $0x1000;
	[smem:$0x7E9] =	sst s26  }
0x28: {  	s29 =	simm.s32 $0xF80;
	[smem:$0x7EA] =	sst s28  }
0x29: {  	s30 =	simm.s32 $0xF00;
	[smem:$0x7EB] =	sst s29  }
0x2a: {  	s31 =	simm.s32 $0xE80;
	[smem:$0x7EC] =	sst s30  }
0x2b: {  	s7 =	simm.s32 $0xD80;
	[smem:$0x7ED] =	sst s31  }
0x2c: {  	s8 =	simm.s32 $0xD00;
	[dreg:$0x1f] =	wrdreg s7  }
0x2d: {  	s9 =	simm.s32 $0xC80;
	[dreg:$0x1e] =	wrdreg s8  }
0x2e: {  	s10 =	simm.s32 $0xC00;
	[dreg:$0x1d] =	wrdreg s9  }
0x2f: {  	s11 =	simm.s32 $0xB80;
	[dreg:$0x1c] =	wrdreg s10  }
0x30: {  	s12 =	simm.s32 $0xB00;
	[dreg:$0x1b] =	wrdreg s11  }
0x31: {  	s13 =	simm.s32 $0xA80;
	[dreg:$0x1a] =	wrdreg s12  }
0x32: {  	s14 =	simm.s32 $0xA00;
	[dreg:$0x19] =	wrdreg s13  }
0x33: {  	s15 =	simm.s32 $0x980;
	[dreg:$0x18] =	wrdreg s14  }
0x34: {  	s16 =	simm.s32 $0x900;
	[dreg:$0x17] =	wrdreg s15  }
0x35: {  	s17 =	simm.s32 $0x880;
	[dreg:$0x16] =	wrdreg s16  }
0x36: {  	s6 =	simm.s32 $0x1A80;
	[dreg:$0x15] =	wrdreg s17  }
0x37: {  	s18 =	simm.s32 $0x800;
	[smem:$0x7D5] =	sst s6  }
0x38: {  	s19 =	simm.s32 $0x780;
	[dreg:$0x14] =	wrdreg s18  }
0x39: {  	s20 =	simm.s32 $0x700;
	[dreg:$0x13] =	wrdreg s19  }
0x3a: {  	s21 =	simm.s32 $0x680;
	[dreg:$0x12] =	wrdreg s20  }
0x3b: {  	s22 =	simm.s32 $0x600;
	[dreg:$0x11] =	wrdreg s21  }
0x3c: {  	s23 =	simm.s32 $0x580;
	[dreg:$0x10] =	wrdreg s22  }
0x3d: {  	s24 =	simm.s32 $0x500;
	[dreg:$0xf] =	wrdreg s23  }
0x3e: {  	s26 =	simm.s32 $0x480;
	[dreg:$0xe] =	wrdreg s24  }
0x3f: {  	s28 =	simm.s32 $0x400;
	[dreg:$0xd] =	wrdreg s26  }
0x40: {  	s29 =	simm.s32 $0x380;
	[dreg:$0xc] =	wrdreg s28  }
0x41: {  	s30 =	simm.s32 $0x300;
	[dreg:$0xb] =	wrdreg s29  }
0x42: {  	s31 =	simm.s32 $0x280;
	[dreg:$0xa] =	wrdreg s30  }
0x43: {  	s12 =	simm.s32 $0x180;
	[dreg:$0x9] =	wrdreg s31  }
0x44: {  	s13 =	simm.s32 $0x100;
	[dreg:$0x7] =	wrdreg s12  }
0x45: {  	s14 =	simm.s32 $0x2080;
	[dreg:$0x6] =	wrdreg s13  }
0x46: {  	s16 =	simm.s32 $0x2500;
	[smem:$0x7EF] =	sst s14  }
0x47: {  	s6 =	simm.s32 $0xE00;
	[smem:$0x7F0] =	sst s16  }
0x48: {  	s18 =	simm.s32 $0x2100;
	[smem:$0x7EE] =	sst s6  }
0x49: {  	s19 =	simm.s32 $0x2580;
	[smem:$0x7F1] =	sst s18  }
0x4a: {  	s20 =	simm.s32 $0x2180;
	[smem:$0x7F2] =	sst s19  }
0x4b: {  	s25 =	smul.u32 $0x31000, s2;
	s22 =	simm.s32 $0x2600;
	[smem:$0x7F3] =	sst s20  }
0x4c: {  	s7 =	srdreg.scid;
	s23 =	simm.s32 $0x2200;
	[smem:$0x7F4] =	sst s22  }
0x4d: {  	s9 =	smul.u32 $0x18800, s2;
	s24 =	simm.s32 $0x2680;
	[smem:$0x7F5] =	sst s23  }
0x4e: {  	s7 =	sand.u32 $0x1, s7;
	s26 =	simm.s32 $0x2700;
	[smem:$0x7F6] =	sst s24  }
0x4f: {  	s28 =	simm.s32 $0x2300;
	s29 =	simm.s32 $0x2780;
	[smem:$0x7F8] =	sst s26  }
0x50: {  	s30 =	simm.s32 $0x2380;
	s31 =	simm.s32 $0x2800;
	[smem:$0x7F9] =	sst s28  }
0x51: {  	s13 =	simm.s32 $0x2400;
	s12 =	simm.s32 $0x1;
	[smem:$0x7FA] =	sst s29  }
0x52: {  	s8 =	smul.u32 $0x188000, s7;
	s10 =	sadd.s32 s25, s4;
	[smem:$0x7FB] =	sst s30  }
0x53: {  	s6 =	simm.s32 $0x200;
	s15 =	ssub.s32 $0x2, s7;
	[smem:$0x7FC] =	sst s31  }
0x54: {  	p0 =	seq.s32 s7, $0x1;
	s25 =	simm.s32 $0x2280;
	[smem:$0x7FD] =	sst s13  }
0x55: {  	s14 =	sadd.s32 s9, s1;
	s13 =	simm.s32 $0x2;
	[dreg:$0x8] =	wrdreg s6  }
0x56: {  	s17 =	sshrl.u32 s15, $0x1;
	[smem:$0x7F7] =	sst s25;
	s7 =	sadd.s32 $0x39000, s10  }
0x57: {  	s10 =	simm.s32 $0x2480;
	s14 =	sshrl.u32 s14, $0x3;
	s11 =	sadd.s32 s9, s8  }
0x58: {  	s8 =	ssub.s32 s15, s17;
	s6 =	sshrl.u32 s11, $0x3;
	s11 =	smul.u32 $0x62000, s2  }
0x59: {  	s9 =	simm.s32 $0x3;
	s15 =	simm.s32 $0x0;
	s6 =	sadd.s32 s6, s4  }
0x5a: {  	s21 =	sshrl.u32 s11, $0x2;
	s5 =	sadd.s32 $0x4D1000, s6;
	s6 =	smax.u32 s8, $0x1  }
0x5b: {  	v0 =	vimm.f32 $0.0e+00;
	s8 =	simm.s32 $0x2880;
	s11 =	simm.s32 $0x80;
	s4 =	sadd.s32 s21, s1  }
.LBB2_1:
0x5c: {  	s16 =	simm.s32 $0x0  }
.LBB2_2:
0x5d: {  	p1 =	sne.s32 s16, $0xFC0  }
.Ltmp0:
0x5e: {  	_ = 	snop;
	(pc) =	sbr.rel @p1 .LBB2_2-.Ltmp0, $3  }
0x5f: {  	_ =	sdelay $0x1  }
0x60: {  	s17 =	sshra.s32 s16, $0x2  }
0x61: {  	s16 =	sadd.s32 $0x40, s16;
	[tilespmem:s17+$0x2880] =	vst v0  }
0x62: {  	s16 =	sadd.s32 $0x0, s4  }
0x63: {  	[spmem:s16] =	stream.linear.scatter [tilespmem:s8], [sflag:$0x3], $0x400, $0x38;
	[tilespmem:$0x1B480] =	vst v63  }
0x64: {  	s16 =	simm.s32 $0x1000;
	_ =	swait.ge [sflag:s9], $0x400  }
.LBB2_4:
0x65: {  	s17 =	sshra.s32 s16, $0x2;
	[sflag:s9] =	ssyncset.done $0x0;
	p1 =	sne.s32 s16, $0x61000  }
.Ltmp1:
0x66: {  	s17 =	sadd.s32 s17, s4;
	[sflag:s9] =	ssyncadd.s32 $0xFFFFFC00;
	(pc) =	sbr.rel @p1 .LBB2_4-.Ltmp1, $3  }
0x67: {  	[spmem:s17] =	stream.linear.scatter [tilespmem:s8], [sflag:$0x3], $0x400, $0x38;
	[tilespmem:$0x1B480] =	vst v63  }
0x68: {  	s16 =	sadd.s32 $0x1000, s16;
	_ =	sdelay $0x1  }
0x69: {  	_ =	swait.ge [sflag:s9], $0x400  }
0x6a: {  	[sflag:s9] =	ssyncset.done $0x0  }
0x6b: {  	[sflag:s9] =	ssyncadd.s32 $0xFFFFFC00  }
0x6c: {  	s16 =	simm.s32 $0x0;
	s17 =	smov.u32 s7;
	[bflag:$0x0] =	sbarrier.arrive $0xFFFF  }
.LBB2_6:
0x6d: {  	s18 =	rddreg [dreg:$0x5]  }
0x6e: {  	s19 =	rddreg [dreg:$0x3];
	s20 =	sand.u32 $0x70, s16;
	s18 =	sadd.s32 s16, s18  }
0x6f: {  	s19 =	sadd.s32 s19, s20;
	s18 =	sand.u32 $0xFFF80, s18  }
0x70: {  	s18 =	sadd.s32 s18, s19  }
0x71: {  	[tilespmem:s3], [sflag:$0x3] =	stream.linear.gather [hbm4b:s18+s3], $0x80, $0x38;
	[tilespmem:$0x1B480] =	vst v63  }
0x72: {  	_ =	swait.ge [sflag:s9], $0x80  }
0x73: {  	[sflag:s9] =	ssyncset.done $0x0  }
0x74: {  	[sflag:s9] =	ssyncadd.s32 $0xFFFFFF80  }
0x75: {  	[tilespmem:s10], [sflag:$0x3] =	stream.linear.gather [hbm4b:s17+s3], $0x400, $0x38;
	[tilespmem:$0x1B480] =	vst v63  }
0x76: {  	_ =	swait.ge [sflag:s9], $0x400  }
0x77: {  	s28 =	sld [smem:$0x7C9]  }
0x78: {  	[sflag:s9] =	ssyncset.done $0x0  }
0x79: {  	s26 =	rddreg [dreg:$0x4];
	[sflag:s9] =	ssyncadd.s32 $0xFFFFFC00  }
0x7a: {  	[tilespmem:s11], [sflag:$0x1] =	stream.indirect.gather [hbm4b:s26+s28], $0x80, s3, s28, $0xb8;
	[tilespmem:$0x1B480] =	vst v63  }
0x7b: {  	_ =	swait.ge [sflag:s12], $0x2000  }
0x7c: {  	s18 =	simm.s32 $0x80;
	[sflag:s12] =	ssyncset.done $0x0  }
0x7d: {  	s18 =	simm.s32 @p0 $0x90;
	[sflag:s12] =	ssyncadd.s32 $0xFFFFE000  }
0x7e: {  	v1 =	vld [tilespmem:s18+$0x0];
	_ =	sdelay $0x3  }
0x7f: {  	s18 =	rddreg [dreg:$0x6]  }
0x80: {  	s18 =	simm.s32 @p0 $0x110;
	[tilespmem:$0x2080] =	vst v1  }
0x81: {  	v1 =	vld [tilespmem:s18+$0x0];
	_ =	sdelay $0x3  }
0x82: {  	s18 =	rddreg [dreg:$0x7]  }
0x83: {  	s18 =	simm.s32 @p0 $0x190;
	[tilespmem:$0x2090] =	vst v1  }
0x84: {  	v1 =	vld [tilespmem:s18+$0x0];
	_ =	sdelay $0x3  }
0x85: {  	s18 =	rddreg [dreg:$0x8]  }
0x86: {  	s18 =	simm.s32 @p0 $0x210;
	[tilespmem:$0x20A0] =	vst v1  }
0x87: {  	v1 =	vld [tilespmem:s18+$0x0];
	_ =	sdelay $0x3  }
0x88: {  	s18 =	rddreg [dreg:$0x9]  }
0x89: {  	s18 =	simm.s32 @p0 $0x290;
	[tilespmem:$0x20B0] =	vst v1  }
0x8a: {  	v1 =	vld [tilespmem:s18+$0x0];
	_ =	sdelay $0x3  }
0x8b: {  	s18 =	rddreg [dreg:$0xa]  }
0x8c: {  	s18 =	simm.s32 @p0 $0x310;
	[tilespmem:$0x20C0] =	vst v1  }
0x8d: {  	v1 =	vld [tilespmem:s18+$0x0];
	_ =	sdelay $0x3  }
0x8e: {  	s18 =	rddreg [dreg:$0xb]  }
0x8f: {  	s18 =	simm.s32 @p0 $0x390;
	[tilespmem:$0x20D0] =	vst v1  }
0x90: {  	v1 =	vld [tilespmem:s18+$0x0];
	_ =	sdelay $0x3  }
0x91: {  	s18 =	rddreg [dreg:$0xc]  }
0x92: {  	s18 =	simm.s32 @p0 $0x410;
	[tilespmem:$0x20E0] =	vst v1  }
0x93: {  	v1 =	vld [tilespmem:s18+$0x0];
	_ =	sdelay $0x3  }
0x94: {  	s18 =	rddreg [dreg:$0xd]  }
0x95: {  	s18 =	simm.s32 @p0 $0x490;
	[tilespmem:$0x20F0] =	vst v1  }
0x96: {  	v1 =	vld [tilespmem:s18+$0x0];
	_ =	sdelay $0x3  }
0x97: {  	s18 =	rddreg [dreg:$0xe]  }
0x98: {  	s18 =	simm.s32 @p0 $0x510;
	[tilespmem:$0x2100] =	vst v1  }
0x99: {  	v1 =	vld [tilespmem:s18+$0x0];
	_ =	sdelay $0x3  }
0x9a: {  	s18 =	rddreg [dreg:$0xf]  }
0x9b: {  	s18 =	simm.s32 @p0 $0x590;
	[tilespmem:$0x2110] =	vst v1  }
0x9c: {  	v1 =	vld [tilespmem:s18+$0x0];
	_ =	sdelay $0x3  }
0x9d: {  	s18 =	rddreg [dreg:$0x10]  }
0x9e: {  	s18 =	simm.s32 @p0 $0x610;
	[tilespmem:$0x2120] =	vst v1  }
0x9f: {  	v1 =	vld [tilespmem:s18+$0x0];
	_ =	sdelay $0x3  }
0xa0: {  	s18 =	rddreg [dreg:$0x11]  }
0xa1: {  	s18 =	simm.s32 @p0 $0x690;
	[tilespmem:$0x2130] =	vst v1  }
0xa2: {  	v1 =	vld [tilespmem:s18+$0x0];
	_ =	sdelay $0x3  }
0xa3: {  	s18 =	rddreg [dreg:$0x12]  }
0xa4: {  	s18 =	simm.s32 @p0 $0x710;
	[tilespmem:$0x2140] =	vst v1  }
0xa5: {  	v1 =	vld [tilespmem:s18+$0x0];
	_ =	sdelay $0x3  }
0xa6: {  	s18 =	rddreg [dreg:$0x13]  }
0xa7: {  	s18 =	simm.s32 @p0 $0x790;
	[tilespmem:$0x2150] =	vst v1  }
0xa8: {  	v1 =	vld [tilespmem:s18+$0x0];
	_ =	sdelay $0x3  }
0xa9: {  	s18 =	rddreg [dreg:$0x14]  }
0xaa: {  	s18 =	simm.s32 @p0 $0x810;
	[tilespmem:$0x2160] =	vst v1  }
0xab: {  	v1 =	vld [tilespmem:s18+$0x0];
	_ =	sdelay $0x3  }
0xac: {  	s18 =	rddreg [dreg:$0x15]  }
0xad: {  	s18 =	simm.s32 @p0 $0x890;
	[tilespmem:$0x2170] =	vst v1  }
0xae: {  	v1 =	vld [tilespmem:s18+$0x0];
	_ =	sdelay $0x3  }
0xaf: {  	s18 =	rddreg [dreg:$0x16]  }
0xb0: {  	s18 =	simm.s32 @p0 $0x910;
	[tilespmem:$0x2180] =	vst v1  }
0xb1: {  	v1 =	vld [tilespmem:s18+$0x0];
	_ =	sdelay $0x3  }
0xb2: {  	s18 =	rddreg [dreg:$0x17]  }
0xb3: {  	s18 =	simm.s32 @p0 $0x990;
	[tilespmem:$0x2190] =	vst v1  }
0xb4: {  	v1 =	vld [tilespmem:s18+$0x0];
	_ =	sdelay $0x3  }
0xb5: {  	s18 =	rddreg [dreg:$0x18]  }
0xb6: {  	s18 =	simm.s32 @p0 $0xA10;
	[tilespmem:$0x21A0] =	vst v1  }
0xb7: {  	v1 =	vld [tilespmem:s18+$0x0];
	_ =	sdelay $0x3  }
0xb8: {  	s18 =	rddreg [dreg:$0x19]  }
0xb9: {  	s18 =	simm.s32 @p0 $0xA90;
	[tilespmem:$0x21B0] =	vst v1  }
0xba: {  	v1 =	vld [tilespmem:s18+$0x0];
	_ =	sdelay $0x3  }
0xbb: {  	s18 =	rddreg [dreg:$0x1a]  }
0xbc: {  	s18 =	simm.s32 @p0 $0xB10;
	[tilespmem:$0x21C0] =	vst v1  }
0xbd: {  	v1 =	vld [tilespmem:s18+$0x0];
	_ =	sdelay $0x3  }
0xbe: {  	s18 =	rddreg [dreg:$0x1b]  }
0xbf: {  	s18 =	simm.s32 @p0 $0xB90;
	[tilespmem:$0x21D0] =	vst v1  }
0xc0: {  	v1 =	vld [tilespmem:s18+$0x0];
	_ =	sdelay $0x3  }
0xc1: {  	s18 =	rddreg [dreg:$0x1c]  }
0xc2: {  	s18 =	simm.s32 @p0 $0xC10;
	[tilespmem:$0x21E0] =	vst v1  }
0xc3: {  	v1 =	vld [tilespmem:s18+$0x0];
	_ =	sdelay $0x3  }
0xc4: {  	s18 =	rddreg [dreg:$0x1d]  }
0xc5: {  	s18 =	simm.s32 @p0 $0xC90;
	[tilespmem:$0x21F0] =	vst v1  }
0xc6: {  	v1 =	vld [tilespmem:s18+$0x0];
	_ =	sdelay $0x3  }
0xc7: {  	s18 =	rddreg [dreg:$0x1e]  }
0xc8: {  	s18 =	simm.s32 @p0 $0xD10;
	[tilespmem:$0x2200] =	vst v1  }
0xc9: {  	v1 =	vld [tilespmem:s18+$0x0];
	_ =	sdelay $0x3  }
0xca: {  	s18 =	rddreg [dreg:$0x1f]  }
0xcb: {  	s18 =	simm.s32 @p0 $0xD90;
	[tilespmem:$0x2210] =	vst v1  }
0xcc: {  	v1 =	vld [tilespmem:s18+$0x0];
	_ =	sdelay $0x1  }
0xcd: {  	s18 =	sld [smem:$0x7EE];
	_ =	sdelay $0x2  }
0xce: {  	s18 =	simm.s32 @p0 $0xE10;
	[tilespmem:$0x2220] =	vst v1  }
0xcf: {  	v1 =	vld [tilespmem:s18+$0x0];
	_ =	sdelay $0x1  }
0xd0: {  	s18 =	sld [smem:$0x7ED];
	_ =	sdelay $0x2  }
0xd1: {  	s18 =	simm.s32 @p0 $0xE90;
	[tilespmem:$0x2230] =	vst v1  }
0xd2: {  	v1 =	vld [tilespmem:s18+$0x0];
	_ =	sdelay $0x1  }
0xd3: {  	s18 =	sld [smem:$0x7EC];
	_ =	sdelay $0x2  }
0xd4: {  	s18 =	simm.s32 @p0 $0xF10;
	[tilespmem:$0x2240] =	vst v1  }
0xd5: {  	v1 =	vld [tilespmem:s18+$0x0];
	_ =	sdelay $0x1  }
0xd6: {  	s18 =	sld [smem:$0x7EB];
	_ =	sdelay $0x2  }
0xd7: {  	s18 =	simm.s32 @p0 $0xF90;
	[tilespmem:$0x2250] =	vst v1  }
0xd8: {  	v1 =	vld [tilespmem:s18+$0x0];
	_ =	sdelay $0x1  }
0xd9: {  	s18 =	sld [smem:$0x7EA];
	_ =	sdelay $0x2  }
0xda: {  	s18 =	simm.s32 @p0 $0x1010;
	[tilespmem:$0x2260] =	vst v1  }
0xdb: {  	v1 =	vld [tilespmem:s18+$0x0];
	_ =	sdelay $0x1  }
0xdc: {  	s18 =	sld [smem:$0x7E9];
	_ =	sdelay $0x2  }
0xdd: {  	s18 =	simm.s32 @p0 $0x1090;
	[tilespmem:$0x2270] =	vst v1  }
0xde: {  	v1 =	vld [tilespmem:s18+$0x0];
	_ =	sdelay $0x1  }
0xdf: {  	s18 =	sld [smem:$0x7E8];
	_ =	sdelay $0x2  }
0xe0: {  	s18 =	simm.s32 @p0 $0x1110;
	[tilespmem:$0x2280] =	vst v1  }
0xe1: {  	v1 =	vld [tilespmem:s18+$0x0];
	_ =	sdelay $0x1  }
0xe2: {  	s18 =	sld [smem:$0x7E7];
	_ =	sdelay $0x2  }
0xe3: {  	s18 =	simm.s32 @p0 $0x1190;
	[tilespmem:$0x2290] =	vst v1  }
0xe4: {  	v1 =	vld [tilespmem:s18+$0x0];
	_ =	sdelay $0x1  }
0xe5: {  	s18 =	sld [smem:$0x7E6];
	_ =	sdelay $0x2  }
0xe6: {  	s18 =	simm.s32 @p0 $0x1210;
	[tilespmem:$0x22A0] =	vst v1  }
0xe7: {  	v1 =	vld [tilespmem:s18+$0x0];
	_ =	sdelay $0x1  }
0xe8: {  	s18 =	sld [smem:$0x7E5];
	_ =	sdelay $0x2  }
0xe9: {  	s18 =	simm.s32 @p0 $0x1290;
	[tilespmem:$0x22B0] =	vst v1  }
0xea: {  	v1 =	vld [tilespmem:s18+$0x0];
	_ =	sdelay $0x1  }
0xeb: {  	s18 =	sld [smem:$0x7E4];
	_ =	sdelay $0x2  }
0xec: {  	s18 =	simm.s32 @p0 $0x1310;
	[tilespmem:$0x22C0] =	vst v1  }
0xed: {  	v1 =	vld [tilespmem:s18+$0x0];
	_ =	sdelay $0x1  }
0xee: {  	s18 =	sld [smem:$0x7E3];
	_ =	sdelay $0x2  }
0xef: {  	s18 =	simm.s32 @p0 $0x1390;
	[tilespmem:$0x22D0] =	vst v1  }
0xf0: {  	v1 =	vld [tilespmem:s18+$0x0];
	_ =	sdelay $0x1  }
0xf1: {  	s18 =	sld [smem:$0x7E2];
	_ =	sdelay $0x2  }
0xf2: {  	s18 =	simm.s32 @p0 $0x1410;
	[tilespmem:$0x22E0] =	vst v1  }
0xf3: {  	v1 =	vld [tilespmem:s18+$0x0];
	_ =	sdelay $0x1  }
0xf4: {  	s18 =	sld [smem:$0x7E1];
	_ =	sdelay $0x2  }
0xf5: {  	s18 =	simm.s32 @p0 $0x1490;
	[tilespmem:$0x22F0] =	vst v1  }
0xf6: {  	v1 =	vld [tilespmem:s18+$0x0];
	_ =	sdelay $0x1  }
0xf7: {  	s18 =	sld [smem:$0x7E0];
	_ =	sdelay $0x2  }
0xf8: {  	s18 =	simm.s32 @p0 $0x1510;
	[tilespmem:$0x2300] =	vst v1  }
0xf9: {  	v1 =	vld [tilespmem:s18+$0x0];
	_ =	sdelay $0x1  }
0xfa: {  	s18 =	sld [smem:$0x7DF];
	_ =	sdelay $0x2  }
0xfb: {  	s18 =	simm.s32 @p0 $0x1590;
	[tilespmem:$0x2310] =	vst v1  }
0xfc: {  	v1 =	vld [tilespmem:s18+$0x0];
	_ =	sdelay $0x1  }
0xfd: {  	s18 =	sld [smem:$0x7DE];
	_ =	sdelay $0x2  }
0xfe: {  	s18 =	simm.s32 @p0 $0x1610;
	[tilespmem:$0x2320] =	vst v1  }
0xff: {  	v1 =	vld [tilespmem:s18+$0x0];
	_ =	sdelay $0x1  }
0x100: {  	s18 =	sld [smem:$0x7DD];
	_ =	sdelay $0x2  }
0x101: {  	s18 =	simm.s32 @p0 $0x1690;
	[tilespmem:$0x2330] =	vst v1  }
0x102: {  	v1 =	vld [tilespmem:s18+$0x0];
	_ =	sdelay $0x1  }
0x103: {  	s18 =	sld [smem:$0x7DC];
	_ =	sdelay $0x2  }
0x104: {  	s18 =	simm.s32 @p0 $0x1710;
	[tilespmem:$0x2340] =	vst v1  }
0x105: {  	v1 =	vld [tilespmem:s18+$0x0];
	_ =	sdelay $0x1  }
0x106: {  	s18 =	sld [smem:$0x7DB];
	_ =	sdelay $0x2  }
0x107: {  	s18 =	simm.s32 @p0 $0x1790;
	[tilespmem:$0x2350] =	vst v1  }
0x108: {  	v1 =	vld [tilespmem:s18+$0x0];
	_ =	sdelay $0x1  }
0x109: {  	s18 =	sld [smem:$0x7DA];
	_ =	sdelay $0x2  }
0x10a: {  	s18 =	simm.s32 @p0 $0x1810;
	[tilespmem:$0x2360] =	vst v1  }
0x10b: {  	v1 =	vld [tilespmem:s18+$0x0];
	_ =	sdelay $0x1  }
0x10c: {  	s18 =	sld [smem:$0x7D9];
	_ =	sdelay $0x2  }
0x10d: {  	s18 =	simm.s32 @p0 $0x1890;
	[tilespmem:$0x2370] =	vst v1  }
0x10e: {  	v1 =	vld [tilespmem:s18+$0x0];
	_ =	sdelay $0x1  }
0x10f: {  	s18 =	sld [smem:$0x7D8];
	_ =	sdelay $0x2  }
0x110: {  	s18 =	simm.s32 @p0 $0x1910;
	[tilespmem:$0x2380] =	vst v1  }
0x111: {  	v1 =	vld [tilespmem:s18+$0x0];
	_ =	sdelay $0x1  }
0x112: {  	s18 =	sld [smem:$0x7D7];
	_ =	sdelay $0x2  }
0x113: {  	s18 =	simm.s32 @p0 $0x1990;
	[tilespmem:$0x2390] =	vst v1  }
0x114: {  	v1 =	vld [tilespmem:s18+$0x0];
	_ =	sdelay $0x1  }
0x115: {  	s18 =	sld [smem:$0x7D6];
	_ =	sdelay $0x2  }
0x116: {  	s18 =	simm.s32 @p0 $0x1A10;
	[tilespmem:$0x23A0] =	vst v1  }
0x117: {  	v1 =	vld [tilespmem:s18+$0x0];
	_ =	sdelay $0x1  }
0x118: {  	s18 =	sld [smem:$0x7D5];
	_ =	sdelay $0x2  }
0x119: {  	s18 =	simm.s32 @p0 $0x1A90;
	[tilespmem:$0x23B0] =	vst v1  }
0x11a: {  	v1 =	vld [tilespmem:s18+$0x0];
	_ =	sdelay $0x1  }
0x11b: {  	s18 =	sld [smem:$0x7D4];
	_ =	sdelay $0x2  }
0x11c: {  	s18 =	simm.s32 @p0 $0x1B10;
	[tilespmem:$0x23C0] =	vst v1  }
0x11d: {  	v1 =	vld [tilespmem:s18+$0x0];
	_ =	sdelay $0x1  }
0x11e: {  	s18 =	sld [smem:$0x7D3];
	_ =	sdelay $0x2  }
0x11f: {  	s18 =	simm.s32 @p0 $0x1B90;
	[tilespmem:$0x23D0] =	vst v1  }
0x120: {  	v1 =	vld [tilespmem:s18+$0x0];
	_ =	sdelay $0x1  }
0x121: {  	s18 =	sld [smem:$0x7D2];
	_ =	sdelay $0x2  }
0x122: {  	s18 =	simm.s32 @p0 $0x1C10;
	[tilespmem:$0x23E0] =	vst v1  }
0x123: {  	v1 =	vld [tilespmem:s18+$0x0];
	_ =	sdelay $0x1  }
0x124: {  	s18 =	sld [smem:$0x7D1];
	_ =	sdelay $0x2  }
0x125: {  	s18 =	simm.s32 @p0 $0x1C90;
	[tilespmem:$0x23F0] =	vst v1  }
0x126: {  	v1 =	vld [tilespmem:s18+$0x0];
	_ =	sdelay $0x1  }
0x127: {  	s18 =	sld [smem:$0x7D0];
	_ =	sdelay $0x2  }
0x128: {  	s18 =	simm.s32 @p0 $0x1D10;
	[tilespmem:$0x2400] =	vst v1  }
0x129: {  	v1 =	vld [tilespmem:s18+$0x0];
	_ =	sdelay $0x1  }
0x12a: {  	s18 =	sld [smem:$0x7CF];
	_ =	sdelay $0x2  }
0x12b: {  	s18 =	simm.s32 @p0 $0x1D90;
	[tilespmem:$0x2410] =	vst v1  }
0x12c: {  	v1 =	vld [tilespmem:s18+$0x0];
	_ =	sdelay $0x1  }
0x12d: {  	s18 =	sld [smem:$0x7CE];
	_ =	sdelay $0x2  }
0x12e: {  	s18 =	simm.s32 @p0 $0x1E10;
	[tilespmem:$0x2420] =	vst v1  }
0x12f: {  	v1 =	vld [tilespmem:s18+$0x0];
	_ =	sdelay $0x1  }
0x130: {  	s18 =	sld [smem:$0x7CD];
	_ =	sdelay $0x2  }
0x131: {  	s18 =	simm.s32 @p0 $0x1E90;
	[tilespmem:$0x2430] =	vst v1  }
0x132: {  	v1 =	vld [tilespmem:s18+$0x0];
	_ =	sdelay $0x1  }
0x133: {  	s18 =	sld [smem:$0x7CC];
	_ =	sdelay $0x2  }
0x134: {  	s18 =	simm.s32 @p0 $0x1F10;
	[tilespmem:$0x2440] =	vst v1  }
0x135: {  	v1 =	vld [tilespmem:s18+$0x0];
	_ =	sdelay $0x1  }
0x136: {  	s18 =	sld [smem:$0x7CB];
	_ =	sdelay $0x2  }
0x137: {  	s18 =	simm.s32 @p0 $0x1F90;
	[tilespmem:$0x2450] =	vst v1  }
0x138: {  	v1 =	vld [tilespmem:s18+$0x0];
	_ =	sdelay $0x1  }
0x139: {  	s18 =	sld [smem:$0x7CA]  }
0x13a: {  	s29 =	sld [smem:$0x7EF]  }
0x13b: {  	s30 =	sld [smem:$0x7F0]  }
0x13c: {  	s31 =	sld [smem:$0x7F1];
	s18 =	simm.s32 @p0 $0x2010;
	[tilespmem:$0x2460] =	vst v1  }
0x13d: {  	s19 =	sld [smem:$0x7F2];
	v1 =	vld [tilespmem:s18+$0x0]  }
0x13e: {  	s20 =	sld [smem:$0x7F3]  }
0x13f: {  	s22 =	sld [smem:$0x7F4]  }
0x140: {  	s21 =	sld [smem:$0x7F5]  }
0x141: {  	s23 =	sld [smem:$0x7F6]  }
0x142: {  	s24 =	sld [smem:$0x7F7];
	[tilespmem:$0x2470] =	vst v1  }
0x143: {  	[spmem:s1] =	stream.indirect.scatter.add.f32 [tilespmem:s29], [sflag:$0x2], $0x1, s10, s11, $0xb8;
	[tilespmem:$0x1B480] =	vst v63  }
0x144: {  	s25 =	sld [smem:$0x7F8]  }
0x145: {  	[spmem:s1] =	stream.indirect.scatter.add.f32 [tilespmem:s31], [sflag:$0x2], $0x1, s30, s11, $0xb8;
	[tilespmem:$0x1B480] =	vst v63  }
0x146: {  	s26 =	sld [smem:$0x7F9]  }
0x147: {  	[spmem:s1] =	stream.indirect.scatter.add.f32 [tilespmem:s20], [sflag:$0x2], $0x1, s19, s11, $0xb8;
	[tilespmem:$0x1B480] =	vst v63  }
0x148: {  	s28 =	sld [smem:$0x7FA]  }
0x149: {  	[spmem:s1] =	stream.indirect.scatter.add.f32 [tilespmem:s21], [sflag:$0x2], $0x1, s22, s11, $0xb8;
	[tilespmem:$0x1B480] =	vst v63  }
0x14a: {  	s29 =	sld [smem:$0x7FB]  }
0x14b: {  	[spmem:s1] =	stream.indirect.scatter.add.f32 [tilespmem:s24], [sflag:$0x2], $0x1, s23, s11, $0xb8;
	[tilespmem:$0x1B480] =	vst v63  }
0x14c: {  	s30 =	sld [smem:$0x7FC]  }
0x14d: {  	[spmem:s1] =	stream.indirect.scatter.add.f32 [tilespmem:s26], [sflag:$0x2], $0x1, s25, s11, $0xb8;
	[tilespmem:$0x1B480] =	vst v63  }
0x14e: {  	s31 =	sld [smem:$0x7FD]  }
0x14f: {  	[spmem:s1] =	stream.indirect.scatter.add.f32 [tilespmem:s29], [sflag:$0x2], $0x1, s28, s11, $0xb8;
	[tilespmem:$0x1B480] =	vst v63  }
0x150: {  	_ = 	snop  }
0x151: {  	[spmem:s1] =	stream.indirect.scatter.add.f32 [tilespmem:s31], [sflag:$0x2], $0x1, s30, s11, $0xb8;
	[tilespmem:$0x1B480] =	vst v63  }
0x152: {  	_ =	swait.ge [sflag:s13], $0x80  }
0x153: {  	[sflag:s13] =	ssyncset.done $0x0  }
0x154: {  	[sflag:s13] =	ssyncadd.s32 $0xFFFFFF80  }
0x155: {  	_ =	swait.ge [sflag:s13], $0x80  }
0x156: {  	[sflag:s13] =	ssyncset.done $0x0  }
0x157: {  	[sflag:s13] =	ssyncadd.s32 $0xFFFFFF80  }
0x158: {  	_ =	swait.ge [sflag:s13], $0x80  }
0x159: {  	[sflag:s13] =	ssyncset.done $0x0  }
0x15a: {  	[sflag:s13] =	ssyncadd.s32 $0xFFFFFF80  }
0x15b: {  	_ =	swait.ge [sflag:s13], $0x80  }
0x15c: {  	[sflag:s13] =	ssyncset.done $0x0  }
0x15d: {  	[sflag:s13] =	ssyncadd.s32 $0xFFFFFF80  }
0x15e: {  	_ =	swait.ge [sflag:s13], $0x80  }
0x15f: {  	[sflag:s13] =	ssyncset.done $0x0  }
0x160: {  	[sflag:s13] =	ssyncadd.s32 $0xFFFFFF80  }
0x161: {  	_ =	swait.ge [sflag:s13], $0x80  }
0x162: {  	[sflag:s13] =	ssyncset.done $0x0  }
0x163: {  	s16 =	sadd.s32 $0x10, s16;
	[sflag:s13] =	ssyncadd.s32 $0xFFFFFF80  }
0x164: {  	p1 =	sne.s32 s16, $0x6200;
	_ =	swait.ge [sflag:s13], $0x80  }
.Ltmp2:
0x165: {  	[sflag:s13] =	ssyncset.done $0x0;
	(pc) =	sbr.rel @p1 .LBB2_6-.Ltmp2, $4  }
0x166: {  	[sflag:s13] =	ssyncadd.s32 $0xFFFFFF80  }
0x167: {  	_ =	swait.ge [sflag:s13], $0x80  }
0x168: {  	[sflag:s13] =	ssyncset.done $0x0  }
0x169: {  	s17 =	sadd.s32 $0x80, s17;
	[sflag:s13] =	ssyncadd.s32 $0xFFFFFF80  }
0x16a: {  	s15 =	sadd.s32 $0x1, s15  }
0x16b: {  	s16 =	sshll.u32 s2, $0x6;
	p1 =	sne.s32 s15, s6  }
.Ltmp3:
0x16c: {  	[bflag:$0x0] =	sbarrier.arrive $0xFFFF;
	s16 =	sor.u32 $0x1C03, s16;
	(pc) =	sbr.rel @p1 .LBB2_1-.Ltmp3, $4  }
0x16d: {  	[hbm:s5], [sflag:s16] =	dma.local [spmem:s14], $0x3100  }
0x16e: {  	_ =	swait.ge [sflag:s9], $0x3100  }
0x16f: {  	[sflag:s9] =	ssyncset.done $0x0  }
0x170: {  	[sflag:s9] =	ssyncadd.s32 $0xFFFFCF00  }
0x171: {  	_ =	sfence.sel $0x180000  }
0x172: {  	[bflag:$0x0] =	sbarrier.arrive $0xFFFF  }
0x173: {  	p0 =	sne.s32 s2, $0x0;
	_ =	strace $0x9000004D  }
0x174: {  	s0 =	sadd.s32 @!p0 $0x100000, s0;
	[bflag:$0x2] =	sbarrier.arrive $0xFFFF  }
0x175: {  	[sflag:s0] =	ssyncadd.tile.s32 @!p0 $0x1;
	_ =	shalt  }
.Lfunc_end2:
_tile_overlayer_lowered:
.L_overlay_start_2:
0x176: {  	(tag) =	ssettag $0x2  }
0x177: {  	s0 =	rddreg [dreg:$0x0];
	s2 =	stileid.u32  }
0x178: {  	s1 =	rddreg [dreg:$0x1];
	p0 =	sne.s32 s2, $0x0  }
0x179: {  	s3 =	rddreg [dreg:$0x2];
	[bflag:$0x3] =	sbarrier.arrive $0xFFFF;
	s2 =	simm.s32 @!p0 $0x1C03  }
0x17a: {  	[timem:s3], [sflag:s2] =	dma.local @!p0 [hbm:s0], s1  }
0x17b: {  	s0 =	simm.s32 @!p0 $0x3  }
0x17c: {  	_ =	swait.ge @!p0 [sflag:s0], s1  }
0x17d: {  	s1 =	ssub.s32 @!p0 $0x0, s1;
	[sflag:s0] =	ssyncset.done @!p0 $0x0  }
0x17e: {  	[sflag:s0] =	ssyncadd.s32 @!p0 s1  }
0x17f: {  	[bflag:$0x3] =	sbarrier.arrive $0xFFFF  }
0x180: {  	_ =	shalt  }

// kernel: kernel.14.cloned.1.call-start
scs
__scs_entry_jumppad:
0x0: {  	(pc) =	sbr.rel $0x88, $3  }
0x1: {  	(tag) =	ssettag $0x0;
	lr =	simm.s32 $0x1  }
0x2: {  	[smem:$0x3F98] =	sst lr;
	_ =	strace $0xD0000000  }
0x3: {  	_ = 	snop  }
0x4: {  	_ = 	snop  }
0x5: {  	_ = 	snop  }
0x6: {  	_ = 	snop  }
0x7: {  	_ = 	snop  }
__scs_overlays_trampoline_lowered:
0x8: {  	[smem:$0x3FA7] =	sst s0  }
0x9: {  	[smem:$0x3FA8] =	sst s1  }
0xa: {  	[smem:$0x3FA9] =	sst s2  }
0xb: {  	[smem:$0x3FAA] =	sst s3  }
0xc: {  	[smem:$0x3FAB] =	sst s4  }
0xd: {  	[smem:$0x3FAC] =	sst s5  }
0xe: {  	[smem:$0x3FAD] =	sst s6  }
0xf: {  	[smem:$0x3FAE] =	sst s7  }
0x10: {  	[smem:$0x3FAF] =	sst s8  }
0x11: {  	[smem:$0x3FB0] =	sst s9;
	s0 =	simm.s32 @!p0 $0x0  }
0x12: {  	s1 =	sld [smem:$0x3F96];
	s0 =	simm.s32 @p0 $0x1  }
0x13: {  	[smem:$0x3FB1] =	sst s0;
	s0 =	simm.s32 @!p1 $0x0  }
0x14: {  	s2 =	sld [smem:$0x3F95];
	s0 =	simm.s32 @p1 $0x1  }
0x15: {  	[smem:$0x3FB2] =	sst s0;
	s0 =	simm.s32 @!p2 $0x0  }
0x16: {  	s3 =	sld [smem:$0x3FDB];
	s0 =	simm.s32 @p2 $0x1  }
0x17: {  	s4 =	simm.s32 $0x1BF5;
	[smem:$0x3FB4] =	sst s0  }
0x18: {  	s0 =	sld [smem:$0x3F97];
	_ =	swait.ge [sflag:s4], $0x0  }
0x19: {  	s7 =	sld [smem:$0x3F98]  }
0x1a: {  	s8 =	sadd.s32 $0xFFFFE003, lr  }
0x1b: {  	s9 =	sadd.s32 $0xFFFFFEF7, lr;
	s5 =	simm.s32 $0xFFFFFFFF;
	p2 =	slt.u32 s8, $0xFFFFF086  }
0x1c: {  	p1 =	slt.u32 s9, $0xF7A;
	s5 =	simm.s32 @!p2 $0x0  }
0x1d: {  	s5 =	simm.s32 @p1 $0x1;
	p0 =	seq.s32 s7, s2  }
0x1e: {  	s7 =	smul.u32 @!p0 $0xF7A, s2;
	p2 =	seq.s32 @!p0 s5, $0x0  }
0x1f: {  	s9 =	smul.u32 $0xF7A, s1;
	s8 =	simm.s32 @!p0 $0x1BF5;
	p2 =	por !p2, p0  }
0x20: {  	[sflag:s8] =	ssyncset.s32 @!p0 $0xFFFFF086;
	s6 =	sadd.s32 @!p0 s3, s7;
	s7 =	simm.s32 @!p0 $0x108  }
0x21: {  	s3 =	sadd.s32 s3, s9;
	s6 =	sadd.s32 @!p0 $0x88, s6;
	s7 =	simm.s32 @p2 $0x1082  }
0x22: {  	[simem:s7], [sflag:s8] =	dma.local @!p0 [hbm:s6], $0xF7A  }
0x23: {  	s9 =	sor.u32 $0xD0000000, s2;
	s6 =	simm.s32 $0x108;
	_ =	swait.ge @!p0 [sflag:s8], $0x0  }
0x24: {  	s3 =	sadd.s32 $0x88, s3;
	s6 =	simm.s32 @!p1 $0x1082;
	[sflag:s4] =	ssyncset.s32 $0xFFFFF086  }
0x25: {  	[simem:s6], [sflag:s4] =	dma.local [hbm:s3], $0xF7A  }
0x26: {  	[smem:$0x3F98] =	sst s1;
	(tag) =	ssettag s2;
	_ =	strace s9  }
0x27: {  	s1 =	sld [smem:$0x3FA8]  }
0x28: {  	s2 =	sld [smem:$0x3FA9]  }
0x29: {  	s4 =	sld [smem:$0x3FAB]  }
0x2a: {  	p0 =	seq.s32 s5, $0x0;
	s5 =	sld [smem:$0x3FAC]  }
0x2b: {  	s6 =	sld [smem:$0x3FAD]  }
0x2c: {  	s7 =	sld [smem:$0x3FAE]  }
0x2d: {  	s3 =	simm.s32 $0x108;
	s8 =	sld [smem:$0x3FAF]  }
0x2e: {  	s3 =	simm.s32 @!p0 $0x1082;
	s9 =	sld [smem:$0x3FB0]  }
0x2f: {  	lr =	sadd.s32 s0, s3;
	s0 =	sld [smem:$0x3FA7]  }
0x30: {  	s3 =	sld [smem:$0x3FAA]  }
0x31: {  	[smem:$0x3FB3] =	sst s10  }
0x32: {  	s10 =	sld [smem:$0x3FB1];
	_ =	sdelay $0x3  }
0x33: {  	p0 =	seq.s32 s10, $0x1;
	s10 =	sld [smem:$0x3FB3];
	_ =	sdelay $0x3  }
0x34: {  	[smem:$0x3FB3] =	sst s10  }
0x35: {  	s10 =	sld [smem:$0x3FB2];
	_ =	sdelay $0x3  }
0x36: {  	p1 =	seq.s32 s10, $0x1;
	s10 =	sld [smem:$0x3FB3];
	_ =	sdelay $0x3  }
0x37: {  	[smem:$0x3FB3] =	sst s10  }
0x38: {  	s10 =	sld [smem:$0x3FB4]  }
0x39: {  	_ = 	snop;
	(pc) =	sbr.ind lr, $3  }
0x3a: {  	_ = 	snop  }
0x3b: {  	_ = 	snop  }
0x3c: {  	p2 =	seq.s32 s10, $0x1;
	s10 =	sld [smem:$0x3FB3]  }
0x3d: {  	_ =	shalt  }
0x3e: {  	_ =	shalt  }
0x3f: {  	_ =	shalt  }
0x40: {  	_ =	shalt  }
0x41: {  	_ =	shalt  }
0x42: {  	_ =	shalt  }
0x43: {  	_ =	shalt  }
0x44: {  	_ =	shalt  }
0x45: {  	_ =	shalt  }
0x46: {  	_ =	shalt  }
0x47: {  	_ =	shalt  }
0x48: {  	_ =	shalt  }
0x49: {  	_ =	shalt  }
0x4a: {  	_ =	shalt  }
0x4b: {  	_ =	shalt  }
0x4c: {  	_ =	shalt  }
0x4d: {  	_ =	shalt  }
0x4e: {  	_ =	shalt  }
0x4f: {  	_ =	shalt  }
0x50: {  	_ =	shalt  }
0x51: {  	_ =	shalt  }
0x52: {  	_ =	shalt  }
0x53: {  	_ =	shalt  }
0x54: {  	_ =	shalt  }
0x55: {  	_ =	shalt  }
0x56: {  	_ =	shalt  }
0x57: {  	_ =	shalt  }
0x58: {  	_ =	shalt  }
0x59: {  	_ =	shalt  }
0x5a: {  	_ =	shalt  }
0x5b: {  	_ =	shalt  }
0x5c: {  	_ =	shalt  }
0x5d: {  	_ =	shalt  }
0x5e: {  	_ =	shalt  }
0x5f: {  	_ =	shalt  }
0x60: {  	_ =	shalt  }
0x61: {  	_ =	shalt  }
0x62: {  	_ =	shalt  }
0x63: {  	_ =	shalt  }
0x64: {  	_ =	shalt  }
0x65: {  	_ =	shalt  }
0x66: {  	_ =	shalt  }
0x67: {  	_ =	shalt  }
0x68: {  	_ =	shalt  }
0x69: {  	_ =	shalt  }
0x6a: {  	_ =	shalt  }
0x6b: {  	_ =	shalt  }
0x6c: {  	_ =	shalt  }
0x6d: {  	_ =	shalt  }
0x6e: {  	_ =	shalt  }
0x6f: {  	_ =	shalt  }
0x70: {  	_ =	shalt  }
0x71: {  	_ =	shalt  }
0x72: {  	_ =	shalt  }
0x73: {  	_ =	shalt  }
0x74: {  	_ =	shalt  }
0x75: {  	_ =	shalt  }
0x76: {  	_ =	shalt  }
0x77: {  	_ =	shalt  }
0x78: {  	_ =	shalt  }
0x79: {  	_ =	shalt  }
0x7a: {  	_ =	shalt  }
0x7b: {  	_ =	shalt  }
0x7c: {  	_ =	shalt  }
0x7d: {  	_ =	shalt  }
0x7e: {  	_ =	shalt  }
0x7f: {  	_ =	shalt  }
0x80: {  	_ =	shalt  }
0x81: {  	_ =	shalt  }
0x82: {  	_ =	shalt  }
0x83: {  	_ =	shalt  }
0x84: {  	_ =	shalt  }
0x85: {  	_ =	shalt  }
0x86: {  	_ =	shalt  }
0x87: {  	_ =	shalt  }
.Lfunc_end0:
.L_simem_size_0:
called_computation.3_lowered:
.L_overlay_start_0:
0x88: {  	s2 =	sld [smem:$0x3FD9]  }
0x89: {  	s3 =	sld [smem:$0x3FFE];
	_ =	sdelay $0x1  }
0x8a: {  	s1 =	srdreg.scid  }
0x8b: {  	s0 =	sand.u32 $0x1, s1  }
0x8c: {  	s16 =	sshll.u32 s0, $0xA;
	s2 =	sadd.s32 s3, s2  }
0x8d: {  	s2 =	sadd.s32 s2, s16  }
0x8e: {  	[smem:$0x3FBF] =	sst s2  }
0x8f: {  	_ = 	snop  }
0x90: {  	(tm) =	ssettm $0x1  }
0x91: {  	s17 =	sld [smem:$0x3FFB];
	_ =	sdelay $0x3  }
0x92: {  	_ =	strace s17  }
0x93: {  	s2 =	sld [smem:$0x3FFC];
	_ =	sdelay $0x3  }
0x94: {  	_ =	strace s2  }
0x95: {  	s2 =	sld [smem:$0x3FFD];
	_ =	sdelay $0x3  }
0x96: {  	_ =	strace s2  }
0x97: {  	_ =	strace $0x8FFFFFFF  }
0x98: {  	s18 =	sld [smem:$0x3FDB];
	_ =	sdelay $0x1  }
0x99: {  	s19 =	simm.s32 $_scs_section_size  }
0x9a: {  	s4 =	simm.s32 $_size__tile_overlayer_lowered;
	s5 =	simm.s32 $_tile_overlayer_lowered  }
0x9b: {  	s22 =	simm.s32 $0x1BFF;
	s21 =	sshll.u32 s5, $0x1;
	s2 =	sadd.s32 s19, s18  }
0x9c: {  	s6 =	simm.s32 $0x0;
	s20 =	sshll.u32 s4, $0x1;
	s4 =	sadd.s32 s21, s2  }
0x9d: {  	[timem:s6], [sflag:s22] =	dma.local [hbm:s4], s20  }
0x9e: {  	_ =	swait.ge [sflag:s22], s20  }
0x9f: {  	s3 =	ssub.s32 $0x0, s20;
	[sflag:s22] =	ssyncset.done $0x0  }
0xa0: {  	[sflag:s22] =	ssyncadd.s32 s3;
	_ =	sdelay $0x1  }
0xa1: {  	s23 =	simm.s32 $0x1B8B  }
0xa2: {  	_ =	swait.ge [sflag:s23], $0x1  }
0xa3: {  	[sflag:s23] =	ssyncset.done $0x0  }
0xa4: {  	s25 =	simm.s32 $0x1B8E;
	s24 =	sld [smem:$0x3FFE];
	[sflag:s23] =	ssyncadd.s32 $0xFFFFFFFF  }
0xa5: {  	s26 =	simm.s32 $execute0_lowered;
	[smem:$0x3FD2] =	sst s25  }
0xa6: {  	s4 =	sshll.u32 s26, $0x1;
	_ =	strace $0x8000004F;
	[dreg:$0x1] =	wrdreg $0xFFFFFFFF  }
0xa7: {  	s28 =	simm.s32 $_size_execute0_lowered;
	s2 =	sadd.s32 s2, s4;
	[dreg:$0x0] =	wrdreg $0x0  }
0xa8: {  	s4 =	sshll.u32 s28, $0x1;
	[dreg:$0x2] =	wrdreg s2  }
0xa9: {  	[dreg:$0x3] =	wrdreg s4  }
0xaa: {  	[dreg:$0x4] =	wrdreg $0xC0  }
0xab: {  	_ =	task [dreg:s6], $0x5FFFF  }
0xac: {  	[dreg:$0x1] =	wrdreg $0xFFFFFFFF  }
0xad: {  	[dreg:$0x0] =	wrdreg $0x60  }
0xae: {  	[dreg:$0x2] =	wrdreg s24  }
0xaf: {  	[dreg:$0x3] =	wrdreg $0x2C800  }
0xb0: {  	[dreg:$0x4] =	wrdreg $0x9  }
0xb1: {  	_ =	task.clear_ibuf [dreg:s6], $0x5FFFF;
	_ =	strace $0x9000004F  }
0xb2: {  	s29 =	simm.s32 $0x9;
	_ =	strace $0x80000051  }
0xb3: {  	_ =	swait.ge [sflag:s29], $0x1  }
0xb4: {  	[sflag:s29] =	ssyncadd.s32 $0xFFFFFFFF  }
0xb5: {  	_ =	strace $0x90000051  }
0xb6: {  	_ =	sfence  }
0xb7: {  	s30 =	sld [smem:$0x0];
	_ =	sdelay $0x2  }
0xb8: {  	s31 =	sshll.u32 s1, $0xD;
	s1 =	sshrl.u32 s1, $0x2  }
0xb9: {  	s3 =	sand.u32 $0x4000, s31;
	s1 =	sadd.s32 s1, s30  }
0xba: {  	s0 =	sor.u32 s3, s0;
	s1 =	sshll.u32 s1, $0x11  }
0xbb: {  	s0 =	sor.u32 s1, s0  }
0xbc: {  	s0 =	sadd.s32 $0x8F2B, s0  }
0xbd: {  	[sflag:s0] =	ssyncadd.remote.s32 $0x1  }
0xbe: {  	_ =	sfence.sel $0xFFFF  }
0xbf: {  	[dreg:$0x0] =	wrdreg $0xFFFFFFFF;
	(pc) =	sbr.abs _section_cstart, $3  }
0xc0: {  	[dreg:$0x1] =	wrdreg $0xFFFFFFFF  }
0xc1: {  	_ =	task.clear_ibuf [dreg:s6], $0x2FFFF;
	_ =	strace $0x9FFFFFFF  }
0xc2: {  	(tm) =	ssettm $0x7FFFFFFF  }
0xc3: {  	_ =	shalt  }
tec
execute0_lowered:
.L_overlay_start_1:
0x0: {  	(tag) =	ssettag $0x1  }
0x1: {  	s4 =	rddreg [dreg:$0x0]  }
0x2: {  	s1 =	rddreg [dreg:$0x1]  }
0x3: {  	s0 =	rddreg [dreg:$0x2];
	s3 =	simm.s32 $0x0  }
0x4: {  	[smem:$0x7FF] =	sst s3;
	s5 =	sadd.s32 $0x80A400, s4  }
0x5: {  	s18 =	sadd.s32 $0x4D1000, s4;
	_ =	strace $0x80000050;
	[dreg:$0x3] =	wrdreg s5  }
0x6: {  	s19 =	simm.s32 $0x40;
	[dreg:$0x4] =	wrdreg s18  }
0x7: {  	s20 =	simm.s32 $0x2000;
	[smem:$0x7C9] =	sst s19  }
0x8: {  	s21 =	simm.s32 $0x1F80;
	[smem:$0x7CA] =	sst s20  }
0x9: {  	s22 =	simm.s32 $0x1F00;
	[smem:$0x7CB] =	sst s21  }
0xa: {  	s23 =	simm.s32 $0x1E80;
	[smem:$0x7CC] =	sst s22  }
0xb: {  	s24 =	simm.s32 $0x1E00;
	[smem:$0x7CD] =	sst s23  }
0xc: {  	s25 =	simm.s32 $0x1D80;
	[smem:$0x7CE] =	sst s24  }
0xd: {  	s26 =	simm.s32 $0x1D00;
	[smem:$0x7CF] =	sst s25  }
0xe: {  	s28 =	simm.s32 $0x1C80;
	[smem:$0x7D0] =	sst s26  }
0xf: {  	s29 =	simm.s32 $0x1C00;
	[smem:$0x7D1] =	sst s28  }
0x10: {  	s30 =	simm.s32 $0x1B80;
	[smem:$0x7D2] =	sst s29  }
0x11: {  	s31 =	simm.s32 $0x1B00;
	[smem:$0x7D3] =	sst s30  }
0x12: {  	s7 =	simm.s32 $0x1A00;
	[smem:$0x7D4] =	sst s31  }
0x13: {  	s8 =	simm.s32 $0x1980;
	[smem:$0x7D6] =	sst s7  }
0x14: {  	s9 =	simm.s32 $0x1900;
	[smem:$0x7D7] =	sst s8  }
0x15: {  	s10 =	simm.s32 $0x1880;
	[smem:$0x7D8] =	sst s9  }
0x16: {  	s11 =	simm.s32 $0x1800;
	[smem:$0x7D9] =	sst s10  }
0x17: {  	s12 =	simm.s32 $0x1780;
	[smem:$0x7DA] =	sst s11  }
0x18: {  	s13 =	simm.s32 $0x1700;
	[smem:$0x7DB] =	sst s12  }
0x19: {  	s14 =	simm.s32 $0x1680;
	[smem:$0x7DC] =	sst s13  }
0x1a: {  	s15 =	simm.s32 $0x1600;
	[smem:$0x7DD] =	sst s14  }
0x1b: {  	s2 =	stileid.u32;
	s16 =	simm.s32 $0x1580;
	[smem:$0x7DE] =	sst s15  }
0x1c: {  	s17 =	simm.s32 $0x1500;
	s6 =	smul.u32 $0x6200, s2;
	[smem:$0x7DF] =	sst s16  }
0x1d: {  	[smem:$0x7E0] =	sst s17  }
0x1e: {  	s18 =	simm.s32 $0x1480;
	[dreg:$0x5] =	wrdreg s6  }
0x1f: {  	s19 =	simm.s32 $0x1400;
	[smem:$0x7E1] =	sst s18  }
0x20: {  	s20 =	simm.s32 $0x1380;
	[smem:$0x7E2] =	sst s19  }
0x21: {  	s21 =	simm.s32 $0x1300;
	[smem:$0x7E3] =	sst s20  }
0x22: {  	s22 =	simm.s32 $0x1280;
	[smem:$0x7E4] =	sst s21  }
0x23: {  	s23 =	simm.s32 $0x1200;
	[smem:$0x7E5] =	sst s22  }
0x24: {  	s24 =	simm.s32 $0x1180;
	[smem:$0x7E6] =	sst s23  }
0x25: {  	s25 =	simm.s32 $0x1100;
	[smem:$0x7E7] =	sst s24  }
0x26: {  	s26 =	simm.s32 $0x1080;
	[smem:$0x7E8] =	sst s25  }
0x27: {  	s28 =	simm.s32 $0x1000;
	[smem:$0x7E9] =	sst s26  }
0x28: {  	s29 =	simm.s32 $0xF80;
	[smem:$0x7EA] =	sst s28  }
0x29: {  	s30 =	simm.s32 $0xF00;
	[smem:$0x7EB] =	sst s29  }
0x2a: {  	s31 =	simm.s32 $0xE80;
	[smem:$0x7EC] =	sst s30  }
0x2b: {  	s7 =	simm.s32 $0xD80;
	[smem:$0x7ED] =	sst s31  }
0x2c: {  	s8 =	simm.s32 $0xD00;
	[dreg:$0x1f] =	wrdreg s7  }
0x2d: {  	s9 =	simm.s32 $0xC80;
	[dreg:$0x1e] =	wrdreg s8  }
0x2e: {  	s10 =	simm.s32 $0xC00;
	[dreg:$0x1d] =	wrdreg s9  }
0x2f: {  	s11 =	simm.s32 $0xB80;
	[dreg:$0x1c] =	wrdreg s10  }
0x30: {  	s12 =	simm.s32 $0xB00;
	[dreg:$0x1b] =	wrdreg s11  }
0x31: {  	s13 =	simm.s32 $0xA80;
	[dreg:$0x1a] =	wrdreg s12  }
0x32: {  	s14 =	simm.s32 $0xA00;
	[dreg:$0x19] =	wrdreg s13  }
0x33: {  	s15 =	simm.s32 $0x980;
	[dreg:$0x18] =	wrdreg s14  }
0x34: {  	s16 =	simm.s32 $0x900;
	[dreg:$0x17] =	wrdreg s15  }
0x35: {  	s17 =	simm.s32 $0x880;
	[dreg:$0x16] =	wrdreg s16  }
0x36: {  	s6 =	simm.s32 $0x1A80;
	[dreg:$0x15] =	wrdreg s17  }
0x37: {  	s18 =	simm.s32 $0x800;
	[smem:$0x7D5] =	sst s6  }
0x38: {  	s19 =	simm.s32 $0x780;
	[dreg:$0x14] =	wrdreg s18  }
0x39: {  	s20 =	simm.s32 $0x700;
	[dreg:$0x13] =	wrdreg s19  }
0x3a: {  	s21 =	simm.s32 $0x680;
	[dreg:$0x12] =	wrdreg s20  }
0x3b: {  	s22 =	simm.s32 $0x600;
	[dreg:$0x11] =	wrdreg s21  }
0x3c: {  	s23 =	simm.s32 $0x580;
	[dreg:$0x10] =	wrdreg s22  }
0x3d: {  	s24 =	simm.s32 $0x500;
	[dreg:$0xf] =	wrdreg s23  }
0x3e: {  	s26 =	simm.s32 $0x480;
	[dreg:$0xe] =	wrdreg s24  }
0x3f: {  	s28 =	simm.s32 $0x400;
	[dreg:$0xd] =	wrdreg s26  }
0x40: {  	s29 =	simm.s32 $0x380;
	[dreg:$0xc] =	wrdreg s28  }
0x41: {  	s30 =	simm.s32 $0x300;
	[dreg:$0xb] =	wrdreg s29  }
0x42: {  	s31 =	simm.s32 $0x280;
	[dreg:$0xa] =	wrdreg s30  }
0x43: {  	s12 =	simm.s32 $0x180;
	[dreg:$0x9] =	wrdreg s31  }
0x44: {  	s13 =	simm.s32 $0x100;
	[dreg:$0x7] =	wrdreg s12  }
0x45: {  	s14 =	simm.s32 $0x2080;
	[dreg:$0x6] =	wrdreg s13  }
0x46: {  	s16 =	simm.s32 $0x2500;
	[smem:$0x7EF] =	sst s14  }
0x47: {  	s6 =	simm.s32 $0xE00;
	[smem:$0x7F0] =	sst s16  }
0x48: {  	s18 =	simm.s32 $0x2100;
	[smem:$0x7EE] =	sst s6  }
0x49: {  	s19 =	simm.s32 $0x2580;
	[smem:$0x7F1] =	sst s18  }
0x4a: {  	s20 =	simm.s32 $0x2180;
	[smem:$0x7F2] =	sst s19  }
0x4b: {  	s25 =	smul.u32 $0x31000, s2;
	s22 =	simm.s32 $0x2600;
	[smem:$0x7F3] =	sst s20  }
0x4c: {  	s7 =	srdreg.scid;
	s23 =	simm.s32 $0x2200;
	[smem:$0x7F4] =	sst s22  }
0x4d: {  	s9 =	smul.u32 $0x18800, s2;
	s24 =	simm.s32 $0x2680;
	[smem:$0x7F5] =	sst s23  }
0x4e: {  	s7 =	sand.u32 $0x1, s7;
	s26 =	simm.s32 $0x2700;
	[smem:$0x7F6] =	sst s24  }
0x4f: {  	s28 =	simm.s32 $0x2300;
	s29 =	simm.s32 $0x2780;
	[smem:$0x7F8] =	sst s26  }
0x50: {  	s30 =	simm.s32 $0x2380;
	s31 =	simm.s32 $0x2800;
	[smem:$0x7F9] =	sst s28  }
0x51: {  	s13 =	simm.s32 $0x2400;
	s12 =	simm.s32 $0x1;
	[smem:$0x7FA] =	sst s29  }
0x52: {  	s8 =	smul.u32 $0x188000, s7;
	s10 =	sadd.s32 s25, s4;
	[smem:$0x7FB] =	sst s30  }
0x53: {  	s6 =	simm.s32 $0x200;
	s15 =	ssub.s32 $0x2, s7;
	[smem:$0x7FC] =	sst s31  }
0x54: {  	p0 =	seq.s32 s7, $0x1;
	s25 =	simm.s32 $0x2280;
	[smem:$0x7FD] =	sst s13  }
0x55: {  	s14 =	sadd.s32 s9, s1;
	s13 =	simm.s32 $0x2;
	[dreg:$0x8] =	wrdreg s6  }
0x56: {  	s17 =	sshrl.u32 s15, $0x1;
	[smem:$0x7F7] =	sst s25;
	s7 =	sadd.s32 $0x39000, s10  }
0x57: {  	s10 =	simm.s32 $0x2480;
	s14 =	sshrl.u32 s14, $0x3;
	s11 =	sadd.s32 s9, s8  }
0x58: {  	s8 =	ssub.s32 s15, s17;
	s6 =	sshrl.u32 s11, $0x3;
	s11 =	smul.u32 $0x62000, s2  }
0x59: {  	s9 =	simm.s32 $0x3;
	s15 =	simm.s32 $0x0;
	s6 =	sadd.s32 s6, s4  }
0x5a: {  	s21 =	sshrl.u32 s11, $0x2;
	s5 =	sadd.s32 $0x349000, s6;
	s6 =	smax.u32 s8, $0x1  }
0x5b: {  	v0 =	vimm.f32 $0.0e+00;
	s8 =	simm.s32 $0x2880;
	s11 =	simm.s32 $0x80;
	s4 =	sadd.s32 s21, s1  }
.LBB2_1:
0x5c: {  	s16 =	simm.s32 $0x0  }
.LBB2_2:
0x5d: {  	p1 =	sne.s32 s16, $0xFC0  }
.Ltmp0:
0x5e: {  	_ = 	snop;
	(pc) =	sbr.rel @p1 .LBB2_2-.Ltmp0, $3  }
0x5f: {  	_ =	sdelay $0x1  }
0x60: {  	s17 =	sshra.s32 s16, $0x2  }
0x61: {  	s16 =	sadd.s32 $0x40, s16;
	[tilespmem:s17+$0x2880] =	vst v0  }
0x62: {  	s16 =	sadd.s32 $0x0, s4  }
0x63: {  	[spmem:s16] =	stream.linear.scatter [tilespmem:s8], [sflag:$0x3], $0x400, $0x38;
	[tilespmem:$0x1B480] =	vst v63  }
0x64: {  	s16 =	simm.s32 $0x1000;
	_ =	swait.ge [sflag:s9], $0x400  }
.LBB2_4:
0x65: {  	s17 =	sshra.s32 s16, $0x2;
	[sflag:s9] =	ssyncset.done $0x0;
	p1 =	sne.s32 s16, $0x61000  }
.Ltmp1:
0x66: {  	s17 =	sadd.s32 s17, s4;
	[sflag:s9] =	ssyncadd.s32 $0xFFFFFC00;
	(pc) =	sbr.rel @p1 .LBB2_4-.Ltmp1, $3  }
0x67: {  	[spmem:s17] =	stream.linear.scatter [tilespmem:s8], [sflag:$0x3], $0x400, $0x38;
	[tilespmem:$0x1B480] =	vst v63  }
0x68: {  	s16 =	sadd.s32 $0x1000, s16;
	_ =	sdelay $0x1  }
0x69: {  	_ =	swait.ge [sflag:s9], $0x400  }
0x6a: {  	[sflag:s9] =	ssyncset.done $0x0  }
0x6b: {  	[sflag:s9] =	ssyncadd.s32 $0xFFFFFC00  }
0x6c: {  	s16 =	simm.s32 $0x0;
	s17 =	smov.u32 s7;
	[bflag:$0x0] =	sbarrier.arrive $0xFFFF  }
.LBB2_6:
0x6d: {  	s18 =	rddreg [dreg:$0x5]  }
0x6e: {  	s19 =	rddreg [dreg:$0x3];
	s20 =	sand.u32 $0x70, s16;
	s18 =	sadd.s32 s16, s18  }
0x6f: {  	s19 =	sadd.s32 s19, s20;
	s18 =	sand.u32 $0xFFF80, s18  }
0x70: {  	s18 =	sadd.s32 s18, s19  }
0x71: {  	[tilespmem:s3], [sflag:$0x3] =	stream.linear.gather [hbm4b:s18+s3], $0x80, $0x38;
	[tilespmem:$0x1B480] =	vst v63  }
0x72: {  	_ =	swait.ge [sflag:s9], $0x80  }
0x73: {  	[sflag:s9] =	ssyncset.done $0x0  }
0x74: {  	[sflag:s9] =	ssyncadd.s32 $0xFFFFFF80  }
0x75: {  	[tilespmem:s10], [sflag:$0x3] =	stream.linear.gather [hbm4b:s17+s3], $0x400, $0x38;
	[tilespmem:$0x1B480] =	vst v63  }
0x76: {  	_ =	swait.ge [sflag:s9], $0x400  }
0x77: {  	s28 =	sld [smem:$0x7C9]  }
0x78: {  	[sflag:s9] =	ssyncset.done $0x0  }
0x79: {  	s26 =	rddreg [dreg:$0x4];
	[sflag:s9] =	ssyncadd.s32 $0xFFFFFC00  }
0x7a: {  	[tilespmem:s11], [sflag:$0x1] =	stream.indirect.gather [hbm4b:s26+s28], $0x80, s3, s28, $0xb8;
	[tilespmem:$0x1B480] =	vst v63  }
0x7b: {  	_ =	swait.ge [sflag:s12], $0x2000  }
0x7c: {  	s18 =	simm.s32 $0x80;
	[sflag:s12] =	ssyncset.done $0x0  }
0x7d: {  	s18 =	simm.s32 @p0 $0x90;
	[sflag:s12] =	ssyncadd.s32 $0xFFFFE000  }
0x7e: {  	v1 =	vld [tilespmem:s18+$0x0];
	_ =	sdelay $0x3  }
0x7f: {  	s18 =	rddreg [dreg:$0x6]  }
0x80: {  	s18 =	simm.s32 @p0 $0x110;
	[tilespmem:$0x2080] =	vst v1  }
0x81: {  	v1 =	vld [tilespmem:s18+$0x0];
	_ =	sdelay $0x3  }
0x82: {  	s18 =	rddreg [dreg:$0x7]  }
0x83: {  	s18 =	simm.s32 @p0 $0x190;
	[tilespmem:$0x2090] =	vst v1  }
0x84: {  	v1 =	vld [tilespmem:s18+$0x0];
	_ =	sdelay $0x3  }
0x85: {  	s18 =	rddreg [dreg:$0x8]  }
0x86: {  	s18 =	simm.s32 @p0 $0x210;
	[tilespmem:$0x20A0] =	vst v1  }
0x87: {  	v1 =	vld [tilespmem:s18+$0x0];
	_ =	sdelay $0x3  }
0x88: {  	s18 =	rddreg [dreg:$0x9]  }
0x89: {  	s18 =	simm.s32 @p0 $0x290;
	[tilespmem:$0x20B0] =	vst v1  }
0x8a: {  	v1 =	vld [tilespmem:s18+$0x0];
	_ =	sdelay $0x3  }
0x8b: {  	s18 =	rddreg [dreg:$0xa]  }
0x8c: {  	s18 =	simm.s32 @p0 $0x310;
	[tilespmem:$0x20C0] =	vst v1  }
0x8d: {  	v1 =	vld [tilespmem:s18+$0x0];
	_ =	sdelay $0x3  }
0x8e: {  	s18 =	rddreg [dreg:$0xb]  }
0x8f: {  	s18 =	simm.s32 @p0 $0x390;
	[tilespmem:$0x20D0] =	vst v1  }
0x90: {  	v1 =	vld [tilespmem:s18+$0x0];
	_ =	sdelay $0x3  }
0x91: {  	s18 =	rddreg [dreg:$0xc]  }
0x92: {  	s18 =	simm.s32 @p0 $0x410;
	[tilespmem:$0x20E0] =	vst v1  }
0x93: {  	v1 =	vld [tilespmem:s18+$0x0];
	_ =	sdelay $0x3  }
0x94: {  	s18 =	rddreg [dreg:$0xd]  }
0x95: {  	s18 =	simm.s32 @p0 $0x490;
	[tilespmem:$0x20F0] =	vst v1  }
0x96: {  	v1 =	vld [tilespmem:s18+$0x0];
	_ =	sdelay $0x3  }
0x97: {  	s18 =	rddreg [dreg:$0xe]  }
0x98: {  	s18 =	simm.s32 @p0 $0x510;
	[tilespmem:$0x2100] =	vst v1  }
0x99: {  	v1 =	vld [tilespmem:s18+$0x0];
	_ =	sdelay $0x3  }
0x9a: {  	s18 =	rddreg [dreg:$0xf]  }
0x9b: {  	s18 =	simm.s32 @p0 $0x590;
	[tilespmem:$0x2110] =	vst v1  }
0x9c: {  	v1 =	vld [tilespmem:s18+$0x0];
	_ =	sdelay $0x3  }
0x9d: {  	s18 =	rddreg [dreg:$0x10]  }
0x9e: {  	s18 =	simm.s32 @p0 $0x610;
	[tilespmem:$0x2120] =	vst v1  }
0x9f: {  	v1 =	vld [tilespmem:s18+$0x0];
	_ =	sdelay $0x3  }
0xa0: {  	s18 =	rddreg [dreg:$0x11]  }
0xa1: {  	s18 =	simm.s32 @p0 $0x690;
	[tilespmem:$0x2130] =	vst v1  }
0xa2: {  	v1 =	vld [tilespmem:s18+$0x0];
	_ =	sdelay $0x3  }
0xa3: {  	s18 =	rddreg [dreg:$0x12]  }
0xa4: {  	s18 =	simm.s32 @p0 $0x710;
	[tilespmem:$0x2140] =	vst v1  }
0xa5: {  	v1 =	vld [tilespmem:s18+$0x0];
	_ =	sdelay $0x3  }
0xa6: {  	s18 =	rddreg [dreg:$0x13]  }
0xa7: {  	s18 =	simm.s32 @p0 $0x790;
	[tilespmem:$0x2150] =	vst v1  }
0xa8: {  	v1 =	vld [tilespmem:s18+$0x0];
	_ =	sdelay $0x3  }
0xa9: {  	s18 =	rddreg [dreg:$0x14]  }
0xaa: {  	s18 =	simm.s32 @p0 $0x810;
	[tilespmem:$0x2160] =	vst v1  }
0xab: {  	v1 =	vld [tilespmem:s18+$0x0];
	_ =	sdelay $0x3  }
0xac: {  	s18 =	rddreg [dreg:$0x15]  }
0xad: {  	s18 =	simm.s32 @p0 $0x890;
	[tilespmem:$0x2170] =	vst v1  }
0xae: {  	v1 =	vld [tilespmem:s18+$0x0];
	_ =	sdelay $0x3  }
0xaf: {  	s18 =	rddreg [dreg:$0x16]  }
0xb0: {  	s18 =	simm.s32 @p0 $0x910;
	[tilespmem:$0x2180] =	vst v1  }
0xb1: {  	v1 =	vld [tilespmem:s18+$0x0];
	_ =	sdelay $0x3  }
0xb2: {  	s18 =	rddreg [dreg:$0x17]  }
0xb3: {  	s18 =	simm.s32 @p0 $0x990;
	[tilespmem:$0x2190] =	vst v1  }
0xb4: {  	v1 =	vld [tilespmem:s18+$0x0];
	_ =	sdelay $0x3  }
0xb5: {  	s18 =	rddreg [dreg:$0x18]  }
0xb6: {  	s18 =	simm.s32 @p0 $0xA10;
	[tilespmem:$0x21A0] =	vst v1  }
0xb7: {  	v1 =	vld [tilespmem:s18+$0x0];
	_ =	sdelay $0x3  }
0xb8: {  	s18 =	rddreg [dreg:$0x19]  }
0xb9: {  	s18 =	simm.s32 @p0 $0xA90;
	[tilespmem:$0x21B0] =	vst v1  }
0xba: {  	v1 =	vld [tilespmem:s18+$0x0];
	_ =	sdelay $0x3  }
0xbb: {  	s18 =	rddreg [dreg:$0x1a]  }
0xbc: {  	s18 =	simm.s32 @p0 $0xB10;
	[tilespmem:$0x21C0] =	vst v1  }
0xbd: {  	v1 =	vld [tilespmem:s18+$0x0];
	_ =	sdelay $0x3  }
0xbe: {  	s18 =	rddreg [dreg:$0x1b]  }
0xbf: {  	s18 =	simm.s32 @p0 $0xB90;
	[tilespmem:$0x21D0] =	vst v1  }
0xc0: {  	v1 =	vld [tilespmem:s18+$0x0];
	_ =	sdelay $0x3  }
0xc1: {  	s18 =	rddreg [dreg:$0x1c]  }
0xc2: {  	s18 =	simm.s32 @p0 $0xC10;
	[tilespmem:$0x21E0] =	vst v1  }
0xc3: {  	v1 =	vld [tilespmem:s18+$0x0];
	_ =	sdelay $0x3  }
0xc4: {  	s18 =	rddreg [dreg:$0x1d]  }
0xc5: {  	s18 =	simm.s32 @p0 $0xC90;
	[tilespmem:$0x21F0] =	vst v1  }
0xc6: {  	v1 =	vld [tilespmem:s18+$0x0];
	_ =	sdelay $0x3  }
0xc7: {  	s18 =	rddreg [dreg:$0x1e]  }
0xc8: {  	s18 =	simm.s32 @p0 $0xD10;
	[tilespmem:$0x2200] =	vst v1  }
0xc9: {  	v1 =	vld [tilespmem:s18+$0x0];
	_ =	sdelay $0x3  }
0xca: {  	s18 =	rddreg [dreg:$0x1f]  }
0xcb: {  	s18 =	simm.s32 @p0 $0xD90;
	[tilespmem:$0x2210] =	vst v1  }
0xcc: {  	v1 =	vld [tilespmem:s18+$0x0];
	_ =	sdelay $0x1  }
0xcd: {  	s18 =	sld [smem:$0x7EE];
	_ =	sdelay $0x2  }
0xce: {  	s18 =	simm.s32 @p0 $0xE10;
	[tilespmem:$0x2220] =	vst v1  }
0xcf: {  	v1 =	vld [tilespmem:s18+$0x0];
	_ =	sdelay $0x1  }
0xd0: {  	s18 =	sld [smem:$0x7ED];
	_ =	sdelay $0x2  }
0xd1: {  	s18 =	simm.s32 @p0 $0xE90;
	[tilespmem:$0x2230] =	vst v1  }
0xd2: {  	v1 =	vld [tilespmem:s18+$0x0];
	_ =	sdelay $0x1  }
0xd3: {  	s18 =	sld [smem:$0x7EC];
	_ =	sdelay $0x2  }
0xd4: {  	s18 =	simm.s32 @p0 $0xF10;
	[tilespmem:$0x2240] =	vst v1  }
0xd5: {  	v1 =	vld [tilespmem:s18+$0x0];
	_ =	sdelay $0x1  }
0xd6: {  	s18 =	sld [smem:$0x7EB];
	_ =	sdelay $0x2  }
0xd7: {  	s18 =	simm.s32 @p0 $0xF90;
	[tilespmem:$0x2250] =	vst v1  }
0xd8: {  	v1 =	vld [tilespmem:s18+$0x0];
	_ =	sdelay $0x1  }
0xd9: {  	s18 =	sld [smem:$0x7EA];
	_ =	sdelay $0x2  }
0xda: {  	s18 =	simm.s32 @p0 $0x1010;
	[tilespmem:$0x2260] =	vst v1  }
0xdb: {  	v1 =	vld [tilespmem:s18+$0x0];
	_ =	sdelay $0x1  }
0xdc: {  	s18 =	sld [smem:$0x7E9];
	_ =	sdelay $0x2  }
0xdd: {  	s18 =	simm.s32 @p0 $0x1090;
	[tilespmem:$0x2270] =	vst v1  }
0xde: {  	v1 =	vld [tilespmem:s18+$0x0];
	_ =	sdelay $0x1  }
0xdf: {  	s18 =	sld [smem:$0x7E8];
	_ =	sdelay $0x2  }
0xe0: {  	s18 =	simm.s32 @p0 $0x1110;
	[tilespmem:$0x2280] =	vst v1  }
0xe1: {  	v1 =	vld [tilespmem:s18+$0x0];
	_ =	sdelay $0x1  }
0xe2: {  	s18 =	sld [smem:$0x7E7];
	_ =	sdelay $0x2  }
0xe3: {  	s18 =	simm.s32 @p0 $0x1190;
	[tilespmem:$0x2290] =	vst v1  }
0xe4: {  	v1 =	vld [tilespmem:s18+$0x0];
	_ =	sdelay $0x1  }
0xe5: {  	s18 =	sld [smem:$0x7E6];
	_ =	sdelay $0x2  }
0xe6: {  	s18 =	simm.s32 @p0 $0x1210;
	[tilespmem:$0x22A0] =	vst v1  }
0xe7: {  	v1 =	vld [tilespmem:s18+$0x0];
	_ =	sdelay $0x1  }
0xe8: {  	s18 =	sld [smem:$0x7E5];
	_ =	sdelay $0x2  }
0xe9: {  	s18 =	simm.s32 @p0 $0x1290;
	[tilespmem:$0x22B0] =	vst v1  }
0xea: {  	v1 =	vld [tilespmem:s18+$0x0];
	_ =	sdelay $0x1  }
0xeb: {  	s18 =	sld [smem:$0x7E4];
	_ =	sdelay $0x2  }
0xec: {  	s18 =	simm.s32 @p0 $0x1310;
	[tilespmem:$0x22C0] =	vst v1  }
0xed: {  	v1 =	vld [tilespmem:s18+$0x0];
	_ =	sdelay $0x1  }
0xee: {  	s18 =	sld [smem:$0x7E3];
	_ =	sdelay $0x2  }
0xef: {  	s18 =	simm.s32 @p0 $0x1390;
	[tilespmem:$0x22D0] =	vst v1  }
0xf0: {  	v1 =	vld [tilespmem:s18+$0x0];
	_ =	sdelay $0x1  }
0xf1: {  	s18 =	sld [smem:$0x7E2];
	_ =	sdelay $0x2  }
0xf2: {  	s18 =	simm.s32 @p0 $0x1410;
	[tilespmem:$0x22E0] =	vst v1  }
0xf3: {  	v1 =	vld [tilespmem:s18+$0x0];
	_ =	sdelay $0x1  }
0xf4: {  	s18 =	sld [smem:$0x7E1];
	_ =	sdelay $0x2  }
0xf5: {  	s18 =	simm.s32 @p0 $0x1490;
	[tilespmem:$0x22F0] =	vst v1  }
0xf6: {  	v1 =	vld [tilespmem:s18+$0x0];
	_ =	sdelay $0x1  }
0xf7: {  	s18 =	sld [smem:$0x7E0];
	_ =	sdelay $0x2  }
0xf8: {  	s18 =	simm.s32 @p0 $0x1510;
	[tilespmem:$0x2300] =	vst v1  }
0xf9: {  	v1 =	vld [tilespmem:s18+$0x0];
	_ =	sdelay $0x1  }
0xfa: {  	s18 =	sld [smem:$0x7DF];
	_ =	sdelay $0x2  }
0xfb: {  	s18 =	simm.s32 @p0 $0x1590;
	[tilespmem:$0x2310] =	vst v1  }
0xfc: {  	v1 =	vld [tilespmem:s18+$0x0];
	_ =	sdelay $0x1  }
0xfd: {  	s18 =	sld [smem:$0x7DE];
	_ =	sdelay $0x2  }
0xfe: {  	s18 =	simm.s32 @p0 $0x1610;
	[tilespmem:$0x2320] =	vst v1  }
0xff: {  	v1 =	vld [tilespmem:s18+$0x0];
	_ =	sdelay $0x1  }
0x100: {  	s18 =	sld [smem:$0x7DD];
	_ =	sdelay $0x2  }
0x101: {  	s18 =	simm.s32 @p0 $0x1690;
	[tilespmem:$0x2330] =	vst v1  }
0x102: {  	v1 =	vld [tilespmem:s18+$0x0];
	_ =	sdelay $0x1  }
0x103: {  	s18 =	sld [smem:$0x7DC];
	_ =	sdelay $0x2  }
0x104: {  	s18 =	simm.s32 @p0 $0x1710;
	[tilespmem:$0x2340] =	vst v1  }
0x105: {  	v1 =	vld [tilespmem:s18+$0x0];
	_ =	sdelay $0x1  }
0x106: {  	s18 =	sld [smem:$0x7DB];
	_ =	sdelay $0x2  }
0x107: {  	s18 =	simm.s32 @p0 $0x1790;
	[tilespmem:$0x2350] =	vst v1  }
0x108: {  	v1 =	vld [tilespmem:s18+$0x0];
	_ =	sdelay $0x1  }
0x109: {  	s18 =	sld [smem:$0x7DA];
	_ =	sdelay $0x2  }
0x10a: {  	s18 =	simm.s32 @p0 $0x1810;
	[tilespmem:$0x2360] =	vst v1  }
0x10b: {  	v1 =	vld [tilespmem:s18+$0x0];
	_ =	sdelay $0x1  }
0x10c: {  	s18 =	sld [smem:$0x7D9];
	_ =	sdelay $0x2  }
0x10d: {  	s18 =	simm.s32 @p0 $0x1890;
	[tilespmem:$0x2370] =	vst v1  }
0x10e: {  	v1 =	vld [tilespmem:s18+$0x0];
	_ =	sdelay $0x1  }
0x10f: {  	s18 =	sld [smem:$0x7D8];
	_ =	sdelay $0x2  }
0x110: {  	s18 =	simm.s32 @p0 $0x1910;
	[tilespmem:$0x2380] =	vst v1  }
0x111: {  	v1 =	vld [tilespmem:s18+$0x0];
	_ =	sdelay $0x1  }
0x112: {  	s18 =	sld [smem:$0x7D7];
	_ =	sdelay $0x2  }
0x113: {  	s18 =	simm.s32 @p0 $0x1990;
	[tilespmem:$0x2390] =	vst v1  }
0x114: {  	v1 =	vld [tilespmem:s18+$0x0];
	_ =	sdelay $0x1  }
0x115: {  	s18 =	sld [smem:$0x7D6];
	_ =	sdelay $0x2  }
0x116: {  	s18 =	simm.s32 @p0 $0x1A10;
	[tilespmem:$0x23A0] =	vst v1  }
0x117: {  	v1 =	vld [tilespmem:s18+$0x0];
	_ =	sdelay $0x1  }
0x118: {  	s18 =	sld [smem:$0x7D5];
	_ =	sdelay $0x2  }
0x119: {  	s18 =	simm.s32 @p0 $0x1A90;
	[tilespmem:$0x23B0] =	vst v1  }
0x11a: {  	v1 =	vld [tilespmem:s18+$0x0];
	_ =	sdelay $0x1  }
0x11b: {  	s18 =	sld [smem:$0x7D4];
	_ =	sdelay $0x2  }
0x11c: {  	s18 =	simm.s32 @p0 $0x1B10;
	[tilespmem:$0x23C0] =	vst v1  }
0x11d: {  	v1 =	vld [tilespmem:s18+$0x0];
	_ =	sdelay $0x1  }
0x11e: {  	s18 =	sld [smem:$0x7D3];
	_ =	sdelay $0x2  }
0x11f: {  	s18 =	simm.s32 @p0 $0x1B90;
	[tilespmem:$0x23D0] =	vst v1  }
0x120: {  	v1 =	vld [tilespmem:s18+$0x0];
	_ =	sdelay $0x1  }
0x121: {  	s18 =	sld [smem:$0x7D2];
	_ =	sdelay $0x2  }
0x122: {  	s18 =	simm.s32 @p0 $0x1C10;
	[tilespmem:$0x23E0] =	vst v1  }
0x123: {  	v1 =	vld [tilespmem:s18+$0x0];
	_ =	sdelay $0x1  }
0x124: {  	s18 =	sld [smem:$0x7D1];
	_ =	sdelay $0x2  }
0x125: {  	s18 =	simm.s32 @p0 $0x1C90;
	[tilespmem:$0x23F0] =	vst v1  }
0x126: {  	v1 =	vld [tilespmem:s18+$0x0];
	_ =	sdelay $0x1  }
0x127: {  	s18 =	sld [smem:$0x7D0];
	_ =	sdelay $0x2  }
0x128: {  	s18 =	simm.s32 @p0 $0x1D10;
	[tilespmem:$0x2400] =	vst v1  }
0x129: {  	v1 =	vld [tilespmem:s18+$0x0];
	_ =	sdelay $0x1  }
0x12a: {  	s18 =	sld [smem:$0x7CF];
	_ =	sdelay $0x2  }
0x12b: {  	s18 =	simm.s32 @p0 $0x1D90;
	[tilespmem:$0x2410] =	vst v1  }
0x12c: {  	v1 =	vld [tilespmem:s18+$0x0];
	_ =	sdelay $0x1  }
0x12d: {  	s18 =	sld [smem:$0x7CE];
	_ =	sdelay $0x2  }
0x12e: {  	s18 =	simm.s32 @p0 $0x1E10;
	[tilespmem:$0x2420] =	vst v1  }
0x12f: {  	v1 =	vld [tilespmem:s18+$0x0];
	_ =	sdelay $0x1  }
0x130: {  	s18 =	sld [smem:$0x7CD];
	_ =	sdelay $0x2  }
0x131: {  	s18 =	simm.s32 @p0 $0x1E90;
	[tilespmem:$0x2430] =	vst v1  }
0x132: {  	v1 =	vld [tilespmem:s18+$0x0];
	_ =	sdelay $0x1  }
0x133: {  	s18 =	sld [smem:$0x7CC];
	_ =	sdelay $0x2  }
0x134: {  	s18 =	simm.s32 @p0 $0x1F10;
	[tilespmem:$0x2440] =	vst v1  }
0x135: {  	v1 =	vld [tilespmem:s18+$0x0];
	_ =	sdelay $0x1  }
0x136: {  	s18 =	sld [smem:$0x7CB];
	_ =	sdelay $0x2  }
0x137: {  	s18 =	simm.s32 @p0 $0x1F90;
	[tilespmem:$0x2450] =	vst v1  }
0x138: {  	v1 =	vld [tilespmem:s18+$0x0];
	_ =	sdelay $0x1  }
0x139: {  	s18 =	sld [smem:$0x7CA]  }
0x13a: {  	s29 =	sld [smem:$0x7EF]  }
0x13b: {  	s30 =	sld [smem:$0x7F0]  }
0x13c: {  	s31 =	sld [smem:$0x7F1];
	s18 =	simm.s32 @p0 $0x2010;
	[tilespmem:$0x2460] =	vst v1  }
0x13d: {  	s19 =	sld [smem:$0x7F2];
	v1 =	vld [tilespmem:s18+$0x0]  }
0x13e: {  	s20 =	sld [smem:$0x7F3]  }
0x13f: {  	s22 =	sld [smem:$0x7F4]  }
0x140: {  	s21 =	sld [smem:$0x7F5]  }
0x141: {  	s23 =	sld [smem:$0x7F6]  }
0x142: {  	s24 =	sld [smem:$0x7F7];
	[tilespmem:$0x2470] =	vst v1  }
0x143: {  	[spmem:s1] =	stream.indirect.scatter.add.f32 [tilespmem:s29], [sflag:$0x2], $0x1, s10, s11, $0xb8;
	[tilespmem:$0x1B480] =	vst v63  }
0x144: {  	s25 =	sld [smem:$0x7F8]  }
0x145: {  	[spmem:s1] =	stream.indirect.scatter.add.f32 [tilespmem:s31], [sflag:$0x2], $0x1, s30, s11, $0xb8;
	[tilespmem:$0x1B480] =	vst v63  }
0x146: {  	s26 =	sld [smem:$0x7F9]  }
0x147: {  	[spmem:s1] =	stream.indirect.scatter.add.f32 [tilespmem:s20], [sflag:$0x2], $0x1, s19, s11, $0xb8;
	[tilespmem:$0x1B480] =	vst v63  }
0x148: {  	s28 =	sld [smem:$0x7FA]  }
0x149: {  	[spmem:s1] =	stream.indirect.scatter.add.f32 [tilespmem:s21], [sflag:$0x2], $0x1, s22, s11, $0xb8;
	[tilespmem:$0x1B480] =	vst v63  }
0x14a: {  	s29 =	sld [smem:$0x7FB]  }
0x14b: {  	[spmem:s1] =	stream.indirect.scatter.add.f32 [tilespmem:s24], [sflag:$0x2], $0x1, s23, s11, $0xb8;
	[tilespmem:$0x1B480] =	vst v63  }
0x14c: {  	s30 =	sld [smem:$0x7FC]  }
0x14d: {  	[spmem:s1] =	stream.indirect.scatter.add.f32 [tilespmem:s26], [sflag:$0x2], $0x1, s25, s11, $0xb8;
	[tilespmem:$0x1B480] =	vst v63  }
0x14e: {  	s31 =	sld [smem:$0x7FD]  }
0x14f: {  	[spmem:s1] =	stream.indirect.scatter.add.f32 [tilespmem:s29], [sflag:$0x2], $0x1, s28, s11, $0xb8;
	[tilespmem:$0x1B480] =	vst v63  }
0x150: {  	_ = 	snop  }
0x151: {  	[spmem:s1] =	stream.indirect.scatter.add.f32 [tilespmem:s31], [sflag:$0x2], $0x1, s30, s11, $0xb8;
	[tilespmem:$0x1B480] =	vst v63  }
0x152: {  	_ =	swait.ge [sflag:s13], $0x80  }
0x153: {  	[sflag:s13] =	ssyncset.done $0x0  }
0x154: {  	[sflag:s13] =	ssyncadd.s32 $0xFFFFFF80  }
0x155: {  	_ =	swait.ge [sflag:s13], $0x80  }
0x156: {  	[sflag:s13] =	ssyncset.done $0x0  }
0x157: {  	[sflag:s13] =	ssyncadd.s32 $0xFFFFFF80  }
0x158: {  	_ =	swait.ge [sflag:s13], $0x80  }
0x159: {  	[sflag:s13] =	ssyncset.done $0x0  }
0x15a: {  	[sflag:s13] =	ssyncadd.s32 $0xFFFFFF80  }
0x15b: {  	_ =	swait.ge [sflag:s13], $0x80  }
0x15c: {  	[sflag:s13] =	ssyncset.done $0x0  }
0x15d: {  	[sflag:s13] =	ssyncadd.s32 $0xFFFFFF80  }
0x15e: {  	_ =	swait.ge [sflag:s13], $0x80  }
0x15f: {  	[sflag:s13] =	ssyncset.done $0x0  }
0x160: {  	[sflag:s13] =	ssyncadd.s32 $0xFFFFFF80  }
0x161: {  	_ =	swait.ge [sflag:s13], $0x80  }
0x162: {  	[sflag:s13] =	ssyncset.done $0x0  }
0x163: {  	s16 =	sadd.s32 $0x10, s16;
	[sflag:s13] =	ssyncadd.s32 $0xFFFFFF80  }
0x164: {  	p1 =	sne.s32 s16, $0x6200;
	_ =	swait.ge [sflag:s13], $0x80  }
.Ltmp2:
0x165: {  	[sflag:s13] =	ssyncset.done $0x0;
	(pc) =	sbr.rel @p1 .LBB2_6-.Ltmp2, $4  }
0x166: {  	[sflag:s13] =	ssyncadd.s32 $0xFFFFFF80  }
0x167: {  	_ =	swait.ge [sflag:s13], $0x80  }
0x168: {  	[sflag:s13] =	ssyncset.done $0x0  }
0x169: {  	s17 =	sadd.s32 $0x80, s17;
	[sflag:s13] =	ssyncadd.s32 $0xFFFFFF80  }
0x16a: {  	s15 =	sadd.s32 $0x1, s15  }
0x16b: {  	s16 =	sshll.u32 s2, $0x6;
	p1 =	sne.s32 s15, s6  }
.Ltmp3:
0x16c: {  	[bflag:$0x0] =	sbarrier.arrive $0xFFFF;
	s16 =	sor.u32 $0x1C03, s16;
	(pc) =	sbr.rel @p1 .LBB2_1-.Ltmp3, $4  }
0x16d: {  	[hbm:s5], [sflag:s16] =	dma.local [spmem:s14], $0x3100  }
0x16e: {  	_ =	swait.ge [sflag:s9], $0x3100  }
0x16f: {  	[sflag:s9] =	ssyncset.done $0x0  }
0x170: {  	[sflag:s9] =	ssyncadd.s32 $0xFFFFCF00  }
0x171: {  	_ =	sfence.sel $0x180000  }
0x172: {  	[bflag:$0x0] =	sbarrier.arrive $0xFFFF  }
0x173: {  	p0 =	sne.s32 s2, $0x0;
	_ =	strace $0x90000050  }
0x174: {  	s0 =	sadd.s32 @!p0 $0x100000, s0;
	[bflag:$0x2] =	sbarrier.arrive $0xFFFF  }
0x175: {  	[sflag:s0] =	ssyncadd.tile.s32 @!p0 $0x1;
	_ =	shalt  }
.Lfunc_end2:
_tile_overlayer_lowered:
.L_overlay_start_2:
0x176: {  	(tag) =	ssettag $0x2  }
0x177: {  	s0 =	rddreg [dreg:$0x0];
	s2 =	stileid.u32  }
0x178: {  	s1 =	rddreg [dreg:$0x1];
	p0 =	sne.s32 s2, $0x0  }
0x179: {  	s3 =	rddreg [dreg:$0x2];
	[bflag:$0x3] =	sbarrier.arrive $0xFFFF;
	s2 =	simm.s32 @!p0 $0x1C03  }
0x17a: {  	[timem:s3], [sflag:s2] =	dma.local @!p0 [hbm:s0], s1  }
0x17b: {  	s0 =	simm.s32 @!p0 $0x3  }
0x17c: {  	_ =	swait.ge @!p0 [sflag:s0], s1  }
0x17d: {  	s1 =	ssub.s32 @!p0 $0x0, s1;
	[sflag:s0] =	ssyncset.done @!p0 $0x0  }
0x17e: {  	[sflag:s0] =	ssyncadd.s32 @!p0 s1  }
0x17f: {  	[bflag:$0x3] =	sbarrier.arrive $0xFFFF  }
0x180: {  	_ =	shalt  }

// kernel: kernel.8.cloned.1.call-start
scs
__scs_entry_jumppad:
0x0: {  	(pc) =	sbr.rel $0x88, $3  }
0x1: {  	(tag) =	ssettag $0x0;
	lr =	simm.s32 $0x1  }
0x2: {  	[smem:$0x3F98] =	sst lr;
	_ =	strace $0xD0000000  }
0x3: {  	_ = 	snop  }
0x4: {  	_ = 	snop  }
0x5: {  	_ = 	snop  }
0x6: {  	_ = 	snop  }
0x7: {  	_ = 	snop  }
__scs_overlays_trampoline_lowered:
0x8: {  	[smem:$0x3FA7] =	sst s0  }
0x9: {  	[smem:$0x3FA8] =	sst s1  }
0xa: {  	[smem:$0x3FA9] =	sst s2  }
0xb: {  	[smem:$0x3FAA] =	sst s3  }
0xc: {  	[smem:$0x3FAB] =	sst s4  }
0xd: {  	[smem:$0x3FAC] =	sst s5  }
0xe: {  	[smem:$0x3FAD] =	sst s6  }
0xf: {  	[smem:$0x3FAE] =	sst s7  }
0x10: {  	[smem:$0x3FAF] =	sst s8  }
0x11: {  	[smem:$0x3FB0] =	sst s9;
	s0 =	simm.s32 @!p0 $0x0  }
0x12: {  	s1 =	sld [smem:$0x3F96];
	s0 =	simm.s32 @p0 $0x1  }
0x13: {  	[smem:$0x3FB1] =	sst s0;
	s0 =	simm.s32 @!p1 $0x0  }
0x14: {  	s2 =	sld [smem:$0x3F95];
	s0 =	simm.s32 @p1 $0x1  }
0x15: {  	[smem:$0x3FB2] =	sst s0;
	s0 =	simm.s32 @!p2 $0x0  }
0x16: {  	s3 =	sld [smem:$0x3FDB];
	s0 =	simm.s32 @p2 $0x1  }
0x17: {  	s4 =	simm.s32 $0x1BF5;
	[smem:$0x3FB4] =	sst s0  }
0x18: {  	s0 =	sld [smem:$0x3F97];
	_ =	swait.ge [sflag:s4], $0x0  }
0x19: {  	s7 =	sld [smem:$0x3F98]  }
0x1a: {  	s8 =	sadd.s32 $0xFFFFE003, lr  }
0x1b: {  	s9 =	sadd.s32 $0xFFFFFEF7, lr;
	s5 =	simm.s32 $0xFFFFFFFF;
	p2 =	slt.u32 s8, $0xFFFFF086  }
0x1c: {  	p1 =	slt.u32 s9, $0xF7A;
	s5 =	simm.s32 @!p2 $0x0  }
0x1d: {  	s5 =	simm.s32 @p1 $0x1;
	p0 =	seq.s32 s7, s2  }
0x1e: {  	s7 =	smul.u32 @!p0 $0xF7A, s2;
	p2 =	seq.s32 @!p0 s5, $0x0  }
0x1f: {  	s9 =	smul.u32 $0xF7A, s1;
	s8 =	simm.s32 @!p0 $0x1BF5;
	p2 =	por !p2, p0  }
0x20: {  	[sflag:s8] =	ssyncset.s32 @!p0 $0xFFFFF086;
	s6 =	sadd.s32 @!p0 s3, s7;
	s7 =	simm.s32 @!p0 $0x108  }
0x21: {  	s3 =	sadd.s32 s3, s9;
	s6 =	sadd.s32 @!p0 $0x88, s6;
	s7 =	simm.s32 @p2 $0x1082  }
0x22: {  	[simem:s7], [sflag:s8] =	dma.local @!p0 [hbm:s6], $0xF7A  }
0x23: {  	s9 =	sor.u32 $0xD0000000, s2;
	s6 =	simm.s32 $0x108;
	_ =	swait.ge @!p0 [sflag:s8], $0x0  }
0x24: {  	s3 =	sadd.s32 $0x88, s3;
	s6 =	simm.s32 @!p1 $0x1082;
	[sflag:s4] =	ssyncset.s32 $0xFFFFF086  }
0x25: {  	[simem:s6], [sflag:s4] =	dma.local [hbm:s3], $0xF7A  }
0x26: {  	[smem:$0x3F98] =	sst s1;
	(tag) =	ssettag s2;
	_ =	strace s9  }
0x27: {  	s1 =	sld [smem:$0x3FA8]  }
0x28: {  	s2 =	sld [smem:$0x3FA9]  }
0x29: {  	s4 =	sld [smem:$0x3FAB]  }
0x2a: {  	p0 =	seq.s32 s5, $0x0;
	s5 =	sld [smem:$0x3FAC]  }
0x2b: {  	s6 =	sld [smem:$0x3FAD]  }
0x2c: {  	s7 =	sld [smem:$0x3FAE]  }
0x2d: {  	s3 =	simm.s32 $0x108;
	s8 =	sld [smem:$0x3FAF]  }
0x2e: {  	s3 =	simm.s32 @!p0 $0x1082;
	s9 =	sld [smem:$0x3FB0]  }
0x2f: {  	lr =	sadd.s32 s0, s3;
	s0 =	sld [smem:$0x3FA7]  }
0x30: {  	s3 =	sld [smem:$0x3FAA]  }
0x31: {  	[smem:$0x3FB3] =	sst s10  }
0x32: {  	s10 =	sld [smem:$0x3FB1];
	_ =	sdelay $0x3  }
0x33: {  	p0 =	seq.s32 s10, $0x1;
	s10 =	sld [smem:$0x3FB3];
	_ =	sdelay $0x3  }
0x34: {  	[smem:$0x3FB3] =	sst s10  }
0x35: {  	s10 =	sld [smem:$0x3FB2];
	_ =	sdelay $0x3  }
0x36: {  	p1 =	seq.s32 s10, $0x1;
	s10 =	sld [smem:$0x3FB3];
	_ =	sdelay $0x3  }
0x37: {  	[smem:$0x3FB3] =	sst s10  }
0x38: {  	s10 =	sld [smem:$0x3FB4]  }
0x39: {  	_ = 	snop;
	(pc) =	sbr.ind lr, $3  }
0x3a: {  	_ = 	snop  }
0x3b: {  	_ = 	snop  }
0x3c: {  	p2 =	seq.s32 s10, $0x1;
	s10 =	sld [smem:$0x3FB3]  }
0x3d: {  	_ =	shalt  }
0x3e: {  	_ =	shalt  }
0x3f: {  	_ =	shalt  }
0x40: {  	_ =	shalt  }
0x41: {  	_ =	shalt  }
0x42: {  	_ =	shalt  }
0x43: {  	_ =	shalt  }
0x44: {  	_ =	shalt  }
0x45: {  	_ =	shalt  }
0x46: {  	_ =	shalt  }
0x47: {  	_ =	shalt  }
0x48: {  	_ =	shalt  }
0x49: {  	_ =	shalt  }
0x4a: {  	_ =	shalt  }
0x4b: {  	_ =	shalt  }
0x4c: {  	_ =	shalt  }
0x4d: {  	_ =	shalt  }
0x4e: {  	_ =	shalt  }
0x4f: {  	_ =	shalt  }
0x50: {  	_ =	shalt  }
0x51: {  	_ =	shalt  }
0x52: {  	_ =	shalt  }
0x53: {  	_ =	shalt  }
0x54: {  	_ =	shalt  }
0x55: {  	_ =	shalt  }
0x56: {  	_ =	shalt  }
0x57: {  	_ =	shalt  }
0x58: {  	_ =	shalt  }
0x59: {  	_ =	shalt  }
0x5a: {  	_ =	shalt  }
0x5b: {  	_ =	shalt  }
0x5c: {  	_ =	shalt  }
0x5d: {  	_ =	shalt  }
0x5e: {  	_ =	shalt  }
0x5f: {  	_ =	shalt  }
0x60: {  	_ =	shalt  }
0x61: {  	_ =	shalt  }
0x62: {  	_ =	shalt  }
0x63: {  	_ =	shalt  }
0x64: {  	_ =	shalt  }
0x65: {  	_ =	shalt  }
0x66: {  	_ =	shalt  }
0x67: {  	_ =	shalt  }
0x68: {  	_ =	shalt  }
0x69: {  	_ =	shalt  }
0x6a: {  	_ =	shalt  }
0x6b: {  	_ =	shalt  }
0x6c: {  	_ =	shalt  }
0x6d: {  	_ =	shalt  }
0x6e: {  	_ =	shalt  }
0x6f: {  	_ =	shalt  }
0x70: {  	_ =	shalt  }
0x71: {  	_ =	shalt  }
0x72: {  	_ =	shalt  }
0x73: {  	_ =	shalt  }
0x74: {  	_ =	shalt  }
0x75: {  	_ =	shalt  }
0x76: {  	_ =	shalt  }
0x77: {  	_ =	shalt  }
0x78: {  	_ =	shalt  }
0x79: {  	_ =	shalt  }
0x7a: {  	_ =	shalt  }
0x7b: {  	_ =	shalt  }
0x7c: {  	_ =	shalt  }
0x7d: {  	_ =	shalt  }
0x7e: {  	_ =	shalt  }
0x7f: {  	_ =	shalt  }
0x80: {  	_ =	shalt  }
0x81: {  	_ =	shalt  }
0x82: {  	_ =	shalt  }
0x83: {  	_ =	shalt  }
0x84: {  	_ =	shalt  }
0x85: {  	_ =	shalt  }
0x86: {  	_ =	shalt  }
0x87: {  	_ =	shalt  }
.Lfunc_end0:
.L_simem_size_0:
called_computation.1_lowered:
.L_overlay_start_0:
0x88: {  	s2 =	sld [smem:$0x3FD9]  }
0x89: {  	s3 =	sld [smem:$0x3FFE];
	_ =	sdelay $0x1  }
0x8a: {  	s1 =	srdreg.scid  }
0x8b: {  	s0 =	sand.u32 $0x1, s1  }
0x8c: {  	s17 =	sshll.u32 s0, $0xA;
	s2 =	sadd.s32 s3, s2  }
0x8d: {  	s2 =	sadd.s32 s2, s17  }
0x8e: {  	[smem:$0x3FBF] =	sst s2  }
0x8f: {  	_ = 	snop  }
0x90: {  	(tm) =	ssettm $0x1  }
0x91: {  	s18 =	sld [smem:$0x3FFB];
	_ =	sdelay $0x3  }
0x92: {  	_ =	strace s18  }
0x93: {  	s2 =	sld [smem:$0x3FFC];
	_ =	sdelay $0x3  }
0x94: {  	_ =	strace s2  }
0x95: {  	s2 =	sld [smem:$0x3FFD];
	_ =	sdelay $0x3  }
0x96: {  	_ =	strace s2  }
0x97: {  	_ =	strace $0x8FFFFFFF  }
0x98: {  	s19 =	sld [smem:$0x3FDB];
	_ =	sdelay $0x1  }
0x99: {  	s20 =	simm.s32 $_scs_section_size  }
0x9a: {  	s4 =	simm.s32 $_size__tile_overlayer_lowered;
	s5 =	simm.s32 $_tile_overlayer_lowered  }
0x9b: {  	s6 =	simm.s32 $0x1BFF;
	s21 =	sshll.u32 s5, $0x1;
	s3 =	sadd.s32 s20, s19  }
0x9c: {  	s22 =	simm.s32 $0x0;
	s4 =	sshll.u32 s4, $0x1;
	s5 =	sadd.s32 s21, s3  }
0x9d: {  	[timem:s22], [sflag:s6] =	dma.local [hbm:s5], s4  }
0x9e: {  	_ =	swait.ge [sflag:s6], s4  }
0x9f: {  	s4 =	ssub.s32 $0x0, s4;
	[sflag:s6] =	ssyncset.done $0x0  }
0xa0: {  	[sflag:s6] =	ssyncadd.s32 s4;
	_ =	sdelay $0x1  }
0xa1: {  	s23 =	simm.s32 $0x1B8B  }
0xa2: {  	_ =	swait.ge [sflag:s23], $0x1  }
0xa3: {  	[sflag:s23] =	ssyncset.done $0x0  }
0xa4: {  	[sflag:s23] =	ssyncadd.s32 $0xFFFFFFFF  }
0xa5: {  	s4 =	sld [smem:$0x0]  }
0xa6: {  	s5 =	sand.u32 $0xFFFFFFFE, s1  }
0xa7: {  	p0 =	sne.s32 s1, s5  }
0xa8: {  	s5 =	sshll.u32 @p0 s5, $0xE  }
0xa9: {  	s5 =	sadd.s32 @p0 $0x11B8D, s5;
	s6 =	sshll.u32 @p0 s4, $0x11  }
0xaa: {  	s5 =	sor.u32 @p0 s6, s5  }
0xab: {  	[sflag:s5] =	ssyncadd.remote.s32 @p0 $0x1;
	_ =	sdelay $0x1  }
0xac: {  	s5 =	simm.s32 @p0 $0x1B8D  }
0xad: {  	_ =	swait.eq @p0 [sflag:s5], $0x1  }
0xae: {  	[sflag:s5] =	ssyncadd.s32 @p0 $0xFFFFFFFF  }
0xaf: {  	s6 =	sshll.u32 @!p0 s1, $0xE  }
0xb0: {  	s6 =	sor.u32 @!p0 $0x4000, s6;
	s5 =	simm.s32 @!p0 $0x1B8D  }
0xb1: {  	s4 =	sshll.u32 @!p0 s4, $0x11;
	s6 =	sadd.s32 @!p0 $0x11B8D, s6;
	_ =	swait.eq @!p0 [sflag:s5], $0x1  }
0xb2: {  	s4 =	sor.u32 @!p0 s4, s6;
	[sflag:s5] =	ssyncadd.s32 @!p0 $0xFFFFFFFF  }
0xb3: {  	s25 =	simm.s32 $0x1B8E;
	s24 =	sld [smem:$0x3FFE];
	[sflag:s4] =	ssyncadd.remote.s32 @!p0 $0x1  }
0xb4: {  	s26 =	simm.s32 $execute0_lowered;
	[smem:$0x3FD2] =	sst s25  }
0xb5: {  	s5 =	sshll.u32 s26, $0x1;
	_ =	strace $0x80000049;
	[dreg:$0x1] =	wrdreg $0xFFFFFFFF  }
0xb6: {  	s28 =	simm.s32 $_size_execute0_lowered;
	s3 =	sadd.s32 s3, s5;
	[dreg:$0x0] =	wrdreg $0x0  }
0xb7: {  	s5 =	sshll.u32 s28, $0x1;
	[dreg:$0x2] =	wrdreg s3  }
0xb8: {  	[dreg:$0x3] =	wrdreg s5  }
0xb9: {  	[dreg:$0x4] =	wrdreg $0xC0  }
0xba: {  	_ =	task [dreg:s22], $0x5FFFF  }
0xbb: {  	[dreg:$0x1] =	wrdreg $0xFFFFFFFF  }
0xbc: {  	[dreg:$0x0] =	wrdreg $0x60  }
0xbd: {  	[dreg:$0x2] =	wrdreg s24  }
0xbe: {  	[dreg:$0x3] =	wrdreg $0x1D000  }
0xbf: {  	[dreg:$0x4] =	wrdreg $0xA  }
0xc0: {  	_ =	task.clear_ibuf [dreg:s22], $0x5FFFF;
	_ =	strace $0x90000049  }
0xc1: {  	s29 =	simm.s32 $0xA;
	_ =	strace $0x8000004B  }
0xc2: {  	_ =	swait.ge [sflag:s29], $0x1  }
0xc3: {  	[sflag:s29] =	ssyncadd.s32 $0xFFFFFFFF  }
0xc4: {  	_ =	strace $0x9000004B  }
0xc5: {  	_ =	sfence  }
0xc6: {  	s30 =	sld [smem:$0x0];
	_ =	sdelay $0x2  }
0xc7: {  	s31 =	sshll.u32 s1, $0xD;
	s1 =	sshrl.u32 s1, $0x2  }
0xc8: {  	s4 =	sand.u32 $0x4000, s31;
	s1 =	sadd.s32 s1, s30  }
0xc9: {  	s0 =	sor.u32 s4, s0;
	s1 =	sshll.u32 s1, $0x11  }
0xca: {  	s0 =	sor.u32 s1, s0  }
0xcb: {  	s0 =	sadd.s32 $0x8F2B, s0  }
0xcc: {  	[sflag:s0] =	ssyncadd.remote.s32 $0x1  }
0xcd: {  	_ =	sfence.sel $0xFFFF  }
0xce: {  	[dreg:$0x0] =	wrdreg $0xFFFFFFFF;
	(pc) =	sbr.abs _section_cstart, $3  }
0xcf: {  	[dreg:$0x1] =	wrdreg $0xFFFFFFFF  }
0xd0: {  	_ =	task.clear_ibuf [dreg:s22], $0x2FFFF;
	_ =	strace $0x9FFFFFFF  }
0xd1: {  	(tm) =	ssettm $0x7FFFFFFF  }
tec
execute0_lowered:
.L_overlay_start_1:
0x0: {  	(tag) =	ssettag $0x1  }
0x1: {  	s4 =	rddreg [dreg:$0x0]  }
0x2: {  	s2 =	rddreg [dreg:$0x1]  }
0x3: {  	s0 =	rddreg [dreg:$0x2];
	s1 =	stileid.u32  }
0x4: {  	s5 =	srdreg.scid;
	s3 =	simm.s32 $0x0;
	s12 =	simm.s32 $0x100  }
0x5: {  	s13 =	simm.s32 $0x180;
	s14 =	simm.s32 $0x200;
	s15 =	simm.s32 $0x280  }
0x6: {  	s16 =	simm.s32 $0x300;
	s17 =	simm.s32 $0x380;
	s18 =	simm.s32 $0x1  }
0x7: {  	s21 =	simm.s32 $0x20;
	s22 =	simm.s32 $0x10;
	s23 =	simm.s32 $0x0  }
0x8: {  	s6 =	smul.u32 $0x3100, s1;
	s5 =	sand.u32 $0x1, s5;
	[smem:$0x7FF] =	sst s3  }
0x9: {  	s8 =	smul.u32 $0x6200, s1;
	s19 =	sshll.u32 s1, $0x6;
	s7 =	sshll.u32 s5, $0x7  }
0xa: {  	_ =	strace $0x8000004A;
	s28 =	ssub.s32 $0x2, s5;
	s11 =	smul.u32 $0x1880, s5  }
0xb: {  	s19 =	sor.u32 $0x1C02, s19;
	s7 =	sor.u32 s7, s6;
	s9 =	sadd.s32 s6, s4  }
0xc: {  	s10 =	sshrl.u32 s28, $0x1;
	s8 =	sshrl.u32 s8, $0x2;
	s26 =	sshrl.u32 s7, $0x3  }
0xd: {  	s30 =	ssub.s32 s28, s10;
	s31 =	sadd.s32 s11, s9;
	s9 =	simm.s32 $0x2  }
0xe: {  	s10 =	simm.s32 $0x80;
	s11 =	simm.s32 $0x400;
	s29 =	sadd.s32 s26, s4  }
0xf: {  	s4 =	sadd.s32 s8, s2;
	s6 =	smax.u32 s30, $0x1;
	s7 =	sadd.s32 $0x1E00, s31  }
0x10: {  	v0 =	vimm.f32 $0.0e+00;
	v1 =	vimm.f32 $1.000000000e+00;
	s8 =	simm.s32 $0x480;
	s5 =	sadd.s32 $0x32E00, s29;
	s20 =	sshrl.u32 s4, $0x3  }
.LBB2_1:
0x11: {  	s24 =	simm.s32 $0x40;
	s25 =	simm.s32 $0x0  }
.LBB2_2:
0x12: {  	p0 =	sne.s32 s24, $0x61C0;
	[tilespmem:s25+$0x480] =	vst v0;
	s25 =	smov.u32 s24;
	s24 =	sadd.s32 $0x40, s24  }
.Ltmp0:
0x13: {  	(pc) =	sbr.rel @p0 .LBB2_2-.Ltmp0, $2  }
0x14: {  	_ =	sdelay $0x2  }
0x15: {  	s25 =	sshra.s32 s25, $0x2  }
0x16: {  	[tilespmem:s25+$0x480] =	vst v0  }
0x17: {  	[tilespmem:$0x400] =	vst v1  }
0x18: {  	[tilespmem:$0x410] =	vst v1  }
0x19: {  	[tilespmem:$0x420] =	vst v1  }
0x1a: {  	[tilespmem:$0x430] =	vst v1  }
0x1b: {  	[tilespmem:$0x440] =	vst v1  }
0x1c: {  	[tilespmem:$0x450] =	vst v1  }
0x1d: {  	[tilespmem:$0x460] =	vst v1  }
0x1e: {  	[tilespmem:$0x470] =	vst v1  }
0x1f: {  	[spmem:s4] =	stream.linear.scatter [tilespmem:s8], [sflag:$0x2], $0x1880, $0x38;
	[tilespmem:$0x3580] =	vst v63  }
0x20: {  	_ =	swait.ge [sflag:s9], $0x1880  }
0x21: {  	[sflag:s9] =	ssyncset.done $0x0  }
0x22: {  	[sflag:s9] =	ssyncadd.s32 $0xFFFFE780  }
0x23: {  	s24 =	sadd.s32 $0x0, s7;
	[bflag:$0x0] =	sbarrier.arrive $0xFFFF  }
0x24: {  	[tilespmem:s3], [sflag:$0x2] =	stream.linear.gather [hbm4b:s24+s3], $0x400, $0x38;
	[tilespmem:$0x3580] =	vst v63  }
0x25: {  	_ =	swait.ge [sflag:s9], $0x400  }
0x26: {  	[sflag:s9] =	ssyncset.done $0x0  }
0x27: {  	[sflag:s9] =	ssyncadd.s32 $0xFFFFFC00  }
0x28: {  	[spmem:s2] =	stream.indirect.scatter.add.f32 [tilespmem:s11], [sflag:$0x1], $0x1, s3, s10, $0xb8;
	[tilespmem:$0x3580] =	vst v63  }
0x29: {  	_ = 	snop  }
0x2a: {  	[spmem:s2] =	stream.indirect.scatter.add.f32 [tilespmem:s11], [sflag:$0x1], $0x1, s10, s10, $0xb8;
	[tilespmem:$0x3580] =	vst v63  }
0x2b: {  	_ = 	snop  }
0x2c: {  	[spmem:s2] =	stream.indirect.scatter.add.f32 [tilespmem:s11], [sflag:$0x1], $0x1, s12, s10, $0xb8;
	[tilespmem:$0x3580] =	vst v63  }
0x2d: {  	_ = 	snop  }
0x2e: {  	[spmem:s2] =	stream.indirect.scatter.add.f32 [tilespmem:s11], [sflag:$0x1], $0x1, s13, s10, $0xb8;
	[tilespmem:$0x3580] =	vst v63  }
0x2f: {  	_ = 	snop  }
0x30: {  	[spmem:s2] =	stream.indirect.scatter.add.f32 [tilespmem:s11], [sflag:$0x1], $0x1, s14, s10, $0xb8;
	[tilespmem:$0x3580] =	vst v63  }
0x31: {  	_ = 	snop  }
0x32: {  	[spmem:s2] =	stream.indirect.scatter.add.f32 [tilespmem:s11], [sflag:$0x1], $0x1, s15, s10, $0xb8;
	[tilespmem:$0x3580] =	vst v63  }
0x33: {  	_ = 	snop  }
0x34: {  	[spmem:s2] =	stream.indirect.scatter.add.f32 [tilespmem:s11], [sflag:$0x1], $0x1, s16, s10, $0xb8;
	[tilespmem:$0x3580] =	vst v63  }
0x35: {  	_ = 	snop  }
0x36: {  	[spmem:s2] =	stream.indirect.scatter.add.f32 [tilespmem:s11], [sflag:$0x1], $0x1, s17, s10, $0xb8;
	[tilespmem:$0x3580] =	vst v63  }
0x37: {  	_ =	swait.ge [sflag:s18], $0x80  }
0x38: {  	[sflag:s18] =	ssyncset.done $0x0  }
0x39: {  	[sflag:s18] =	ssyncadd.s32 $0xFFFFFF80  }
0x3a: {  	_ =	swait.ge [sflag:s18], $0x80  }
0x3b: {  	[sflag:s18] =	ssyncset.done $0x0  }
0x3c: {  	[sflag:s18] =	ssyncadd.s32 $0xFFFFFF80  }
0x3d: {  	_ =	swait.ge [sflag:s18], $0x80  }
0x3e: {  	[sflag:s18] =	ssyncset.done $0x0  }
0x3f: {  	[sflag:s18] =	ssyncadd.s32 $0xFFFFFF80  }
0x40: {  	_ =	swait.ge [sflag:s18], $0x80  }
0x41: {  	[sflag:s18] =	ssyncset.done $0x0  }
0x42: {  	[sflag:s18] =	ssyncadd.s32 $0xFFFFFF80  }
0x43: {  	_ =	swait.ge [sflag:s18], $0x80  }
0x44: {  	[sflag:s18] =	ssyncset.done $0x0  }
0x45: {  	[sflag:s18] =	ssyncadd.s32 $0xFFFFFF80  }
0x46: {  	_ =	swait.ge [sflag:s18], $0x80  }
0x47: {  	[sflag:s18] =	ssyncset.done $0x0  }
0x48: {  	[sflag:s18] =	ssyncadd.s32 $0xFFFFFF80  }
0x49: {  	_ =	swait.ge [sflag:s18], $0x80  }
0x4a: {  	[sflag:s18] =	ssyncset.done $0x0  }
0x4b: {  	[sflag:s18] =	ssyncadd.s32 $0xFFFFFF80  }
0x4c: {  	_ =	swait.ge [sflag:s18], $0x80  }
0x4d: {  	s26 =	simm.s32 $0x100;
	s24 =	simm.s32 $0x80;
	[sflag:s18] =	ssyncset.done $0x0  }
.LBB2_4:
0x4e: {  	s28 =	sadd.s32 s24, s7  }
0x4f: {  	[sflag:s18] =	ssyncadd.s32 $0xFFFFFF80;
	s24 =	smov.u32 s26;
	s25 =	sadd.s32 $0x80, s26  }
0x50: {  	[tilespmem:s3], [sflag:$0x2] =	stream.linear.gather [hbm4b:s28+s3], $0x400, $0x38;
	[tilespmem:$0x3580] =	vst v63  }
0x51: {  	p0 =	sne.s32 s26, $0x1800;
	_ =	swait.ge [sflag:s9], $0x400  }
0x52: {  	[sflag:s9] =	ssyncset.done $0x0  }
0x53: {  	[sflag:s9] =	ssyncadd.s32 $0xFFFFFC00  }
0x54: {  	[spmem:s2] =	stream.indirect.scatter.add.f32 [tilespmem:s11], [sflag:$0x1], $0x1, s3, s10, $0xb8;
	[tilespmem:$0x3580] =	vst v63  }
0x55: {  	_ = 	snop  }
0x56: {  	[spmem:s2] =	stream.indirect.scatter.add.f32 [tilespmem:s11], [sflag:$0x1], $0x1, s10, s10, $0xb8;
	[tilespmem:$0x3580] =	vst v63  }
0x57: {  	_ = 	snop  }
0x58: {  	[spmem:s2] =	stream.indirect.scatter.add.f32 [tilespmem:s11], [sflag:$0x1], $0x1, s12, s10, $0xb8;
	[tilespmem:$0x3580] =	vst v63  }
0x59: {  	_ = 	snop  }
0x5a: {  	[spmem:s2] =	stream.indirect.scatter.add.f32 [tilespmem:s11], [sflag:$0x1], $0x1, s13, s10, $0xb8;
	[tilespmem:$0x3580] =	vst v63  }
0x5b: {  	_ = 	snop  }
0x5c: {  	[spmem:s2] =	stream.indirect.scatter.add.f32 [tilespmem:s11], [sflag:$0x1], $0x1, s14, s10, $0xb8;
	[tilespmem:$0x3580] =	vst v63  }
0x5d: {  	_ = 	snop  }
0x5e: {  	[spmem:s2] =	stream.indirect.scatter.add.f32 [tilespmem:s11], [sflag:$0x1], $0x1, s15, s10, $0xb8;
	[tilespmem:$0x3580] =	vst v63  }
0x5f: {  	_ = 	snop  }
0x60: {  	[spmem:s2] =	stream.indirect.scatter.add.f32 [tilespmem:s11], [sflag:$0x1], $0x1, s16, s10, $0xb8;
	[tilespmem:$0x3580] =	vst v63  }
0x61: {  	_ = 	snop  }
0x62: {  	[spmem:s2] =	stream.indirect.scatter.add.f32 [tilespmem:s11], [sflag:$0x1], $0x1, s17, s10, $0xb8;
	[tilespmem:$0x3580] =	vst v63  }
0x63: {  	_ =	swait.ge [sflag:s18], $0x80  }
0x64: {  	[sflag:s18] =	ssyncset.done $0x0  }
0x65: {  	[sflag:s18] =	ssyncadd.s32 $0xFFFFFF80  }
0x66: {  	_ =	swait.ge [sflag:s18], $0x80  }
0x67: {  	[sflag:s18] =	ssyncset.done $0x0  }
0x68: {  	[sflag:s18] =	ssyncadd.s32 $0xFFFFFF80  }
0x69: {  	_ =	swait.ge [sflag:s18], $0x80  }
0x6a: {  	[sflag:s18] =	ssyncset.done $0x0  }
0x6b: {  	[sflag:s18] =	ssyncadd.s32 $0xFFFFFF80  }
0x6c: {  	_ =	swait.ge [sflag:s18], $0x80  }
0x6d: {  	[sflag:s18] =	ssyncset.done $0x0  }
0x6e: {  	[sflag:s18] =	ssyncadd.s32 $0xFFFFFF80  }
0x6f: {  	_ =	swait.ge [sflag:s18], $0x80  }
0x70: {  	[sflag:s18] =	ssyncset.done $0x0  }
0x71: {  	[sflag:s18] =	ssyncadd.s32 $0xFFFFFF80  }
0x72: {  	_ =	swait.ge [sflag:s18], $0x80  }
0x73: {  	[sflag:s18] =	ssyncset.done $0x0  }
0x74: {  	[sflag:s18] =	ssyncadd.s32 $0xFFFFFF80  }
.Ltmp1:
0x75: {  	_ =	swait.ge [sflag:s18], $0x80;
	(pc) =	sbr.rel @p0 .LBB2_4-.Ltmp1, $4  }
0x76: {  	[sflag:s18] =	ssyncset.done $0x0  }
0x77: {  	[sflag:s18] =	ssyncadd.s32 $0xFFFFFF80  }
0x78: {  	_ =	swait.ge [sflag:s18], $0x80  }
0x79: {  	s26 =	smov.u32 s25;
	[sflag:s18] =	ssyncset.done $0x0  }
0x7a: {  	s24 =	sadd.s32 s24, s7;
	[sflag:s18] =	ssyncadd.s32 $0xFFFFFF80  }
0x7b: {  	[tilespmem:s3], [sflag:$0x2] =	stream.linear.gather [hbm4b:s24+s3], $0x400, $0x38;
	[tilespmem:$0x3580] =	vst v63  }
0x7c: {  	_ =	swait.ge [sflag:s9], $0x400  }
0x7d: {  	[sflag:s9] =	ssyncset.done $0x0  }
0x7e: {  	[sflag:s9] =	ssyncadd.s32 $0xFFFFFC00  }
0x7f: {  	[spmem:s2] =	stream.indirect.scatter.add.f32 [tilespmem:s11], [sflag:$0x1], $0x1, s3, s10, $0xb8;
	[tilespmem:$0x3580] =	vst v63  }
0x80: {  	_ = 	snop  }
0x81: {  	[spmem:s2] =	stream.indirect.scatter.add.f32 [tilespmem:s11], [sflag:$0x1], $0x1, s10, s10, $0xb8;
	[tilespmem:$0x3580] =	vst v63  }
0x82: {  	_ = 	snop  }
0x83: {  	[spmem:s2] =	stream.indirect.scatter.add.f32 [tilespmem:s11], [sflag:$0x1], $0x1, s12, s10, $0xb8;
	[tilespmem:$0x3580] =	vst v63  }
0x84: {  	_ = 	snop  }
0x85: {  	[spmem:s2] =	stream.indirect.scatter.add.f32 [tilespmem:s11], [sflag:$0x1], $0x1, s13, s10, $0xb8;
	[tilespmem:$0x3580] =	vst v63  }
0x86: {  	_ = 	snop  }
0x87: {  	[spmem:s2] =	stream.indirect.scatter.add.f32 [tilespmem:s11], [sflag:$0x1], $0x1, s14, s10, $0xb8;
	[tilespmem:$0x3580] =	vst v63  }
0x88: {  	_ = 	snop  }
0x89: {  	[spmem:s2] =	stream.indirect.scatter.add.f32 [tilespmem:s11], [sflag:$0x1], $0x1, s15, s10, $0xb8;
	[tilespmem:$0x3580] =	vst v63  }
0x8a: {  	_ = 	snop  }
0x8b: {  	[spmem:s2] =	stream.indirect.scatter.add.f32 [tilespmem:s11], [sflag:$0x1], $0x1, s16, s10, $0xb8;
	[tilespmem:$0x3580] =	vst v63  }
0x8c: {  	_ = 	snop  }
0x8d: {  	[spmem:s2] =	stream.indirect.scatter.add.f32 [tilespmem:s11], [sflag:$0x1], $0x1, s17, s10, $0xb8;
	[tilespmem:$0x3580] =	vst v63  }
0x8e: {  	_ =	swait.ge [sflag:s18], $0x80  }
0x8f: {  	[sflag:s18] =	ssyncset.done $0x0  }
0x90: {  	[sflag:s18] =	ssyncadd.s32 $0xFFFFFF80  }
0x91: {  	_ =	swait.ge [sflag:s18], $0x80  }
0x92: {  	[sflag:s18] =	ssyncset.done $0x0  }
0x93: {  	[sflag:s18] =	ssyncadd.s32 $0xFFFFFF80  }
0x94: {  	_ =	swait.ge [sflag:s18], $0x80  }
0x95: {  	[sflag:s18] =	ssyncset.done $0x0  }
0x96: {  	[sflag:s18] =	ssyncadd.s32 $0xFFFFFF80  }
0x97: {  	_ =	swait.ge [sflag:s18], $0x80  }
0x98: {  	[sflag:s18] =	ssyncset.done $0x0  }
0x99: {  	[sflag:s18] =	ssyncadd.s32 $0xFFFFFF80  }
0x9a: {  	_ =	swait.ge [sflag:s18], $0x80  }
0x9b: {  	[sflag:s18] =	ssyncset.done $0x0  }
0x9c: {  	[sflag:s18] =	ssyncadd.s32 $0xFFFFFF80  }
0x9d: {  	_ =	swait.ge [sflag:s18], $0x80  }
0x9e: {  	[sflag:s18] =	ssyncset.done $0x0  }
0x9f: {  	[sflag:s18] =	ssyncadd.s32 $0xFFFFFF80  }
0xa0: {  	_ =	swait.ge [sflag:s18], $0x80  }
0xa1: {  	[sflag:s18] =	ssyncset.done $0x0  }
0xa2: {  	[sflag:s18] =	ssyncadd.s32 $0xFFFFFF80  }
0xa3: {  	_ =	swait.ge [sflag:s18], $0x80  }
0xa4: {  	s23 =	sadd.s32 $0x1, s23;
	[sflag:s18] =	ssyncset.done $0x0  }
0xa5: {  	p0 =	sne.s32 s23, s6;
	[sflag:s18] =	ssyncadd.s32 $0xFFFFFF80  }
.Ltmp2:
0xa6: {  	[bflag:$0x0] =	sbarrier.arrive $0xFFFF;
	(pc) =	sbr.rel @p0 .LBB2_1-.Ltmp2, $4  }
0xa7: {  	[hbm:s5@s21], [sflag:s19] =	dma.strided [spmem:s20@s22], $0x310, s18, $0x10   }
0xa8: {  	_ =	swait.ge [sflag:s9], $0x310  }
0xa9: {  	[sflag:s9] =	ssyncset.done $0x0  }
0xaa: {  	[sflag:s9] =	ssyncadd.s32 $0xFFFFFCF0  }
0xab: {  	_ =	sfence.sel $0x180000  }
0xac: {  	[bflag:$0x0] =	sbarrier.arrive $0xFFFF  }
0xad: {  	p0 =	sne.s32 s1, $0x0;
	_ =	strace $0x9000004A  }
0xae: {  	s0 =	sadd.s32 @!p0 $0x100000, s0;
	[bflag:$0x2] =	sbarrier.arrive $0xFFFF  }
0xaf: {  	[sflag:s0] =	ssyncadd.tile.s32 @!p0 $0x1;
	_ =	shalt  }
.Lfunc_end2:
_tile_overlayer_lowered:
.L_overlay_start_2:
0xb0: {  	(tag) =	ssettag $0x2  }
0xb1: {  	s0 =	rddreg [dreg:$0x0];
	s2 =	stileid.u32  }
0xb2: {  	s1 =	rddreg [dreg:$0x1];
	p0 =	sne.s32 s2, $0x0  }
0xb3: {  	s3 =	rddreg [dreg:$0x2];
	[bflag:$0x3] =	sbarrier.arrive $0xFFFF;
	s2 =	simm.s32 @!p0 $0x1C02  }
0xb4: {  	[timem:s3], [sflag:s2] =	dma.local @!p0 [hbm:s0], s1  }
0xb5: {  	s0 =	simm.s32 @!p0 $0x2  }
0xb6: {  	_ =	swait.ge @!p0 [sflag:s0], s1  }
0xb7: {  	s1 =	ssub.s32 @!p0 $0x0, s1;
	[sflag:s0] =	ssyncset.done @!p0 $0x0  }
0xb8: {  	[sflag:s0] =	ssyncadd.s32 @!p0 s1  }
0xb9: {  	[bflag:$0x3] =	sbarrier.arrive $0xFFFF  }
0xba: {  	_ =	shalt  }

// kernel: sparse-core-data-format-call.cloned.1.call-start
scs
called_computation_lowered:
.L_overlay_start_0:
0x0: {  	s1 =	sld [smem:$0x3FD9]  }
0x1: {  	s2 =	sld [smem:$0x3FFE];
	_ =	sdelay $0x1  }
0x2: {  	s3 =	srdreg.scid  }
0x3: {  	s0 =	sand.u32 $0x1, s3  }
0x4: {  	s17 =	sshll.u32 s0, $0xA;
	s1 =	sadd.s32 s2, s1  }
0x5: {  	s1 =	sadd.s32 s1, s17  }
0x6: {  	[smem:$0x3FBF] =	sst s1  }
0x7: {  	_ = 	snop  }
0x8: {  	(tm) =	ssettm $0x1  }
0x9: {  	s18 =	sld [smem:$0x3FFB];
	_ =	sdelay $0x3  }
0xa: {  	_ =	strace s18  }
0xb: {  	s1 =	sld [smem:$0x3FFC];
	_ =	sdelay $0x3  }
0xc: {  	_ =	strace s1  }
0xd: {  	s1 =	sld [smem:$0x3FFD];
	_ =	sdelay $0x3  }
0xe: {  	_ =	strace s1  }
0xf: {  	_ =	strace $0x8FFFFFFF  }
0x10: {  	s19 =	sld [smem:$0x3FDB];
	_ =	sdelay $0x1  }
0x11: {  	s20 =	simm.s32 $_scs_section_size  }
0x12: {  	s4 =	simm.s32 $_size__tile_overlayer_lowered;
	s5 =	simm.s32 $_tile_overlayer_lowered  }
0x13: {  	s23 =	simm.s32 $0x1BFF;
	s22 =	sshll.u32 s5, $0x1;
	s1 =	sadd.s32 s20, s19  }
0x14: {  	s6 =	simm.s32 $0x0;
	s21 =	sshll.u32 s4, $0x1;
	s4 =	sadd.s32 s22, s1  }
0x15: {  	[timem:s6], [sflag:s23] =	dma.local [hbm:s4], s21  }
0x16: {  	_ =	swait.ge [sflag:s23], s21  }
0x17: {  	s2 =	ssub.s32 $0x0, s21;
	[sflag:s23] =	ssyncset.done $0x0  }
0x18: {  	[sflag:s23] =	ssyncadd.s32 s2;
	_ =	sdelay $0x1  }
0x19: {  	s24 =	simm.s32 $0x1B8B  }
0x1a: {  	_ =	swait.ge [sflag:s24], $0x1  }
0x1b: {  	[sflag:s24] =	ssyncset.done $0x0  }
0x1c: {  	s26 =	simm.s32 $0x1B8E;
	s25 =	sld [smem:$0x3FFE];
	[sflag:s24] =	ssyncadd.s32 $0xFFFFFFFF  }
0x1d: {  	s27 =	simm.s32 $execute0_lowered;
	[smem:$0x3FD2] =	sst s26  }
0x1e: {  	s4 =	sshll.u32 s27, $0x1;
	_ =	strace $0x80000046;
	[dreg:$0x1] =	wrdreg $0xFFFFFFFF  }
0x1f: {  	s28 =	simm.s32 $_size_execute0_lowered;
	s1 =	sadd.s32 s1, s4;
	[dreg:$0x0] =	wrdreg $0x0  }
0x20: {  	s4 =	sshll.u32 s28, $0x1;
	[dreg:$0x2] =	wrdreg s1  }
0x21: {  	[dreg:$0x3] =	wrdreg s4  }
0x22: {  	[dreg:$0x4] =	wrdreg $0xC0  }
0x23: {  	_ =	task [dreg:s6], $0x5FFFF  }
0x24: {  	[dreg:$0x1] =	wrdreg $0xFFFFFFFF  }
0x25: {  	[dreg:$0x0] =	wrdreg $0x60  }
0x26: {  	[dreg:$0x2] =	wrdreg s25  }
0x27: {  	[dreg:$0x3] =	wrdreg $0x9  }
0x28: {  	_ =	task.clear_ibuf [dreg:s6], $0x4FFFF;
	_ =	strace $0x90000046  }
0x29: {  	s29 =	simm.s32 $0x9;
	_ =	strace $0x80000048  }
0x2a: {  	_ =	swait.ge [sflag:s29], $0x1  }
0x2b: {  	[sflag:s29] =	ssyncadd.s32 $0xFFFFFFFF  }
0x2c: {  	_ =	strace $0x90000048  }
0x2d: {  	_ =	sfence  }
0x2e: {  	s30 =	sld [smem:$0x0];
	_ =	sdelay $0x2  }
0x2f: {  	s31 =	sshll.u32 s3, $0xD;
	s3 =	sshrl.u32 s3, $0x2  }
0x30: {  	s2 =	sand.u32 $0x4000, s31;
	s1 =	sadd.s32 s3, s30  }
0x31: {  	s0 =	sor.u32 s2, s0;
	s1 =	sshll.u32 s1, $0x11  }
0x32: {  	s0 =	sor.u32 s1, s0  }
0x33: {  	s0 =	sadd.s32 $0x8F2B, s0  }
0x34: {  	[sflag:s0] =	ssyncadd.remote.s32 $0x1  }
0x35: {  	_ =	sfence.sel $0xFFFF  }
0x36: {  	[dreg:$0x0] =	wrdreg $0xFFFFFFFF;
	(pc) =	sbr.abs _section_cstart, $3  }
0x37: {  	[dreg:$0x1] =	wrdreg $0xFFFFFFFF  }
0x38: {  	_ =	task.clear_ibuf [dreg:s6], $0x2FFFF;
	_ =	strace $0x9FFFFFFF  }
0x39: {  	(tm) =	ssettm $0x7FFFFFFF  }
tec
execute0_lowered:
.L_overlay_start_1:
0x0: {  	(tag) =	ssettag $0x1  }
0x1: {  	s0 =	srdreg.scid  }
0x2: {  	s5 =	rddreg [dreg:$0x0];
	s1 =	sshll.u32 s0, $0x4  }
0x3: {  	s4 =	simm.s32 $0x1;
	s0 =	stileid.u32;
	s1 =	sand.u32 $0x10, s1  }
0x4: {  	s8 =	simm.s32 $0x2;
	s12 =	simm.s32 $0x0;
	s2 =	sor.u32 s0, s1  }
0x5: {  	s11 =	simm.s32 $0x0;
	s9 =	simm.s32 $0x0;
	s2 =	sshll.u32 s2, $0x7  }
0x6: {  	s10 =	simm.s32 $0x0;
	s3 =	sadd.s32 $0x63A00, s5;
	s6 =	ssub.s32 $0x31000, s2  }
.Ltmp0:
0x7: {  	s1 =	rddreg [dreg:$0x1];
	s7 =	sand.u32 $0xF80, s6;
	(pc) =	sbr.rel .LBB1_1-.Ltmp0, $4  }
0x8: {  	_ =	strace $0x80000047;
	p0 =	sne.s32 s7, $0x0;
	s7 =	simm.s32 $0x1  }
0x9: {  	[sflag:s4] =	ssyncpa.u1 $0x0;
	s6 =	sshrl.u32 s6, $0xC;
	s7 =	simm.s32 @!p0 $0x0  }
0xa: {  	s5 =	sadd.s32 $0x373A00, s5;
	[sflag:s8] =	ssyncpa.u1 $0x0;
	s6 =	sadd.s32 s7, s6  }
0xb: {  	s8 =	smov.u32 s2;
	p0 =	por $0x0, $0x0;
	s7 =	sadd.s32 $0x1, s6  }
.LBB1_4:
0xc: {  	s12 =	sshll.u32 s12, $0x7;
	s18 =	sshll.u32 s11, $0x3  }
0xd: {  	v5 =	vld [tilespmem:s16+$0xFFFFFFD0];
	[tilespmem:s15+$0x2040 ss:$0x81] =	vst.msk $0xffff, v4;
	s19 =	sand.u32 $0xFFFFFC00, s12;
	s18 =	sand.u32 $0xFFFFFC00, s18  }
0xe: {  	v58 =	vld [tilespmem:s16+$0xFFFFFFE0];
	[tilespmem:s15+$0x2850 ss:$0x81] =	vst.msk $0xffff, v3;
	s12 =	sand.u32 $0x380, s12;
	s18 =	sadd.s32 s18, s19  }
0xf: {  	s17 =	sshra.s32 s17, $0x2;
	v59 =	vld [tilespmem:s16+$0xFFFFFFF0];
	[tilespmem:s15+$0x3060 ss:$0x81] =	vst.msk $0xffff, v2;
	s12 =	sor.u32 s12, s18  }
0x10: {  	v60 =	vld [tilespmem:s16+$0x0];
	[tilespmem:s15+$0x0 ss:$0x81] =	vst.msk $0xffff, v0;
	s14 =	sadd.s32 s17, s14;
	s12 =	sshrl.u32 s12, $0x7  }
0x11: {  	v61 =	vld [tilespmem:s16+$0x10];
	[tilespmem:s14+$0x3870 ss:$0x81] =	vst.msk $0xffff, v1;
	s28 =	smulhi.u32 $0x14E5E0B, s12  }
0x12: {  	v62 =	vld [tilespmem:s16+$0x20];
	[tilespmem:s14+$0x810 ss:$0x81] =	vst.msk $0xffff, v5  }
0x13: {  	v63 =	vld [tilespmem:s16+$0xFFFFFFC0];
	[tilespmem:s14+$0x1020 ss:$0x81] =	vst.msk $0xffff, v58;
	s15 =	sshrl.u32 s28, $0xA  }
0x14: {  	[tilespmem:s14+$0x1830 ss:$0x81] =	vst.msk $0xffff, v59;
	s15 =	smul.u32 $0x31000, s15  }
0x15: {  	s29 =	sshrl.u32 s11, $0x3;
	[tilespmem:s14+$0x2040 ss:$0x81] =	vst.msk $0xffff, v60  }
0x16: {  	s30 =	sand.u32 $0xF, s29;
	[tilespmem:s14+$0x2850 ss:$0x81] =	vst.msk $0xffff, v61;
	s12 =	ssub.s32 s12, s15  }
0x17: {  	[tilespmem:s14+$0x3060 ss:$0x81] =	vst.msk $0xffff, v62;
	s15 =	sadd.s32 s5, s30;
	s12 =	sshll.u32 s12, $0x4  }
0x18: {  	s31 =	sand.u32 $0x7, s11;
	[tilespmem:s14+$0x0 ss:$0x81] =	vst.msk $0xffff, v63;
	s12 =	sadd.s32 s12, s15  }
0x19: {  	[hbm4b:s12+s31] =	stream.linear.scatter [tilespmem:s13], [sflag:$0x2], $0x4000, $0x20;
	[tilespmem:$0x10100] =	vst v63  }
.LBB1_5:
0x1a: {  	s13 =	sadd.s32 $0x1000, s8  }
0x1b: {  	s11 =	sadd.s32 $0x80, s9;
	s15 =	smov.u32 s9;
	p2 =	sgt.s32 s13, $0x30FFF  }
0x1c: {  	s15 =	smov.u32 @p2 s11  }
0x1d: {  	s13 =	smov.u32 @p2 s2;
	p2 =	sgt.s32 s15, $0x7F  }
0x1e: {  	s15 =	simm.s32 @p2 $0x0;
	p2 =	sne.s32 s10, s7  }
.Ltmp1:
0x1f: {  	p1 =	slt.u32 s10, $0x2;
	(pc) =	sbr.rel @!p2 .LBB1_6-.Ltmp1, $4  }
0x20: {  	s14 =	simm.s32 @!p1 $0x2  }
0x21: {  	s12 =	smov.u32 s8;
	p0 =	por !p0, !p0;
	_ =	swait.ge @!p1 [sflag:s14], $0x4000  }
0x22: {  	s11 =	smov.u32 s9;
	[sflag:s14] =	ssyncset.done @!p1 $0x0;
	s8 =	smov.u32 s13  }
0x23: {  	s10 =	sadd.s32 $0x1, s10;
	[sflag:s14] =	ssyncadd.s32 @!p1 $0xFFFFC000;
	s9 =	smov.u32 s15  }
.LBB1_1:
0x24: {  	p1 =	sge.u32 s10, s6  }
0x25: {  	s13 =	sshrl.u32 @!p1 s9, $0x3  }
0x26: {  	s14 =	sshll.u32 @!p1 s8, $0x3;
	s15 =	sshll.u32 @!p1 s9, $0x7;
	s13 =	smul.u32 @!p1 $0x188000, s13  }
0x27: {  	s16 =	sand.u32 @!p1 $0x7F, s8;
	s14 =	sand.u32 @!p1 $0xFFFFFC00, s14;
	s15 =	sand.u32 @!p1 $0x380, s15  }
0x28: {  	s13 =	sadd.s32 @!p1 s13, s14;
	s14 =	sor.u32 @!p1 s16, s15  }
0x29: {  	s14 =	sor.u32 @!p1 s13, s14  }
0x2a: {  	s15 =	smulhi.u32 @!p1 $0x5397829D, s14;
	_ =	sdelay $0x1  }
0x2b: {  	s13 =	smulhi.u32 @!p1 $0x5397829D, s13;
	s15 =	sshrl.u32 @!p1 s15, $0x10  }
0x2c: {  	s15 =	smul.u32 @!p1 $0x31000, s15  }
0x2d: {  	s31 =	sadd.s32 $0xFFFFFFFF, s10;
	s16 =	sxor.u32 @!p1 $0xFFFFFFFF, s10;
	s13 =	sshrl.u32 @!p1 s13, $0x10  }
0x2e: {  	s16 =	sshll.u32 @!p1 s16, $0xE;
	s13 =	sand.u32 @!p1 $0x7F, s13;
	s14 =	ssub.s32 @!p1 s14, s15  }
0x2f: {  	s13 =	smul.u32 @!p1 $0x6200, s13;
	s15 =	sshrl.u32 @!p1 s14, $0x3;
	s14 =	sand.u32 @!p1 $0x7, s14  }
0x30: {  	s16 =	sand.u32 @!p1 $0x4000, s16;
	s15 =	sadd.s32 @!p1 s3, s15;
	s14 =	sshll.u32 @!p1 s14, $0x12  }
0x31: {  	s13 =	sadd.s32 @!p1 s13, s15;
	s14 =	sor.u32 @!p1 $0x400, s14;
	s15 =	simm.s32 @!p1 $0x188000  }
0x32: {  	[tilespmem:s16], [sflag:$0x1] =	stream.strided.gather @!p1 [hbm4b:s13+s14], $0x4000, s15, s14, $0x38;
	[tilespmem:$0x10100] =	vst v63  }
0x33: {  	p1 =	sge.u32 s31, s6  }
.Ltmp2:
0x34: {  	_ = 	snop;
	(pc) =	sbr.rel @p1 .LBB1_5-.Ltmp2, $1  }
0x35: {  	_ =	sdelay $0x3  }
0x36: {  	s13 =	simm.s32 $0x1  }
0x37: {  	_ =	swait.ge [sflag:s4], $0x4000;
	s13 =	simm.s32 @!p0 $0x0  }
0x38: {  	[sflag:s4] =	ssyncset.done $0x0;
	s14 =	sshll.u32 s13, $0xE  }
0x39: {  	[sflag:s4] =	ssyncadd.s32 $0xFFFFC000;
	s16 =	sor.u32 $0x40, s14  }
0x3a: {  	s13 =	smul.u32 $0x10200, s13;
	v0 =	vld [tilespmem:s16+$0x30]  }
0x3b: {  	v1 =	vld [tilespmem:s16+$0xFFFFFFD0]  }
0x3c: {  	s13 =	sshrl.u32 s13, $0x2;
	v5 =	vld [tilespmem:s16+$0xFFFFFFE0]  }
0x3d: {  	v6 =	vld [tilespmem:s16+$0xFFFFFFF0];
	s14 =	sor.u32 $0x8000, s13  }
0x3e: {  	s31 =	sand.u32 $0x1, s10;
	v4 =	vld [tilespmem:s16+$0x0];
	s15 =	sadd.s32 $0x0, s14  }
0x3f: {  	v3 =	vld [tilespmem:s16+$0x10];
	s13 =	smul.u32 $0x10200, s31;
	[tilespmem:s15+$0x3870 ss:$0x81] =	vst.msk $0xffff, v0  }
0x40: {  	v2 =	vld [tilespmem:s16+$0x20];
	[tilespmem:s15+$0x810 ss:$0x81] =	vst.msk $0xffff, v1  }
0x41: {  	s13 =	sshrl.u32 s13, $0x2;
	v0 =	vld [tilespmem:s16+$0xFFFFFFC0];
	[tilespmem:s15+$0x1020 ss:$0x81] =	vst.msk $0xffff, v5;
	s16 =	sadd.s32 $0x80, s16  }
0x42: {  	s17 =	simm.s32 $0x4;
	s18 =	simm.s32 $0x8;
	s13 =	sor.u32 $0x8000, s13;
	[tilespmem:s15+$0x1830 ss:$0x81] =	vst.msk $0xffff, v6;
	v1 =	vld [tilespmem:s16+$0x30]  }
.LBB1_3:
0x43: {  	p1 =	sne.s32 s18, $0x1FC;
	v5 =	vld [tilespmem:s16+$0xFFFFFFD0];
	[tilespmem:s15+$0x2040 ss:$0x81] =	vst.msk $0xffff, v4  }
0x44: {  	v6 =	vld [tilespmem:s16+$0xFFFFFFE0];
	[tilespmem:s15+$0x2850 ss:$0x81] =	vst.msk $0xffff, v3  }
0x45: {  	s19 =	sshra.s32 s17, $0x2;
	s17 =	smov.u32 s18;
	v7 =	vld [tilespmem:s16+$0xFFFFFFF0];
	[tilespmem:s15+$0x3060 ss:$0x81] =	vst.msk $0xffff, v2  }
.Ltmp3:
0x46: {  	v4 =	vld [tilespmem:s16+$0x0];
	[tilespmem:s15+$0x0 ss:$0x81] =	vst.msk $0xffff, v0;
	s15 =	sadd.s32 s19, s14;
	(pc) =	sbr.rel @p1 .LBB1_3-.Ltmp3, $4  }
0x47: {  	v3 =	vld [tilespmem:s16+$0x10];
	[tilespmem:s15+$0x3870 ss:$0x81] =	vst.msk $0xffff, v1  }
0x48: {  	[tilespmem:s15+$0x810 ss:$0x81] =	vst.msk $0xffff, v5;
	v2 =	vld [tilespmem:s16+$0x20]  }
0x49: {  	v0 =	vld [tilespmem:s16+$0xFFFFFFC0];
	[tilespmem:s15+$0x1020 ss:$0x81] =	vst.msk $0xffff, v6;
	s16 =	sadd.s32 $0x80, s16  }
0x4a: {  	s18 =	sadd.s32 $0x4, s18;
	v1 =	vld [tilespmem:s16+$0x30];
	[tilespmem:s15+$0x1830 ss:$0x81] =	vst.msk $0xffff, v7  }
.Ltmp4:
0x4b: {  	_ = 	snop;
	(pc) =	sbr.rel .LBB1_4-.Ltmp4, $1  }
0x4c: {  	_ =	sdelay $0x3  }
.LBB1_6:
0x4d: {  	_ =	sfence.sel $0x180000  }
0x4e: {  	s2 =	simm.s32 $0x1;
	[bflag:$0x0] =	sbarrier.arrive $0xFFFF  }
0x4f: {  	s31 =	simm.s32 $0x2;
	[sflag:s2] =	ssyncpa.u1 $0x1  }
0x50: {  	[sflag:s31] =	ssyncpa.u1 $0x1  }
0x51: {  	p0 =	sne.s32 s0, $0x0;
	_ =	strace $0x90000047  }
0x52: {  	s0 =	sadd.s32 @!p0 $0x100000, s1;
	[bflag:$0x2] =	sbarrier.arrive $0xFFFF  }
0x53: {  	[sflag:s0] =	ssyncadd.tile.s32 @!p0 $0x1;
	_ =	shalt  }
.Lfunc_end1:
_tile_overlayer_lowered:
.L_overlay_start_2:
0x54: {  	(tag) =	ssettag $0x2  }
0x55: {  	s0 =	rddreg [dreg:$0x0];
	s2 =	stileid.u32  }
0x56: {  	s1 =	rddreg [dreg:$0x1];
	p0 =	sne.s32 s2, $0x0  }
0x57: {  	s3 =	rddreg [dreg:$0x2];
	[bflag:$0x3] =	sbarrier.arrive $0xFFFF;
	s2 =	simm.s32 @!p0 $0x1C01  }
0x58: {  	[timem:s3], [sflag:s2] =	dma.local @!p0 [hbm:s0], s1  }
0x59: {  	s0 =	simm.s32 @!p0 $0x1  }
0x5a: {  	_ =	swait.ge @!p0 [sflag:s0], s1  }
0x5b: {  	s1 =	ssub.s32 @!p0 $0x0, s1;
	[sflag:s0] =	ssyncset.done @!p0 $0x0  }
0x5c: {  	[sflag:s0] =	ssyncadd.s32 @!p0 s1  }
0x5d: {  	[bflag:$0x3] =	sbarrier.arrive $0xFFFF  }
0x5e: {  	_ =	shalt  }

</sc_bundles>
